<compile_context>
chip_gen: v7x
topology: tpu7x:2x2x1
jax: 0.10.2.dev20260603
libtpu: 0.0.44.dev20260713+nightly
codegen_flags: <defaults>
</compile_context>

<pallas_src>
import functools

import jax
import jax.numpy as jnp
from jax import lax
from jax.experimental import pallas as pl
from jax.experimental.pallas import tpu as pltpu
from jax.experimental.pallas import tpu_sc as plsc

N_NODES = 100000
DIM = 128
WLK = 21
NNEG = 20
W = WLK + NNEG
PW = 2 * W
PWP = 88
B = 1024
NC = 2
NS = 16
NW = NC * NS
RPW = B // NW
PPW = RPW // 2
NBUF = 2
FL = 20.0


def _full16(v):
    return jnp.full((16,), v, dtype=jnp.int32)


def _row_body(rows_v, r2, ib, rr, ids_v, A, DP, NP):
    il = lax.iota(jnp.int32, 16)
    il16 = il * 16
    fzero = jnp.zeros((16,), jnp.float32)
    jb = W * r2

    s = [rows_v[jb, pl.ds(16 * c, 16)] for c in range(8)]

    @plsc.parallel_loop(0, W, unroll=4)
    def _dots(j):
        acc = s[0] * rows_v[jb + j, pl.ds(0, 16)]
        for c in range(1, 8):
            acc = acc + s[c] * rows_v[jb + j, pl.ds(16 * c, 16)]
        A[pl.ds(j * 16, 16)] = acc

    dots = []
    for g in range(3):
        d0 = plsc.load_gather(A, [il16 + (256 * g)])
        for dcol in range(1, 16):
            d0 = d0 + plsc.load_gather(A, [il16 + (256 * g + dcol)])
        dots.append(d0)
    dots0, dots1, dots2 = dots

    W0 = plsc.load_gather(ids_v, [il + ib])
    W1 = plsc.load_gather(ids_v, [il + (ib + 16)])
    dup0 = il < 0
    dup1 = il < 0
    for l in range(16):
        bl = plsc.load_gather(ids_v, [_full16(ib + l)])
        dup0 = dup0 | ((W0 == bl) & (il > l))
        dup1 = dup1 | (W1 == bl)
    for l in range(16, WLK):
        bl = plsc.load_gather(ids_v, [_full16(ib + l)])
        dup1 = dup1 | ((W1 == bl) & (il > (l - 16)))

    e0 = jnp.exp(dots0)
    e1 = jnp.exp(dots1)
    e2 = jnp.exp(dots2)
    nvec = jnp.where(il >= 1, dots0, fzero) + jnp.where(il < 5, dots1, fzero)
    dvec = (jnp.where(dup0, fzero, e0)
            + jnp.where(dup1 & (il < 5), fzero, e1)
            + jnp.where(il < 9, e2, fzero))
    NP[pl.ds(rr * 16, 16)] = nvec
    DP[pl.ds(rr * 16, 16)] = dvec


@functools.partial(
    pl.kernel,
    out_type=[jax.ShapeDtypeStruct((B,), jnp.float32),
              jax.ShapeDtypeStruct((B,), jnp.float32)],
    mesh=plsc.VectorSubcoreMesh(core_axis_name="c", subcore_axis_name="s"),
    compiler_params=pltpu.CompilerParams(needs_layout_passes=False),
    scratch_types=[
        pltpu.VMEM((PPW * PWP,), jnp.int32),
        pltpu.VMEM((PW, DIM), jnp.float32),
        pltpu.VMEM((PW, DIM), jnp.float32),
        pltpu.VMEM((W * 16,), jnp.float32),
        pltpu.VMEM((RPW * 16,), jnp.float32),
        pltpu.VMEM((RPW * 16,), jnp.float32),
        pltpu.VMEM((RPW,), jnp.float32),
        pltpu.VMEM((RPW,), jnp.float32),
        pltpu.SemaphoreType.DMA,
        pltpu.SemaphoreType.DMA,
    ],
)
def _sc_loss(rw_hbm, x_hbm, den_hbm, num_hbm,
             ids_v, rows0, rows1, A, DP, NP, den_v, num_v, s0, s1):
    sems = (s0, s1)
    bufs = (rows0, rows1)
    wid = lax.axis_index("s") * NC + lax.axis_index("c")
    base = wid * RPW
    pltpu.sync_copy(rw_hbm.at[pl.ds(wid * (PPW * PWP), PPW * PWP)], ids_v)

    def _gather(q, t):
        return pltpu.make_async_copy(
            x_hbm.at[ids_v.at[pl.ds(t * PWP, PW)]], bufs[q], sems[q])

    for q in range(NBUF):
        _gather(q, q).start()

    def loop_body(i, carry):
        for q in range(NBUF):
            t = NBUF * i + q
            _gather(q, t).wait()
            for r2 in range(2):
                _row_body(bufs[q], r2, t * PWP + W * r2, 2 * t + r2,
                          ids_v, A, DP, NP)

            @pl.when(t + NBUF < PPW)
            def _():
                _gather(q, t + NBUF).start()
        return carry

    lax.fori_loop(0, PPW // NBUF, loop_body, 0)

    il16 = lax.iota(jnp.int32, 16) * 16
    for g in range(RPW // 16):
        dsum = plsc.load_gather(DP, [il16 + (256 * g)])
        nsum = plsc.load_gather(NP, [il16 + (256 * g)])
        for dcol in range(1, 16):
            dsum = dsum + plsc.load_gather(DP, [il16 + (256 * g + dcol)])
            nsum = nsum + plsc.load_gather(NP, [il16 + (256 * g + dcol)])
        den_v[pl.ds(16 * g, 16)] = dsum
        num_v[pl.ds(16 * g, 16)] = nsum
    pltpu.sync_copy(den_v, den_hbm.at[pl.ds(base, RPW)])
    pltpu.sync_copy(num_v, num_hbm.at[pl.ds(base, RPW)])


def _tc_finish(den_ref, num_ref, out_ref):
    loss = FL * jnp.log(den_ref[...]) - num_ref[...]
    out_ref[...] = jnp.mean(loss).reshape(1, 1)


def kernel(rw_batch, X):
    rwp = jnp.concatenate(
        [rw_batch.reshape(B // 2, PW),
         jnp.zeros((B // 2, PWP - PW), jnp.int32)], axis=1).reshape(-1)
    den, num = _sc_loss(rwp, X)
    out = pl.pallas_call(
        _tc_finish,
        out_shape=jax.ShapeDtypeStruct((1, 1), jnp.float32),
    )(den.reshape(8, 128), num.reshape(8, 128))
    return out[0, 0]

# --- scband reference (transcript-rebuilt; emitter-appended) ---
"""Pipeline reference for scband-node2-vec-12824772346469 (READ-ONLY COPY).

The authoritative reference and input builder live on the scoring server;
editing this copy changes nothing except your own understanding.
"""

import jax, jax.numpy as jnp
import numpy as np

N_NODES = 100000
DIM = 128
L = 20
N_NEG = 20
BATCH = 1024


def setup_inputs(seed: int = 0) -> dict:
    key = jax.random.key(seed)
    k1, k2 = jax.random.split(key)
    # kaiming_normal_ on [n_nodes, dim]: fan_in = dim, gain = sqrt(2) -> std = sqrt(2/dim)
    X = jax.random.normal(k1, (N_NODES, DIM), dtype=jnp.float32) * np.sqrt(2.0 / DIM)
    rw_batch = jax.random.randint(k2, (BATCH, L + 1 + N_NEG), 0, N_NODES, dtype=jnp.int32)
    return {"rw_batch": rw_batch, "X": X}


def reference(rw_batch, X):
    # Vectorized, faithful translation of the per-row python loop.
    X_start = X[rw_batch[:, 0]]                      # [B, d] gather
    walk = rw_batch[:, : L + 1]                      # [B, L+1]
    neg = rw_batch[:, L + 1 :]                       # [B, N_NEG]
    X_walk = X[walk]                                 # [B, L+1, d] gather
    X_neg = X[neg]                                   # [B, N_NEG, d] gather
    dots_walk = jnp.einsum("bld,bd->bl", X_walk, X_start)  # [B, L+1]
    dots_neg = jnp.einsum("bnd,bd->bn", X_neg, X_start)    # [B, N_NEG]
    # numerator_term = sum over walk_idx[1:] of <X[w_i], X_start>
    numerator = jnp.sum(dots_walk[:, 1:], axis=-1)   # [B]
    # set(walk_idx) dedup: keep only first occurrence of each node within the walk
    eq = walk[:, :, None] == walk[:, None, :]        # [B, L+1, L+1]
    dup_before = jnp.tril(eq, k=-1).sum(axis=-1)     # count of earlier equal entries
    first_occ = dup_before == 0                      # [B, L+1]
    denom = jnp.sum(jnp.where(first_occ, jnp.exp(dots_walk), 0.0), axis=-1) \
            + jnp.sum(jnp.exp(dots_neg), axis=-1)    # [B]
    per_row_loss = L * jnp.log(denom) - numerator    # [B]
    return jnp.mean(per_row_loss)                    # scalar, == sum_loss / len(rw_batch)

if __name__ == "__main__":
    import jax
    _d = setup_inputs()
    print(jax.jit(kernel)(*tuple(_d.values())))

</pallas_src>

<mosaic_0001>
#map = affine_map<(d0, d1) -> (0)>
#map1 = affine_map<(d0, d1) -> (0, 0)>
module attributes {stable_mosaic.version = 14 : i64} {
  func.func @_sc_loss(%arg0: i32, %arg1: i32, %arg2: memref<45056xi32, #tpu.memory_space<hbm>>, %arg3: memref<100000x128xf32, #tpu.memory_space<hbm>>, %arg4: memref<1024xf32, #tpu.memory_space<hbm>>, %arg5: memref<1024xf32, #tpu.memory_space<hbm>>, %arg6: memref<1408xi32, #tpu.memory_space<vmem>>, %arg7: memref<82x128xf32, #tpu.memory_space<vmem>>, %arg8: memref<82x128xf32, #tpu.memory_space<vmem>>, %arg9: memref<656xf32, #tpu.memory_space<vmem>>, %arg10: memref<512xf32, #tpu.memory_space<vmem>>, %arg11: memref<512xf32, #tpu.memory_space<vmem>>, %arg12: memref<32xf32, #tpu.memory_space<vmem>>, %arg13: memref<32xf32, #tpu.memory_space<vmem>>, %arg14: memref<!tpu.dma_semaphore, #tpu.memory_space<semaphore_mem>>, %arg15: memref<!tpu.dma_semaphore, #tpu.memory_space<semaphore_mem>>) attributes {dimension_semantics = [#tpu.dimension_semantics<core_parallel>, #tpu.dimension_semantics<subcore_parallel>], iteration_bounds = array<i64: 2, 16>, scalar_prefetch = 0 : i64, scratch_operands = 10 : i64, tpu.core_type = #tpu.core_type<sc_vector_subcore>, window_params = [{transform_indices = #map}, {transform_indices = #map1}, {transform_indices = #map}, {transform_indices = #map}]} {
    %mul3A = arith.constant 2 : i32
    %mul3A_0 = arith.muli %arg1, %mul3A : i32
    %add3A = arith.addi %mul3A_0, %arg0 : i32
    %mul3A_1 = arith.constant 32 : i32
    %mul3A_2 = arith.muli %add3A, %mul3A_1 : i32
    %mul3A_3 = arith.constant 1408 : i32
    %mul3A_4 = arith.muli %add3A, %mul3A_3 : i32
    "tpu.region"() ({
      %run_scoped3A = tpu.sem_alloc : memref<!tpu.dma_semaphore, #tpu.memory_space<semaphore_mem>>
      %dma_start3A_344 = tpu.memref_slice %arg2[%mul3A_4] : memref<45056xi32, #tpu.memory_space<hbm>> -> memref<1408xi32, #tpu.memory_space<hbm>>
      %dma_start3A_345 = tpu.memref_slice %arg2[%mul3A_4] : memref<45056xi32, #tpu.memory_space<hbm>> -> memref<1408xi32, #tpu.memory_space<hbm>>
      tpu.enqueue_dma source(%dma_start3A_345 : memref<1408xi32, #tpu.memory_space<hbm>>) target(%arg6 : memref<1408xi32, #tpu.memory_space<vmem>>) target_semaphore(%run_scoped3A : memref<!tpu.dma_semaphore, #tpu.memory_space<semaphore_mem>>)
      %dma_wait3A = tpu.memref_slice %arg2[%mul3A_4] : memref<45056xi32, #tpu.memory_space<hbm>> -> memref<1408xi32, #tpu.memory_space<hbm>>
      %dma_wait3A_346 = tpu.memref_slice %arg2[%mul3A_4] : memref<45056xi32, #tpu.memory_space<hbm>> -> memref<1408xi32, #tpu.memory_space<hbm>>
      tpu.wait_dma2 semaphore(%run_scoped3A : memref<!tpu.dma_semaphore, #tpu.memory_space<semaphore_mem>>) src(%dma_wait3A_346 : memref<1408xi32, #tpu.memory_space<hbm>>) dst(%arg6 : memref<1408xi32, #tpu.memory_space<vmem>>)
      tpu.yield
    }) : () -> ()
    %dma_start3A = arith.constant 0 : i32
    %dma_start3A_5 = tpu.memref_slice %arg6[%dma_start3A] : memref<1408xi32, #tpu.memory_space<vmem>> -> memref<82xi32, #tpu.memory_space<vmem>>
    %dma_start3A_6 = arith.constant 0 : i32
    %dma_start3A_7 = arith.constant 0 : i32
    %dma_start3A_8 = tpu.memref_slice %arg3[%dma_start3A_6, %dma_start3A_7] : memref<100000x128xf32, #tpu.memory_space<hbm>> -> memref<100000x128xf32, #tpu.memory_space<hbm>>
    tpu.enqueue_indirect_dma source(%dma_start3A_8 : memref<100000x128xf32, #tpu.memory_space<hbm>>) target(%arg7 : memref<82x128xf32, #tpu.memory_space<vmem>>) offsets(%dma_start3A_5 : memref<82xi32, #tpu.memory_space<vmem>>) semaphore(%arg14 : memref<!tpu.dma_semaphore, #tpu.memory_space<semaphore_mem>>)
    %dma_start3A_9 = arith.constant 88 : i32
    %dma_start3A_10 = tpu.memref_slice %arg6[%dma_start3A_9] : memref<1408xi32, #tpu.memory_space<vmem>> -> memref<82xi32, #tpu.memory_space<vmem>>
    %dma_start3A_11 = arith.constant 0 : i32
    %dma_start3A_12 = arith.constant 0 : i32
    %dma_start3A_13 = tpu.memref_slice %arg3[%dma_start3A_11, %dma_start3A_12] : memref<100000x128xf32, #tpu.memory_space<hbm>> -> memref<100000x128xf32, #tpu.memory_space<hbm>>
    tpu.enqueue_indirect_dma source(%dma_start3A_13 : memref<100000x128xf32, #tpu.memory_space<hbm>>) target(%arg8 : memref<82x128xf32, #tpu.memory_space<vmem>>) offsets(%dma_start3A_10 : memref<82xi32, #tpu.memory_space<vmem>>) semaphore(%arg15 : memref<!tpu.dma_semaphore, #tpu.memory_space<semaphore_mem>>)
    %scan3A = arith.constant 0 : i32
    %scan3A_14 = arith.constant 0 : i32
    %scan3A_15 = arith.constant 8 : i32
    %scan3A_16 = arith.addi %scan3A_14, %scan3A_15 : i32
    %scan3A_17 = arith.constant 1 : i32
    scf.for %scan3A_344 = %scan3A_14 to %scan3A_16 step %scan3A_17  : i32 {
      %mul3A_345 = arith.constant 2 : i32
      %mul3A_346 = arith.muli %mul3A_345, %scan3A_344 : i32
      %add3A_347 = arith.constant 0 : i32
      %add3A_348 = arith.addi %mul3A_346, %add3A_347 : i32
      %mul3A_349 = arith.constant 88 : i32
      %mul3A_350 = arith.muli %add3A_348, %mul3A_349 : i32
      %dma_wait3A = tpu.memref_slice %arg6[%mul3A_350] : memref<1408xi32, #tpu.memory_space<vmem>> -> memref<82xi32, #tpu.memory_space<vmem>>
      %dma_wait3A_351 = arith.constant 0 : i32
      %dma_wait3A_352 = arith.constant 0 : i32
      %dma_wait3A_353 = tpu.memref_slice %arg3[%dma_wait3A_351, %dma_wait3A_352] : memref<100000x128xf32, #tpu.memory_space<hbm>> -> memref<100000x128xf32, #tpu.memory_space<hbm>>
      tpu.wait_indirect_dma semaphore(%arg14 : memref<!tpu.dma_semaphore, #tpu.memory_space<semaphore_mem>>) src(%dma_wait3A_353 : memref<100000x128xf32, #tpu.memory_space<hbm>>) dst(%arg7 : memref<82x128xf32, #tpu.memory_space<vmem>>)
      %mul3A_354 = arith.constant 88 : i32
      %mul3A_355 = arith.muli %add3A_348, %mul3A_354 : i32
      %add3A_356 = arith.constant 0 : i32
      %add3A_357 = arith.addi %mul3A_355, %add3A_356 : i32
      %mul3A_358 = arith.constant 2 : i32
      %mul3A_359 = arith.muli %mul3A_358, %add3A_348 : i32
      %add3A_360 = arith.constant 0 : i32
      %add3A_361 = arith.addi %mul3A_359, %add3A_360 : i32
      %iota3A_362 = tpu.iota {dimensions = array<i32: 0>} : vector<16xi32>
      %mul3A_363 = arith.constant 16 : i32
      %mul3A_364 = vector.broadcast %mul3A_363 : i32 to vector<16xi32>
      %mul3A_365 = arith.muli %iota3A_362, %mul3A_364 : vector<16xi32>
      %broadcast_in_dim3A = arith.constant 0.000000e+00 : f32
      %broadcast_in_dim3A_366 = vector.broadcast %broadcast_in_dim3A : f32 to vector<16xf32>
      %get3A = arith.constant 0 : i32
      %get3A_367 = arith.index_cast %get3A : i32 to index
      %get3A_368 = arith.constant 0 : index
      %get3A_369 = tpu.vector_load %arg7[%get3A_367, %get3A_368] {strides = array<i32>} : memref<82x128xf32, #tpu.memory_space<vmem>>, vector<16xf32>,
      %get3A_370 = arith.constant 0 : i32
      %get3A_371 = arith.index_cast %get3A_370 : i32 to index
      %get3A_372 = arith.constant 16 : index
      %get3A_373 = tpu.vector_load %arg7[%get3A_371, %get3A_372] {strides = array<i32>} : memref<82x128xf32, #tpu.memory_space<vmem>>, vector<16xf32>,
      %get3A_374 = arith.constant 0 : i32
      %get3A_375 = arith.index_cast %get3A_374 : i32 to index
      %get3A_376 = arith.constant 32 : index
      %get3A_377 = tpu.vector_load %arg7[%get3A_375, %get3A_376] {strides = array<i32>} : memref<82x128xf32, #tpu.memory_space<vmem>>, vector<16xf32>,
      %get3A_378 = arith.constant 0 : i32
      %get3A_379 = arith.index_cast %get3A_378 : i32 to index
      %get3A_380 = arith.constant 48 : index
      %get3A_381 = tpu.vector_load %arg7[%get3A_379, %get3A_380] {strides = array<i32>} : memref<82x128xf32, #tpu.memory_space<vmem>>, vector<16xf32>,
      %get3A_382 = arith.constant 0 : i32
      %get3A_383 = arith.index_cast %get3A_382 : i32 to index
      %get3A_384 = arith.constant 64 : index
      %get3A_385 = tpu.vector_load %arg7[%get3A_383, %get3A_384] {strides = array<i32>} : memref<82x128xf32, #tpu.memory_space<vmem>>, vector<16xf32>,
      %get3A_386 = arith.constant 0 : i32
      %get3A_387 = arith.index_cast %get3A_386 : i32 to index
      %get3A_388 = arith.constant 80 : index
      %get3A_389 = tpu.vector_load %arg7[%get3A_387, %get3A_388] {strides = array<i32>} : memref<82x128xf32, #tpu.memory_space<vmem>>, vector<16xf32>,
      %get3A_390 = arith.constant 0 : i32
      %get3A_391 = arith.index_cast %get3A_390 : i32 to index
      %get3A_392 = arith.constant 96 : index
      %get3A_393 = tpu.vector_load %arg7[%get3A_391, %get3A_392] {strides = array<i32>} : memref<82x128xf32, #tpu.memory_space<vmem>>, vector<16xf32>,
      %get3A_394 = arith.constant 0 : i32
      %get3A_395 = arith.index_cast %get3A_394 : i32 to index
      %get3A_396 = arith.constant 112 : index
      %get3A_397 = tpu.vector_load %arg7[%get3A_395, %get3A_396] {strides = array<i32>} : memref<82x128xf32, #tpu.memory_space<vmem>>, vector<16xf32>,
      %parallel_loop3A = arith.constant 0 : i32
      %parallel_loop3A_398 = arith.constant 41 : i32
      %parallel_loop3A_399 = arith.constant 1 : i32
      scf.for %parallel_loop3A_2661 = %parallel_loop3A to %parallel_loop3A_398 step %parallel_loop3A_399  : i32 {
        %parallel_loop3A_2662 = arith.constant 0 : i32
        %parallel_loop3A_2663 = arith.addi %parallel_loop3A_2662, %parallel_loop3A_2661 : i32
        %parallel_loop3A_2664 = arith.index_cast %parallel_loop3A_2663 : i32 to index
        %parallel_loop3A_2665 = arith.constant 0 : index
        %parallel_loop3A_2666 = tpu.vector_load %arg7[%parallel_loop3A_2664, %parallel_loop3A_2665] {strides = array<i32>} : memref<82x128xf32, #tpu.memory_space<vmem>>, vector<16xf32>,
        %parallel_loop3A_2667 = arith.mulf %get3A_369, %parallel_loop3A_2666 : vector<16xf32>
        %parallel_loop3A_2668 = arith.constant 0 : i32
        %parallel_loop3A_2669 = arith.addi %parallel_loop3A_2668, %parallel_loop3A_2661 : i32
        %parallel_loop3A_2670 = arith.index_cast %parallel_loop3A_2669 : i32 to index
        %parallel_loop3A_2671 = arith.constant 16 : index
        %parallel_loop3A_2672 = tpu.vector_load %arg7[%parallel_loop3A_2670, %parallel_loop3A_2671] {strides = array<i32>} : memref<82x128xf32, #tpu.memory_space<vmem>>, vector<16xf32>,
        %parallel_loop3A_2673 = arith.mulf %get3A_373, %parallel_loop3A_2672 : vector<16xf32>
        %parallel_loop3A_2674 = arith.addf %parallel_loop3A_2667, %parallel_loop3A_2673 : vector<16xf32>
        %parallel_loop3A_2675 = arith.constant 0 : i32
        %parallel_loop3A_2676 = arith.addi %parallel_loop3A_2675, %parallel_loop3A_2661 : i32
        %parallel_loop3A_2677 = arith.index_cast %parallel_loop3A_2676 : i32 to index
        %parallel_loop3A_2678 = arith.constant 32 : index
        %parallel_loop3A_2679 = tpu.vector_load %arg7[%parallel_loop3A_2677, %parallel_loop3A_2678] {strides = array<i32>} : memref<82x128xf32, #tpu.memory_space<vmem>>, vector<16xf32>,
        %parallel_loop3A_2680 = arith.mulf %get3A_377, %parallel_loop3A_2679 : vector<16xf32>
        %parallel_loop3A_2681 = arith.addf %parallel_loop3A_2674, %parallel_loop3A_2680 : vector<16xf32>
        %parallel_loop3A_2682 = arith.constant 0 : i32
        %parallel_loop3A_2683 = arith.addi %parallel_loop3A_2682, %parallel_loop3A_2661 : i32
        %parallel_loop3A_2684 = arith.index_cast %parallel_loop3A_2683 : i32 to index
        %parallel_loop3A_2685 = arith.constant 48 : index
        %parallel_loop3A_2686 = tpu.vector_load %arg7[%parallel_loop3A_2684, %parallel_loop3A_2685] {strides = array<i32>} : memref<82x128xf32, #tpu.memory_space<vmem>>, vector<16xf32>,
        %parallel_loop3A_2687 = arith.mulf %get3A_381, %parallel_loop3A_2686 : vector<16xf32>
        %parallel_loop3A_2688 = arith.addf %parallel_loop3A_2681, %parallel_loop3A_2687 : vector<16xf32>
        %parallel_loop3A_2689 = arith.constant 0 : i32
        %parallel_loop3A_2690 = arith.addi %parallel_loop3A_2689, %parallel_loop3A_2661 : i32
        %parallel_loop3A_2691 = arith.index_cast %parallel_loop3A_2690 : i32 to index
        %parallel_loop3A_2692 = arith.constant 64 : index
        %parallel_loop3A_2693 = tpu.vector_load %arg7[%parallel_loop3A_2691, %parallel_loop3A_2692] {strides = array<i32>} : memref<82x128xf32, #tpu.memory_space<vmem>>, vector<16xf32>,
        %parallel_loop3A_2694 = arith.mulf %get3A_385, %parallel_loop3A_2693 : vector<16xf32>
        %parallel_loop3A_2695 = arith.addf %parallel_loop3A_2688, %parallel_loop3A_2694 : vector<16xf32>
        %parallel_loop3A_2696 = arith.constant 0 : i32
        %parallel_loop3A_2697 = arith.addi %parallel_loop3A_2696, %parallel_loop3A_2661 : i32
        %parallel_loop3A_2698 = arith.index_cast %parallel_loop3A_2697 : i32 to index
        %parallel_loop3A_2699 = arith.constant 80 : index
        %parallel_loop3A_2700 = tpu.vector_load %arg7[%parallel_loop3A_2698, %parallel_loop3A_2699] {strides = array<i32>} : memref<82x128xf32, #tpu.memory_space<vmem>>, vector<16xf32>,
        %parallel_loop3A_2701 = arith.mulf %get3A_389, %parallel_loop3A_2700 : vector<16xf32>
        %parallel_loop3A_2702 = arith.addf %parallel_loop3A_2695, %parallel_loop3A_2701 : vector<16xf32>
        %parallel_loop3A_2703 = arith.constant 0 : i32
        %parallel_loop3A_2704 = arith.addi %parallel_loop3A_2703, %parallel_loop3A_2661 : i32
        %parallel_loop3A_2705 = arith.index_cast %parallel_loop3A_2704 : i32 to index
        %parallel_loop3A_2706 = arith.constant 96 : index
        %parallel_loop3A_2707 = tpu.vector_load %arg7[%parallel_loop3A_2705, %parallel_loop3A_2706] {strides = array<i32>} : memref<82x128xf32, #tpu.memory_space<vmem>>, vector<16xf32>,
        %parallel_loop3A_2708 = arith.mulf %get3A_393, %parallel_loop3A_2707 : vector<16xf32>
        %parallel_loop3A_2709 = arith.addf %parallel_loop3A_2702, %parallel_loop3A_2708 : vector<16xf32>
        %parallel_loop3A_2710 = arith.constant 0 : i32
        %parallel_loop3A_2711 = arith.addi %parallel_loop3A_2710, %parallel_loop3A_2661 : i32
        %parallel_loop3A_2712 = arith.index_cast %parallel_loop3A_2711 : i32 to index
        %parallel_loop3A_2713 = arith.constant 112 : index
        %parallel_loop3A_2714 = tpu.vector_load %arg7[%parallel_loop3A_2712, %parallel_loop3A_2713] {strides = array<i32>} : memref<82x128xf32, #tpu.memory_space<vmem>>, vector<16xf32>,
        %parallel_loop3A_2715 = arith.mulf %get3A_397, %parallel_loop3A_2714 : vector<16xf32>
        %parallel_loop3A_2716 = arith.addf %parallel_loop3A_2709, %parallel_loop3A_2715 : vector<16xf32>
        %parallel_loop3A_2717 = arith.constant 16 : i32
        %parallel_loop3A_2718 = arith.muli %parallel_loop3A_2661, %parallel_loop3A_2717 : i32
        %parallel_loop3A_2719 = arith.index_cast %parallel_loop3A_2718 : i32 to index
        %parallel_loop3A_2720 = tpu.vector_load %arg9[%parallel_loop3A_2719] {strides = array<i32>} : memref<656xf32, #tpu.memory_space<vmem>>, vector<16xf32>,
        tpu.vector_store %arg9[%parallel_loop3A_2719], %parallel_loop3A_2716 {strides = array<i32>} : memref<656xf32, #tpu.memory_space<vmem>>, vector<16xf32>,
      } {sc.loop_unroll_factor = 4 : i64, sc.parallel_access}
      %add3A_400 = arith.constant 0 : i32
      %add3A_401 = vector.broadcast %add3A_400 : i32 to vector<16xi32>
      %add3A_402 = arith.addi %mul3A_365, %add3A_401 : vector<16xi32>
      %gather3A_403 = tpu.vector_load_idx %arg9[%add3A_402] : memref<656xf32, #tpu.memory_space<vmem>>[vector<16xi32>], vector<16xf32>,
      %add3A_404 = arith.constant 1 : i32
      %add3A_405 = vector.broadcast %add3A_404 : i32 to vector<16xi32>
      %add3A_406 = arith.addi %mul3A_365, %add3A_405 : vector<16xi32>
      %gather3A_407 = tpu.vector_load_idx %arg9[%add3A_406] : memref<656xf32, #tpu.memory_space<vmem>>[vector<16xi32>], vector<16xf32>,
      %add3A_408 = arith.addf %gather3A_403, %gather3A_407 : vector<16xf32>
      %add3A_409 = arith.constant 2 : i32
      %add3A_410 = vector.broadcast %add3A_409 : i32 to vector<16xi32>
      %add3A_411 = arith.addi %mul3A_365, %add3A_410 : vector<16xi32>
      %gather3A_412 = tpu.vector_load_idx %arg9[%add3A_411] : memref<656xf32, #tpu.memory_space<vmem>>[vector<16xi32>], vector<16xf32>,
      %add3A_413 = arith.addf %add3A_408, %gather3A_412 : vector<16xf32>
      %add3A_414 = arith.constant 3 : i32
      %add3A_415 = vector.broadcast %add3A_414 : i32 to vector<16xi32>
      %add3A_416 = arith.addi %mul3A_365, %add3A_415 : vector<16xi32>
      %gather3A_417 = tpu.vector_load_idx %arg9[%add3A_416] : memref<656xf32, #tpu.memory_space<vmem>>[vector<16xi32>], vector<16xf32>,
      %add3A_418 = arith.addf %add3A_413, %gather3A_417 : vector<16xf32>
      %add3A_419 = arith.constant 4 : i32
      %add3A_420 = vector.broadcast %add3A_419 : i32 to vector<16xi32>
      %add3A_421 = arith.addi %mul3A_365, %add3A_420 : vector<16xi32>
      %gather3A_422 = tpu.vector_load_idx %arg9[%add3A_421] : memref<656xf32, #tpu.memory_space<vmem>>[vector<16xi32>], vector<16xf32>,
      %add3A_423 = arith.addf %add3A_418, %gather3A_422 : vector<16xf32>
      %add3A_424 = arith.constant 5 : i32
      %add3A_425 = vector.broadcast %add3A_424 : i32 to vector<16xi32>
      %add3A_426 = arith.addi %mul3A_365, %add3A_425 : vector<16xi32>
      %gather3A_427 = tpu.vector_load_idx %arg9[%add3A_426] : memref<656xf32, #tpu.memory_space<vmem>>[vector<16xi32>], vector<16xf32>,
      %add3A_428 = arith.addf %add3A_423, %gather3A_427 : vector<16xf32>
      %add3A_429 = arith.constant 6 : i32
      %add3A_430 = vector.broadcast %add3A_429 : i32 to vector<16xi32>
      %add3A_431 = arith.addi %mul3A_365, %add3A_430 : vector<16xi32>
      %gather3A_432 = tpu.vector_load_idx %arg9[%add3A_431] : memref<656xf32, #tpu.memory_space<vmem>>[vector<16xi32>], vector<16xf32>,
      %add3A_433 = arith.addf %add3A_428, %gather3A_432 : vector<16xf32>
      %add3A_434 = arith.constant 7 : i32
      %add3A_435 = vector.broadcast %add3A_434 : i32 to vector<16xi32>
      %add3A_436 = arith.addi %mul3A_365, %add3A_435 : vector<16xi32>
      %gather3A_437 = tpu.vector_load_idx %arg9[%add3A_436] : memref<656xf32, #tpu.memory_space<vmem>>[vector<16xi32>], vector<16xf32>,
      %add3A_438 = arith.addf %add3A_433, %gather3A_437 : vector<16xf32>
      %add3A_439 = arith.constant 8 : i32
      %add3A_440 = vector.broadcast %add3A_439 : i32 to vector<16xi32>
      %add3A_441 = arith.addi %mul3A_365, %add3A_440 : vector<16xi32>
      %gather3A_442 = tpu.vector_load_idx %arg9[%add3A_441] : memref<656xf32, #tpu.memory_space<vmem>>[vector<16xi32>], vector<16xf32>,
      %add3A_443 = arith.addf %add3A_438, %gather3A_442 : vector<16xf32>
      %add3A_444 = arith.constant 9 : i32
      %add3A_445 = vector.broadcast %add3A_444 : i32 to vector<16xi32>
      %add3A_446 = arith.addi %mul3A_365, %add3A_445 : vector<16xi32>
      %gather3A_447 = tpu.vector_load_idx %arg9[%add3A_446] : memref<656xf32, #tpu.memory_space<vmem>>[vector<16xi32>], vector<16xf32>,
      %add3A_448 = arith.addf %add3A_443, %gather3A_447 : vector<16xf32>
      %add3A_449 = arith.constant 10 : i32
      %add3A_450 = vector.broadcast %add3A_449 : i32 to vector<16xi32>
      %add3A_451 = arith.addi %mul3A_365, %add3A_450 : vector<16xi32>
      %gather3A_452 = tpu.vector_load_idx %arg9[%add3A_451] : memref<656xf32, #tpu.memory_space<vmem>>[vector<16xi32>], vector<16xf32>,
      %add3A_453 = arith.addf %add3A_448, %gather3A_452 : vector<16xf32>
      %add3A_454 = arith.constant 11 : i32
      %add3A_455 = vector.broadcast %add3A_454 : i32 to vector<16xi32>
      %add3A_456 = arith.addi %mul3A_365, %add3A_455 : vector<16xi32>
      %gather3A_457 = tpu.vector_load_idx %arg9[%add3A_456] : memref<656xf32, #tpu.memory_space<vmem>>[vector<16xi32>], vector<16xf32>,
      %add3A_458 = arith.addf %add3A_453, %gather3A_457 : vector<16xf32>
      %add3A_459 = arith.constant 12 : i32
      %add3A_460 = vector.broadcast %add3A_459 : i32 to vector<16xi32>
      %add3A_461 = arith.addi %mul3A_365, %add3A_460 : vector<16xi32>
      %gather3A_462 = tpu.vector_load_idx %arg9[%add3A_461] : memref<656xf32, #tpu.memory_space<vmem>>[vector<16xi32>], vector<16xf32>,
      %add3A_463 = arith.addf %add3A_458, %gather3A_462 : vector<16xf32>
      %add3A_464 = arith.constant 13 : i32
      %add3A_465 = vector.broadcast %add3A_464 : i32 to vector<16xi32>
      %add3A_466 = arith.addi %mul3A_365, %add3A_465 : vector<16xi32>
      %gather3A_467 = tpu.vector_load_idx %arg9[%add3A_466] : memref<656xf32, #tpu.memory_space<vmem>>[vector<16xi32>], vector<16xf32>,
      %add3A_468 = arith.addf %add3A_463, %gather3A_467 : vector<16xf32>
      %add3A_469 = arith.constant 14 : i32
      %add3A_470 = vector.broadcast %add3A_469 : i32 to vector<16xi32>
      %add3A_471 = arith.addi %mul3A_365, %add3A_470 : vector<16xi32>
      %gather3A_472 = tpu.vector_load_idx %arg9[%add3A_471] : memref<656xf32, #tpu.memory_space<vmem>>[vector<16xi32>], vector<16xf32>,
      %add3A_473 = arith.addf %add3A_468, %gather3A_472 : vector<16xf32>
      %add3A_474 = arith.constant 15 : i32
      %add3A_475 = vector.broadcast %add3A_474 : i32 to vector<16xi32>
      %add3A_476 = arith.addi %mul3A_365, %add3A_475 : vector<16xi32>
      %gather3A_477 = tpu.vector_load_idx %arg9[%add3A_476] : memref<656xf32, #tpu.memory_space<vmem>>[vector<16xi32>], vector<16xf32>,
      %add3A_478 = arith.addf %add3A_473, %gather3A_477 : vector<16xf32>
      %add3A_479 = arith.constant 256 : i32
      %add3A_480 = vector.broadcast %add3A_479 : i32 to vector<16xi32>
      %add3A_481 = arith.addi %mul3A_365, %add3A_480 : vector<16xi32>
      %gather3A_482 = tpu.vector_load_idx %arg9[%add3A_481] : memref<656xf32, #tpu.memory_space<vmem>>[vector<16xi32>], vector<16xf32>,
      %add3A_483 = arith.constant 257 : i32
      %add3A_484 = vector.broadcast %add3A_483 : i32 to vector<16xi32>
      %add3A_485 = arith.addi %mul3A_365, %add3A_484 : vector<16xi32>
      %gather3A_486 = tpu.vector_load_idx %arg9[%add3A_485] : memref<656xf32, #tpu.memory_space<vmem>>[vector<16xi32>], vector<16xf32>,
      %add3A_487 = arith.addf %gather3A_482, %gather3A_486 : vector<16xf32>
      %add3A_488 = arith.constant 258 : i32
      %add3A_489 = vector.broadcast %add3A_488 : i32 to vector<16xi32>
      %add3A_490 = arith.addi %mul3A_365, %add3A_489 : vector<16xi32>
      %gather3A_491 = tpu.vector_load_idx %arg9[%add3A_490] : memref<656xf32, #tpu.memory_space<vmem>>[vector<16xi32>], vector<16xf32>,
      %add3A_492 = arith.addf %add3A_487, %gather3A_491 : vector<16xf32>
      %add3A_493 = arith.constant 259 : i32
      %add3A_494 = vector.broadcast %add3A_493 : i32 to vector<16xi32>
      %add3A_495 = arith.addi %mul3A_365, %add3A_494 : vector<16xi32>
      %gather3A_496 = tpu.vector_load_idx %arg9[%add3A_495] : memref<656xf32, #tpu.memory_space<vmem>>[vector<16xi32>], vector<16xf32>,
      %add3A_497 = arith.addf %add3A_492, %gather3A_496 : vector<16xf32>
      %add3A_498 = arith.constant 260 : i32
      %add3A_499 = vector.broadcast %add3A_498 : i32 to vector<16xi32>
      %add3A_500 = arith.addi %mul3A_365, %add3A_499 : vector<16xi32>
      %gather3A_501 = tpu.vector_load_idx %arg9[%add3A_500] : memref<656xf32, #tpu.memory_space<vmem>>[vector<16xi32>], vector<16xf32>,
      %add3A_502 = arith.addf %add3A_497, %gather3A_501 : vector<16xf32>
      %add3A_503 = arith.constant 261 : i32
      %add3A_504 = vector.broadcast %add3A_503 : i32 to vector<16xi32>
      %add3A_505 = arith.addi %mul3A_365, %add3A_504 : vector<16xi32>
      %gather3A_506 = tpu.vector_load_idx %arg9[%add3A_505] : memref<656xf32, #tpu.memory_space<vmem>>[vector<16xi32>], vector<16xf32>,
      %add3A_507 = arith.addf %add3A_502, %gather3A_506 : vector<16xf32>
      %add3A_508 = arith.constant 262 : i32
      %add3A_509 = vector.broadcast %add3A_508 : i32 to vector<16xi32>
      %add3A_510 = arith.addi %mul3A_365, %add3A_509 : vector<16xi32>
      %gather3A_511 = tpu.vector_load_idx %arg9[%add3A_510] : memref<656xf32, #tpu.memory_space<vmem>>[vector<16xi32>], vector<16xf32>,
      %add3A_512 = arith.addf %add3A_507, %gather3A_511 : vector<16xf32>
      %add3A_513 = arith.constant 263 : i32
      %add3A_514 = vector.broadcast %add3A_513 : i32 to vector<16xi32>
      %add3A_515 = arith.addi %mul3A_365, %add3A_514 : vector<16xi32>
      %gather3A_516 = tpu.vector_load_idx %arg9[%add3A_515] : memref<656xf32, #tpu.memory_space<vmem>>[vector<16xi32>], vector<16xf32>,
      %add3A_517 = arith.addf %add3A_512, %gather3A_516 : vector<16xf32>
      %add3A_518 = arith.constant 264 : i32
      %add3A_519 = vector.broadcast %add3A_518 : i32 to vector<16xi32>
      %add3A_520 = arith.addi %mul3A_365, %add3A_519 : vector<16xi32>
      %gather3A_521 = tpu.vector_load_idx %arg9[%add3A_520] : memref<656xf32, #tpu.memory_space<vmem>>[vector<16xi32>], vector<16xf32>,
      %add3A_522 = arith.addf %add3A_517, %gather3A_521 : vector<16xf32>
      %add3A_523 = arith.constant 265 : i32
      %add3A_524 = vector.broadcast %add3A_523 : i32 to vector<16xi32>
      %add3A_525 = arith.addi %mul3A_365, %add3A_524 : vector<16xi32>
      %gather3A_526 = tpu.vector_load_idx %arg9[%add3A_525] : memref<656xf32, #tpu.memory_space<vmem>>[vector<16xi32>], vector<16xf32>,
      %add3A_527 = arith.addf %add3A_522, %gather3A_526 : vector<16xf32>
      %add3A_528 = arith.constant 266 : i32
      %add3A_529 = vector.broadcast %add3A_528 : i32 to vector<16xi32>
      %add3A_530 = arith.addi %mul3A_365, %add3A_529 : vector<16xi32>
      %gather3A_531 = tpu.vector_load_idx %arg9[%add3A_530] : memref<656xf32, #tpu.memory_space<vmem>>[vector<16xi32>], vector<16xf32>,
      %add3A_532 = arith.addf %add3A_527, %gather3A_531 : vector<16xf32>
      %add3A_533 = arith.constant 267 : i32
      %add3A_534 = vector.broadcast %add3A_533 : i32 to vector<16xi32>
      %add3A_535 = arith.addi %mul3A_365, %add3A_534 : vector<16xi32>
      %gather3A_536 = tpu.vector_load_idx %arg9[%add3A_535] : memref<656xf32, #tpu.memory_space<vmem>>[vector<16xi32>], vector<16xf32>,
      %add3A_537 = arith.addf %add3A_532, %gather3A_536 : vector<16xf32>
      %add3A_538 = arith.constant 268 : i32
      %add3A_539 = vector.broadcast %add3A_538 : i32 to vector<16xi32>
      %add3A_540 = arith.addi %mul3A_365, %add3A_539 : vector<16xi32>
      %gather3A_541 = tpu.vector_load_idx %arg9[%add3A_540] : memref<656xf32, #tpu.memory_space<vmem>>[vector<16xi32>], vector<16xf32>,
      %add3A_542 = arith.addf %add3A_537, %gather3A_541 : vector<16xf32>
      %add3A_543 = arith.constant 269 : i32
      %add3A_544 = vector.broadcast %add3A_543 : i32 to vector<16xi32>
      %add3A_545 = arith.addi %mul3A_365, %add3A_544 : vector<16xi32>
      %gather3A_546 = tpu.vector_load_idx %arg9[%add3A_545] : memref<656xf32, #tpu.memory_space<vmem>>[vector<16xi32>], vector<16xf32>,
      %add3A_547 = arith.addf %add3A_542, %gather3A_546 : vector<16xf32>
      %add3A_548 = arith.constant 270 : i32
      %add3A_549 = vector.broadcast %add3A_548 : i32 to vector<16xi32>
      %add3A_550 = arith.addi %mul3A_365, %add3A_549 : vector<16xi32>
      %gather3A_551 = tpu.vector_load_idx %arg9[%add3A_550] : memref<656xf32, #tpu.memory_space<vmem>>[vector<16xi32>], vector<16xf32>,
      %add3A_552 = arith.addf %add3A_547, %gather3A_551 : vector<16xf32>
      %add3A_553 = arith.constant 271 : i32
      %add3A_554 = vector.broadcast %add3A_553 : i32 to vector<16xi32>
      %add3A_555 = arith.addi %mul3A_365, %add3A_554 : vector<16xi32>
      %gather3A_556 = tpu.vector_load_idx %arg9[%add3A_555] : memref<656xf32, #tpu.memory_space<vmem>>[vector<16xi32>], vector<16xf32>,
      %add3A_557 = arith.addf %add3A_552, %gather3A_556 : vector<16xf32>
      %add3A_558 = arith.constant 512 : i32
      %add3A_559 = vector.broadcast %add3A_558 : i32 to vector<16xi32>
      %add3A_560 = arith.addi %mul3A_365, %add3A_559 : vector<16xi32>
      %gather3A_561 = tpu.vector_load_idx %arg9[%add3A_560] : memref<656xf32, #tpu.memory_space<vmem>>[vector<16xi32>], vector<16xf32>,
      %add3A_562 = arith.constant 513 : i32
      %add3A_563 = vector.broadcast %add3A_562 : i32 to vector<16xi32>
      %add3A_564 = arith.addi %mul3A_365, %add3A_563 : vector<16xi32>
      %gather3A_565 = tpu.vector_load_idx %arg9[%add3A_564] : memref<656xf32, #tpu.memory_space<vmem>>[vector<16xi32>], vector<16xf32>,
      %add3A_566 = arith.addf %gather3A_561, %gather3A_565 : vector<16xf32>
      %add3A_567 = arith.constant 514 : i32
      %add3A_568 = vector.broadcast %add3A_567 : i32 to vector<16xi32>
      %add3A_569 = arith.addi %mul3A_365, %add3A_568 : vector<16xi32>
      %gather3A_570 = tpu.vector_load_idx %arg9[%add3A_569] : memref<656xf32, #tpu.memory_space<vmem>>[vector<16xi32>], vector<16xf32>,
      %add3A_571 = arith.addf %add3A_566, %gather3A_570 : vector<16xf32>
      %add3A_572 = arith.constant 515 : i32
      %add3A_573 = vector.broadcast %add3A_572 : i32 to vector<16xi32>
      %add3A_574 = arith.addi %mul3A_365, %add3A_573 : vector<16xi32>
      %gather3A_575 = tpu.vector_load_idx %arg9[%add3A_574] : memref<656xf32, #tpu.memory_space<vmem>>[vector<16xi32>], vector<16xf32>,
      %add3A_576 = arith.addf %add3A_571, %gather3A_575 : vector<16xf32>
      %add3A_577 = arith.constant 516 : i32
      %add3A_578 = vector.broadcast %add3A_577 : i32 to vector<16xi32>
      %add3A_579 = arith.addi %mul3A_365, %add3A_578 : vector<16xi32>
      %gather3A_580 = tpu.vector_load_idx %arg9[%add3A_579] : memref<656xf32, #tpu.memory_space<vmem>>[vector<16xi32>], vector<16xf32>,
      %add3A_581 = arith.addf %add3A_576, %gather3A_580 : vector<16xf32>
      %add3A_582 = arith.constant 517 : i32
      %add3A_583 = vector.broadcast %add3A_582 : i32 to vector<16xi32>
      %add3A_584 = arith.addi %mul3A_365, %add3A_583 : vector<16xi32>
      %gather3A_585 = tpu.vector_load_idx %arg9[%add3A_584] : memref<656xf32, #tpu.memory_space<vmem>>[vector<16xi32>], vector<16xf32>,
      %add3A_586 = arith.addf %add3A_581, %gather3A_585 : vector<16xf32>
      %add3A_587 = arith.constant 518 : i32
      %add3A_588 = vector.broadcast %add3A_587 : i32 to vector<16xi32>
      %add3A_589 = arith.addi %mul3A_365, %add3A_588 : vector<16xi32>
      %gather3A_590 = tpu.vector_load_idx %arg9[%add3A_589] : memref<656xf32, #tpu.memory_space<vmem>>[vector<16xi32>], vector<16xf32>,
      %add3A_591 = arith.addf %add3A_586, %gather3A_590 : vector<16xf32>
      %add3A_592 = arith.constant 519 : i32
      %add3A_593 = vector.broadcast %add3A_592 : i32 to vector<16xi32>
      %add3A_594 = arith.addi %mul3A_365, %add3A_593 : vector<16xi32>
      %gather3A_595 = tpu.vector_load_idx %arg9[%add3A_594] : memref<656xf32, #tpu.memory_space<vmem>>[vector<16xi32>], vector<16xf32>,
      %add3A_596 = arith.addf %add3A_591, %gather3A_595 : vector<16xf32>
      %add3A_597 = arith.constant 520 : i32
      %add3A_598 = vector.broadcast %add3A_597 : i32 to vector<16xi32>
      %add3A_599 = arith.addi %mul3A_365, %add3A_598 : vector<16xi32>
      %gather3A_600 = tpu.vector_load_idx %arg9[%add3A_599] : memref<656xf32, #tpu.memory_space<vmem>>[vector<16xi32>], vector<16xf32>,
      %add3A_601 = arith.addf %add3A_596, %gather3A_600 : vector<16xf32>
      %add3A_602 = arith.constant 521 : i32
      %add3A_603 = vector.broadcast %add3A_602 : i32 to vector<16xi32>
      %add3A_604 = arith.addi %mul3A_365, %add3A_603 : vector<16xi32>
      %gather3A_605 = tpu.vector_load_idx %arg9[%add3A_604] : memref<656xf32, #tpu.memory_space<vmem>>[vector<16xi32>], vector<16xf32>,
      %add3A_606 = arith.addf %add3A_601, %gather3A_605 : vector<16xf32>
      %add3A_607 = arith.constant 522 : i32
      %add3A_608 = vector.broadcast %add3A_607 : i32 to vector<16xi32>
      %add3A_609 = arith.addi %mul3A_365, %add3A_608 : vector<16xi32>
      %gather3A_610 = tpu.vector_load_idx %arg9[%add3A_609] : memref<656xf32, #tpu.memory_space<vmem>>[vector<16xi32>], vector<16xf32>,
      %add3A_611 = arith.addf %add3A_606, %gather3A_610 : vector<16xf32>
      %add3A_612 = arith.constant 523 : i32
      %add3A_613 = vector.broadcast %add3A_612 : i32 to vector<16xi32>
      %add3A_614 = arith.addi %mul3A_365, %add3A_613 : vector<16xi32>
      %gather3A_615 = tpu.vector_load_idx %arg9[%add3A_614] : memref<656xf32, #tpu.memory_space<vmem>>[vector<16xi32>], vector<16xf32>,
      %add3A_616 = arith.addf %add3A_611, %gather3A_615 : vector<16xf32>
      %add3A_617 = arith.constant 524 : i32
      %add3A_618 = vector.broadcast %add3A_617 : i32 to vector<16xi32>
      %add3A_619 = arith.addi %mul3A_365, %add3A_618 : vector<16xi32>
      %gather3A_620 = tpu.vector_load_idx %arg9[%add3A_619] : memref<656xf32, #tpu.memory_space<vmem>>[vector<16xi32>], vector<16xf32>,
      %add3A_621 = arith.addf %add3A_616, %gather3A_620 : vector<16xf32>
      %add3A_622 = arith.constant 525 : i32
      %add3A_623 = vector.broadcast %add3A_622 : i32 to vector<16xi32>
      %add3A_624 = arith.addi %mul3A_365, %add3A_623 : vector<16xi32>
      %gather3A_625 = tpu.vector_load_idx %arg9[%add3A_624] : memref<656xf32, #tpu.memory_space<vmem>>[vector<16xi32>], vector<16xf32>,
      %add3A_626 = arith.addf %add3A_621, %gather3A_625 : vector<16xf32>
      %add3A_627 = arith.constant 526 : i32
      %add3A_628 = vector.broadcast %add3A_627 : i32 to vector<16xi32>
      %add3A_629 = arith.addi %mul3A_365, %add3A_628 : vector<16xi32>
      %gather3A_630 = tpu.vector_load_idx %arg9[%add3A_629] : memref<656xf32, #tpu.memory_space<vmem>>[vector<16xi32>], vector<16xf32>,
      %add3A_631 = arith.addf %add3A_626, %gather3A_630 : vector<16xf32>
      %add3A_632 = arith.constant 527 : i32
      %add3A_633 = vector.broadcast %add3A_632 : i32 to vector<16xi32>
      %add3A_634 = arith.addi %mul3A_365, %add3A_633 : vector<16xi32>
      %gather3A_635 = tpu.vector_load_idx %arg9[%add3A_634] : memref<656xf32, #tpu.memory_space<vmem>>[vector<16xi32>], vector<16xf32>,
      %add3A_636 = arith.addf %add3A_631, %gather3A_635 : vector<16xf32>
      %add3A_637 = vector.broadcast %add3A_357 : i32 to vector<16xi32>
      %add3A_638 = arith.addi %iota3A_362, %add3A_637 : vector<16xi32>
      %gather3A_639 = tpu.vector_load_idx %arg6[%add3A_638] : memref<1408xi32, #tpu.memory_space<vmem>>[vector<16xi32>], vector<16xi32>,
      %add3A_640 = arith.constant 16 : i32
      %add3A_641 = arith.addi %add3A_357, %add3A_640 : i32
      %add3A_642 = vector.broadcast %add3A_641 : i32 to vector<16xi32>
      %add3A_643 = arith.addi %iota3A_362, %add3A_642 : vector<16xi32>
      %gather3A_644 = tpu.vector_load_idx %arg6[%add3A_643] : memref<1408xi32, #tpu.memory_space<vmem>>[vector<16xi32>], vector<16xi32>,
      %lt3A = arith.constant 0 : i32
      %lt3A_645 = vector.broadcast %lt3A : i32 to vector<16xi32>
      %lt3A_646 = arith.cmpi slt, %iota3A_362, %lt3A_645 : vector<16xi32>
      %lt3A_647 = arith.constant 0 : i32
      %lt3A_648 = vector.broadcast %lt3A_647 : i32 to vector<16xi32>
      %lt3A_649 = arith.cmpi slt, %iota3A_362, %lt3A_648 : vector<16xi32>
      %add3A_650 = arith.constant 0 : i32
      %add3A_651 = arith.addi %add3A_357, %add3A_650 : i32
      %broadcast_in_dim3A_652 = vector.broadcast %add3A_651 : i32 to vector<16xi32>
      %gather3A_653 = tpu.vector_load_idx %arg6[%broadcast_in_dim3A_652] : memref<1408xi32, #tpu.memory_space<vmem>>[vector<16xi32>], vector<16xi32>,
      %eq3A = arith.cmpi eq, %gather3A_639, %gather3A_653 : vector<16xi32>
      %gt3A = arith.constant 0 : i32
      %gt3A_654 = vector.broadcast %gt3A : i32 to vector<16xi32>
      %gt3A_655 = arith.cmpi sgt, %iota3A_362, %gt3A_654 : vector<16xi32>
      %and3A = arith.andi %eq3A, %gt3A_655 : vector<16xi1>
      %or3A = arith.ori %lt3A_646, %and3A : vector<16xi1>
      %eq3A_656 = arith.cmpi eq, %gather3A_644, %gather3A_653 : vector<16xi32>
      %or3A_657 = arith.ori %lt3A_649, %eq3A_656 : vector<16xi1>
      %add3A_658 = arith.constant 1 : i32
      %add3A_659 = arith.addi %add3A_357, %add3A_658 : i32
      %broadcast_in_dim3A_660 = vector.broadcast %add3A_659 : i32 to vector<16xi32>
      %gather3A_661 = tpu.vector_load_idx %arg6[%broadcast_in_dim3A_660] : memref<1408xi32, #tpu.memory_space<vmem>>[vector<16xi32>], vector<16xi32>,
      %eq3A_662 = arith.cmpi eq, %gather3A_639, %gather3A_661 : vector<16xi32>
      %gt3A_663 = arith.constant 1 : i32
      %gt3A_664 = vector.broadcast %gt3A_663 : i32 to vector<16xi32>
      %gt3A_665 = arith.cmpi sgt, %iota3A_362, %gt3A_664 : vector<16xi32>
      %and3A_666 = arith.andi %eq3A_662, %gt3A_665 : vector<16xi1>
      %or3A_667 = arith.ori %or3A, %and3A_666 : vector<16xi1>
      %eq3A_668 = arith.cmpi eq, %gather3A_644, %gather3A_661 : vector<16xi32>
      %or3A_669 = arith.ori %or3A_657, %eq3A_668 : vector<16xi1>
      %add3A_670 = arith.constant 2 : i32
      %add3A_671 = arith.addi %add3A_357, %add3A_670 : i32
      %broadcast_in_dim3A_672 = vector.broadcast %add3A_671 : i32 to vector<16xi32>
      %gather3A_673 = tpu.vector_load_idx %arg6[%broadcast_in_dim3A_672] : memref<1408xi32, #tpu.memory_space<vmem>>[vector<16xi32>], vector<16xi32>,
      %eq3A_674 = arith.cmpi eq, %gather3A_639, %gather3A_673 : vector<16xi32>
      %gt3A_675 = arith.constant 2 : i32
      %gt3A_676 = vector.broadcast %gt3A_675 : i32 to vector<16xi32>
      %gt3A_677 = arith.cmpi sgt, %iota3A_362, %gt3A_676 : vector<16xi32>
      %and3A_678 = arith.andi %eq3A_674, %gt3A_677 : vector<16xi1>
      %or3A_679 = arith.ori %or3A_667, %and3A_678 : vector<16xi1>
      %eq3A_680 = arith.cmpi eq, %gather3A_644, %gather3A_673 : vector<16xi32>
      %or3A_681 = arith.ori %or3A_669, %eq3A_680 : vector<16xi1>
      %add3A_682 = arith.constant 3 : i32
      %add3A_683 = arith.addi %add3A_357, %add3A_682 : i32
      %broadcast_in_dim3A_684 = vector.broadcast %add3A_683 : i32 to vector<16xi32>
      %gather3A_685 = tpu.vector_load_idx %arg6[%broadcast_in_dim3A_684] : memref<1408xi32, #tpu.memory_space<vmem>>[vector<16xi32>], vector<16xi32>,
      %eq3A_686 = arith.cmpi eq, %gather3A_639, %gather3A_685 : vector<16xi32>
      %gt3A_687 = arith.constant 3 : i32
      %gt3A_688 = vector.broadcast %gt3A_687 : i32 to vector<16xi32>
      %gt3A_689 = arith.cmpi sgt, %iota3A_362, %gt3A_688 : vector<16xi32>
      %and3A_690 = arith.andi %eq3A_686, %gt3A_689 : vector<16xi1>
      %or3A_691 = arith.ori %or3A_679, %and3A_690 : vector<16xi1>
      %eq3A_692 = arith.cmpi eq, %gather3A_644, %gather3A_685 : vector<16xi32>
      %or3A_693 = arith.ori %or3A_681, %eq3A_692 : vector<16xi1>
      %add3A_694 = arith.constant 4 : i32
      %add3A_695 = arith.addi %add3A_357, %add3A_694 : i32
      %broadcast_in_dim3A_696 = vector.broadcast %add3A_695 : i32 to vector<16xi32>
      %gather3A_697 = tpu.vector_load_idx %arg6[%broadcast_in_dim3A_696] : memref<1408xi32, #tpu.memory_space<vmem>>[vector<16xi32>], vector<16xi32>,
      %eq3A_698 = arith.cmpi eq, %gather3A_639, %gather3A_697 : vector<16xi32>
      %gt3A_699 = arith.constant 4 : i32
      %gt3A_700 = vector.broadcast %gt3A_699 : i32 to vector<16xi32>
      %gt3A_701 = arith.cmpi sgt, %iota3A_362, %gt3A_700 : vector<16xi32>
      %and3A_702 = arith.andi %eq3A_698, %gt3A_701 : vector<16xi1>
      %or3A_703 = arith.ori %or3A_691, %and3A_702 : vector<16xi1>
      %eq3A_704 = arith.cmpi eq, %gather3A_644, %gather3A_697 : vector<16xi32>
      %or3A_705 = arith.ori %or3A_693, %eq3A_704 : vector<16xi1>
      %add3A_706 = arith.constant 5 : i32
      %add3A_707 = arith.addi %add3A_357, %add3A_706 : i32
      %broadcast_in_dim3A_708 = vector.broadcast %add3A_707 : i32 to vector<16xi32>
      %gather3A_709 = tpu.vector_load_idx %arg6[%broadcast_in_dim3A_708] : memref<1408xi32, #tpu.memory_space<vmem>>[vector<16xi32>], vector<16xi32>,
      %eq3A_710 = arith.cmpi eq, %gather3A_639, %gather3A_709 : vector<16xi32>
      %gt3A_711 = arith.constant 5 : i32
      %gt3A_712 = vector.broadcast %gt3A_711 : i32 to vector<16xi32>
      %gt3A_713 = arith.cmpi sgt, %iota3A_362, %gt3A_712 : vector<16xi32>
      %and3A_714 = arith.andi %eq3A_710, %gt3A_713 : vector<16xi1>
      %or3A_715 = arith.ori %or3A_703, %and3A_714 : vector<16xi1>
      %eq3A_716 = arith.cmpi eq, %gather3A_644, %gather3A_709 : vector<16xi32>
      %or3A_717 = arith.ori %or3A_705, %eq3A_716 : vector<16xi1>
      %add3A_718 = arith.constant 6 : i32
      %add3A_719 = arith.addi %add3A_357, %add3A_718 : i32
      %broadcast_in_dim3A_720 = vector.broadcast %add3A_719 : i32 to vector<16xi32>
      %gather3A_721 = tpu.vector_load_idx %arg6[%broadcast_in_dim3A_720] : memref<1408xi32, #tpu.memory_space<vmem>>[vector<16xi32>], vector<16xi32>,
      %eq3A_722 = arith.cmpi eq, %gather3A_639, %gather3A_721 : vector<16xi32>
      %gt3A_723 = arith.constant 6 : i32
      %gt3A_724 = vector.broadcast %gt3A_723 : i32 to vector<16xi32>
      %gt3A_725 = arith.cmpi sgt, %iota3A_362, %gt3A_724 : vector<16xi32>
      %and3A_726 = arith.andi %eq3A_722, %gt3A_725 : vector<16xi1>
      %or3A_727 = arith.ori %or3A_715, %and3A_726 : vector<16xi1>
      %eq3A_728 = arith.cmpi eq, %gather3A_644, %gather3A_721 : vector<16xi32>
      %or3A_729 = arith.ori %or3A_717, %eq3A_728 : vector<16xi1>
      %add3A_730 = arith.constant 7 : i32
      %add3A_731 = arith.addi %add3A_357, %add3A_730 : i32
      %broadcast_in_dim3A_732 = vector.broadcast %add3A_731 : i32 to vector<16xi32>
      %gather3A_733 = tpu.vector_load_idx %arg6[%broadcast_in_dim3A_732] : memref<1408xi32, #tpu.memory_space<vmem>>[vector<16xi32>], vector<16xi32>,
      %eq3A_734 = arith.cmpi eq, %gather3A_639, %gather3A_733 : vector<16xi32>
      %gt3A_735 = arith.constant 7 : i32
      %gt3A_736 = vector.broadcast %gt3A_735 : i32 to vector<16xi32>
      %gt3A_737 = arith.cmpi sgt, %iota3A_362, %gt3A_736 : vector<16xi32>
      %and3A_738 = arith.andi %eq3A_734, %gt3A_737 : vector<16xi1>
      %or3A_739 = arith.ori %or3A_727, %and3A_738 : vector<16xi1>
      %eq3A_740 = arith.cmpi eq, %gather3A_644, %gather3A_733 : vector<16xi32>
      %or3A_741 = arith.ori %or3A_729, %eq3A_740 : vector<16xi1>
      %add3A_742 = arith.constant 8 : i32
      %add3A_743 = arith.addi %add3A_357, %add3A_742 : i32
      %broadcast_in_dim3A_744 = vector.broadcast %add3A_743 : i32 to vector<16xi32>
      %gather3A_745 = tpu.vector_load_idx %arg6[%broadcast_in_dim3A_744] : memref<1408xi32, #tpu.memory_space<vmem>>[vector<16xi32>], vector<16xi32>,
      %eq3A_746 = arith.cmpi eq, %gather3A_639, %gather3A_745 : vector<16xi32>
      %gt3A_747 = arith.constant 8 : i32
      %gt3A_748 = vector.broadcast %gt3A_747 : i32 to vector<16xi32>
      %gt3A_749 = arith.cmpi sgt, %iota3A_362, %gt3A_748 : vector<16xi32>
      %and3A_750 = arith.andi %eq3A_746, %gt3A_749 : vector<16xi1>
      %or3A_751 = arith.ori %or3A_739, %and3A_750 : vector<16xi1>
      %eq3A_752 = arith.cmpi eq, %gather3A_644, %gather3A_745 : vector<16xi32>
      %or3A_753 = arith.ori %or3A_741, %eq3A_752 : vector<16xi1>
      %add3A_754 = arith.constant 9 : i32
      %add3A_755 = arith.addi %add3A_357, %add3A_754 : i32
      %broadcast_in_dim3A_756 = vector.broadcast %add3A_755 : i32 to vector<16xi32>
      %gather3A_757 = tpu.vector_load_idx %arg6[%broadcast_in_dim3A_756] : memref<1408xi32, #tpu.memory_space<vmem>>[vector<16xi32>], vector<16xi32>,
      %eq3A_758 = arith.cmpi eq, %gather3A_639, %gather3A_757 : vector<16xi32>
      %gt3A_759 = arith.constant 9 : i32
      %gt3A_760 = vector.broadcast %gt3A_759 : i32 to vector<16xi32>
      %gt3A_761 = arith.cmpi sgt, %iota3A_362, %gt3A_760 : vector<16xi32>
      %and3A_762 = arith.andi %eq3A_758, %gt3A_761 : vector<16xi1>
      %or3A_763 = arith.ori %or3A_751, %and3A_762 : vector<16xi1>
      %eq3A_764 = arith.cmpi eq, %gather3A_644, %gather3A_757 : vector<16xi32>
      %or3A_765 = arith.ori %or3A_753, %eq3A_764 : vector<16xi1>
      %add3A_766 = arith.constant 10 : i32
      %add3A_767 = arith.addi %add3A_357, %add3A_766 : i32
      %broadcast_in_dim3A_768 = vector.broadcast %add3A_767 : i32 to vector<16xi32>
      %gather3A_769 = tpu.vector_load_idx %arg6[%broadcast_in_dim3A_768] : memref<1408xi32, #tpu.memory_space<vmem>>[vector<16xi32>], vector<16xi32>,
      %eq3A_770 = arith.cmpi eq, %gather3A_639, %gather3A_769 : vector<16xi32>
      %gt3A_771 = arith.constant 10 : i32
      %gt3A_772 = vector.broadcast %gt3A_771 : i32 to vector<16xi32>
      %gt3A_773 = arith.cmpi sgt, %iota3A_362, %gt3A_772 : vector<16xi32>
      %and3A_774 = arith.andi %eq3A_770, %gt3A_773 : vector<16xi1>
      %or3A_775 = arith.ori %or3A_763, %and3A_774 : vector<16xi1>
      %eq3A_776 = arith.cmpi eq, %gather3A_644, %gather3A_769 : vector<16xi32>
      %or3A_777 = arith.ori %or3A_765, %eq3A_776 : vector<16xi1>
      %add3A_778 = arith.constant 11 : i32
      %add3A_779 = arith.addi %add3A_357, %add3A_778 : i32
      %broadcast_in_dim3A_780 = vector.broadcast %add3A_779 : i32 to vector<16xi32>
      %gather3A_781 = tpu.vector_load_idx %arg6[%broadcast_in_dim3A_780] : memref<1408xi32, #tpu.memory_space<vmem>>[vector<16xi32>], vector<16xi32>,
      %eq3A_782 = arith.cmpi eq, %gather3A_639, %gather3A_781 : vector<16xi32>
      %gt3A_783 = arith.constant 11 : i32
      %gt3A_784 = vector.broadcast %gt3A_783 : i32 to vector<16xi32>
      %gt3A_785 = arith.cmpi sgt, %iota3A_362, %gt3A_784 : vector<16xi32>
      %and3A_786 = arith.andi %eq3A_782, %gt3A_785 : vector<16xi1>
      %or3A_787 = arith.ori %or3A_775, %and3A_786 : vector<16xi1>
      %eq3A_788 = arith.cmpi eq, %gather3A_644, %gather3A_781 : vector<16xi32>
      %or3A_789 = arith.ori %or3A_777, %eq3A_788 : vector<16xi1>
      %add3A_790 = arith.constant 12 : i32
      %add3A_791 = arith.addi %add3A_357, %add3A_790 : i32
      %broadcast_in_dim3A_792 = vector.broadcast %add3A_791 : i32 to vector<16xi32>
      %gather3A_793 = tpu.vector_load_idx %arg6[%broadcast_in_dim3A_792] : memref<1408xi32, #tpu.memory_space<vmem>>[vector<16xi32>], vector<16xi32>,
      %eq3A_794 = arith.cmpi eq, %gather3A_639, %gather3A_793 : vector<16xi32>
      %gt3A_795 = arith.constant 12 : i32
      %gt3A_796 = vector.broadcast %gt3A_795 : i32 to vector<16xi32>
      %gt3A_797 = arith.cmpi sgt, %iota3A_362, %gt3A_796 : vector<16xi32>
      %and3A_798 = arith.andi %eq3A_794, %gt3A_797 : vector<16xi1>
      %or3A_799 = arith.ori %or3A_787, %and3A_798 : vector<16xi1>
      %eq3A_800 = arith.cmpi eq, %gather3A_644, %gather3A_793 : vector<16xi32>
      %or3A_801 = arith.ori %or3A_789, %eq3A_800 : vector<16xi1>
      %add3A_802 = arith.constant 13 : i32
      %add3A_803 = arith.addi %add3A_357, %add3A_802 : i32
      %broadcast_in_dim3A_804 = vector.broadcast %add3A_803 : i32 to vector<16xi32>
      %gather3A_805 = tpu.vector_load_idx %arg6[%broadcast_in_dim3A_804] : memref<1408xi32, #tpu.memory_space<vmem>>[vector<16xi32>], vector<16xi32>,
      %eq3A_806 = arith.cmpi eq, %gather3A_639, %gather3A_805 : vector<16xi32>
      %gt3A_807 = arith.constant 13 : i32
      %gt3A_808 = vector.broadcast %gt3A_807 : i32 to vector<16xi32>
      %gt3A_809 = arith.cmpi sgt, %iota3A_362, %gt3A_808 : vector<16xi32>
      %and3A_810 = arith.andi %eq3A_806, %gt3A_809 : vector<16xi1>
      %or3A_811 = arith.ori %or3A_799, %and3A_810 : vector<16xi1>
      %eq3A_812 = arith.cmpi eq, %gather3A_644, %gather3A_805 : vector<16xi32>
      %or3A_813 = arith.ori %or3A_801, %eq3A_812 : vector<16xi1>
      %add3A_814 = arith.constant 14 : i32
      %add3A_815 = arith.addi %add3A_357, %add3A_814 : i32
      %broadcast_in_dim3A_816 = vector.broadcast %add3A_815 : i32 to vector<16xi32>
      %gather3A_817 = tpu.vector_load_idx %arg6[%broadcast_in_dim3A_816] : memref<1408xi32, #tpu.memory_space<vmem>>[vector<16xi32>], vector<16xi32>,
      %eq3A_818 = arith.cmpi eq, %gather3A_639, %gather3A_817 : vector<16xi32>
      %gt3A_819 = arith.constant 14 : i32
      %gt3A_820 = vector.broadcast %gt3A_819 : i32 to vector<16xi32>
      %gt3A_821 = arith.cmpi sgt, %iota3A_362, %gt3A_820 : vector<16xi32>
      %and3A_822 = arith.andi %eq3A_818, %gt3A_821 : vector<16xi1>
      %or3A_823 = arith.ori %or3A_811, %and3A_822 : vector<16xi1>
      %eq3A_824 = arith.cmpi eq, %gather3A_644, %gather3A_817 : vector<16xi32>
      %or3A_825 = arith.ori %or3A_813, %eq3A_824 : vector<16xi1>
      %add3A_826 = arith.constant 15 : i32
      %add3A_827 = arith.addi %add3A_357, %add3A_826 : i32
      %broadcast_in_dim3A_828 = vector.broadcast %add3A_827 : i32 to vector<16xi32>
      %gather3A_829 = tpu.vector_load_idx %arg6[%broadcast_in_dim3A_828] : memref<1408xi32, #tpu.memory_space<vmem>>[vector<16xi32>], vector<16xi32>,
      %eq3A_830 = arith.cmpi eq, %gather3A_639, %gather3A_829 : vector<16xi32>
      %gt3A_831 = arith.constant 15 : i32
      %gt3A_832 = vector.broadcast %gt3A_831 : i32 to vector<16xi32>
      %gt3A_833 = arith.cmpi sgt, %iota3A_362, %gt3A_832 : vector<16xi32>
      %and3A_834 = arith.andi %eq3A_830, %gt3A_833 : vector<16xi1>
      %or3A_835 = arith.ori %or3A_823, %and3A_834 : vector<16xi1>
      %eq3A_836 = arith.cmpi eq, %gather3A_644, %gather3A_829 : vector<16xi32>
      %or3A_837 = arith.ori %or3A_825, %eq3A_836 : vector<16xi1>
      %add3A_838 = arith.constant 16 : i32
      %add3A_839 = arith.addi %add3A_357, %add3A_838 : i32
      %broadcast_in_dim3A_840 = vector.broadcast %add3A_839 : i32 to vector<16xi32>
      %gather3A_841 = tpu.vector_load_idx %arg6[%broadcast_in_dim3A_840] : memref<1408xi32, #tpu.memory_space<vmem>>[vector<16xi32>], vector<16xi32>,
      %eq3A_842 = arith.cmpi eq, %gather3A_644, %gather3A_841 : vector<16xi32>
      %gt3A_843 = arith.constant 0 : i32
      %gt3A_844 = vector.broadcast %gt3A_843 : i32 to vector<16xi32>
      %gt3A_845 = arith.cmpi sgt, %iota3A_362, %gt3A_844 : vector<16xi32>
      %and3A_846 = arith.andi %eq3A_842, %gt3A_845 : vector<16xi1>
      %or3A_847 = arith.ori %or3A_837, %and3A_846 : vector<16xi1>
      %add3A_848 = arith.constant 17 : i32
      %add3A_849 = arith.addi %add3A_357, %add3A_848 : i32
      %broadcast_in_dim3A_850 = vector.broadcast %add3A_849 : i32 to vector<16xi32>
      %gather3A_851 = tpu.vector_load_idx %arg6[%broadcast_in_dim3A_850] : memref<1408xi32, #tpu.memory_space<vmem>>[vector<16xi32>], vector<16xi32>,
      %eq3A_852 = arith.cmpi eq, %gather3A_644, %gather3A_851 : vector<16xi32>
      %gt3A_853 = arith.constant 1 : i32
      %gt3A_854 = vector.broadcast %gt3A_853 : i32 to vector<16xi32>
      %gt3A_855 = arith.cmpi sgt, %iota3A_362, %gt3A_854 : vector<16xi32>
      %and3A_856 = arith.andi %eq3A_852, %gt3A_855 : vector<16xi1>
      %or3A_857 = arith.ori %or3A_847, %and3A_856 : vector<16xi1>
      %add3A_858 = arith.constant 18 : i32
      %add3A_859 = arith.addi %add3A_357, %add3A_858 : i32
      %broadcast_in_dim3A_860 = vector.broadcast %add3A_859 : i32 to vector<16xi32>
      %gather3A_861 = tpu.vector_load_idx %arg6[%broadcast_in_dim3A_860] : memref<1408xi32, #tpu.memory_space<vmem>>[vector<16xi32>], vector<16xi32>,
      %eq3A_862 = arith.cmpi eq, %gather3A_644, %gather3A_861 : vector<16xi32>
      %gt3A_863 = arith.constant 2 : i32
      %gt3A_864 = vector.broadcast %gt3A_863 : i32 to vector<16xi32>
      %gt3A_865 = arith.cmpi sgt, %iota3A_362, %gt3A_864 : vector<16xi32>
      %and3A_866 = arith.andi %eq3A_862, %gt3A_865 : vector<16xi1>
      %or3A_867 = arith.ori %or3A_857, %and3A_866 : vector<16xi1>
      %add3A_868 = arith.constant 19 : i32
      %add3A_869 = arith.addi %add3A_357, %add3A_868 : i32
      %broadcast_in_dim3A_870 = vector.broadcast %add3A_869 : i32 to vector<16xi32>
      %gather3A_871 = tpu.vector_load_idx %arg6[%broadcast_in_dim3A_870] : memref<1408xi32, #tpu.memory_space<vmem>>[vector<16xi32>], vector<16xi32>,
      %eq3A_872 = arith.cmpi eq, %gather3A_644, %gather3A_871 : vector<16xi32>
      %gt3A_873 = arith.constant 3 : i32
      %gt3A_874 = vector.broadcast %gt3A_873 : i32 to vector<16xi32>
      %gt3A_875 = arith.cmpi sgt, %iota3A_362, %gt3A_874 : vector<16xi32>
      %and3A_876 = arith.andi %eq3A_872, %gt3A_875 : vector<16xi1>
      %or3A_877 = arith.ori %or3A_867, %and3A_876 : vector<16xi1>
      %add3A_878 = arith.constant 20 : i32
      %add3A_879 = arith.addi %add3A_357, %add3A_878 : i32
      %broadcast_in_dim3A_880 = vector.broadcast %add3A_879 : i32 to vector<16xi32>
      %gather3A_881 = tpu.vector_load_idx %arg6[%broadcast_in_dim3A_880] : memref<1408xi32, #tpu.memory_space<vmem>>[vector<16xi32>], vector<16xi32>,
      %eq3A_882 = arith.cmpi eq, %gather3A_644, %gather3A_881 : vector<16xi32>
      %gt3A_883 = arith.constant 4 : i32
      %gt3A_884 = vector.broadcast %gt3A_883 : i32 to vector<16xi32>
      %gt3A_885 = arith.cmpi sgt, %iota3A_362, %gt3A_884 : vector<16xi32>
      %and3A_886 = arith.andi %eq3A_882, %gt3A_885 : vector<16xi1>
      %or3A_887 = arith.ori %or3A_877, %and3A_886 : vector<16xi1>
      %exp3A = math.exp %add3A_478 : vector<16xf32>
      %exp3A_888 = math.exp %add3A_557 : vector<16xf32>
      %exp3A_889 = math.exp %add3A_636 : vector<16xf32>
      %ge3A = arith.constant 1 : i32
      %ge3A_890 = vector.broadcast %ge3A : i32 to vector<16xi32>
      %ge3A_891 = arith.cmpi sge, %iota3A_362, %ge3A_890 : vector<16xi32>
      %select_n3A = arith.select %ge3A_891, %add3A_478, %broadcast_in_dim3A_366 : vector<16xi1>, vector<16xf32>
      %lt3A_892 = arith.constant 5 : i32
      %lt3A_893 = vector.broadcast %lt3A_892 : i32 to vector<16xi32>
      %lt3A_894 = arith.cmpi slt, %iota3A_362, %lt3A_893 : vector<16xi32>
      %select_n3A_895 = arith.select %lt3A_894, %add3A_557, %broadcast_in_dim3A_366 : vector<16xi1>, vector<16xf32>
      %add3A_896 = arith.addf %select_n3A, %select_n3A_895 : vector<16xf32>
      %select_n3A_897 = arith.select %or3A_835, %broadcast_in_dim3A_366, %exp3A : vector<16xi1>, vector<16xf32>
      %lt3A_898 = arith.constant 5 : i32
      %lt3A_899 = vector.broadcast %lt3A_898 : i32 to vector<16xi32>
      %lt3A_900 = arith.cmpi slt, %iota3A_362, %lt3A_899 : vector<16xi32>
      %and3A_901 = arith.andi %or3A_887, %lt3A_900 : vector<16xi1>
      %select_n3A_902 = arith.select %and3A_901, %broadcast_in_dim3A_366, %exp3A_888 : vector<16xi1>, vector<16xf32>
      %add3A_903 = arith.addf %select_n3A_897, %select_n3A_902 : vector<16xf32>
      %lt3A_904 = arith.constant 9 : i32
      %lt3A_905 = vector.broadcast %lt3A_904 : i32 to vector<16xi32>
      %lt3A_906 = arith.cmpi slt, %iota3A_362, %lt3A_905 : vector<16xi32>
      %select_n3A_907 = arith.select %lt3A_906, %exp3A_889, %broadcast_in_dim3A_366 : vector<16xi1>, vector<16xf32>
      %add3A_908 = arith.addf %add3A_903, %select_n3A_907 : vector<16xf32>
      %mul3A_909 = arith.constant 16 : i32
      %mul3A_910 = arith.muli %add3A_361, %mul3A_909 : i32
      %swap3A_911 = arith.index_cast %mul3A_910 : i32 to index
      %swap3A_912 = tpu.vector_load %arg11[%swap3A_911] {strides = array<i32>} : memref<512xf32, #tpu.memory_space<vmem>>, vector<16xf32>,
      tpu.vector_store %arg11[%swap3A_911], %add3A_896 {strides = array<i32>} : memref<512xf32, #tpu.memory_space<vmem>>, vector<16xf32>,
      %mul3A_913 = arith.constant 16 : i32
      %mul3A_914 = arith.muli %add3A_361, %mul3A_913 : i32
      %swap3A_915 = arith.index_cast %mul3A_914 : i32 to index
      %swap3A_916 = tpu.vector_load %arg10[%swap3A_915] {strides = array<i32>} : memref<512xf32, #tpu.memory_space<vmem>>, vector<16xf32>,
      tpu.vector_store %arg10[%swap3A_915], %add3A_908 {strides = array<i32>} : memref<512xf32, #tpu.memory_space<vmem>>, vector<16xf32>,
      %mul3A_917 = arith.constant 88 : i32
      %mul3A_918 = arith.muli %add3A_348, %mul3A_917 : i32
      %add3A_919 = arith.constant 41 : i32
      %add3A_920 = arith.addi %mul3A_918, %add3A_919 : i32
      %mul3A_921 = arith.constant 2 : i32
      %mul3A_922 = arith.muli %mul3A_921, %add3A_348 : i32
      %add3A_923 = arith.constant 1 : i32
      %add3A_924 = arith.addi %mul3A_922, %add3A_923 : i32
      %iota3A_925 = tpu.iota {dimensions = array<i32: 0>} : vector<16xi32>
      %mul3A_926 = arith.constant 16 : i32
      %mul3A_927 = vector.broadcast %mul3A_926 : i32 to vector<16xi32>
      %mul3A_928 = arith.muli %iota3A_925, %mul3A_927 : vector<16xi32>
      %broadcast_in_dim3A_929 = arith.constant 0.000000e+00 : f32
      %broadcast_in_dim3A_930 = vector.broadcast %broadcast_in_dim3A_929 : f32 to vector<16xf32>
      %get3A_931 = arith.constant 41 : i32
      %get3A_932 = arith.index_cast %get3A_931 : i32 to index
      %get3A_933 = arith.constant 0 : index
      %get3A_934 = tpu.vector_load %arg7[%get3A_932, %get3A_933] {strides = array<i32>} : memref<82x128xf32, #tpu.memory_space<vmem>>, vector<16xf32>,
      %get3A_935 = arith.constant 41 : i32
      %get3A_936 = arith.index_cast %get3A_935 : i32 to index
      %get3A_937 = arith.constant 16 : index
      %get3A_938 = tpu.vector_load %arg7[%get3A_936, %get3A_937] {strides = array<i32>} : memref<82x128xf32, #tpu.memory_space<vmem>>, vector<16xf32>,
      %get3A_939 = arith.constant 41 : i32
      %get3A_940 = arith.index_cast %get3A_939 : i32 to index
      %get3A_941 = arith.constant 32 : index
      %get3A_942 = tpu.vector_load %arg7[%get3A_940, %get3A_941] {strides = array<i32>} : memref<82x128xf32, #tpu.memory_space<vmem>>, vector<16xf32>,
      %get3A_943 = arith.constant 41 : i32
      %get3A_944 = arith.index_cast %get3A_943 : i32 to index
      %get3A_945 = arith.constant 48 : index
      %get3A_946 = tpu.vector_load %arg7[%get3A_944, %get3A_945] {strides = array<i32>} : memref<82x128xf32, #tpu.memory_space<vmem>>, vector<16xf32>,
      %get3A_947 = arith.constant 41 : i32
      %get3A_948 = arith.index_cast %get3A_947 : i32 to index
      %get3A_949 = arith.constant 64 : index
      %get3A_950 = tpu.vector_load %arg7[%get3A_948, %get3A_949] {strides = array<i32>} : memref<82x128xf32, #tpu.memory_space<vmem>>, vector<16xf32>,
      %get3A_951 = arith.constant 41 : i32
      %get3A_952 = arith.index_cast %get3A_951 : i32 to index
      %get3A_953 = arith.constant 80 : index
      %get3A_954 = tpu.vector_load %arg7[%get3A_952, %get3A_953] {strides = array<i32>} : memref<82x128xf32, #tpu.memory_space<vmem>>, vector<16xf32>,
      %get3A_955 = arith.constant 41 : i32
      %get3A_956 = arith.index_cast %get3A_955 : i32 to index
      %get3A_957 = arith.constant 96 : index
      %get3A_958 = tpu.vector_load %arg7[%get3A_956, %get3A_957] {strides = array<i32>} : memref<82x128xf32, #tpu.memory_space<vmem>>, vector<16xf32>,
      %get3A_959 = arith.constant 41 : i32
      %get3A_960 = arith.index_cast %get3A_959 : i32 to index
      %get3A_961 = arith.constant 112 : index
      %get3A_962 = tpu.vector_load %arg7[%get3A_960, %get3A_961] {strides = array<i32>} : memref<82x128xf32, #tpu.memory_space<vmem>>, vector<16xf32>,
      %parallel_loop3A_963 = arith.constant 0 : i32
      %parallel_loop3A_964 = arith.constant 41 : i32
      %parallel_loop3A_965 = arith.constant 1 : i32
      scf.for %parallel_loop3A_2661 = %parallel_loop3A_963 to %parallel_loop3A_964 step %parallel_loop3A_965  : i32 {
        %parallel_loop3A_2662 = arith.constant 41 : i32
        %parallel_loop3A_2663 = arith.addi %parallel_loop3A_2662, %parallel_loop3A_2661 : i32
        %parallel_loop3A_2664 = arith.index_cast %parallel_loop3A_2663 : i32 to index
        %parallel_loop3A_2665 = arith.constant 0 : index
        %parallel_loop3A_2666 = tpu.vector_load %arg7[%parallel_loop3A_2664, %parallel_loop3A_2665] {strides = array<i32>} : memref<82x128xf32, #tpu.memory_space<vmem>>, vector<16xf32>,
        %parallel_loop3A_2667 = arith.mulf %get3A_934, %parallel_loop3A_2666 : vector<16xf32>
        %parallel_loop3A_2668 = arith.constant 41 : i32
        %parallel_loop3A_2669 = arith.addi %parallel_loop3A_2668, %parallel_loop3A_2661 : i32
        %parallel_loop3A_2670 = arith.index_cast %parallel_loop3A_2669 : i32 to index
        %parallel_loop3A_2671 = arith.constant 16 : index
        %parallel_loop3A_2672 = tpu.vector_load %arg7[%parallel_loop3A_2670, %parallel_loop3A_2671] {strides = array<i32>} : memref<82x128xf32, #tpu.memory_space<vmem>>, vector<16xf32>,
        %parallel_loop3A_2673 = arith.mulf %get3A_938, %parallel_loop3A_2672 : vector<16xf32>
        %parallel_loop3A_2674 = arith.addf %parallel_loop3A_2667, %parallel_loop3A_2673 : vector<16xf32>
        %parallel_loop3A_2675 = arith.constant 41 : i32
        %parallel_loop3A_2676 = arith.addi %parallel_loop3A_2675, %parallel_loop3A_2661 : i32
        %parallel_loop3A_2677 = arith.index_cast %parallel_loop3A_2676 : i32 to index
        %parallel_loop3A_2678 = arith.constant 32 : index
        %parallel_loop3A_2679 = tpu.vector_load %arg7[%parallel_loop3A_2677, %parallel_loop3A_2678] {strides = array<i32>} : memref<82x128xf32, #tpu.memory_space<vmem>>, vector<16xf32>,
        %parallel_loop3A_2680 = arith.mulf %get3A_942, %parallel_loop3A_2679 : vector<16xf32>
        %parallel_loop3A_2681 = arith.addf %parallel_loop3A_2674, %parallel_loop3A_2680 : vector<16xf32>
        %parallel_loop3A_2682 = arith.constant 41 : i32
        %parallel_loop3A_2683 = arith.addi %parallel_loop3A_2682, %parallel_loop3A_2661 : i32
        %parallel_loop3A_2684 = arith.index_cast %parallel_loop3A_2683 : i32 to index
        %parallel_loop3A_2685 = arith.constant 48 : index
        %parallel_loop3A_2686 = tpu.vector_load %arg7[%parallel_loop3A_2684, %parallel_loop3A_2685] {strides = array<i32>} : memref<82x128xf32, #tpu.memory_space<vmem>>, vector<16xf32>,
        %parallel_loop3A_2687 = arith.mulf %get3A_946, %parallel_loop3A_2686 : vector<16xf32>
        %parallel_loop3A_2688 = arith.addf %parallel_loop3A_2681, %parallel_loop3A_2687 : vector<16xf32>
        %parallel_loop3A_2689 = arith.constant 41 : i32
        %parallel_loop3A_2690 = arith.addi %parallel_loop3A_2689, %parallel_loop3A_2661 : i32
        %parallel_loop3A_2691 = arith.index_cast %parallel_loop3A_2690 : i32 to index
        %parallel_loop3A_2692 = arith.constant 64 : index
        %parallel_loop3A_2693 = tpu.vector_load %arg7[%parallel_loop3A_2691, %parallel_loop3A_2692] {strides = array<i32>} : memref<82x128xf32, #tpu.memory_space<vmem>>, vector<16xf32>,
        %parallel_loop3A_2694 = arith.mulf %get3A_950, %parallel_loop3A_2693 : vector<16xf32>
        %parallel_loop3A_2695 = arith.addf %parallel_loop3A_2688, %parallel_loop3A_2694 : vector<16xf32>
        %parallel_loop3A_2696 = arith.constant 41 : i32
        %parallel_loop3A_2697 = arith.addi %parallel_loop3A_2696, %parallel_loop3A_2661 : i32
        %parallel_loop3A_2698 = arith.index_cast %parallel_loop3A_2697 : i32 to index
        %parallel_loop3A_2699 = arith.constant 80 : index
        %parallel_loop3A_2700 = tpu.vector_load %arg7[%parallel_loop3A_2698, %parallel_loop3A_2699] {strides = array<i32>} : memref<82x128xf32, #tpu.memory_space<vmem>>, vector<16xf32>,
        %parallel_loop3A_2701 = arith.mulf %get3A_954, %parallel_loop3A_2700 : vector<16xf32>
        %parallel_loop3A_2702 = arith.addf %parallel_loop3A_2695, %parallel_loop3A_2701 : vector<16xf32>
        %parallel_loop3A_2703 = arith.constant 41 : i32
        %parallel_loop3A_2704 = arith.addi %parallel_loop3A_2703, %parallel_loop3A_2661 : i32
        %parallel_loop3A_2705 = arith.index_cast %parallel_loop3A_2704 : i32 to index
        %parallel_loop3A_2706 = arith.constant 96 : index
        %parallel_loop3A_2707 = tpu.vector_load %arg7[%parallel_loop3A_2705, %parallel_loop3A_2706] {strides = array<i32>} : memref<82x128xf32, #tpu.memory_space<vmem>>, vector<16xf32>,
        %parallel_loop3A_2708 = arith.mulf %get3A_958, %parallel_loop3A_2707 : vector<16xf32>
        %parallel_loop3A_2709 = arith.addf %parallel_loop3A_2702, %parallel_loop3A_2708 : vector<16xf32>
        %parallel_loop3A_2710 = arith.constant 41 : i32
        %parallel_loop3A_2711 = arith.addi %parallel_loop3A_2710, %parallel_loop3A_2661 : i32
        %parallel_loop3A_2712 = arith.index_cast %parallel_loop3A_2711 : i32 to index
        %parallel_loop3A_2713 = arith.constant 112 : index
        %parallel_loop3A_2714 = tpu.vector_load %arg7[%parallel_loop3A_2712, %parallel_loop3A_2713] {strides = array<i32>} : memref<82x128xf32, #tpu.memory_space<vmem>>, vector<16xf32>,
        %parallel_loop3A_2715 = arith.mulf %get3A_962, %parallel_loop3A_2714 : vector<16xf32>
        %parallel_loop3A_2716 = arith.addf %parallel_loop3A_2709, %parallel_loop3A_2715 : vector<16xf32>
        %parallel_loop3A_2717 = arith.constant 16 : i32
        %parallel_loop3A_2718 = arith.muli %parallel_loop3A_2661, %parallel_loop3A_2717 : i32
        %parallel_loop3A_2719 = arith.index_cast %parallel_loop3A_2718 : i32 to index
        %parallel_loop3A_2720 = tpu.vector_load %arg9[%parallel_loop3A_2719] {strides = array<i32>} : memref<656xf32, #tpu.memory_space<vmem>>, vector<16xf32>,
        tpu.vector_store %arg9[%parallel_loop3A_2719], %parallel_loop3A_2716 {strides = array<i32>} : memref<656xf32, #tpu.memory_space<vmem>>, vector<16xf32>,
      } {sc.loop_unroll_factor = 4 : i64, sc.parallel_access}
      %add3A_966 = arith.constant 0 : i32
      %add3A_967 = vector.broadcast %add3A_966 : i32 to vector<16xi32>
      %add3A_968 = arith.addi %mul3A_928, %add3A_967 : vector<16xi32>
      %gather3A_969 = tpu.vector_load_idx %arg9[%add3A_968] : memref<656xf32, #tpu.memory_space<vmem>>[vector<16xi32>], vector<16xf32>,
      %add3A_970 = arith.constant 1 : i32
      %add3A_971 = vector.broadcast %add3A_970 : i32 to vector<16xi32>
      %add3A_972 = arith.addi %mul3A_928, %add3A_971 : vector<16xi32>
      %gather3A_973 = tpu.vector_load_idx %arg9[%add3A_972] : memref<656xf32, #tpu.memory_space<vmem>>[vector<16xi32>], vector<16xf32>,
      %add3A_974 = arith.addf %gather3A_969, %gather3A_973 : vector<16xf32>
      %add3A_975 = arith.constant 2 : i32
      %add3A_976 = vector.broadcast %add3A_975 : i32 to vector<16xi32>
      %add3A_977 = arith.addi %mul3A_928, %add3A_976 : vector<16xi32>
      %gather3A_978 = tpu.vector_load_idx %arg9[%add3A_977] : memref<656xf32, #tpu.memory_space<vmem>>[vector<16xi32>], vector<16xf32>,
      %add3A_979 = arith.addf %add3A_974, %gather3A_978 : vector<16xf32>
      %add3A_980 = arith.constant 3 : i32
      %add3A_981 = vector.broadcast %add3A_980 : i32 to vector<16xi32>
      %add3A_982 = arith.addi %mul3A_928, %add3A_981 : vector<16xi32>
      %gather3A_983 = tpu.vector_load_idx %arg9[%add3A_982] : memref<656xf32, #tpu.memory_space<vmem>>[vector<16xi32>], vector<16xf32>,
      %add3A_984 = arith.addf %add3A_979, %gather3A_983 : vector<16xf32>
      %add3A_985 = arith.constant 4 : i32
      %add3A_986 = vector.broadcast %add3A_985 : i32 to vector<16xi32>
      %add3A_987 = arith.addi %mul3A_928, %add3A_986 : vector<16xi32>
      %gather3A_988 = tpu.vector_load_idx %arg9[%add3A_987] : memref<656xf32, #tpu.memory_space<vmem>>[vector<16xi32>], vector<16xf32>,
      %add3A_989 = arith.addf %add3A_984, %gather3A_988 : vector<16xf32>
      %add3A_990 = arith.constant 5 : i32
      %add3A_991 = vector.broadcast %add3A_990 : i32 to vector<16xi32>
      %add3A_992 = arith.addi %mul3A_928, %add3A_991 : vector<16xi32>
      %gather3A_993 = tpu.vector_load_idx %arg9[%add3A_992] : memref<656xf32, #tpu.memory_space<vmem>>[vector<16xi32>], vector<16xf32>,
      %add3A_994 = arith.addf %add3A_989, %gather3A_993 : vector<16xf32>
      %add3A_995 = arith.constant 6 : i32
      %add3A_996 = vector.broadcast %add3A_995 : i32 to vector<16xi32>
      %add3A_997 = arith.addi %mul3A_928, %add3A_996 : vector<16xi32>
      %gather3A_998 = tpu.vector_load_idx %arg9[%add3A_997] : memref<656xf32, #tpu.memory_space<vmem>>[vector<16xi32>], vector<16xf32>,
      %add3A_999 = arith.addf %add3A_994, %gather3A_998 : vector<16xf32>
      %add3A_1000 = arith.constant 7 : i32
      %add3A_1001 = vector.broadcast %add3A_1000 : i32 to vector<16xi32>
      %add3A_1002 = arith.addi %mul3A_928, %add3A_1001 : vector<16xi32>
      %gather3A_1003 = tpu.vector_load_idx %arg9[%add3A_1002] : memref<656xf32, #tpu.memory_space<vmem>>[vector<16xi32>], vector<16xf32>,
      %add3A_1004 = arith.addf %add3A_999, %gather3A_1003 : vector<16xf32>
      %add3A_1005 = arith.constant 8 : i32
      %add3A_1006 = vector.broadcast %add3A_1005 : i32 to vector<16xi32>
      %add3A_1007 = arith.addi %mul3A_928, %add3A_1006 : vector<16xi32>
      %gather3A_1008 = tpu.vector_load_idx %arg9[%add3A_1007] : memref<656xf32, #tpu.memory_space<vmem>>[vector<16xi32>], vector<16xf32>,
      %add3A_1009 = arith.addf %add3A_1004, %gather3A_1008 : vector<16xf32>
      %add3A_1010 = arith.constant 9 : i32
      %add3A_1011 = vector.broadcast %add3A_1010 : i32 to vector<16xi32>
      %add3A_1012 = arith.addi %mul3A_928, %add3A_1011 : vector<16xi32>
      %gather3A_1013 = tpu.vector_load_idx %arg9[%add3A_1012] : memref<656xf32, #tpu.memory_space<vmem>>[vector<16xi32>], vector<16xf32>,
      %add3A_1014 = arith.addf %add3A_1009, %gather3A_1013 : vector<16xf32>
      %add3A_1015 = arith.constant 10 : i32
      %add3A_1016 = vector.broadcast %add3A_1015 : i32 to vector<16xi32>
      %add3A_1017 = arith.addi %mul3A_928, %add3A_1016 : vector<16xi32>
      %gather3A_1018 = tpu.vector_load_idx %arg9[%add3A_1017] : memref<656xf32, #tpu.memory_space<vmem>>[vector<16xi32>], vector<16xf32>,
      %add3A_1019 = arith.addf %add3A_1014, %gather3A_1018 : vector<16xf32>
      %add3A_1020 = arith.constant 11 : i32
      %add3A_1021 = vector.broadcast %add3A_1020 : i32 to vector<16xi32>
      %add3A_1022 = arith.addi %mul3A_928, %add3A_1021 : vector<16xi32>
      %gather3A_1023 = tpu.vector_load_idx %arg9[%add3A_1022] : memref<656xf32, #tpu.memory_space<vmem>>[vector<16xi32>], vector<16xf32>,
      %add3A_1024 = arith.addf %add3A_1019, %gather3A_1023 : vector<16xf32>
      %add3A_1025 = arith.constant 12 : i32
      %add3A_1026 = vector.broadcast %add3A_1025 : i32 to vector<16xi32>
      %add3A_1027 = arith.addi %mul3A_928, %add3A_1026 : vector<16xi32>
      %gather3A_1028 = tpu.vector_load_idx %arg9[%add3A_1027] : memref<656xf32, #tpu.memory_space<vmem>>[vector<16xi32>], vector<16xf32>,
      %add3A_1029 = arith.addf %add3A_1024, %gather3A_1028 : vector<16xf32>
      %add3A_1030 = arith.constant 13 : i32
      %add3A_1031 = vector.broadcast %add3A_1030 : i32 to vector<16xi32>
      %add3A_1032 = arith.addi %mul3A_928, %add3A_1031 : vector<16xi32>
      %gather3A_1033 = tpu.vector_load_idx %arg9[%add3A_1032] : memref<656xf32, #tpu.memory_space<vmem>>[vector<16xi32>], vector<16xf32>,
      %add3A_1034 = arith.addf %add3A_1029, %gather3A_1033 : vector<16xf32>
      %add3A_1035 = arith.constant 14 : i32
      %add3A_1036 = vector.broadcast %add3A_1035 : i32 to vector<16xi32>
      %add3A_1037 = arith.addi %mul3A_928, %add3A_1036 : vector<16xi32>
      %gather3A_1038 = tpu.vector_load_idx %arg9[%add3A_1037] : memref<656xf32, #tpu.memory_space<vmem>>[vector<16xi32>], vector<16xf32>,
      %add3A_1039 = arith.addf %add3A_1034, %gather3A_1038 : vector<16xf32>
      %add3A_1040 = arith.constant 15 : i32
      %add3A_1041 = vector.broadcast %add3A_1040 : i32 to vector<16xi32>
      %add3A_1042 = arith.addi %mul3A_928, %add3A_1041 : vector<16xi32>
      %gather3A_1043 = tpu.vector_load_idx %arg9[%add3A_1042] : memref<656xf32, #tpu.memory_space<vmem>>[vector<16xi32>], vector<16xf32>,
      %add3A_1044 = arith.addf %add3A_1039, %gather3A_1043 : vector<16xf32>
      %add3A_1045 = arith.constant 256 : i32
      %add3A_1046 = vector.broadcast %add3A_1045 : i32 to vector<16xi32>
      %add3A_1047 = arith.addi %mul3A_928, %add3A_1046 : vector<16xi32>
      %gather3A_1048 = tpu.vector_load_idx %arg9[%add3A_1047] : memref<656xf32, #tpu.memory_space<vmem>>[vector<16xi32>], vector<16xf32>,
      %add3A_1049 = arith.constant 257 : i32
      %add3A_1050 = vector.broadcast %add3A_1049 : i32 to vector<16xi32>
      %add3A_1051 = arith.addi %mul3A_928, %add3A_1050 : vector<16xi32>
      %gather3A_1052 = tpu.vector_load_idx %arg9[%add3A_1051] : memref<656xf32, #tpu.memory_space<vmem>>[vector<16xi32>], vector<16xf32>,
      %add3A_1053 = arith.addf %gather3A_1048, %gather3A_1052 : vector<16xf32>
      %add3A_1054 = arith.constant 258 : i32
      %add3A_1055 = vector.broadcast %add3A_1054 : i32 to vector<16xi32>
      %add3A_1056 = arith.addi %mul3A_928, %add3A_1055 : vector<16xi32>
      %gather3A_1057 = tpu.vector_load_idx %arg9[%add3A_1056] : memref<656xf32, #tpu.memory_space<vmem>>[vector<16xi32>], vector<16xf32>,
      %add3A_1058 = arith.addf %add3A_1053, %gather3A_1057 : vector<16xf32>
      %add3A_1059 = arith.constant 259 : i32
      %add3A_1060 = vector.broadcast %add3A_1059 : i32 to vector<16xi32>
      %add3A_1061 = arith.addi %mul3A_928, %add3A_1060 : vector<16xi32>
      %gather3A_1062 = tpu.vector_load_idx %arg9[%add3A_1061] : memref<656xf32, #tpu.memory_space<vmem>>[vector<16xi32>], vector<16xf32>,
      %add3A_1063 = arith.addf %add3A_1058, %gather3A_1062 : vector<16xf32>
      %add3A_1064 = arith.constant 260 : i32
      %add3A_1065 = vector.broadcast %add3A_1064 : i32 to vector<16xi32>
      %add3A_1066 = arith.addi %mul3A_928, %add3A_1065 : vector<16xi32>
      %gather3A_1067 = tpu.vector_load_idx %arg9[%add3A_1066] : memref<656xf32, #tpu.memory_space<vmem>>[vector<16xi32>], vector<16xf32>,
      %add3A_1068 = arith.addf %add3A_1063, %gather3A_1067 : vector<16xf32>
      %add3A_1069 = arith.constant 261 : i32
      %add3A_1070 = vector.broadcast %add3A_1069 : i32 to vector<16xi32>
      %add3A_1071 = arith.addi %mul3A_928, %add3A_1070 : vector<16xi32>
      %gather3A_1072 = tpu.vector_load_idx %arg9[%add3A_1071] : memref<656xf32, #tpu.memory_space<vmem>>[vector<16xi32>], vector<16xf32>,
      %add3A_1073 = arith.addf %add3A_1068, %gather3A_1072 : vector<16xf32>
      %add3A_1074 = arith.constant 262 : i32
      %add3A_1075 = vector.broadcast %add3A_1074 : i32 to vector<16xi32>
      %add3A_1076 = arith.addi %mul3A_928, %add3A_1075 : vector<16xi32>
      %gather3A_1077 = tpu.vector_load_idx %arg9[%add3A_1076] : memref<656xf32, #tpu.memory_space<vmem>>[vector<16xi32>], vector<16xf32>,
      %add3A_1078 = arith.addf %add3A_1073, %gather3A_1077 : vector<16xf32>
      %add3A_1079 = arith.constant 263 : i32
      %add3A_1080 = vector.broadcast %add3A_1079 : i32 to vector<16xi32>
      %add3A_1081 = arith.addi %mul3A_928, %add3A_1080 : vector<16xi32>
      %gather3A_1082 = tpu.vector_load_idx %arg9[%add3A_1081] : memref<656xf32, #tpu.memory_space<vmem>>[vector<16xi32>], vector<16xf32>,
      %add3A_1083 = arith.addf %add3A_1078, %gather3A_1082 : vector<16xf32>
      %add3A_1084 = arith.constant 264 : i32
      %add3A_1085 = vector.broadcast %add3A_1084 : i32 to vector<16xi32>
      %add3A_1086 = arith.addi %mul3A_928, %add3A_1085 : vector<16xi32>
      %gather3A_1087 = tpu.vector_load_idx %arg9[%add3A_1086] : memref<656xf32, #tpu.memory_space<vmem>>[vector<16xi32>], vector<16xf32>,
      %add3A_1088 = arith.addf %add3A_1083, %gather3A_1087 : vector<16xf32>
      %add3A_1089 = arith.constant 265 : i32
      %add3A_1090 = vector.broadcast %add3A_1089 : i32 to vector<16xi32>
      %add3A_1091 = arith.addi %mul3A_928, %add3A_1090 : vector<16xi32>
      %gather3A_1092 = tpu.vector_load_idx %arg9[%add3A_1091] : memref<656xf32, #tpu.memory_space<vmem>>[vector<16xi32>], vector<16xf32>,
      %add3A_1093 = arith.addf %add3A_1088, %gather3A_1092 : vector<16xf32>
      %add3A_1094 = arith.constant 266 : i32
      %add3A_1095 = vector.broadcast %add3A_1094 : i32 to vector<16xi32>
      %add3A_1096 = arith.addi %mul3A_928, %add3A_1095 : vector<16xi32>
      %gather3A_1097 = tpu.vector_load_idx %arg9[%add3A_1096] : memref<656xf32, #tpu.memory_space<vmem>>[vector<16xi32>], vector<16xf32>,
      %add3A_1098 = arith.addf %add3A_1093, %gather3A_1097 : vector<16xf32>
      %add3A_1099 = arith.constant 267 : i32
      %add3A_1100 = vector.broadcast %add3A_1099 : i32 to vector<16xi32>
      %add3A_1101 = arith.addi %mul3A_928, %add3A_1100 : vector<16xi32>
      %gather3A_1102 = tpu.vector_load_idx %arg9[%add3A_1101] : memref<656xf32, #tpu.memory_space<vmem>>[vector<16xi32>], vector<16xf32>,
      %add3A_1103 = arith.addf %add3A_1098, %gather3A_1102 : vector<16xf32>
      %add3A_1104 = arith.constant 268 : i32
      %add3A_1105 = vector.broadcast %add3A_1104 : i32 to vector<16xi32>
      %add3A_1106 = arith.addi %mul3A_928, %add3A_1105 : vector<16xi32>
      %gather3A_1107 = tpu.vector_load_idx %arg9[%add3A_1106] : memref<656xf32, #tpu.memory_space<vmem>>[vector<16xi32>], vector<16xf32>,
      %add3A_1108 = arith.addf %add3A_1103, %gather3A_1107 : vector<16xf32>
      %add3A_1109 = arith.constant 269 : i32
      %add3A_1110 = vector.broadcast %add3A_1109 : i32 to vector<16xi32>
      %add3A_1111 = arith.addi %mul3A_928, %add3A_1110 : vector<16xi32>
      %gather3A_1112 = tpu.vector_load_idx %arg9[%add3A_1111] : memref<656xf32, #tpu.memory_space<vmem>>[vector<16xi32>], vector<16xf32>,
      %add3A_1113 = arith.addf %add3A_1108, %gather3A_1112 : vector<16xf32>
      %add3A_1114 = arith.constant 270 : i32
      %add3A_1115 = vector.broadcast %add3A_1114 : i32 to vector<16xi32>
      %add3A_1116 = arith.addi %mul3A_928, %add3A_1115 : vector<16xi32>
      %gather3A_1117 = tpu.vector_load_idx %arg9[%add3A_1116] : memref<656xf32, #tpu.memory_space<vmem>>[vector<16xi32>], vector<16xf32>,
      %add3A_1118 = arith.addf %add3A_1113, %gather3A_1117 : vector<16xf32>
      %add3A_1119 = arith.constant 271 : i32
      %add3A_1120 = vector.broadcast %add3A_1119 : i32 to vector<16xi32>
      %add3A_1121 = arith.addi %mul3A_928, %add3A_1120 : vector<16xi32>
      %gather3A_1122 = tpu.vector_load_idx %arg9[%add3A_1121] : memref<656xf32, #tpu.memory_space<vmem>>[vector<16xi32>], vector<16xf32>,
      %add3A_1123 = arith.addf %add3A_1118, %gather3A_1122 : vector<16xf32>
      %add3A_1124 = arith.constant 512 : i32
      %add3A_1125 = vector.broadcast %add3A_1124 : i32 to vector<16xi32>
      %add3A_1126 = arith.addi %mul3A_928, %add3A_1125 : vector<16xi32>
      %gather3A_1127 = tpu.vector_load_idx %arg9[%add3A_1126] : memref<656xf32, #tpu.memory_space<vmem>>[vector<16xi32>], vector<16xf32>,
      %add3A_1128 = arith.constant 513 : i32
      %add3A_1129 = vector.broadcast %add3A_1128 : i32 to vector<16xi32>
      %add3A_1130 = arith.addi %mul3A_928, %add3A_1129 : vector<16xi32>
      %gather3A_1131 = tpu.vector_load_idx %arg9[%add3A_1130] : memref<656xf32, #tpu.memory_space<vmem>>[vector<16xi32>], vector<16xf32>,
      %add3A_1132 = arith.addf %gather3A_1127, %gather3A_1131 : vector<16xf32>
      %add3A_1133 = arith.constant 514 : i32
      %add3A_1134 = vector.broadcast %add3A_1133 : i32 to vector<16xi32>
      %add3A_1135 = arith.addi %mul3A_928, %add3A_1134 : vector<16xi32>
      %gather3A_1136 = tpu.vector_load_idx %arg9[%add3A_1135] : memref<656xf32, #tpu.memory_space<vmem>>[vector<16xi32>], vector<16xf32>,
      %add3A_1137 = arith.addf %add3A_1132, %gather3A_1136 : vector<16xf32>
      %add3A_1138 = arith.constant 515 : i32
      %add3A_1139 = vector.broadcast %add3A_1138 : i32 to vector<16xi32>
      %add3A_1140 = arith.addi %mul3A_928, %add3A_1139 : vector<16xi32>
      %gather3A_1141 = tpu.vector_load_idx %arg9[%add3A_1140] : memref<656xf32, #tpu.memory_space<vmem>>[vector<16xi32>], vector<16xf32>,
      %add3A_1142 = arith.addf %add3A_1137, %gather3A_1141 : vector<16xf32>
      %add3A_1143 = arith.constant 516 : i32
      %add3A_1144 = vector.broadcast %add3A_1143 : i32 to vector<16xi32>
      %add3A_1145 = arith.addi %mul3A_928, %add3A_1144 : vector<16xi32>
      %gather3A_1146 = tpu.vector_load_idx %arg9[%add3A_1145] : memref<656xf32, #tpu.memory_space<vmem>>[vector<16xi32>], vector<16xf32>,
      %add3A_1147 = arith.addf %add3A_1142, %gather3A_1146 : vector<16xf32>
      %add3A_1148 = arith.constant 517 : i32
      %add3A_1149 = vector.broadcast %add3A_1148 : i32 to vector<16xi32>
      %add3A_1150 = arith.addi %mul3A_928, %add3A_1149 : vector<16xi32>
      %gather3A_1151 = tpu.vector_load_idx %arg9[%add3A_1150] : memref<656xf32, #tpu.memory_space<vmem>>[vector<16xi32>], vector<16xf32>,
      %add3A_1152 = arith.addf %add3A_1147, %gather3A_1151 : vector<16xf32>
      %add3A_1153 = arith.constant 518 : i32
      %add3A_1154 = vector.broadcast %add3A_1153 : i32 to vector<16xi32>
      %add3A_1155 = arith.addi %mul3A_928, %add3A_1154 : vector<16xi32>
      %gather3A_1156 = tpu.vector_load_idx %arg9[%add3A_1155] : memref<656xf32, #tpu.memory_space<vmem>>[vector<16xi32>], vector<16xf32>,
      %add3A_1157 = arith.addf %add3A_1152, %gather3A_1156 : vector<16xf32>
      %add3A_1158 = arith.constant 519 : i32
      %add3A_1159 = vector.broadcast %add3A_1158 : i32 to vector<16xi32>
      %add3A_1160 = arith.addi %mul3A_928, %add3A_1159 : vector<16xi32>
      %gather3A_1161 = tpu.vector_load_idx %arg9[%add3A_1160] : memref<656xf32, #tpu.memory_space<vmem>>[vector<16xi32>], vector<16xf32>,
      %add3A_1162 = arith.addf %add3A_1157, %gather3A_1161 : vector<16xf32>
      %add3A_1163 = arith.constant 520 : i32
      %add3A_1164 = vector.broadcast %add3A_1163 : i32 to vector<16xi32>
      %add3A_1165 = arith.addi %mul3A_928, %add3A_1164 : vector<16xi32>
      %gather3A_1166 = tpu.vector_load_idx %arg9[%add3A_1165] : memref<656xf32, #tpu.memory_space<vmem>>[vector<16xi32>], vector<16xf32>,
      %add3A_1167 = arith.addf %add3A_1162, %gather3A_1166 : vector<16xf32>
      %add3A_1168 = arith.constant 521 : i32
      %add3A_1169 = vector.broadcast %add3A_1168 : i32 to vector<16xi32>
      %add3A_1170 = arith.addi %mul3A_928, %add3A_1169 : vector<16xi32>
      %gather3A_1171 = tpu.vector_load_idx %arg9[%add3A_1170] : memref<656xf32, #tpu.memory_space<vmem>>[vector<16xi32>], vector<16xf32>,
      %add3A_1172 = arith.addf %add3A_1167, %gather3A_1171 : vector<16xf32>
      %add3A_1173 = arith.constant 522 : i32
      %add3A_1174 = vector.broadcast %add3A_1173 : i32 to vector<16xi32>
      %add3A_1175 = arith.addi %mul3A_928, %add3A_1174 : vector<16xi32>
      %gather3A_1176 = tpu.vector_load_idx %arg9[%add3A_1175] : memref<656xf32, #tpu.memory_space<vmem>>[vector<16xi32>], vector<16xf32>,
      %add3A_1177 = arith.addf %add3A_1172, %gather3A_1176 : vector<16xf32>
      %add3A_1178 = arith.constant 523 : i32
      %add3A_1179 = vector.broadcast %add3A_1178 : i32 to vector<16xi32>
      %add3A_1180 = arith.addi %mul3A_928, %add3A_1179 : vector<16xi32>
      %gather3A_1181 = tpu.vector_load_idx %arg9[%add3A_1180] : memref<656xf32, #tpu.memory_space<vmem>>[vector<16xi32>], vector<16xf32>,
      %add3A_1182 = arith.addf %add3A_1177, %gather3A_1181 : vector<16xf32>
      %add3A_1183 = arith.constant 524 : i32
      %add3A_1184 = vector.broadcast %add3A_1183 : i32 to vector<16xi32>
      %add3A_1185 = arith.addi %mul3A_928, %add3A_1184 : vector<16xi32>
      %gather3A_1186 = tpu.vector_load_idx %arg9[%add3A_1185] : memref<656xf32, #tpu.memory_space<vmem>>[vector<16xi32>], vector<16xf32>,
      %add3A_1187 = arith.addf %add3A_1182, %gather3A_1186 : vector<16xf32>
      %add3A_1188 = arith.constant 525 : i32
      %add3A_1189 = vector.broadcast %add3A_1188 : i32 to vector<16xi32>
      %add3A_1190 = arith.addi %mul3A_928, %add3A_1189 : vector<16xi32>
      %gather3A_1191 = tpu.vector_load_idx %arg9[%add3A_1190] : memref<656xf32, #tpu.memory_space<vmem>>[vector<16xi32>], vector<16xf32>,
      %add3A_1192 = arith.addf %add3A_1187, %gather3A_1191 : vector<16xf32>
      %add3A_1193 = arith.constant 526 : i32
      %add3A_1194 = vector.broadcast %add3A_1193 : i32 to vector<16xi32>
      %add3A_1195 = arith.addi %mul3A_928, %add3A_1194 : vector<16xi32>
      %gather3A_1196 = tpu.vector_load_idx %arg9[%add3A_1195] : memref<656xf32, #tpu.memory_space<vmem>>[vector<16xi32>], vector<16xf32>,
      %add3A_1197 = arith.addf %add3A_1192, %gather3A_1196 : vector<16xf32>
      %add3A_1198 = arith.constant 527 : i32
      %add3A_1199 = vector.broadcast %add3A_1198 : i32 to vector<16xi32>
      %add3A_1200 = arith.addi %mul3A_928, %add3A_1199 : vector<16xi32>
      %gather3A_1201 = tpu.vector_load_idx %arg9[%add3A_1200] : memref<656xf32, #tpu.memory_space<vmem>>[vector<16xi32>], vector<16xf32>,
      %add3A_1202 = arith.addf %add3A_1197, %gather3A_1201 : vector<16xf32>
      %add3A_1203 = vector.broadcast %add3A_920 : i32 to vector<16xi32>
      %add3A_1204 = arith.addi %iota3A_925, %add3A_1203 : vector<16xi32>
      %gather3A_1205 = tpu.vector_load_idx %arg6[%add3A_1204] : memref<1408xi32, #tpu.memory_space<vmem>>[vector<16xi32>], vector<16xi32>,
      %add3A_1206 = arith.constant 16 : i32
      %add3A_1207 = arith.addi %add3A_920, %add3A_1206 : i32
      %add3A_1208 = vector.broadcast %add3A_1207 : i32 to vector<16xi32>
      %add3A_1209 = arith.addi %iota3A_925, %add3A_1208 : vector<16xi32>
      %gather3A_1210 = tpu.vector_load_idx %arg6[%add3A_1209] : memref<1408xi32, #tpu.memory_space<vmem>>[vector<16xi32>], vector<16xi32>,
      %lt3A_1211 = arith.constant 0 : i32
      %lt3A_1212 = vector.broadcast %lt3A_1211 : i32 to vector<16xi32>
      %lt3A_1213 = arith.cmpi slt, %iota3A_925, %lt3A_1212 : vector<16xi32>
      %lt3A_1214 = arith.constant 0 : i32
      %lt3A_1215 = vector.broadcast %lt3A_1214 : i32 to vector<16xi32>
      %lt3A_1216 = arith.cmpi slt, %iota3A_925, %lt3A_1215 : vector<16xi32>
      %add3A_1217 = arith.constant 0 : i32
      %add3A_1218 = arith.addi %add3A_920, %add3A_1217 : i32
      %broadcast_in_dim3A_1219 = vector.broadcast %add3A_1218 : i32 to vector<16xi32>
      %gather3A_1220 = tpu.vector_load_idx %arg6[%broadcast_in_dim3A_1219] : memref<1408xi32, #tpu.memory_space<vmem>>[vector<16xi32>], vector<16xi32>,
      %eq3A_1221 = arith.cmpi eq, %gather3A_1205, %gather3A_1220 : vector<16xi32>
      %gt3A_1222 = arith.constant 0 : i32
      %gt3A_1223 = vector.broadcast %gt3A_1222 : i32 to vector<16xi32>
      %gt3A_1224 = arith.cmpi sgt, %iota3A_925, %gt3A_1223 : vector<16xi32>
      %and3A_1225 = arith.andi %eq3A_1221, %gt3A_1224 : vector<16xi1>
      %or3A_1226 = arith.ori %lt3A_1213, %and3A_1225 : vector<16xi1>
      %eq3A_1227 = arith.cmpi eq, %gather3A_1210, %gather3A_1220 : vector<16xi32>
      %or3A_1228 = arith.ori %lt3A_1216, %eq3A_1227 : vector<16xi1>
      %add3A_1229 = arith.constant 1 : i32
      %add3A_1230 = arith.addi %add3A_920, %add3A_1229 : i32
      %broadcast_in_dim3A_1231 = vector.broadcast %add3A_1230 : i32 to vector<16xi32>
      %gather3A_1232 = tpu.vector_load_idx %arg6[%broadcast_in_dim3A_1231] : memref<1408xi32, #tpu.memory_space<vmem>>[vector<16xi32>], vector<16xi32>,
      %eq3A_1233 = arith.cmpi eq, %gather3A_1205, %gather3A_1232 : vector<16xi32>
      %gt3A_1234 = arith.constant 1 : i32
      %gt3A_1235 = vector.broadcast %gt3A_1234 : i32 to vector<16xi32>
      %gt3A_1236 = arith.cmpi sgt, %iota3A_925, %gt3A_1235 : vector<16xi32>
      %and3A_1237 = arith.andi %eq3A_1233, %gt3A_1236 : vector<16xi1>
      %or3A_1238 = arith.ori %or3A_1226, %and3A_1237 : vector<16xi1>
      %eq3A_1239 = arith.cmpi eq, %gather3A_1210, %gather3A_1232 : vector<16xi32>
      %or3A_1240 = arith.ori %or3A_1228, %eq3A_1239 : vector<16xi1>
      %add3A_1241 = arith.constant 2 : i32
      %add3A_1242 = arith.addi %add3A_920, %add3A_1241 : i32
      %broadcast_in_dim3A_1243 = vector.broadcast %add3A_1242 : i32 to vector<16xi32>
      %gather3A_1244 = tpu.vector_load_idx %arg6[%broadcast_in_dim3A_1243] : memref<1408xi32, #tpu.memory_space<vmem>>[vector<16xi32>], vector<16xi32>,
      %eq3A_1245 = arith.cmpi eq, %gather3A_1205, %gather3A_1244 : vector<16xi32>
      %gt3A_1246 = arith.constant 2 : i32
      %gt3A_1247 = vector.broadcast %gt3A_1246 : i32 to vector<16xi32>
      %gt3A_1248 = arith.cmpi sgt, %iota3A_925, %gt3A_1247 : vector<16xi32>
      %and3A_1249 = arith.andi %eq3A_1245, %gt3A_1248 : vector<16xi1>
      %or3A_1250 = arith.ori %or3A_1238, %and3A_1249 : vector<16xi1>
      %eq3A_1251 = arith.cmpi eq, %gather3A_1210, %gather3A_1244 : vector<16xi32>
      %or3A_1252 = arith.ori %or3A_1240, %eq3A_1251 : vector<16xi1>
      %add3A_1253 = arith.constant 3 : i32
      %add3A_1254 = arith.addi %add3A_920, %add3A_1253 : i32
      %broadcast_in_dim3A_1255 = vector.broadcast %add3A_1254 : i32 to vector<16xi32>
      %gather3A_1256 = tpu.vector_load_idx %arg6[%broadcast_in_dim3A_1255] : memref<1408xi32, #tpu.memory_space<vmem>>[vector<16xi32>], vector<16xi32>,
      %eq3A_1257 = arith.cmpi eq, %gather3A_1205, %gather3A_1256 : vector<16xi32>
      %gt3A_1258 = arith.constant 3 : i32
      %gt3A_1259 = vector.broadcast %gt3A_1258 : i32 to vector<16xi32>
      %gt3A_1260 = arith.cmpi sgt, %iota3A_925, %gt3A_1259 : vector<16xi32>
      %and3A_1261 = arith.andi %eq3A_1257, %gt3A_1260 : vector<16xi1>
      %or3A_1262 = arith.ori %or3A_1250, %and3A_1261 : vector<16xi1>
      %eq3A_1263 = arith.cmpi eq, %gather3A_1210, %gather3A_1256 : vector<16xi32>
      %or3A_1264 = arith.ori %or3A_1252, %eq3A_1263 : vector<16xi1>
      %add3A_1265 = arith.constant 4 : i32
      %add3A_1266 = arith.addi %add3A_920, %add3A_1265 : i32
      %broadcast_in_dim3A_1267 = vector.broadcast %add3A_1266 : i32 to vector<16xi32>
      %gather3A_1268 = tpu.vector_load_idx %arg6[%broadcast_in_dim3A_1267] : memref<1408xi32, #tpu.memory_space<vmem>>[vector<16xi32>], vector<16xi32>,
      %eq3A_1269 = arith.cmpi eq, %gather3A_1205, %gather3A_1268 : vector<16xi32>
      %gt3A_1270 = arith.constant 4 : i32
      %gt3A_1271 = vector.broadcast %gt3A_1270 : i32 to vector<16xi32>
      %gt3A_1272 = arith.cmpi sgt, %iota3A_925, %gt3A_1271 : vector<16xi32>
      %and3A_1273 = arith.andi %eq3A_1269, %gt3A_1272 : vector<16xi1>
      %or3A_1274 = arith.ori %or3A_1262, %and3A_1273 : vector<16xi1>
      %eq3A_1275 = arith.cmpi eq, %gather3A_1210, %gather3A_1268 : vector<16xi32>
      %or3A_1276 = arith.ori %or3A_1264, %eq3A_1275 : vector<16xi1>
      %add3A_1277 = arith.constant 5 : i32
      %add3A_1278 = arith.addi %add3A_920, %add3A_1277 : i32
      %broadcast_in_dim3A_1279 = vector.broadcast %add3A_1278 : i32 to vector<16xi32>
      %gather3A_1280 = tpu.vector_load_idx %arg6[%broadcast_in_dim3A_1279] : memref<1408xi32, #tpu.memory_space<vmem>>[vector<16xi32>], vector<16xi32>,
      %eq3A_1281 = arith.cmpi eq, %gather3A_1205, %gather3A_1280 : vector<16xi32>
      %gt3A_1282 = arith.constant 5 : i32
      %gt3A_1283 = vector.broadcast %gt3A_1282 : i32 to vector<16xi32>
      %gt3A_1284 = arith.cmpi sgt, %iota3A_925, %gt3A_1283 : vector<16xi32>
      %and3A_1285 = arith.andi %eq3A_1281, %gt3A_1284 : vector<16xi1>
      %or3A_1286 = arith.ori %or3A_1274, %and3A_1285 : vector<16xi1>
      %eq3A_1287 = arith.cmpi eq, %gather3A_1210, %gather3A_1280 : vector<16xi32>
      %or3A_1288 = arith.ori %or3A_1276, %eq3A_1287 : vector<16xi1>
      %add3A_1289 = arith.constant 6 : i32
      %add3A_1290 = arith.addi %add3A_920, %add3A_1289 : i32
      %broadcast_in_dim3A_1291 = vector.broadcast %add3A_1290 : i32 to vector<16xi32>
      %gather3A_1292 = tpu.vector_load_idx %arg6[%broadcast_in_dim3A_1291] : memref<1408xi32, #tpu.memory_space<vmem>>[vector<16xi32>], vector<16xi32>,
      %eq3A_1293 = arith.cmpi eq, %gather3A_1205, %gather3A_1292 : vector<16xi32>
      %gt3A_1294 = arith.constant 6 : i32
      %gt3A_1295 = vector.broadcast %gt3A_1294 : i32 to vector<16xi32>
      %gt3A_1296 = arith.cmpi sgt, %iota3A_925, %gt3A_1295 : vector<16xi32>
      %and3A_1297 = arith.andi %eq3A_1293, %gt3A_1296 : vector<16xi1>
      %or3A_1298 = arith.ori %or3A_1286, %and3A_1297 : vector<16xi1>
      %eq3A_1299 = arith.cmpi eq, %gather3A_1210, %gather3A_1292 : vector<16xi32>
      %or3A_1300 = arith.ori %or3A_1288, %eq3A_1299 : vector<16xi1>
      %add3A_1301 = arith.constant 7 : i32
      %add3A_1302 = arith.addi %add3A_920, %add3A_1301 : i32
      %broadcast_in_dim3A_1303 = vector.broadcast %add3A_1302 : i32 to vector<16xi32>
      %gather3A_1304 = tpu.vector_load_idx %arg6[%broadcast_in_dim3A_1303] : memref<1408xi32, #tpu.memory_space<vmem>>[vector<16xi32>], vector<16xi32>,
      %eq3A_1305 = arith.cmpi eq, %gather3A_1205, %gather3A_1304 : vector<16xi32>
      %gt3A_1306 = arith.constant 7 : i32
      %gt3A_1307 = vector.broadcast %gt3A_1306 : i32 to vector<16xi32>
      %gt3A_1308 = arith.cmpi sgt, %iota3A_925, %gt3A_1307 : vector<16xi32>
      %and3A_1309 = arith.andi %eq3A_1305, %gt3A_1308 : vector<16xi1>
      %or3A_1310 = arith.ori %or3A_1298, %and3A_1309 : vector<16xi1>
      %eq3A_1311 = arith.cmpi eq, %gather3A_1210, %gather3A_1304 : vector<16xi32>
      %or3A_1312 = arith.ori %or3A_1300, %eq3A_1311 : vector<16xi1>
      %add3A_1313 = arith.constant 8 : i32
      %add3A_1314 = arith.addi %add3A_920, %add3A_1313 : i32
      %broadcast_in_dim3A_1315 = vector.broadcast %add3A_1314 : i32 to vector<16xi32>
      %gather3A_1316 = tpu.vector_load_idx %arg6[%broadcast_in_dim3A_1315] : memref<1408xi32, #tpu.memory_space<vmem>>[vector<16xi32>], vector<16xi32>,
      %eq3A_1317 = arith.cmpi eq, %gather3A_1205, %gather3A_1316 : vector<16xi32>
      %gt3A_1318 = arith.constant 8 : i32
      %gt3A_1319 = vector.broadcast %gt3A_1318 : i32 to vector<16xi32>
      %gt3A_1320 = arith.cmpi sgt, %iota3A_925, %gt3A_1319 : vector<16xi32>
      %and3A_1321 = arith.andi %eq3A_1317, %gt3A_1320 : vector<16xi1>
      %or3A_1322 = arith.ori %or3A_1310, %and3A_1321 : vector<16xi1>
      %eq3A_1323 = arith.cmpi eq, %gather3A_1210, %gather3A_1316 : vector<16xi32>
      %or3A_1324 = arith.ori %or3A_1312, %eq3A_1323 : vector<16xi1>
      %add3A_1325 = arith.constant 9 : i32
      %add3A_1326 = arith.addi %add3A_920, %add3A_1325 : i32
      %broadcast_in_dim3A_1327 = vector.broadcast %add3A_1326 : i32 to vector<16xi32>
      %gather3A_1328 = tpu.vector_load_idx %arg6[%broadcast_in_dim3A_1327] : memref<1408xi32, #tpu.memory_space<vmem>>[vector<16xi32>], vector<16xi32>,
      %eq3A_1329 = arith.cmpi eq, %gather3A_1205, %gather3A_1328 : vector<16xi32>
      %gt3A_1330 = arith.constant 9 : i32
      %gt3A_1331 = vector.broadcast %gt3A_1330 : i32 to vector<16xi32>
      %gt3A_1332 = arith.cmpi sgt, %iota3A_925, %gt3A_1331 : vector<16xi32>
      %and3A_1333 = arith.andi %eq3A_1329, %gt3A_1332 : vector<16xi1>
      %or3A_1334 = arith.ori %or3A_1322, %and3A_1333 : vector<16xi1>
      %eq3A_1335 = arith.cmpi eq, %gather3A_1210, %gather3A_1328 : vector<16xi32>
      %or3A_1336 = arith.ori %or3A_1324, %eq3A_1335 : vector<16xi1>
      %add3A_1337 = arith.constant 10 : i32
      %add3A_1338 = arith.addi %add3A_920, %add3A_1337 : i32
      %broadcast_in_dim3A_1339 = vector.broadcast %add3A_1338 : i32 to vector<16xi32>
      %gather3A_1340 = tpu.vector_load_idx %arg6[%broadcast_in_dim3A_1339] : memref<1408xi32, #tpu.memory_space<vmem>>[vector<16xi32>], vector<16xi32>,
      %eq3A_1341 = arith.cmpi eq, %gather3A_1205, %gather3A_1340 : vector<16xi32>
      %gt3A_1342 = arith.constant 10 : i32
      %gt3A_1343 = vector.broadcast %gt3A_1342 : i32 to vector<16xi32>
      %gt3A_1344 = arith.cmpi sgt, %iota3A_925, %gt3A_1343 : vector<16xi32>
      %and3A_1345 = arith.andi %eq3A_1341, %gt3A_1344 : vector<16xi1>
      %or3A_1346 = arith.ori %or3A_1334, %and3A_1345 : vector<16xi1>
      %eq3A_1347 = arith.cmpi eq, %gather3A_1210, %gather3A_1340 : vector<16xi32>
      %or3A_1348 = arith.ori %or3A_1336, %eq3A_1347 : vector<16xi1>
      %add3A_1349 = arith.constant 11 : i32
      %add3A_1350 = arith.addi %add3A_920, %add3A_1349 : i32
      %broadcast_in_dim3A_1351 = vector.broadcast %add3A_1350 : i32 to vector<16xi32>
      %gather3A_1352 = tpu.vector_load_idx %arg6[%broadcast_in_dim3A_1351] : memref<1408xi32, #tpu.memory_space<vmem>>[vector<16xi32>], vector<16xi32>,
      %eq3A_1353 = arith.cmpi eq, %gather3A_1205, %gather3A_1352 : vector<16xi32>
      %gt3A_1354 = arith.constant 11 : i32
      %gt3A_1355 = vector.broadcast %gt3A_1354 : i32 to vector<16xi32>
      %gt3A_1356 = arith.cmpi sgt, %iota3A_925, %gt3A_1355 : vector<16xi32>
      %and3A_1357 = arith.andi %eq3A_1353, %gt3A_1356 : vector<16xi1>
      %or3A_1358 = arith.ori %or3A_1346, %and3A_1357 : vector<16xi1>
      %eq3A_1359 = arith.cmpi eq, %gather3A_1210, %gather3A_1352 : vector<16xi32>
      %or3A_1360 = arith.ori %or3A_1348, %eq3A_1359 : vector<16xi1>
      %add3A_1361 = arith.constant 12 : i32
      %add3A_1362 = arith.addi %add3A_920, %add3A_1361 : i32
      %broadcast_in_dim3A_1363 = vector.broadcast %add3A_1362 : i32 to vector<16xi32>
      %gather3A_1364 = tpu.vector_load_idx %arg6[%broadcast_in_dim3A_1363] : memref<1408xi32, #tpu.memory_space<vmem>>[vector<16xi32>], vector<16xi32>,
      %eq3A_1365 = arith.cmpi eq, %gather3A_1205, %gather3A_1364 : vector<16xi32>
      %gt3A_1366 = arith.constant 12 : i32
      %gt3A_1367 = vector.broadcast %gt3A_1366 : i32 to vector<16xi32>
      %gt3A_1368 = arith.cmpi sgt, %iota3A_925, %gt3A_1367 : vector<16xi32>
      %and3A_1369 = arith.andi %eq3A_1365, %gt3A_1368 : vector<16xi1>
      %or3A_1370 = arith.ori %or3A_1358, %and3A_1369 : vector<16xi1>
      %eq3A_1371 = arith.cmpi eq, %gather3A_1210, %gather3A_1364 : vector<16xi32>
      %or3A_1372 = arith.ori %or3A_1360, %eq3A_1371 : vector<16xi1>
      %add3A_1373 = arith.constant 13 : i32
      %add3A_1374 = arith.addi %add3A_920, %add3A_1373 : i32
      %broadcast_in_dim3A_1375 = vector.broadcast %add3A_1374 : i32 to vector<16xi32>
      %gather3A_1376 = tpu.vector_load_idx %arg6[%broadcast_in_dim3A_1375] : memref<1408xi32, #tpu.memory_space<vmem>>[vector<16xi32>], vector<16xi32>,
      %eq3A_1377 = arith.cmpi eq, %gather3A_1205, %gather3A_1376 : vector<16xi32>
      %gt3A_1378 = arith.constant 13 : i32
      %gt3A_1379 = vector.broadcast %gt3A_1378 : i32 to vector<16xi32>
      %gt3A_1380 = arith.cmpi sgt, %iota3A_925, %gt3A_1379 : vector<16xi32>
      %and3A_1381 = arith.andi %eq3A_1377, %gt3A_1380 : vector<16xi1>
      %or3A_1382 = arith.ori %or3A_1370, %and3A_1381 : vector<16xi1>
      %eq3A_1383 = arith.cmpi eq, %gather3A_1210, %gather3A_1376 : vector<16xi32>
      %or3A_1384 = arith.ori %or3A_1372, %eq3A_1383 : vector<16xi1>
      %add3A_1385 = arith.constant 14 : i32
      %add3A_1386 = arith.addi %add3A_920, %add3A_1385 : i32
      %broadcast_in_dim3A_1387 = vector.broadcast %add3A_1386 : i32 to vector<16xi32>
      %gather3A_1388 = tpu.vector_load_idx %arg6[%broadcast_in_dim3A_1387] : memref<1408xi32, #tpu.memory_space<vmem>>[vector<16xi32>], vector<16xi32>,
      %eq3A_1389 = arith.cmpi eq, %gather3A_1205, %gather3A_1388 : vector<16xi32>
      %gt3A_1390 = arith.constant 14 : i32
      %gt3A_1391 = vector.broadcast %gt3A_1390 : i32 to vector<16xi32>
      %gt3A_1392 = arith.cmpi sgt, %iota3A_925, %gt3A_1391 : vector<16xi32>
      %and3A_1393 = arith.andi %eq3A_1389, %gt3A_1392 : vector<16xi1>
      %or3A_1394 = arith.ori %or3A_1382, %and3A_1393 : vector<16xi1>
      %eq3A_1395 = arith.cmpi eq, %gather3A_1210, %gather3A_1388 : vector<16xi32>
      %or3A_1396 = arith.ori %or3A_1384, %eq3A_1395 : vector<16xi1>
      %add3A_1397 = arith.constant 15 : i32
      %add3A_1398 = arith.addi %add3A_920, %add3A_1397 : i32
      %broadcast_in_dim3A_1399 = vector.broadcast %add3A_1398 : i32 to vector<16xi32>
      %gather3A_1400 = tpu.vector_load_idx %arg6[%broadcast_in_dim3A_1399] : memref<1408xi32, #tpu.memory_space<vmem>>[vector<16xi32>], vector<16xi32>,
      %eq3A_1401 = arith.cmpi eq, %gather3A_1205, %gather3A_1400 : vector<16xi32>
      %gt3A_1402 = arith.constant 15 : i32
      %gt3A_1403 = vector.broadcast %gt3A_1402 : i32 to vector<16xi32>
      %gt3A_1404 = arith.cmpi sgt, %iota3A_925, %gt3A_1403 : vector<16xi32>
      %and3A_1405 = arith.andi %eq3A_1401, %gt3A_1404 : vector<16xi1>
      %or3A_1406 = arith.ori %or3A_1394, %and3A_1405 : vector<16xi1>
      %eq3A_1407 = arith.cmpi eq, %gather3A_1210, %gather3A_1400 : vector<16xi32>
      %or3A_1408 = arith.ori %or3A_1396, %eq3A_1407 : vector<16xi1>
      %add3A_1409 = arith.constant 16 : i32
      %add3A_1410 = arith.addi %add3A_920, %add3A_1409 : i32
      %broadcast_in_dim3A_1411 = vector.broadcast %add3A_1410 : i32 to vector<16xi32>
      %gather3A_1412 = tpu.vector_load_idx %arg6[%broadcast_in_dim3A_1411] : memref<1408xi32, #tpu.memory_space<vmem>>[vector<16xi32>], vector<16xi32>,
      %eq3A_1413 = arith.cmpi eq, %gather3A_1210, %gather3A_1412 : vector<16xi32>
      %gt3A_1414 = arith.constant 0 : i32
      %gt3A_1415 = vector.broadcast %gt3A_1414 : i32 to vector<16xi32>
      %gt3A_1416 = arith.cmpi sgt, %iota3A_925, %gt3A_1415 : vector<16xi32>
      %and3A_1417 = arith.andi %eq3A_1413, %gt3A_1416 : vector<16xi1>
      %or3A_1418 = arith.ori %or3A_1408, %and3A_1417 : vector<16xi1>
      %add3A_1419 = arith.constant 17 : i32
      %add3A_1420 = arith.addi %add3A_920, %add3A_1419 : i32
      %broadcast_in_dim3A_1421 = vector.broadcast %add3A_1420 : i32 to vector<16xi32>
      %gather3A_1422 = tpu.vector_load_idx %arg6[%broadcast_in_dim3A_1421] : memref<1408xi32, #tpu.memory_space<vmem>>[vector<16xi32>], vector<16xi32>,
      %eq3A_1423 = arith.cmpi eq, %gather3A_1210, %gather3A_1422 : vector<16xi32>
      %gt3A_1424 = arith.constant 1 : i32
      %gt3A_1425 = vector.broadcast %gt3A_1424 : i32 to vector<16xi32>
      %gt3A_1426 = arith.cmpi sgt, %iota3A_925, %gt3A_1425 : vector<16xi32>
      %and3A_1427 = arith.andi %eq3A_1423, %gt3A_1426 : vector<16xi1>
      %or3A_1428 = arith.ori %or3A_1418, %and3A_1427 : vector<16xi1>
      %add3A_1429 = arith.constant 18 : i32
      %add3A_1430 = arith.addi %add3A_920, %add3A_1429 : i32
      %broadcast_in_dim3A_1431 = vector.broadcast %add3A_1430 : i32 to vector<16xi32>
      %gather3A_1432 = tpu.vector_load_idx %arg6[%broadcast_in_dim3A_1431] : memref<1408xi32, #tpu.memory_space<vmem>>[vector<16xi32>], vector<16xi32>,
      %eq3A_1433 = arith.cmpi eq, %gather3A_1210, %gather3A_1432 : vector<16xi32>
      %gt3A_1434 = arith.constant 2 : i32
      %gt3A_1435 = vector.broadcast %gt3A_1434 : i32 to vector<16xi32>
      %gt3A_1436 = arith.cmpi sgt, %iota3A_925, %gt3A_1435 : vector<16xi32>
      %and3A_1437 = arith.andi %eq3A_1433, %gt3A_1436 : vector<16xi1>
      %or3A_1438 = arith.ori %or3A_1428, %and3A_1437 : vector<16xi1>
      %add3A_1439 = arith.constant 19 : i32
      %add3A_1440 = arith.addi %add3A_920, %add3A_1439 : i32
      %broadcast_in_dim3A_1441 = vector.broadcast %add3A_1440 : i32 to vector<16xi32>
      %gather3A_1442 = tpu.vector_load_idx %arg6[%broadcast_in_dim3A_1441] : memref<1408xi32, #tpu.memory_space<vmem>>[vector<16xi32>], vector<16xi32>,
      %eq3A_1443 = arith.cmpi eq, %gather3A_1210, %gather3A_1442 : vector<16xi32>
      %gt3A_1444 = arith.constant 3 : i32
      %gt3A_1445 = vector.broadcast %gt3A_1444 : i32 to vector<16xi32>
      %gt3A_1446 = arith.cmpi sgt, %iota3A_925, %gt3A_1445 : vector<16xi32>
      %and3A_1447 = arith.andi %eq3A_1443, %gt3A_1446 : vector<16xi1>
      %or3A_1448 = arith.ori %or3A_1438, %and3A_1447 : vector<16xi1>
      %add3A_1449 = arith.constant 20 : i32
      %add3A_1450 = arith.addi %add3A_920, %add3A_1449 : i32
      %broadcast_in_dim3A_1451 = vector.broadcast %add3A_1450 : i32 to vector<16xi32>
      %gather3A_1452 = tpu.vector_load_idx %arg6[%broadcast_in_dim3A_1451] : memref<1408xi32, #tpu.memory_space<vmem>>[vector<16xi32>], vector<16xi32>,
      %eq3A_1453 = arith.cmpi eq, %gather3A_1210, %gather3A_1452 : vector<16xi32>
      %gt3A_1454 = arith.constant 4 : i32
      %gt3A_1455 = vector.broadcast %gt3A_1454 : i32 to vector<16xi32>
      %gt3A_1456 = arith.cmpi sgt, %iota3A_925, %gt3A_1455 : vector<16xi32>
      %and3A_1457 = arith.andi %eq3A_1453, %gt3A_1456 : vector<16xi1>
      %or3A_1458 = arith.ori %or3A_1448, %and3A_1457 : vector<16xi1>
      %exp3A_1459 = math.exp %add3A_1044 : vector<16xf32>
      %exp3A_1460 = math.exp %add3A_1123 : vector<16xf32>
      %exp3A_1461 = math.exp %add3A_1202 : vector<16xf32>
      %ge3A_1462 = arith.constant 1 : i32
      %ge3A_1463 = vector.broadcast %ge3A_1462 : i32 to vector<16xi32>
      %ge3A_1464 = arith.cmpi sge, %iota3A_925, %ge3A_1463 : vector<16xi32>
      %select_n3A_1465 = arith.select %ge3A_1464, %add3A_1044, %broadcast_in_dim3A_930 : vector<16xi1>, vector<16xf32>
      %lt3A_1466 = arith.constant 5 : i32
      %lt3A_1467 = vector.broadcast %lt3A_1466 : i32 to vector<16xi32>
      %lt3A_1468 = arith.cmpi slt, %iota3A_925, %lt3A_1467 : vector<16xi32>
      %select_n3A_1469 = arith.select %lt3A_1468, %add3A_1123, %broadcast_in_dim3A_930 : vector<16xi1>, vector<16xf32>
      %add3A_1470 = arith.addf %select_n3A_1465, %select_n3A_1469 : vector<16xf32>
      %select_n3A_1471 = arith.select %or3A_1406, %broadcast_in_dim3A_930, %exp3A_1459 : vector<16xi1>, vector<16xf32>
      %lt3A_1472 = arith.constant 5 : i32
      %lt3A_1473 = vector.broadcast %lt3A_1472 : i32 to vector<16xi32>
      %lt3A_1474 = arith.cmpi slt, %iota3A_925, %lt3A_1473 : vector<16xi32>
      %and3A_1475 = arith.andi %or3A_1458, %lt3A_1474 : vector<16xi1>
      %select_n3A_1476 = arith.select %and3A_1475, %broadcast_in_dim3A_930, %exp3A_1460 : vector<16xi1>, vector<16xf32>
      %add3A_1477 = arith.addf %select_n3A_1471, %select_n3A_1476 : vector<16xf32>
      %lt3A_1478 = arith.constant 9 : i32
      %lt3A_1479 = vector.broadcast %lt3A_1478 : i32 to vector<16xi32>
      %lt3A_1480 = arith.cmpi slt, %iota3A_925, %lt3A_1479 : vector<16xi32>
      %select_n3A_1481 = arith.select %lt3A_1480, %exp3A_1461, %broadcast_in_dim3A_930 : vector<16xi1>, vector<16xf32>
      %add3A_1482 = arith.addf %add3A_1477, %select_n3A_1481 : vector<16xf32>
      %mul3A_1483 = arith.constant 16 : i32
      %mul3A_1484 = arith.muli %add3A_924, %mul3A_1483 : i32
      %swap3A_1485 = arith.index_cast %mul3A_1484 : i32 to index
      %swap3A_1486 = tpu.vector_load %arg11[%swap3A_1485] {strides = array<i32>} : memref<512xf32, #tpu.memory_space<vmem>>, vector<16xf32>,
      tpu.vector_store %arg11[%swap3A_1485], %add3A_1470 {strides = array<i32>} : memref<512xf32, #tpu.memory_space<vmem>>, vector<16xf32>,
      %mul3A_1487 = arith.constant 16 : i32
      %mul3A_1488 = arith.muli %add3A_924, %mul3A_1487 : i32
      %swap3A_1489 = arith.index_cast %mul3A_1488 : i32 to index
      %swap3A_1490 = tpu.vector_load %arg10[%swap3A_1489] {strides = array<i32>} : memref<512xf32, #tpu.memory_space<vmem>>, vector<16xf32>,
      tpu.vector_store %arg10[%swap3A_1489], %add3A_1482 {strides = array<i32>} : memref<512xf32, #tpu.memory_space<vmem>>, vector<16xf32>,
      %add3A_1491 = arith.constant 2 : i32
      %add3A_1492 = arith.addi %add3A_348, %add3A_1491 : i32
      %lt3A_1493 = arith.constant 16 : i32
      %lt3A_1494 = arith.cmpi slt, %add3A_1492, %lt3A_1493 : i32
      %convert_element_type3A = arith.extui %lt3A_1494 : i1 to i32
      %cond3A = arith.constant 0 : i32
      %cond3A_1495 = arith.cmpi ne, %convert_element_type3A, %cond3A : i32
      scf.if %cond3A_1495 {
        %add3A_2661 = arith.constant 2 : i32
        %add3A_2662 = arith.addi %add3A_348, %add3A_2661 : i32
        %mul3A_2663 = arith.constant 88 : i32
        %mul3A_2664 = arith.muli %add3A_2662, %mul3A_2663 : i32
        %dma_start3A_2665 = tpu.memref_slice %arg6[%mul3A_2664] : memref<1408xi32, #tpu.memory_space<vmem>> -> memref<82xi32, #tpu.memory_space<vmem>>
        %dma_start3A_2666 = arith.constant 0 : i32
        %dma_start3A_2667 = arith.constant 0 : i32
        %dma_start3A_2668 = tpu.memref_slice %arg3[%dma_start3A_2666, %dma_start3A_2667] : memref<100000x128xf32, #tpu.memory_space<hbm>> -> memref<100000x128xf32, #tpu.memory_space<hbm>>
        tpu.enqueue_indirect_dma source(%dma_start3A_2668 : memref<100000x128xf32, #tpu.memory_space<hbm>>) target(%arg7 : memref<82x128xf32, #tpu.memory_space<vmem>>) offsets(%dma_start3A_2665 : memref<82xi32, #tpu.memory_space<vmem>>) semaphore(%arg14 : memref<!tpu.dma_semaphore, #tpu.memory_space<semaphore_mem>>)
      } else {
      }
      %mul3A_1496 = arith.constant 2 : i32
      %mul3A_1497 = arith.muli %mul3A_1496, %scan3A_344 : i32
      %add3A_1498 = arith.constant 1 : i32
      %add3A_1499 = arith.addi %mul3A_1497, %add3A_1498 : i32
      %mul3A_1500 = arith.constant 88 : i32
      %mul3A_1501 = arith.muli %add3A_1499, %mul3A_1500 : i32
      %dma_wait3A_1502 = tpu.memref_slice %arg6[%mul3A_1501] : memref<1408xi32, #tpu.memory_space<vmem>> -> memref<82xi32, #tpu.memory_space<vmem>>
      %dma_wait3A_1503 = arith.constant 0 : i32
      %dma_wait3A_1504 = arith.constant 0 : i32
      %dma_wait3A_1505 = tpu.memref_slice %arg3[%dma_wait3A_1503, %dma_wait3A_1504] : memref<100000x128xf32, #tpu.memory_space<hbm>> -> memref<100000x128xf32, #tpu.memory_space<hbm>>
      tpu.wait_indirect_dma semaphore(%arg15 : memref<!tpu.dma_semaphore, #tpu.memory_space<semaphore_mem>>) src(%dma_wait3A_1505 : memref<100000x128xf32, #tpu.memory_space<hbm>>) dst(%arg8 : memref<82x128xf32, #tpu.memory_space<vmem>>)
      %mul3A_1506 = arith.constant 88 : i32
      %mul3A_1507 = arith.muli %add3A_1499, %mul3A_1506 : i32
      %add3A_1508 = arith.constant 0 : i32
      %add3A_1509 = arith.addi %mul3A_1507, %add3A_1508 : i32
      %mul3A_1510 = arith.constant 2 : i32
      %mul3A_1511 = arith.muli %mul3A_1510, %add3A_1499 : i32
      %add3A_1512 = arith.constant 0 : i32
      %add3A_1513 = arith.addi %mul3A_1511, %add3A_1512 : i32
      %iota3A_1514 = tpu.iota {dimensions = array<i32: 0>} : vector<16xi32>
      %mul3A_1515 = arith.constant 16 : i32
      %mul3A_1516 = vector.broadcast %mul3A_1515 : i32 to vector<16xi32>
      %mul3A_1517 = arith.muli %iota3A_1514, %mul3A_1516 : vector<16xi32>
      %broadcast_in_dim3A_1518 = arith.constant 0.000000e+00 : f32
      %broadcast_in_dim3A_1519 = vector.broadcast %broadcast_in_dim3A_1518 : f32 to vector<16xf32>
      %get3A_1520 = arith.constant 0 : i32
      %get3A_1521 = arith.index_cast %get3A_1520 : i32 to index
      %get3A_1522 = arith.constant 0 : index
      %get3A_1523 = tpu.vector_load %arg8[%get3A_1521, %get3A_1522] {strides = array<i32>} : memref<82x128xf32, #tpu.memory_space<vmem>>, vector<16xf32>,
      %get3A_1524 = arith.constant 0 : i32
      %get3A_1525 = arith.index_cast %get3A_1524 : i32 to index
      %get3A_1526 = arith.constant 16 : index
      %get3A_1527 = tpu.vector_load %arg8[%get3A_1525, %get3A_1526] {strides = array<i32>} : memref<82x128xf32, #tpu.memory_space<vmem>>, vector<16xf32>,
      %get3A_1528 = arith.constant 0 : i32
      %get3A_1529 = arith.index_cast %get3A_1528 : i32 to index
      %get3A_1530 = arith.constant 32 : index
      %get3A_1531 = tpu.vector_load %arg8[%get3A_1529, %get3A_1530] {strides = array<i32>} : memref<82x128xf32, #tpu.memory_space<vmem>>, vector<16xf32>,
      %get3A_1532 = arith.constant 0 : i32
      %get3A_1533 = arith.index_cast %get3A_1532 : i32 to index
      %get3A_1534 = arith.constant 48 : index
      %get3A_1535 = tpu.vector_load %arg8[%get3A_1533, %get3A_1534] {strides = array<i32>} : memref<82x128xf32, #tpu.memory_space<vmem>>, vector<16xf32>,
      %get3A_1536 = arith.constant 0 : i32
      %get3A_1537 = arith.index_cast %get3A_1536 : i32 to index
      %get3A_1538 = arith.constant 64 : index
      %get3A_1539 = tpu.vector_load %arg8[%get3A_1537, %get3A_1538] {strides = array<i32>} : memref<82x128xf32, #tpu.memory_space<vmem>>, vector<16xf32>,
      %get3A_1540 = arith.constant 0 : i32
      %get3A_1541 = arith.index_cast %get3A_1540 : i32 to index
      %get3A_1542 = arith.constant 80 : index
      %get3A_1543 = tpu.vector_load %arg8[%get3A_1541, %get3A_1542] {strides = array<i32>} : memref<82x128xf32, #tpu.memory_space<vmem>>, vector<16xf32>,
      %get3A_1544 = arith.constant 0 : i32
      %get3A_1545 = arith.index_cast %get3A_1544 : i32 to index
      %get3A_1546 = arith.constant 96 : index
      %get3A_1547 = tpu.vector_load %arg8[%get3A_1545, %get3A_1546] {strides = array<i32>} : memref<82x128xf32, #tpu.memory_space<vmem>>, vector<16xf32>,
      %get3A_1548 = arith.constant 0 : i32
      %get3A_1549 = arith.index_cast %get3A_1548 : i32 to index
      %get3A_1550 = arith.constant 112 : index
      %get3A_1551 = tpu.vector_load %arg8[%get3A_1549, %get3A_1550] {strides = array<i32>} : memref<82x128xf32, #tpu.memory_space<vmem>>, vector<16xf32>,
      %parallel_loop3A_1552 = arith.constant 0 : i32
      %parallel_loop3A_1553 = arith.constant 41 : i32
      %parallel_loop3A_1554 = arith.constant 1 : i32
      scf.for %parallel_loop3A_2661 = %parallel_loop3A_1552 to %parallel_loop3A_1553 step %parallel_loop3A_1554  : i32 {
        %parallel_loop3A_2662 = arith.constant 0 : i32
        %parallel_loop3A_2663 = arith.addi %parallel_loop3A_2662, %parallel_loop3A_2661 : i32
        %parallel_loop3A_2664 = arith.index_cast %parallel_loop3A_2663 : i32 to index
        %parallel_loop3A_2665 = arith.constant 0 : index
        %parallel_loop3A_2666 = tpu.vector_load %arg8[%parallel_loop3A_2664, %parallel_loop3A_2665] {strides = array<i32>} : memref<82x128xf32, #tpu.memory_space<vmem>>, vector<16xf32>,
        %parallel_loop3A_2667 = arith.mulf %get3A_1523, %parallel_loop3A_2666 : vector<16xf32>
        %parallel_loop3A_2668 = arith.constant 0 : i32
        %parallel_loop3A_2669 = arith.addi %parallel_loop3A_2668, %parallel_loop3A_2661 : i32
        %parallel_loop3A_2670 = arith.index_cast %parallel_loop3A_2669 : i32 to index
        %parallel_loop3A_2671 = arith.constant 16 : index
        %parallel_loop3A_2672 = tpu.vector_load %arg8[%parallel_loop3A_2670, %parallel_loop3A_2671] {strides = array<i32>} : memref<82x128xf32, #tpu.memory_space<vmem>>, vector<16xf32>,
        %parallel_loop3A_2673 = arith.mulf %get3A_1527, %parallel_loop3A_2672 : vector<16xf32>
        %parallel_loop3A_2674 = arith.addf %parallel_loop3A_2667, %parallel_loop3A_2673 : vector<16xf32>
        %parallel_loop3A_2675 = arith.constant 0 : i32
        %parallel_loop3A_2676 = arith.addi %parallel_loop3A_2675, %parallel_loop3A_2661 : i32
        %parallel_loop3A_2677 = arith.index_cast %parallel_loop3A_2676 : i32 to index
        %parallel_loop3A_2678 = arith.constant 32 : index
        %parallel_loop3A_2679 = tpu.vector_load %arg8[%parallel_loop3A_2677, %parallel_loop3A_2678] {strides = array<i32>} : memref<82x128xf32, #tpu.memory_space<vmem>>, vector<16xf32>,
        %parallel_loop3A_2680 = arith.mulf %get3A_1531, %parallel_loop3A_2679 : vector<16xf32>
        %parallel_loop3A_2681 = arith.addf %parallel_loop3A_2674, %parallel_loop3A_2680 : vector<16xf32>
        %parallel_loop3A_2682 = arith.constant 0 : i32
        %parallel_loop3A_2683 = arith.addi %parallel_loop3A_2682, %parallel_loop3A_2661 : i32
        %parallel_loop3A_2684 = arith.index_cast %parallel_loop3A_2683 : i32 to index
        %parallel_loop3A_2685 = arith.constant 48 : index
        %parallel_loop3A_2686 = tpu.vector_load %arg8[%parallel_loop3A_2684, %parallel_loop3A_2685] {strides = array<i32>} : memref<82x128xf32, #tpu.memory_space<vmem>>, vector<16xf32>,
        %parallel_loop3A_2687 = arith.mulf %get3A_1535, %parallel_loop3A_2686 : vector<16xf32>
        %parallel_loop3A_2688 = arith.addf %parallel_loop3A_2681, %parallel_loop3A_2687 : vector<16xf32>
        %parallel_loop3A_2689 = arith.constant 0 : i32
        %parallel_loop3A_2690 = arith.addi %parallel_loop3A_2689, %parallel_loop3A_2661 : i32
        %parallel_loop3A_2691 = arith.index_cast %parallel_loop3A_2690 : i32 to index
        %parallel_loop3A_2692 = arith.constant 64 : index
        %parallel_loop3A_2693 = tpu.vector_load %arg8[%parallel_loop3A_2691, %parallel_loop3A_2692] {strides = array<i32>} : memref<82x128xf32, #tpu.memory_space<vmem>>, vector<16xf32>,
        %parallel_loop3A_2694 = arith.mulf %get3A_1539, %parallel_loop3A_2693 : vector<16xf32>
        %parallel_loop3A_2695 = arith.addf %parallel_loop3A_2688, %parallel_loop3A_2694 : vector<16xf32>
        %parallel_loop3A_2696 = arith.constant 0 : i32
        %parallel_loop3A_2697 = arith.addi %parallel_loop3A_2696, %parallel_loop3A_2661 : i32
        %parallel_loop3A_2698 = arith.index_cast %parallel_loop3A_2697 : i32 to index
        %parallel_loop3A_2699 = arith.constant 80 : index
        %parallel_loop3A_2700 = tpu.vector_load %arg8[%parallel_loop3A_2698, %parallel_loop3A_2699] {strides = array<i32>} : memref<82x128xf32, #tpu.memory_space<vmem>>, vector<16xf32>,
        %parallel_loop3A_2701 = arith.mulf %get3A_1543, %parallel_loop3A_2700 : vector<16xf32>
        %parallel_loop3A_2702 = arith.addf %parallel_loop3A_2695, %parallel_loop3A_2701 : vector<16xf32>
        %parallel_loop3A_2703 = arith.constant 0 : i32
        %parallel_loop3A_2704 = arith.addi %parallel_loop3A_2703, %parallel_loop3A_2661 : i32
        %parallel_loop3A_2705 = arith.index_cast %parallel_loop3A_2704 : i32 to index
        %parallel_loop3A_2706 = arith.constant 96 : index
        %parallel_loop3A_2707 = tpu.vector_load %arg8[%parallel_loop3A_2705, %parallel_loop3A_2706] {strides = array<i32>} : memref<82x128xf32, #tpu.memory_space<vmem>>, vector<16xf32>,
        %parallel_loop3A_2708 = arith.mulf %get3A_1547, %parallel_loop3A_2707 : vector<16xf32>
        %parallel_loop3A_2709 = arith.addf %parallel_loop3A_2702, %parallel_loop3A_2708 : vector<16xf32>
        %parallel_loop3A_2710 = arith.constant 0 : i32
        %parallel_loop3A_2711 = arith.addi %parallel_loop3A_2710, %parallel_loop3A_2661 : i32
        %parallel_loop3A_2712 = arith.index_cast %parallel_loop3A_2711 : i32 to index
        %parallel_loop3A_2713 = arith.constant 112 : index
        %parallel_loop3A_2714 = tpu.vector_load %arg8[%parallel_loop3A_2712, %parallel_loop3A_2713] {strides = array<i32>} : memref<82x128xf32, #tpu.memory_space<vmem>>, vector<16xf32>,
        %parallel_loop3A_2715 = arith.mulf %get3A_1551, %parallel_loop3A_2714 : vector<16xf32>
        %parallel_loop3A_2716 = arith.addf %parallel_loop3A_2709, %parallel_loop3A_2715 : vector<16xf32>
        %parallel_loop3A_2717 = arith.constant 16 : i32
        %parallel_loop3A_2718 = arith.muli %parallel_loop3A_2661, %parallel_loop3A_2717 : i32
        %parallel_loop3A_2719 = arith.index_cast %parallel_loop3A_2718 : i32 to index
        %parallel_loop3A_2720 = tpu.vector_load %arg9[%parallel_loop3A_2719] {strides = array<i32>} : memref<656xf32, #tpu.memory_space<vmem>>, vector<16xf32>,
        tpu.vector_store %arg9[%parallel_loop3A_2719], %parallel_loop3A_2716 {strides = array<i32>} : memref<656xf32, #tpu.memory_space<vmem>>, vector<16xf32>,
      } {sc.loop_unroll_factor = 4 : i64, sc.parallel_access}
      %add3A_1555 = arith.constant 0 : i32
      %add3A_1556 = vector.broadcast %add3A_1555 : i32 to vector<16xi32>
      %add3A_1557 = arith.addi %mul3A_1517, %add3A_1556 : vector<16xi32>
      %gather3A_1558 = tpu.vector_load_idx %arg9[%add3A_1557] : memref<656xf32, #tpu.memory_space<vmem>>[vector<16xi32>], vector<16xf32>,
      %add3A_1559 = arith.constant 1 : i32
      %add3A_1560 = vector.broadcast %add3A_1559 : i32 to vector<16xi32>
      %add3A_1561 = arith.addi %mul3A_1517, %add3A_1560 : vector<16xi32>
      %gather3A_1562 = tpu.vector_load_idx %arg9[%add3A_1561] : memref<656xf32, #tpu.memory_space<vmem>>[vector<16xi32>], vector<16xf32>,
      %add3A_1563 = arith.addf %gather3A_1558, %gather3A_1562 : vector<16xf32>
      %add3A_1564 = arith.constant 2 : i32
      %add3A_1565 = vector.broadcast %add3A_1564 : i32 to vector<16xi32>
      %add3A_1566 = arith.addi %mul3A_1517, %add3A_1565 : vector<16xi32>
      %gather3A_1567 = tpu.vector_load_idx %arg9[%add3A_1566] : memref<656xf32, #tpu.memory_space<vmem>>[vector<16xi32>], vector<16xf32>,
      %add3A_1568 = arith.addf %add3A_1563, %gather3A_1567 : vector<16xf32>
      %add3A_1569 = arith.constant 3 : i32
      %add3A_1570 = vector.broadcast %add3A_1569 : i32 to vector<16xi32>
      %add3A_1571 = arith.addi %mul3A_1517, %add3A_1570 : vector<16xi32>
      %gather3A_1572 = tpu.vector_load_idx %arg9[%add3A_1571] : memref<656xf32, #tpu.memory_space<vmem>>[vector<16xi32>], vector<16xf32>,
      %add3A_1573 = arith.addf %add3A_1568, %gather3A_1572 : vector<16xf32>
      %add3A_1574 = arith.constant 4 : i32
      %add3A_1575 = vector.broadcast %add3A_1574 : i32 to vector<16xi32>
      %add3A_1576 = arith.addi %mul3A_1517, %add3A_1575 : vector<16xi32>
      %gather3A_1577 = tpu.vector_load_idx %arg9[%add3A_1576] : memref<656xf32, #tpu.memory_space<vmem>>[vector<16xi32>], vector<16xf32>,
      %add3A_1578 = arith.addf %add3A_1573, %gather3A_1577 : vector<16xf32>
      %add3A_1579 = arith.constant 5 : i32
      %add3A_1580 = vector.broadcast %add3A_1579 : i32 to vector<16xi32>
      %add3A_1581 = arith.addi %mul3A_1517, %add3A_1580 : vector<16xi32>
      %gather3A_1582 = tpu.vector_load_idx %arg9[%add3A_1581] : memref<656xf32, #tpu.memory_space<vmem>>[vector<16xi32>], vector<16xf32>,
      %add3A_1583 = arith.addf %add3A_1578, %gather3A_1582 : vector<16xf32>
      %add3A_1584 = arith.constant 6 : i32
      %add3A_1585 = vector.broadcast %add3A_1584 : i32 to vector<16xi32>
      %add3A_1586 = arith.addi %mul3A_1517, %add3A_1585 : vector<16xi32>
      %gather3A_1587 = tpu.vector_load_idx %arg9[%add3A_1586] : memref<656xf32, #tpu.memory_space<vmem>>[vector<16xi32>], vector<16xf32>,
      %add3A_1588 = arith.addf %add3A_1583, %gather3A_1587 : vector<16xf32>
      %add3A_1589 = arith.constant 7 : i32
      %add3A_1590 = vector.broadcast %add3A_1589 : i32 to vector<16xi32>
      %add3A_1591 = arith.addi %mul3A_1517, %add3A_1590 : vector<16xi32>
      %gather3A_1592 = tpu.vector_load_idx %arg9[%add3A_1591] : memref<656xf32, #tpu.memory_space<vmem>>[vector<16xi32>], vector<16xf32>,
      %add3A_1593 = arith.addf %add3A_1588, %gather3A_1592 : vector<16xf32>
      %add3A_1594 = arith.constant 8 : i32
      %add3A_1595 = vector.broadcast %add3A_1594 : i32 to vector<16xi32>
      %add3A_1596 = arith.addi %mul3A_1517, %add3A_1595 : vector<16xi32>
      %gather3A_1597 = tpu.vector_load_idx %arg9[%add3A_1596] : memref<656xf32, #tpu.memory_space<vmem>>[vector<16xi32>], vector<16xf32>,
      %add3A_1598 = arith.addf %add3A_1593, %gather3A_1597 : vector<16xf32>
      %add3A_1599 = arith.constant 9 : i32
      %add3A_1600 = vector.broadcast %add3A_1599 : i32 to vector<16xi32>
      %add3A_1601 = arith.addi %mul3A_1517, %add3A_1600 : vector<16xi32>
      %gather3A_1602 = tpu.vector_load_idx %arg9[%add3A_1601] : memref<656xf32, #tpu.memory_space<vmem>>[vector<16xi32>], vector<16xf32>,
      %add3A_1603 = arith.addf %add3A_1598, %gather3A_1602 : vector<16xf32>
      %add3A_1604 = arith.constant 10 : i32
      %add3A_1605 = vector.broadcast %add3A_1604 : i32 to vector<16xi32>
      %add3A_1606 = arith.addi %mul3A_1517, %add3A_1605 : vector<16xi32>
      %gather3A_1607 = tpu.vector_load_idx %arg9[%add3A_1606] : memref<656xf32, #tpu.memory_space<vmem>>[vector<16xi32>], vector<16xf32>,
      %add3A_1608 = arith.addf %add3A_1603, %gather3A_1607 : vector<16xf32>
      %add3A_1609 = arith.constant 11 : i32
      %add3A_1610 = vector.broadcast %add3A_1609 : i32 to vector<16xi32>
      %add3A_1611 = arith.addi %mul3A_1517, %add3A_1610 : vector<16xi32>
      %gather3A_1612 = tpu.vector_load_idx %arg9[%add3A_1611] : memref<656xf32, #tpu.memory_space<vmem>>[vector<16xi32>], vector<16xf32>,
      %add3A_1613 = arith.addf %add3A_1608, %gather3A_1612 : vector<16xf32>
      %add3A_1614 = arith.constant 12 : i32
      %add3A_1615 = vector.broadcast %add3A_1614 : i32 to vector<16xi32>
      %add3A_1616 = arith.addi %mul3A_1517, %add3A_1615 : vector<16xi32>
      %gather3A_1617 = tpu.vector_load_idx %arg9[%add3A_1616] : memref<656xf32, #tpu.memory_space<vmem>>[vector<16xi32>], vector<16xf32>,
      %add3A_1618 = arith.addf %add3A_1613, %gather3A_1617 : vector<16xf32>
      %add3A_1619 = arith.constant 13 : i32
      %add3A_1620 = vector.broadcast %add3A_1619 : i32 to vector<16xi32>
      %add3A_1621 = arith.addi %mul3A_1517, %add3A_1620 : vector<16xi32>
      %gather3A_1622 = tpu.vector_load_idx %arg9[%add3A_1621] : memref<656xf32, #tpu.memory_space<vmem>>[vector<16xi32>], vector<16xf32>,
      %add3A_1623 = arith.addf %add3A_1618, %gather3A_1622 : vector<16xf32>
      %add3A_1624 = arith.constant 14 : i32
      %add3A_1625 = vector.broadcast %add3A_1624 : i32 to vector<16xi32>
      %add3A_1626 = arith.addi %mul3A_1517, %add3A_1625 : vector<16xi32>
      %gather3A_1627 = tpu.vector_load_idx %arg9[%add3A_1626] : memref<656xf32, #tpu.memory_space<vmem>>[vector<16xi32>], vector<16xf32>,
      %add3A_1628 = arith.addf %add3A_1623, %gather3A_1627 : vector<16xf32>
      %add3A_1629 = arith.constant 15 : i32
      %add3A_1630 = vector.broadcast %add3A_1629 : i32 to vector<16xi32>
      %add3A_1631 = arith.addi %mul3A_1517, %add3A_1630 : vector<16xi32>
      %gather3A_1632 = tpu.vector_load_idx %arg9[%add3A_1631] : memref<656xf32, #tpu.memory_space<vmem>>[vector<16xi32>], vector<16xf32>,
      %add3A_1633 = arith.addf %add3A_1628, %gather3A_1632 : vector<16xf32>
      %add3A_1634 = arith.constant 256 : i32
      %add3A_1635 = vector.broadcast %add3A_1634 : i32 to vector<16xi32>
      %add3A_1636 = arith.addi %mul3A_1517, %add3A_1635 : vector<16xi32>
      %gather3A_1637 = tpu.vector_load_idx %arg9[%add3A_1636] : memref<656xf32, #tpu.memory_space<vmem>>[vector<16xi32>], vector<16xf32>,
      %add3A_1638 = arith.constant 257 : i32
      %add3A_1639 = vector.broadcast %add3A_1638 : i32 to vector<16xi32>
      %add3A_1640 = arith.addi %mul3A_1517, %add3A_1639 : vector<16xi32>
      %gather3A_1641 = tpu.vector_load_idx %arg9[%add3A_1640] : memref<656xf32, #tpu.memory_space<vmem>>[vector<16xi32>], vector<16xf32>,
      %add3A_1642 = arith.addf %gather3A_1637, %gather3A_1641 : vector<16xf32>
      %add3A_1643 = arith.constant 258 : i32
      %add3A_1644 = vector.broadcast %add3A_1643 : i32 to vector<16xi32>
      %add3A_1645 = arith.addi %mul3A_1517, %add3A_1644 : vector<16xi32>
      %gather3A_1646 = tpu.vector_load_idx %arg9[%add3A_1645] : memref<656xf32, #tpu.memory_space<vmem>>[vector<16xi32>], vector<16xf32>,
      %add3A_1647 = arith.addf %add3A_1642, %gather3A_1646 : vector<16xf32>
      %add3A_1648 = arith.constant 259 : i32
      %add3A_1649 = vector.broadcast %add3A_1648 : i32 to vector<16xi32>
      %add3A_1650 = arith.addi %mul3A_1517, %add3A_1649 : vector<16xi32>
      %gather3A_1651 = tpu.vector_load_idx %arg9[%add3A_1650] : memref<656xf32, #tpu.memory_space<vmem>>[vector<16xi32>], vector<16xf32>,
      %add3A_1652 = arith.addf %add3A_1647, %gather3A_1651 : vector<16xf32>
      %add3A_1653 = arith.constant 260 : i32
      %add3A_1654 = vector.broadcast %add3A_1653 : i32 to vector<16xi32>
      %add3A_1655 = arith.addi %mul3A_1517, %add3A_1654 : vector<16xi32>
      %gather3A_1656 = tpu.vector_load_idx %arg9[%add3A_1655] : memref<656xf32, #tpu.memory_space<vmem>>[vector<16xi32>], vector<16xf32>,
      %add3A_1657 = arith.addf %add3A_1652, %gather3A_1656 : vector<16xf32>
      %add3A_1658 = arith.constant 261 : i32
      %add3A_1659 = vector.broadcast %add3A_1658 : i32 to vector<16xi32>
      %add3A_1660 = arith.addi %mul3A_1517, %add3A_1659 : vector<16xi32>
      %gather3A_1661 = tpu.vector_load_idx %arg9[%add3A_1660] : memref<656xf32, #tpu.memory_space<vmem>>[vector<16xi32>], vector<16xf32>,
      %add3A_1662 = arith.addf %add3A_1657, %gather3A_1661 : vector<16xf32>
      %add3A_1663 = arith.constant 262 : i32
      %add3A_1664 = vector.broadcast %add3A_1663 : i32 to vector<16xi32>
      %add3A_1665 = arith.addi %mul3A_1517, %add3A_1664 : vector<16xi32>
      %gather3A_1666 = tpu.vector_load_idx %arg9[%add3A_1665] : memref<656xf32, #tpu.memory_space<vmem>>[vector<16xi32>], vector<16xf32>,
      %add3A_1667 = arith.addf %add3A_1662, %gather3A_1666 : vector<16xf32>
      %add3A_1668 = arith.constant 263 : i32
      %add3A_1669 = vector.broadcast %add3A_1668 : i32 to vector<16xi32>
      %add3A_1670 = arith.addi %mul3A_1517, %add3A_1669 : vector<16xi32>
      %gather3A_1671 = tpu.vector_load_idx %arg9[%add3A_1670] : memref<656xf32, #tpu.memory_space<vmem>>[vector<16xi32>], vector<16xf32>,
      %add3A_1672 = arith.addf %add3A_1667, %gather3A_1671 : vector<16xf32>
      %add3A_1673 = arith.constant 264 : i32
      %add3A_1674 = vector.broadcast %add3A_1673 : i32 to vector<16xi32>
      %add3A_1675 = arith.addi %mul3A_1517, %add3A_1674 : vector<16xi32>
      %gather3A_1676 = tpu.vector_load_idx %arg9[%add3A_1675] : memref<656xf32, #tpu.memory_space<vmem>>[vector<16xi32>], vector<16xf32>,
      %add3A_1677 = arith.addf %add3A_1672, %gather3A_1676 : vector<16xf32>
      %add3A_1678 = arith.constant 265 : i32
      %add3A_1679 = vector.broadcast %add3A_1678 : i32 to vector<16xi32>
      %add3A_1680 = arith.addi %mul3A_1517, %add3A_1679 : vector<16xi32>
      %gather3A_1681 = tpu.vector_load_idx %arg9[%add3A_1680] : memref<656xf32, #tpu.memory_space<vmem>>[vector<16xi32>], vector<16xf32>,
      %add3A_1682 = arith.addf %add3A_1677, %gather3A_1681 : vector<16xf32>
      %add3A_1683 = arith.constant 266 : i32
      %add3A_1684 = vector.broadcast %add3A_1683 : i32 to vector<16xi32>
      %add3A_1685 = arith.addi %mul3A_1517, %add3A_1684 : vector<16xi32>
      %gather3A_1686 = tpu.vector_load_idx %arg9[%add3A_1685] : memref<656xf32, #tpu.memory_space<vmem>>[vector<16xi32>], vector<16xf32>,
      %add3A_1687 = arith.addf %add3A_1682, %gather3A_1686 : vector<16xf32>
      %add3A_1688 = arith.constant 267 : i32
      %add3A_1689 = vector.broadcast %add3A_1688 : i32 to vector<16xi32>
      %add3A_1690 = arith.addi %mul3A_1517, %add3A_1689 : vector<16xi32>
      %gather3A_1691 = tpu.vector_load_idx %arg9[%add3A_1690] : memref<656xf32, #tpu.memory_space<vmem>>[vector<16xi32>], vector<16xf32>,
      %add3A_1692 = arith.addf %add3A_1687, %gather3A_1691 : vector<16xf32>
      %add3A_1693 = arith.constant 268 : i32
      %add3A_1694 = vector.broadcast %add3A_1693 : i32 to vector<16xi32>
      %add3A_1695 = arith.addi %mul3A_1517, %add3A_1694 : vector<16xi32>
      %gather3A_1696 = tpu.vector_load_idx %arg9[%add3A_1695] : memref<656xf32, #tpu.memory_space<vmem>>[vector<16xi32>], vector<16xf32>,
      %add3A_1697 = arith.addf %add3A_1692, %gather3A_1696 : vector<16xf32>
      %add3A_1698 = arith.constant 269 : i32
      %add3A_1699 = vector.broadcast %add3A_1698 : i32 to vector<16xi32>
      %add3A_1700 = arith.addi %mul3A_1517, %add3A_1699 : vector<16xi32>
      %gather3A_1701 = tpu.vector_load_idx %arg9[%add3A_1700] : memref<656xf32, #tpu.memory_space<vmem>>[vector<16xi32>], vector<16xf32>,
      %add3A_1702 = arith.addf %add3A_1697, %gather3A_1701 : vector<16xf32>
      %add3A_1703 = arith.constant 270 : i32
      %add3A_1704 = vector.broadcast %add3A_1703 : i32 to vector<16xi32>
      %add3A_1705 = arith.addi %mul3A_1517, %add3A_1704 : vector<16xi32>
      %gather3A_1706 = tpu.vector_load_idx %arg9[%add3A_1705] : memref<656xf32, #tpu.memory_space<vmem>>[vector<16xi32>], vector<16xf32>,
      %add3A_1707 = arith.addf %add3A_1702, %gather3A_1706 : vector<16xf32>
      %add3A_1708 = arith.constant 271 : i32
      %add3A_1709 = vector.broadcast %add3A_1708 : i32 to vector<16xi32>
      %add3A_1710 = arith.addi %mul3A_1517, %add3A_1709 : vector<16xi32>
      %gather3A_1711 = tpu.vector_load_idx %arg9[%add3A_1710] : memref<656xf32, #tpu.memory_space<vmem>>[vector<16xi32>], vector<16xf32>,
      %add3A_1712 = arith.addf %add3A_1707, %gather3A_1711 : vector<16xf32>
      %add3A_1713 = arith.constant 512 : i32
      %add3A_1714 = vector.broadcast %add3A_1713 : i32 to vector<16xi32>
      %add3A_1715 = arith.addi %mul3A_1517, %add3A_1714 : vector<16xi32>
      %gather3A_1716 = tpu.vector_load_idx %arg9[%add3A_1715] : memref<656xf32, #tpu.memory_space<vmem>>[vector<16xi32>], vector<16xf32>,
      %add3A_1717 = arith.constant 513 : i32
      %add3A_1718 = vector.broadcast %add3A_1717 : i32 to vector<16xi32>
      %add3A_1719 = arith.addi %mul3A_1517, %add3A_1718 : vector<16xi32>
      %gather3A_1720 = tpu.vector_load_idx %arg9[%add3A_1719] : memref<656xf32, #tpu.memory_space<vmem>>[vector<16xi32>], vector<16xf32>,
      %add3A_1721 = arith.addf %gather3A_1716, %gather3A_1720 : vector<16xf32>
      %add3A_1722 = arith.constant 514 : i32
      %add3A_1723 = vector.broadcast %add3A_1722 : i32 to vector<16xi32>
      %add3A_1724 = arith.addi %mul3A_1517, %add3A_1723 : vector<16xi32>
      %gather3A_1725 = tpu.vector_load_idx %arg9[%add3A_1724] : memref<656xf32, #tpu.memory_space<vmem>>[vector<16xi32>], vector<16xf32>,
      %add3A_1726 = arith.addf %add3A_1721, %gather3A_1725 : vector<16xf32>
      %add3A_1727 = arith.constant 515 : i32
      %add3A_1728 = vector.broadcast %add3A_1727 : i32 to vector<16xi32>
      %add3A_1729 = arith.addi %mul3A_1517, %add3A_1728 : vector<16xi32>
      %gather3A_1730 = tpu.vector_load_idx %arg9[%add3A_1729] : memref<656xf32, #tpu.memory_space<vmem>>[vector<16xi32>], vector<16xf32>,
      %add3A_1731 = arith.addf %add3A_1726, %gather3A_1730 : vector<16xf32>
      %add3A_1732 = arith.constant 516 : i32
      %add3A_1733 = vector.broadcast %add3A_1732 : i32 to vector<16xi32>
      %add3A_1734 = arith.addi %mul3A_1517, %add3A_1733 : vector<16xi32>
      %gather3A_1735 = tpu.vector_load_idx %arg9[%add3A_1734] : memref<656xf32, #tpu.memory_space<vmem>>[vector<16xi32>], vector<16xf32>,
      %add3A_1736 = arith.addf %add3A_1731, %gather3A_1735 : vector<16xf32>
      %add3A_1737 = arith.constant 517 : i32
      %add3A_1738 = vector.broadcast %add3A_1737 : i32 to vector<16xi32>
      %add3A_1739 = arith.addi %mul3A_1517, %add3A_1738 : vector<16xi32>
      %gather3A_1740 = tpu.vector_load_idx %arg9[%add3A_1739] : memref<656xf32, #tpu.memory_space<vmem>>[vector<16xi32>], vector<16xf32>,
      %add3A_1741 = arith.addf %add3A_1736, %gather3A_1740 : vector<16xf32>
      %add3A_1742 = arith.constant 518 : i32
      %add3A_1743 = vector.broadcast %add3A_1742 : i32 to vector<16xi32>
      %add3A_1744 = arith.addi %mul3A_1517, %add3A_1743 : vector<16xi32>
      %gather3A_1745 = tpu.vector_load_idx %arg9[%add3A_1744] : memref<656xf32, #tpu.memory_space<vmem>>[vector<16xi32>], vector<16xf32>,
      %add3A_1746 = arith.addf %add3A_1741, %gather3A_1745 : vector<16xf32>
      %add3A_1747 = arith.constant 519 : i32
      %add3A_1748 = vector.broadcast %add3A_1747 : i32 to vector<16xi32>
      %add3A_1749 = arith.addi %mul3A_1517, %add3A_1748 : vector<16xi32>
      %gather3A_1750 = tpu.vector_load_idx %arg9[%add3A_1749] : memref<656xf32, #tpu.memory_space<vmem>>[vector<16xi32>], vector<16xf32>,
      %add3A_1751 = arith.addf %add3A_1746, %gather3A_1750 : vector<16xf32>
      %add3A_1752 = arith.constant 520 : i32
      %add3A_1753 = vector.broadcast %add3A_1752 : i32 to vector<16xi32>
      %add3A_1754 = arith.addi %mul3A_1517, %add3A_1753 : vector<16xi32>
      %gather3A_1755 = tpu.vector_load_idx %arg9[%add3A_1754] : memref<656xf32, #tpu.memory_space<vmem>>[vector<16xi32>], vector<16xf32>,
      %add3A_1756 = arith.addf %add3A_1751, %gather3A_1755 : vector<16xf32>
      %add3A_1757 = arith.constant 521 : i32
      %add3A_1758 = vector.broadcast %add3A_1757 : i32 to vector<16xi32>
      %add3A_1759 = arith.addi %mul3A_1517, %add3A_1758 : vector<16xi32>
      %gather3A_1760 = tpu.vector_load_idx %arg9[%add3A_1759] : memref<656xf32, #tpu.memory_space<vmem>>[vector<16xi32>], vector<16xf32>,
      %add3A_1761 = arith.addf %add3A_1756, %gather3A_1760 : vector<16xf32>
      %add3A_1762 = arith.constant 522 : i32
      %add3A_1763 = vector.broadcast %add3A_1762 : i32 to vector<16xi32>
      %add3A_1764 = arith.addi %mul3A_1517, %add3A_1763 : vector<16xi32>
      %gather3A_1765 = tpu.vector_load_idx %arg9[%add3A_1764] : memref<656xf32, #tpu.memory_space<vmem>>[vector<16xi32>], vector<16xf32>,
      %add3A_1766 = arith.addf %add3A_1761, %gather3A_1765 : vector<16xf32>
      %add3A_1767 = arith.constant 523 : i32
      %add3A_1768 = vector.broadcast %add3A_1767 : i32 to vector<16xi32>
      %add3A_1769 = arith.addi %mul3A_1517, %add3A_1768 : vector<16xi32>
      %gather3A_1770 = tpu.vector_load_idx %arg9[%add3A_1769] : memref<656xf32, #tpu.memory_space<vmem>>[vector<16xi32>], vector<16xf32>,
      %add3A_1771 = arith.addf %add3A_1766, %gather3A_1770 : vector<16xf32>
      %add3A_1772 = arith.constant 524 : i32
      %add3A_1773 = vector.broadcast %add3A_1772 : i32 to vector<16xi32>
      %add3A_1774 = arith.addi %mul3A_1517, %add3A_1773 : vector<16xi32>
      %gather3A_1775 = tpu.vector_load_idx %arg9[%add3A_1774] : memref<656xf32, #tpu.memory_space<vmem>>[vector<16xi32>], vector<16xf32>,
      %add3A_1776 = arith.addf %add3A_1771, %gather3A_1775 : vector<16xf32>
      %add3A_1777 = arith.constant 525 : i32
      %add3A_1778 = vector.broadcast %add3A_1777 : i32 to vector<16xi32>
      %add3A_1779 = arith.addi %mul3A_1517, %add3A_1778 : vector<16xi32>
      %gather3A_1780 = tpu.vector_load_idx %arg9[%add3A_1779] : memref<656xf32, #tpu.memory_space<vmem>>[vector<16xi32>], vector<16xf32>,
      %add3A_1781 = arith.addf %add3A_1776, %gather3A_1780 : vector<16xf32>
      %add3A_1782 = arith.constant 526 : i32
      %add3A_1783 = vector.broadcast %add3A_1782 : i32 to vector<16xi32>
      %add3A_1784 = arith.addi %mul3A_1517, %add3A_1783 : vector<16xi32>
      %gather3A_1785 = tpu.vector_load_idx %arg9[%add3A_1784] : memref<656xf32, #tpu.memory_space<vmem>>[vector<16xi32>], vector<16xf32>,
      %add3A_1786 = arith.addf %add3A_1781, %gather3A_1785 : vector<16xf32>
      %add3A_1787 = arith.constant 527 : i32
      %add3A_1788 = vector.broadcast %add3A_1787 : i32 to vector<16xi32>
      %add3A_1789 = arith.addi %mul3A_1517, %add3A_1788 : vector<16xi32>
      %gather3A_1790 = tpu.vector_load_idx %arg9[%add3A_1789] : memref<656xf32, #tpu.memory_space<vmem>>[vector<16xi32>], vector<16xf32>,
      %add3A_1791 = arith.addf %add3A_1786, %gather3A_1790 : vector<16xf32>
      %add3A_1792 = vector.broadcast %add3A_1509 : i32 to vector<16xi32>
      %add3A_1793 = arith.addi %iota3A_1514, %add3A_1792 : vector<16xi32>
      %gather3A_1794 = tpu.vector_load_idx %arg6[%add3A_1793] : memref<1408xi32, #tpu.memory_space<vmem>>[vector<16xi32>], vector<16xi32>,
      %add3A_1795 = arith.constant 16 : i32
      %add3A_1796 = arith.addi %add3A_1509, %add3A_1795 : i32
      %add3A_1797 = vector.broadcast %add3A_1796 : i32 to vector<16xi32>
      %add3A_1798 = arith.addi %iota3A_1514, %add3A_1797 : vector<16xi32>
      %gather3A_1799 = tpu.vector_load_idx %arg6[%add3A_1798] : memref<1408xi32, #tpu.memory_space<vmem>>[vector<16xi32>], vector<16xi32>,
      %lt3A_1800 = arith.constant 0 : i32
      %lt3A_1801 = vector.broadcast %lt3A_1800 : i32 to vector<16xi32>
      %lt3A_1802 = arith.cmpi slt, %iota3A_1514, %lt3A_1801 : vector<16xi32>
      %lt3A_1803 = arith.constant 0 : i32
      %lt3A_1804 = vector.broadcast %lt3A_1803 : i32 to vector<16xi32>
      %lt3A_1805 = arith.cmpi slt, %iota3A_1514, %lt3A_1804 : vector<16xi32>
      %add3A_1806 = arith.constant 0 : i32
      %add3A_1807 = arith.addi %add3A_1509, %add3A_1806 : i32
      %broadcast_in_dim3A_1808 = vector.broadcast %add3A_1807 : i32 to vector<16xi32>
      %gather3A_1809 = tpu.vector_load_idx %arg6[%broadcast_in_dim3A_1808] : memref<1408xi32, #tpu.memory_space<vmem>>[vector<16xi32>], vector<16xi32>,
      %eq3A_1810 = arith.cmpi eq, %gather3A_1794, %gather3A_1809 : vector<16xi32>
      %gt3A_1811 = arith.constant 0 : i32
      %gt3A_1812 = vector.broadcast %gt3A_1811 : i32 to vector<16xi32>
      %gt3A_1813 = arith.cmpi sgt, %iota3A_1514, %gt3A_1812 : vector<16xi32>
      %and3A_1814 = arith.andi %eq3A_1810, %gt3A_1813 : vector<16xi1>
      %or3A_1815 = arith.ori %lt3A_1802, %and3A_1814 : vector<16xi1>
      %eq3A_1816 = arith.cmpi eq, %gather3A_1799, %gather3A_1809 : vector<16xi32>
      %or3A_1817 = arith.ori %lt3A_1805, %eq3A_1816 : vector<16xi1>
      %add3A_1818 = arith.constant 1 : i32
      %add3A_1819 = arith.addi %add3A_1509, %add3A_1818 : i32
      %broadcast_in_dim3A_1820 = vector.broadcast %add3A_1819 : i32 to vector<16xi32>
      %gather3A_1821 = tpu.vector_load_idx %arg6[%broadcast_in_dim3A_1820] : memref<1408xi32, #tpu.memory_space<vmem>>[vector<16xi32>], vector<16xi32>,
      %eq3A_1822 = arith.cmpi eq, %gather3A_1794, %gather3A_1821 : vector<16xi32>
      %gt3A_1823 = arith.constant 1 : i32
      %gt3A_1824 = vector.broadcast %gt3A_1823 : i32 to vector<16xi32>
      %gt3A_1825 = arith.cmpi sgt, %iota3A_1514, %gt3A_1824 : vector<16xi32>
      %and3A_1826 = arith.andi %eq3A_1822, %gt3A_1825 : vector<16xi1>
      %or3A_1827 = arith.ori %or3A_1815, %and3A_1826 : vector<16xi1>
      %eq3A_1828 = arith.cmpi eq, %gather3A_1799, %gather3A_1821 : vector<16xi32>
      %or3A_1829 = arith.ori %or3A_1817, %eq3A_1828 : vector<16xi1>
      %add3A_1830 = arith.constant 2 : i32
      %add3A_1831 = arith.addi %add3A_1509, %add3A_1830 : i32
      %broadcast_in_dim3A_1832 = vector.broadcast %add3A_1831 : i32 to vector<16xi32>
      %gather3A_1833 = tpu.vector_load_idx %arg6[%broadcast_in_dim3A_1832] : memref<1408xi32, #tpu.memory_space<vmem>>[vector<16xi32>], vector<16xi32>,
      %eq3A_1834 = arith.cmpi eq, %gather3A_1794, %gather3A_1833 : vector<16xi32>
      %gt3A_1835 = arith.constant 2 : i32
      %gt3A_1836 = vector.broadcast %gt3A_1835 : i32 to vector<16xi32>
      %gt3A_1837 = arith.cmpi sgt, %iota3A_1514, %gt3A_1836 : vector<16xi32>
      %and3A_1838 = arith.andi %eq3A_1834, %gt3A_1837 : vector<16xi1>
      %or3A_1839 = arith.ori %or3A_1827, %and3A_1838 : vector<16xi1>
      %eq3A_1840 = arith.cmpi eq, %gather3A_1799, %gather3A_1833 : vector<16xi32>
      %or3A_1841 = arith.ori %or3A_1829, %eq3A_1840 : vector<16xi1>
      %add3A_1842 = arith.constant 3 : i32
      %add3A_1843 = arith.addi %add3A_1509, %add3A_1842 : i32
      %broadcast_in_dim3A_1844 = vector.broadcast %add3A_1843 : i32 to vector<16xi32>
      %gather3A_1845 = tpu.vector_load_idx %arg6[%broadcast_in_dim3A_1844] : memref<1408xi32, #tpu.memory_space<vmem>>[vector<16xi32>], vector<16xi32>,
      %eq3A_1846 = arith.cmpi eq, %gather3A_1794, %gather3A_1845 : vector<16xi32>
      %gt3A_1847 = arith.constant 3 : i32
      %gt3A_1848 = vector.broadcast %gt3A_1847 : i32 to vector<16xi32>
      %gt3A_1849 = arith.cmpi sgt, %iota3A_1514, %gt3A_1848 : vector<16xi32>
      %and3A_1850 = arith.andi %eq3A_1846, %gt3A_1849 : vector<16xi1>
      %or3A_1851 = arith.ori %or3A_1839, %and3A_1850 : vector<16xi1>
      %eq3A_1852 = arith.cmpi eq, %gather3A_1799, %gather3A_1845 : vector<16xi32>
      %or3A_1853 = arith.ori %or3A_1841, %eq3A_1852 : vector<16xi1>
      %add3A_1854 = arith.constant 4 : i32
      %add3A_1855 = arith.addi %add3A_1509, %add3A_1854 : i32
      %broadcast_in_dim3A_1856 = vector.broadcast %add3A_1855 : i32 to vector<16xi32>
      %gather3A_1857 = tpu.vector_load_idx %arg6[%broadcast_in_dim3A_1856] : memref<1408xi32, #tpu.memory_space<vmem>>[vector<16xi32>], vector<16xi32>,
      %eq3A_1858 = arith.cmpi eq, %gather3A_1794, %gather3A_1857 : vector<16xi32>
      %gt3A_1859 = arith.constant 4 : i32
      %gt3A_1860 = vector.broadcast %gt3A_1859 : i32 to vector<16xi32>
      %gt3A_1861 = arith.cmpi sgt, %iota3A_1514, %gt3A_1860 : vector<16xi32>
      %and3A_1862 = arith.andi %eq3A_1858, %gt3A_1861 : vector<16xi1>
      %or3A_1863 = arith.ori %or3A_1851, %and3A_1862 : vector<16xi1>
      %eq3A_1864 = arith.cmpi eq, %gather3A_1799, %gather3A_1857 : vector<16xi32>
      %or3A_1865 = arith.ori %or3A_1853, %eq3A_1864 : vector<16xi1>
      %add3A_1866 = arith.constant 5 : i32
      %add3A_1867 = arith.addi %add3A_1509, %add3A_1866 : i32
      %broadcast_in_dim3A_1868 = vector.broadcast %add3A_1867 : i32 to vector<16xi32>
      %gather3A_1869 = tpu.vector_load_idx %arg6[%broadcast_in_dim3A_1868] : memref<1408xi32, #tpu.memory_space<vmem>>[vector<16xi32>], vector<16xi32>,
      %eq3A_1870 = arith.cmpi eq, %gather3A_1794, %gather3A_1869 : vector<16xi32>
      %gt3A_1871 = arith.constant 5 : i32
      %gt3A_1872 = vector.broadcast %gt3A_1871 : i32 to vector<16xi32>
      %gt3A_1873 = arith.cmpi sgt, %iota3A_1514, %gt3A_1872 : vector<16xi32>
      %and3A_1874 = arith.andi %eq3A_1870, %gt3A_1873 : vector<16xi1>
      %or3A_1875 = arith.ori %or3A_1863, %and3A_1874 : vector<16xi1>
      %eq3A_1876 = arith.cmpi eq, %gather3A_1799, %gather3A_1869 : vector<16xi32>
      %or3A_1877 = arith.ori %or3A_1865, %eq3A_1876 : vector<16xi1>
      %add3A_1878 = arith.constant 6 : i32
      %add3A_1879 = arith.addi %add3A_1509, %add3A_1878 : i32
      %broadcast_in_dim3A_1880 = vector.broadcast %add3A_1879 : i32 to vector<16xi32>
      %gather3A_1881 = tpu.vector_load_idx %arg6[%broadcast_in_dim3A_1880] : memref<1408xi32, #tpu.memory_space<vmem>>[vector<16xi32>], vector<16xi32>,
      %eq3A_1882 = arith.cmpi eq, %gather3A_1794, %gather3A_1881 : vector<16xi32>
      %gt3A_1883 = arith.constant 6 : i32
      %gt3A_1884 = vector.broadcast %gt3A_1883 : i32 to vector<16xi32>
      %gt3A_1885 = arith.cmpi sgt, %iota3A_1514, %gt3A_1884 : vector<16xi32>
      %and3A_1886 = arith.andi %eq3A_1882, %gt3A_1885 : vector<16xi1>
      %or3A_1887 = arith.ori %or3A_1875, %and3A_1886 : vector<16xi1>
      %eq3A_1888 = arith.cmpi eq, %gather3A_1799, %gather3A_1881 : vector<16xi32>
      %or3A_1889 = arith.ori %or3A_1877, %eq3A_1888 : vector<16xi1>
      %add3A_1890 = arith.constant 7 : i32
      %add3A_1891 = arith.addi %add3A_1509, %add3A_1890 : i32
      %broadcast_in_dim3A_1892 = vector.broadcast %add3A_1891 : i32 to vector<16xi32>
      %gather3A_1893 = tpu.vector_load_idx %arg6[%broadcast_in_dim3A_1892] : memref<1408xi32, #tpu.memory_space<vmem>>[vector<16xi32>], vector<16xi32>,
      %eq3A_1894 = arith.cmpi eq, %gather3A_1794, %gather3A_1893 : vector<16xi32>
      %gt3A_1895 = arith.constant 7 : i32
      %gt3A_1896 = vector.broadcast %gt3A_1895 : i32 to vector<16xi32>
      %gt3A_1897 = arith.cmpi sgt, %iota3A_1514, %gt3A_1896 : vector<16xi32>
      %and3A_1898 = arith.andi %eq3A_1894, %gt3A_1897 : vector<16xi1>
      %or3A_1899 = arith.ori %or3A_1887, %and3A_1898 : vector<16xi1>
      %eq3A_1900 = arith.cmpi eq, %gather3A_1799, %gather3A_1893 : vector<16xi32>
      %or3A_1901 = arith.ori %or3A_1889, %eq3A_1900 : vector<16xi1>
      %add3A_1902 = arith.constant 8 : i32
      %add3A_1903 = arith.addi %add3A_1509, %add3A_1902 : i32
      %broadcast_in_dim3A_1904 = vector.broadcast %add3A_1903 : i32 to vector<16xi32>
      %gather3A_1905 = tpu.vector_load_idx %arg6[%broadcast_in_dim3A_1904] : memref<1408xi32, #tpu.memory_space<vmem>>[vector<16xi32>], vector<16xi32>,
      %eq3A_1906 = arith.cmpi eq, %gather3A_1794, %gather3A_1905 : vector<16xi32>
      %gt3A_1907 = arith.constant 8 : i32
      %gt3A_1908 = vector.broadcast %gt3A_1907 : i32 to vector<16xi32>
      %gt3A_1909 = arith.cmpi sgt, %iota3A_1514, %gt3A_1908 : vector<16xi32>
      %and3A_1910 = arith.andi %eq3A_1906, %gt3A_1909 : vector<16xi1>
      %or3A_1911 = arith.ori %or3A_1899, %and3A_1910 : vector<16xi1>
      %eq3A_1912 = arith.cmpi eq, %gather3A_1799, %gather3A_1905 : vector<16xi32>
      %or3A_1913 = arith.ori %or3A_1901, %eq3A_1912 : vector<16xi1>
      %add3A_1914 = arith.constant 9 : i32
      %add3A_1915 = arith.addi %add3A_1509, %add3A_1914 : i32
      %broadcast_in_dim3A_1916 = vector.broadcast %add3A_1915 : i32 to vector<16xi32>
      %gather3A_1917 = tpu.vector_load_idx %arg6[%broadcast_in_dim3A_1916] : memref<1408xi32, #tpu.memory_space<vmem>>[vector<16xi32>], vector<16xi32>,
      %eq3A_1918 = arith.cmpi eq, %gather3A_1794, %gather3A_1917 : vector<16xi32>
      %gt3A_1919 = arith.constant 9 : i32
      %gt3A_1920 = vector.broadcast %gt3A_1919 : i32 to vector<16xi32>
      %gt3A_1921 = arith.cmpi sgt, %iota3A_1514, %gt3A_1920 : vector<16xi32>
      %and3A_1922 = arith.andi %eq3A_1918, %gt3A_1921 : vector<16xi1>
      %or3A_1923 = arith.ori %or3A_1911, %and3A_1922 : vector<16xi1>
      %eq3A_1924 = arith.cmpi eq, %gather3A_1799, %gather3A_1917 : vector<16xi32>
      %or3A_1925 = arith.ori %or3A_1913, %eq3A_1924 : vector<16xi1>
      %add3A_1926 = arith.constant 10 : i32
      %add3A_1927 = arith.addi %add3A_1509, %add3A_1926 : i32
      %broadcast_in_dim3A_1928 = vector.broadcast %add3A_1927 : i32 to vector<16xi32>
      %gather3A_1929 = tpu.vector_load_idx %arg6[%broadcast_in_dim3A_1928] : memref<1408xi32, #tpu.memory_space<vmem>>[vector<16xi32>], vector<16xi32>,
      %eq3A_1930 = arith.cmpi eq, %gather3A_1794, %gather3A_1929 : vector<16xi32>
      %gt3A_1931 = arith.constant 10 : i32
      %gt3A_1932 = vector.broadcast %gt3A_1931 : i32 to vector<16xi32>
      %gt3A_1933 = arith.cmpi sgt, %iota3A_1514, %gt3A_1932 : vector<16xi32>
      %and3A_1934 = arith.andi %eq3A_1930, %gt3A_1933 : vector<16xi1>
      %or3A_1935 = arith.ori %or3A_1923, %and3A_1934 : vector<16xi1>
      %eq3A_1936 = arith.cmpi eq, %gather3A_1799, %gather3A_1929 : vector<16xi32>
      %or3A_1937 = arith.ori %or3A_1925, %eq3A_1936 : vector<16xi1>
      %add3A_1938 = arith.constant 11 : i32
      %add3A_1939 = arith.addi %add3A_1509, %add3A_1938 : i32
      %broadcast_in_dim3A_1940 = vector.broadcast %add3A_1939 : i32 to vector<16xi32>
      %gather3A_1941 = tpu.vector_load_idx %arg6[%broadcast_in_dim3A_1940] : memref<1408xi32, #tpu.memory_space<vmem>>[vector<16xi32>], vector<16xi32>,
      %eq3A_1942 = arith.cmpi eq, %gather3A_1794, %gather3A_1941 : vector<16xi32>
      %gt3A_1943 = arith.constant 11 : i32
      %gt3A_1944 = vector.broadcast %gt3A_1943 : i32 to vector<16xi32>
      %gt3A_1945 = arith.cmpi sgt, %iota3A_1514, %gt3A_1944 : vector<16xi32>
      %and3A_1946 = arith.andi %eq3A_1942, %gt3A_1945 : vector<16xi1>
      %or3A_1947 = arith.ori %or3A_1935, %and3A_1946 : vector<16xi1>
      %eq3A_1948 = arith.cmpi eq, %gather3A_1799, %gather3A_1941 : vector<16xi32>
      %or3A_1949 = arith.ori %or3A_1937, %eq3A_1948 : vector<16xi1>
      %add3A_1950 = arith.constant 12 : i32
      %add3A_1951 = arith.addi %add3A_1509, %add3A_1950 : i32
      %broadcast_in_dim3A_1952 = vector.broadcast %add3A_1951 : i32 to vector<16xi32>
      %gather3A_1953 = tpu.vector_load_idx %arg6[%broadcast_in_dim3A_1952] : memref<1408xi32, #tpu.memory_space<vmem>>[vector<16xi32>], vector<16xi32>,
      %eq3A_1954 = arith.cmpi eq, %gather3A_1794, %gather3A_1953 : vector<16xi32>
      %gt3A_1955 = arith.constant 12 : i32
      %gt3A_1956 = vector.broadcast %gt3A_1955 : i32 to vector<16xi32>
      %gt3A_1957 = arith.cmpi sgt, %iota3A_1514, %gt3A_1956 : vector<16xi32>
      %and3A_1958 = arith.andi %eq3A_1954, %gt3A_1957 : vector<16xi1>
      %or3A_1959 = arith.ori %or3A_1947, %and3A_1958 : vector<16xi1>
      %eq3A_1960 = arith.cmpi eq, %gather3A_1799, %gather3A_1953 : vector<16xi32>
      %or3A_1961 = arith.ori %or3A_1949, %eq3A_1960 : vector<16xi1>
      %add3A_1962 = arith.constant 13 : i32
      %add3A_1963 = arith.addi %add3A_1509, %add3A_1962 : i32
      %broadcast_in_dim3A_1964 = vector.broadcast %add3A_1963 : i32 to vector<16xi32>
      %gather3A_1965 = tpu.vector_load_idx %arg6[%broadcast_in_dim3A_1964] : memref<1408xi32, #tpu.memory_space<vmem>>[vector<16xi32>], vector<16xi32>,
      %eq3A_1966 = arith.cmpi eq, %gather3A_1794, %gather3A_1965 : vector<16xi32>
      %gt3A_1967 = arith.constant 13 : i32
      %gt3A_1968 = vector.broadcast %gt3A_1967 : i32 to vector<16xi32>
      %gt3A_1969 = arith.cmpi sgt, %iota3A_1514, %gt3A_1968 : vector<16xi32>
      %and3A_1970 = arith.andi %eq3A_1966, %gt3A_1969 : vector<16xi1>
      %or3A_1971 = arith.ori %or3A_1959, %and3A_1970 : vector<16xi1>
      %eq3A_1972 = arith.cmpi eq, %gather3A_1799, %gather3A_1965 : vector<16xi32>
      %or3A_1973 = arith.ori %or3A_1961, %eq3A_1972 : vector<16xi1>
      %add3A_1974 = arith.constant 14 : i32
      %add3A_1975 = arith.addi %add3A_1509, %add3A_1974 : i32
      %broadcast_in_dim3A_1976 = vector.broadcast %add3A_1975 : i32 to vector<16xi32>
      %gather3A_1977 = tpu.vector_load_idx %arg6[%broadcast_in_dim3A_1976] : memref<1408xi32, #tpu.memory_space<vmem>>[vector<16xi32>], vector<16xi32>,
      %eq3A_1978 = arith.cmpi eq, %gather3A_1794, %gather3A_1977 : vector<16xi32>
      %gt3A_1979 = arith.constant 14 : i32
      %gt3A_1980 = vector.broadcast %gt3A_1979 : i32 to vector<16xi32>
      %gt3A_1981 = arith.cmpi sgt, %iota3A_1514, %gt3A_1980 : vector<16xi32>
      %and3A_1982 = arith.andi %eq3A_1978, %gt3A_1981 : vector<16xi1>
      %or3A_1983 = arith.ori %or3A_1971, %and3A_1982 : vector<16xi1>
      %eq3A_1984 = arith.cmpi eq, %gather3A_1799, %gather3A_1977 : vector<16xi32>
      %or3A_1985 = arith.ori %or3A_1973, %eq3A_1984 : vector<16xi1>
      %add3A_1986 = arith.constant 15 : i32
      %add3A_1987 = arith.addi %add3A_1509, %add3A_1986 : i32
      %broadcast_in_dim3A_1988 = vector.broadcast %add3A_1987 : i32 to vector<16xi32>
      %gather3A_1989 = tpu.vector_load_idx %arg6[%broadcast_in_dim3A_1988] : memref<1408xi32, #tpu.memory_space<vmem>>[vector<16xi32>], vector<16xi32>,
      %eq3A_1990 = arith.cmpi eq, %gather3A_1794, %gather3A_1989 : vector<16xi32>
      %gt3A_1991 = arith.constant 15 : i32
      %gt3A_1992 = vector.broadcast %gt3A_1991 : i32 to vector<16xi32>
      %gt3A_1993 = arith.cmpi sgt, %iota3A_1514, %gt3A_1992 : vector<16xi32>
      %and3A_1994 = arith.andi %eq3A_1990, %gt3A_1993 : vector<16xi1>
      %or3A_1995 = arith.ori %or3A_1983, %and3A_1994 : vector<16xi1>
      %eq3A_1996 = arith.cmpi eq, %gather3A_1799, %gather3A_1989 : vector<16xi32>
      %or3A_1997 = arith.ori %or3A_1985, %eq3A_1996 : vector<16xi1>
      %add3A_1998 = arith.constant 16 : i32
      %add3A_1999 = arith.addi %add3A_1509, %add3A_1998 : i32
      %broadcast_in_dim3A_2000 = vector.broadcast %add3A_1999 : i32 to vector<16xi32>
      %gather3A_2001 = tpu.vector_load_idx %arg6[%broadcast_in_dim3A_2000] : memref<1408xi32, #tpu.memory_space<vmem>>[vector<16xi32>], vector<16xi32>,
      %eq3A_2002 = arith.cmpi eq, %gather3A_1799, %gather3A_2001 : vector<16xi32>
      %gt3A_2003 = arith.constant 0 : i32
      %gt3A_2004 = vector.broadcast %gt3A_2003 : i32 to vector<16xi32>
      %gt3A_2005 = arith.cmpi sgt, %iota3A_1514, %gt3A_2004 : vector<16xi32>
      %and3A_2006 = arith.andi %eq3A_2002, %gt3A_2005 : vector<16xi1>
      %or3A_2007 = arith.ori %or3A_1997, %and3A_2006 : vector<16xi1>
      %add3A_2008 = arith.constant 17 : i32
      %add3A_2009 = arith.addi %add3A_1509, %add3A_2008 : i32
      %broadcast_in_dim3A_2010 = vector.broadcast %add3A_2009 : i32 to vector<16xi32>
      %gather3A_2011 = tpu.vector_load_idx %arg6[%broadcast_in_dim3A_2010] : memref<1408xi32, #tpu.memory_space<vmem>>[vector<16xi32>], vector<16xi32>,
      %eq3A_2012 = arith.cmpi eq, %gather3A_1799, %gather3A_2011 : vector<16xi32>
      %gt3A_2013 = arith.constant 1 : i32
      %gt3A_2014 = vector.broadcast %gt3A_2013 : i32 to vector<16xi32>
      %gt3A_2015 = arith.cmpi sgt, %iota3A_1514, %gt3A_2014 : vector<16xi32>
      %and3A_2016 = arith.andi %eq3A_2012, %gt3A_2015 : vector<16xi1>
      %or3A_2017 = arith.ori %or3A_2007, %and3A_2016 : vector<16xi1>
      %add3A_2018 = arith.constant 18 : i32
      %add3A_2019 = arith.addi %add3A_1509, %add3A_2018 : i32
      %broadcast_in_dim3A_2020 = vector.broadcast %add3A_2019 : i32 to vector<16xi32>
      %gather3A_2021 = tpu.vector_load_idx %arg6[%broadcast_in_dim3A_2020] : memref<1408xi32, #tpu.memory_space<vmem>>[vector<16xi32>], vector<16xi32>,
      %eq3A_2022 = arith.cmpi eq, %gather3A_1799, %gather3A_2021 : vector<16xi32>
      %gt3A_2023 = arith.constant 2 : i32
      %gt3A_2024 = vector.broadcast %gt3A_2023 : i32 to vector<16xi32>
      %gt3A_2025 = arith.cmpi sgt, %iota3A_1514, %gt3A_2024 : vector<16xi32>
      %and3A_2026 = arith.andi %eq3A_2022, %gt3A_2025 : vector<16xi1>
      %or3A_2027 = arith.ori %or3A_2017, %and3A_2026 : vector<16xi1>
      %add3A_2028 = arith.constant 19 : i32
      %add3A_2029 = arith.addi %add3A_1509, %add3A_2028 : i32
      %broadcast_in_dim3A_2030 = vector.broadcast %add3A_2029 : i32 to vector<16xi32>
      %gather3A_2031 = tpu.vector_load_idx %arg6[%broadcast_in_dim3A_2030] : memref<1408xi32, #tpu.memory_space<vmem>>[vector<16xi32>], vector<16xi32>,
      %eq3A_2032 = arith.cmpi eq, %gather3A_1799, %gather3A_2031 : vector<16xi32>
      %gt3A_2033 = arith.constant 3 : i32
      %gt3A_2034 = vector.broadcast %gt3A_2033 : i32 to vector<16xi32>
      %gt3A_2035 = arith.cmpi sgt, %iota3A_1514, %gt3A_2034 : vector<16xi32>
      %and3A_2036 = arith.andi %eq3A_2032, %gt3A_2035 : vector<16xi1>
      %or3A_2037 = arith.ori %or3A_2027, %and3A_2036 : vector<16xi1>
      %add3A_2038 = arith.constant 20 : i32
      %add3A_2039 = arith.addi %add3A_1509, %add3A_2038 : i32
      %broadcast_in_dim3A_2040 = vector.broadcast %add3A_2039 : i32 to vector<16xi32>
      %gather3A_2041 = tpu.vector_load_idx %arg6[%broadcast_in_dim3A_2040] : memref<1408xi32, #tpu.memory_space<vmem>>[vector<16xi32>], vector<16xi32>,
      %eq3A_2042 = arith.cmpi eq, %gather3A_1799, %gather3A_2041 : vector<16xi32>
      %gt3A_2043 = arith.constant 4 : i32
      %gt3A_2044 = vector.broadcast %gt3A_2043 : i32 to vector<16xi32>
      %gt3A_2045 = arith.cmpi sgt, %iota3A_1514, %gt3A_2044 : vector<16xi32>
      %and3A_2046 = arith.andi %eq3A_2042, %gt3A_2045 : vector<16xi1>
      %or3A_2047 = arith.ori %or3A_2037, %and3A_2046 : vector<16xi1>
      %exp3A_2048 = math.exp %add3A_1633 : vector<16xf32>
      %exp3A_2049 = math.exp %add3A_1712 : vector<16xf32>
      %exp3A_2050 = math.exp %add3A_1791 : vector<16xf32>
      %ge3A_2051 = arith.constant 1 : i32
      %ge3A_2052 = vector.broadcast %ge3A_2051 : i32 to vector<16xi32>
      %ge3A_2053 = arith.cmpi sge, %iota3A_1514, %ge3A_2052 : vector<16xi32>
      %select_n3A_2054 = arith.select %ge3A_2053, %add3A_1633, %broadcast_in_dim3A_1519 : vector<16xi1>, vector<16xf32>
      %lt3A_2055 = arith.constant 5 : i32
      %lt3A_2056 = vector.broadcast %lt3A_2055 : i32 to vector<16xi32>
      %lt3A_2057 = arith.cmpi slt, %iota3A_1514, %lt3A_2056 : vector<16xi32>
      %select_n3A_2058 = arith.select %lt3A_2057, %add3A_1712, %broadcast_in_dim3A_1519 : vector<16xi1>, vector<16xf32>
      %add3A_2059 = arith.addf %select_n3A_2054, %select_n3A_2058 : vector<16xf32>
      %select_n3A_2060 = arith.select %or3A_1995, %broadcast_in_dim3A_1519, %exp3A_2048 : vector<16xi1>, vector<16xf32>
      %lt3A_2061 = arith.constant 5 : i32
      %lt3A_2062 = vector.broadcast %lt3A_2061 : i32 to vector<16xi32>
      %lt3A_2063 = arith.cmpi slt, %iota3A_1514, %lt3A_2062 : vector<16xi32>
      %and3A_2064 = arith.andi %or3A_2047, %lt3A_2063 : vector<16xi1>
      %select_n3A_2065 = arith.select %and3A_2064, %broadcast_in_dim3A_1519, %exp3A_2049 : vector<16xi1>, vector<16xf32>
      %add3A_2066 = arith.addf %select_n3A_2060, %select_n3A_2065 : vector<16xf32>
      %lt3A_2067 = arith.constant 9 : i32
      %lt3A_2068 = vector.broadcast %lt3A_2067 : i32 to vector<16xi32>
      %lt3A_2069 = arith.cmpi slt, %iota3A_1514, %lt3A_2068 : vector<16xi32>
      %select_n3A_2070 = arith.select %lt3A_2069, %exp3A_2050, %broadcast_in_dim3A_1519 : vector<16xi1>, vector<16xf32>
      %add3A_2071 = arith.addf %add3A_2066, %select_n3A_2070 : vector<16xf32>
      %mul3A_2072 = arith.constant 16 : i32
      %mul3A_2073 = arith.muli %add3A_1513, %mul3A_2072 : i32
      %swap3A_2074 = arith.index_cast %mul3A_2073 : i32 to index
      %swap3A_2075 = tpu.vector_load %arg11[%swap3A_2074] {strides = array<i32>} : memref<512xf32, #tpu.memory_space<vmem>>, vector<16xf32>,
      tpu.vector_store %arg11[%swap3A_2074], %add3A_2059 {strides = array<i32>} : memref<512xf32, #tpu.memory_space<vmem>>, vector<16xf32>,
      %mul3A_2076 = arith.constant 16 : i32
      %mul3A_2077 = arith.muli %add3A_1513, %mul3A_2076 : i32
      %swap3A_2078 = arith.index_cast %mul3A_2077 : i32 to index
      %swap3A_2079 = tpu.vector_load %arg10[%swap3A_2078] {strides = array<i32>} : memref<512xf32, #tpu.memory_space<vmem>>, vector<16xf32>,
      tpu.vector_store %arg10[%swap3A_2078], %add3A_2071 {strides = array<i32>} : memref<512xf32, #tpu.memory_space<vmem>>, vector<16xf32>,
      %mul3A_2080 = arith.constant 88 : i32
      %mul3A_2081 = arith.muli %add3A_1499, %mul3A_2080 : i32
      %add3A_2082 = arith.constant 41 : i32
      %add3A_2083 = arith.addi %mul3A_2081, %add3A_2082 : i32
      %mul3A_2084 = arith.constant 2 : i32
      %mul3A_2085 = arith.muli %mul3A_2084, %add3A_1499 : i32
      %add3A_2086 = arith.constant 1 : i32
      %add3A_2087 = arith.addi %mul3A_2085, %add3A_2086 : i32
      %iota3A_2088 = tpu.iota {dimensions = array<i32: 0>} : vector<16xi32>
      %mul3A_2089 = arith.constant 16 : i32
      %mul3A_2090 = vector.broadcast %mul3A_2089 : i32 to vector<16xi32>
      %mul3A_2091 = arith.muli %iota3A_2088, %mul3A_2090 : vector<16xi32>
      %broadcast_in_dim3A_2092 = arith.constant 0.000000e+00 : f32
      %broadcast_in_dim3A_2093 = vector.broadcast %broadcast_in_dim3A_2092 : f32 to vector<16xf32>
      %get3A_2094 = arith.constant 41 : i32
      %get3A_2095 = arith.index_cast %get3A_2094 : i32 to index
      %get3A_2096 = arith.constant 0 : index
      %get3A_2097 = tpu.vector_load %arg8[%get3A_2095, %get3A_2096] {strides = array<i32>} : memref<82x128xf32, #tpu.memory_space<vmem>>, vector<16xf32>,
      %get3A_2098 = arith.constant 41 : i32
      %get3A_2099 = arith.index_cast %get3A_2098 : i32 to index
      %get3A_2100 = arith.constant 16 : index
      %get3A_2101 = tpu.vector_load %arg8[%get3A_2099, %get3A_2100] {strides = array<i32>} : memref<82x128xf32, #tpu.memory_space<vmem>>, vector<16xf32>,
      %get3A_2102 = arith.constant 41 : i32
      %get3A_2103 = arith.index_cast %get3A_2102 : i32 to index
      %get3A_2104 = arith.constant 32 : index
      %get3A_2105 = tpu.vector_load %arg8[%get3A_2103, %get3A_2104] {strides = array<i32>} : memref<82x128xf32, #tpu.memory_space<vmem>>, vector<16xf32>,
      %get3A_2106 = arith.constant 41 : i32
      %get3A_2107 = arith.index_cast %get3A_2106 : i32 to index
      %get3A_2108 = arith.constant 48 : index
      %get3A_2109 = tpu.vector_load %arg8[%get3A_2107, %get3A_2108] {strides = array<i32>} : memref<82x128xf32, #tpu.memory_space<vmem>>, vector<16xf32>,
      %get3A_2110 = arith.constant 41 : i32
      %get3A_2111 = arith.index_cast %get3A_2110 : i32 to index
      %get3A_2112 = arith.constant 64 : index
      %get3A_2113 = tpu.vector_load %arg8[%get3A_2111, %get3A_2112] {strides = array<i32>} : memref<82x128xf32, #tpu.memory_space<vmem>>, vector<16xf32>,
      %get3A_2114 = arith.constant 41 : i32
      %get3A_2115 = arith.index_cast %get3A_2114 : i32 to index
      %get3A_2116 = arith.constant 80 : index
      %get3A_2117 = tpu.vector_load %arg8[%get3A_2115, %get3A_2116] {strides = array<i32>} : memref<82x128xf32, #tpu.memory_space<vmem>>, vector<16xf32>,
      %get3A_2118 = arith.constant 41 : i32
      %get3A_2119 = arith.index_cast %get3A_2118 : i32 to index
      %get3A_2120 = arith.constant 96 : index
      %get3A_2121 = tpu.vector_load %arg8[%get3A_2119, %get3A_2120] {strides = array<i32>} : memref<82x128xf32, #tpu.memory_space<vmem>>, vector<16xf32>,
      %get3A_2122 = arith.constant 41 : i32
      %get3A_2123 = arith.index_cast %get3A_2122 : i32 to index
      %get3A_2124 = arith.constant 112 : index
      %get3A_2125 = tpu.vector_load %arg8[%get3A_2123, %get3A_2124] {strides = array<i32>} : memref<82x128xf32, #tpu.memory_space<vmem>>, vector<16xf32>,
      %parallel_loop3A_2126 = arith.constant 0 : i32
      %parallel_loop3A_2127 = arith.constant 41 : i32
      %parallel_loop3A_2128 = arith.constant 1 : i32
      scf.for %parallel_loop3A_2661 = %parallel_loop3A_2126 to %parallel_loop3A_2127 step %parallel_loop3A_2128  : i32 {
        %parallel_loop3A_2662 = arith.constant 41 : i32
        %parallel_loop3A_2663 = arith.addi %parallel_loop3A_2662, %parallel_loop3A_2661 : i32
        %parallel_loop3A_2664 = arith.index_cast %parallel_loop3A_2663 : i32 to index
        %parallel_loop3A_2665 = arith.constant 0 : index
        %parallel_loop3A_2666 = tpu.vector_load %arg8[%parallel_loop3A_2664, %parallel_loop3A_2665] {strides = array<i32>} : memref<82x128xf32, #tpu.memory_space<vmem>>, vector<16xf32>,
        %parallel_loop3A_2667 = arith.mulf %get3A_2097, %parallel_loop3A_2666 : vector<16xf32>
        %parallel_loop3A_2668 = arith.constant 41 : i32
        %parallel_loop3A_2669 = arith.addi %parallel_loop3A_2668, %parallel_loop3A_2661 : i32
        %parallel_loop3A_2670 = arith.index_cast %parallel_loop3A_2669 : i32 to index
        %parallel_loop3A_2671 = arith.constant 16 : index
        %parallel_loop3A_2672 = tpu.vector_load %arg8[%parallel_loop3A_2670, %parallel_loop3A_2671] {strides = array<i32>} : memref<82x128xf32, #tpu.memory_space<vmem>>, vector<16xf32>,
        %parallel_loop3A_2673 = arith.mulf %get3A_2101, %parallel_loop3A_2672 : vector<16xf32>
        %parallel_loop3A_2674 = arith.addf %parallel_loop3A_2667, %parallel_loop3A_2673 : vector<16xf32>
        %parallel_loop3A_2675 = arith.constant 41 : i32
        %parallel_loop3A_2676 = arith.addi %parallel_loop3A_2675, %parallel_loop3A_2661 : i32
        %parallel_loop3A_2677 = arith.index_cast %parallel_loop3A_2676 : i32 to index
        %parallel_loop3A_2678 = arith.constant 32 : index
        %parallel_loop3A_2679 = tpu.vector_load %arg8[%parallel_loop3A_2677, %parallel_loop3A_2678] {strides = array<i32>} : memref<82x128xf32, #tpu.memory_space<vmem>>, vector<16xf32>,
        %parallel_loop3A_2680 = arith.mulf %get3A_2105, %parallel_loop3A_2679 : vector<16xf32>
        %parallel_loop3A_2681 = arith.addf %parallel_loop3A_2674, %parallel_loop3A_2680 : vector<16xf32>
        %parallel_loop3A_2682 = arith.constant 41 : i32
        %parallel_loop3A_2683 = arith.addi %parallel_loop3A_2682, %parallel_loop3A_2661 : i32
        %parallel_loop3A_2684 = arith.index_cast %parallel_loop3A_2683 : i32 to index
        %parallel_loop3A_2685 = arith.constant 48 : index
        %parallel_loop3A_2686 = tpu.vector_load %arg8[%parallel_loop3A_2684, %parallel_loop3A_2685] {strides = array<i32>} : memref<82x128xf32, #tpu.memory_space<vmem>>, vector<16xf32>,
        %parallel_loop3A_2687 = arith.mulf %get3A_2109, %parallel_loop3A_2686 : vector<16xf32>
        %parallel_loop3A_2688 = arith.addf %parallel_loop3A_2681, %parallel_loop3A_2687 : vector<16xf32>
        %parallel_loop3A_2689 = arith.constant 41 : i32
        %parallel_loop3A_2690 = arith.addi %parallel_loop3A_2689, %parallel_loop3A_2661 : i32
        %parallel_loop3A_2691 = arith.index_cast %parallel_loop3A_2690 : i32 to index
        %parallel_loop3A_2692 = arith.constant 64 : index
        %parallel_loop3A_2693 = tpu.vector_load %arg8[%parallel_loop3A_2691, %parallel_loop3A_2692] {strides = array<i32>} : memref<82x128xf32, #tpu.memory_space<vmem>>, vector<16xf32>,
        %parallel_loop3A_2694 = arith.mulf %get3A_2113, %parallel_loop3A_2693 : vector<16xf32>
        %parallel_loop3A_2695 = arith.addf %parallel_loop3A_2688, %parallel_loop3A_2694 : vector<16xf32>
        %parallel_loop3A_2696 = arith.constant 41 : i32
        %parallel_loop3A_2697 = arith.addi %parallel_loop3A_2696, %parallel_loop3A_2661 : i32
        %parallel_loop3A_2698 = arith.index_cast %parallel_loop3A_2697 : i32 to index
        %parallel_loop3A_2699 = arith.constant 80 : index
        %parallel_loop3A_2700 = tpu.vector_load %arg8[%parallel_loop3A_2698, %parallel_loop3A_2699] {strides = array<i32>} : memref<82x128xf32, #tpu.memory_space<vmem>>, vector<16xf32>,
        %parallel_loop3A_2701 = arith.mulf %get3A_2117, %parallel_loop3A_2700 : vector<16xf32>
        %parallel_loop3A_2702 = arith.addf %parallel_loop3A_2695, %parallel_loop3A_2701 : vector<16xf32>
        %parallel_loop3A_2703 = arith.constant 41 : i32
        %parallel_loop3A_2704 = arith.addi %parallel_loop3A_2703, %parallel_loop3A_2661 : i32
        %parallel_loop3A_2705 = arith.index_cast %parallel_loop3A_2704 : i32 to index
        %parallel_loop3A_2706 = arith.constant 96 : index
        %parallel_loop3A_2707 = tpu.vector_load %arg8[%parallel_loop3A_2705, %parallel_loop3A_2706] {strides = array<i32>} : memref<82x128xf32, #tpu.memory_space<vmem>>, vector<16xf32>,
        %parallel_loop3A_2708 = arith.mulf %get3A_2121, %parallel_loop3A_2707 : vector<16xf32>
        %parallel_loop3A_2709 = arith.addf %parallel_loop3A_2702, %parallel_loop3A_2708 : vector<16xf32>
        %parallel_loop3A_2710 = arith.constant 41 : i32
        %parallel_loop3A_2711 = arith.addi %parallel_loop3A_2710, %parallel_loop3A_2661 : i32
        %parallel_loop3A_2712 = arith.index_cast %parallel_loop3A_2711 : i32 to index
        %parallel_loop3A_2713 = arith.constant 112 : index
        %parallel_loop3A_2714 = tpu.vector_load %arg8[%parallel_loop3A_2712, %parallel_loop3A_2713] {strides = array<i32>} : memref<82x128xf32, #tpu.memory_space<vmem>>, vector<16xf32>,
        %parallel_loop3A_2715 = arith.mulf %get3A_2125, %parallel_loop3A_2714 : vector<16xf32>
        %parallel_loop3A_2716 = arith.addf %parallel_loop3A_2709, %parallel_loop3A_2715 : vector<16xf32>
        %parallel_loop3A_2717 = arith.constant 16 : i32
        %parallel_loop3A_2718 = arith.muli %parallel_loop3A_2661, %parallel_loop3A_2717 : i32
        %parallel_loop3A_2719 = arith.index_cast %parallel_loop3A_2718 : i32 to index
        %parallel_loop3A_2720 = tpu.vector_load %arg9[%parallel_loop3A_2719] {strides = array<i32>} : memref<656xf32, #tpu.memory_space<vmem>>, vector<16xf32>,
        tpu.vector_store %arg9[%parallel_loop3A_2719], %parallel_loop3A_2716 {strides = array<i32>} : memref<656xf32, #tpu.memory_space<vmem>>, vector<16xf32>,
      } {sc.loop_unroll_factor = 4 : i64, sc.parallel_access}
      %add3A_2129 = arith.constant 0 : i32
      %add3A_2130 = vector.broadcast %add3A_2129 : i32 to vector<16xi32>
      %add3A_2131 = arith.addi %mul3A_2091, %add3A_2130 : vector<16xi32>
      %gather3A_2132 = tpu.vector_load_idx %arg9[%add3A_2131] : memref<656xf32, #tpu.memory_space<vmem>>[vector<16xi32>], vector<16xf32>,
      %add3A_2133 = arith.constant 1 : i32
      %add3A_2134 = vector.broadcast %add3A_2133 : i32 to vector<16xi32>
      %add3A_2135 = arith.addi %mul3A_2091, %add3A_2134 : vector<16xi32>
      %gather3A_2136 = tpu.vector_load_idx %arg9[%add3A_2135] : memref<656xf32, #tpu.memory_space<vmem>>[vector<16xi32>], vector<16xf32>,
      %add3A_2137 = arith.addf %gather3A_2132, %gather3A_2136 : vector<16xf32>
      %add3A_2138 = arith.constant 2 : i32
      %add3A_2139 = vector.broadcast %add3A_2138 : i32 to vector<16xi32>
      %add3A_2140 = arith.addi %mul3A_2091, %add3A_2139 : vector<16xi32>
      %gather3A_2141 = tpu.vector_load_idx %arg9[%add3A_2140] : memref<656xf32, #tpu.memory_space<vmem>>[vector<16xi32>], vector<16xf32>,
      %add3A_2142 = arith.addf %add3A_2137, %gather3A_2141 : vector<16xf32>
      %add3A_2143 = arith.constant 3 : i32
      %add3A_2144 = vector.broadcast %add3A_2143 : i32 to vector<16xi32>
      %add3A_2145 = arith.addi %mul3A_2091, %add3A_2144 : vector<16xi32>
      %gather3A_2146 = tpu.vector_load_idx %arg9[%add3A_2145] : memref<656xf32, #tpu.memory_space<vmem>>[vector<16xi32>], vector<16xf32>,
      %add3A_2147 = arith.addf %add3A_2142, %gather3A_2146 : vector<16xf32>
      %add3A_2148 = arith.constant 4 : i32
      %add3A_2149 = vector.broadcast %add3A_2148 : i32 to vector<16xi32>
      %add3A_2150 = arith.addi %mul3A_2091, %add3A_2149 : vector<16xi32>
      %gather3A_2151 = tpu.vector_load_idx %arg9[%add3A_2150] : memref<656xf32, #tpu.memory_space<vmem>>[vector<16xi32>], vector<16xf32>,
      %add3A_2152 = arith.addf %add3A_2147, %gather3A_2151 : vector<16xf32>
      %add3A_2153 = arith.constant 5 : i32
      %add3A_2154 = vector.broadcast %add3A_2153 : i32 to vector<16xi32>
      %add3A_2155 = arith.addi %mul3A_2091, %add3A_2154 : vector<16xi32>
      %gather3A_2156 = tpu.vector_load_idx %arg9[%add3A_2155] : memref<656xf32, #tpu.memory_space<vmem>>[vector<16xi32>], vector<16xf32>,
      %add3A_2157 = arith.addf %add3A_2152, %gather3A_2156 : vector<16xf32>
      %add3A_2158 = arith.constant 6 : i32
      %add3A_2159 = vector.broadcast %add3A_2158 : i32 to vector<16xi32>
      %add3A_2160 = arith.addi %mul3A_2091, %add3A_2159 : vector<16xi32>
      %gather3A_2161 = tpu.vector_load_idx %arg9[%add3A_2160] : memref<656xf32, #tpu.memory_space<vmem>>[vector<16xi32>], vector<16xf32>,
      %add3A_2162 = arith.addf %add3A_2157, %gather3A_2161 : vector<16xf32>
      %add3A_2163 = arith.constant 7 : i32
      %add3A_2164 = vector.broadcast %add3A_2163 : i32 to vector<16xi32>
      %add3A_2165 = arith.addi %mul3A_2091, %add3A_2164 : vector<16xi32>
      %gather3A_2166 = tpu.vector_load_idx %arg9[%add3A_2165] : memref<656xf32, #tpu.memory_space<vmem>>[vector<16xi32>], vector<16xf32>,
      %add3A_2167 = arith.addf %add3A_2162, %gather3A_2166 : vector<16xf32>
      %add3A_2168 = arith.constant 8 : i32
      %add3A_2169 = vector.broadcast %add3A_2168 : i32 to vector<16xi32>
      %add3A_2170 = arith.addi %mul3A_2091, %add3A_2169 : vector<16xi32>
      %gather3A_2171 = tpu.vector_load_idx %arg9[%add3A_2170] : memref<656xf32, #tpu.memory_space<vmem>>[vector<16xi32>], vector<16xf32>,
      %add3A_2172 = arith.addf %add3A_2167, %gather3A_2171 : vector<16xf32>
      %add3A_2173 = arith.constant 9 : i32
      %add3A_2174 = vector.broadcast %add3A_2173 : i32 to vector<16xi32>
      %add3A_2175 = arith.addi %mul3A_2091, %add3A_2174 : vector<16xi32>
      %gather3A_2176 = tpu.vector_load_idx %arg9[%add3A_2175] : memref<656xf32, #tpu.memory_space<vmem>>[vector<16xi32>], vector<16xf32>,
      %add3A_2177 = arith.addf %add3A_2172, %gather3A_2176 : vector<16xf32>
      %add3A_2178 = arith.constant 10 : i32
      %add3A_2179 = vector.broadcast %add3A_2178 : i32 to vector<16xi32>
      %add3A_2180 = arith.addi %mul3A_2091, %add3A_2179 : vector<16xi32>
      %gather3A_2181 = tpu.vector_load_idx %arg9[%add3A_2180] : memref<656xf32, #tpu.memory_space<vmem>>[vector<16xi32>], vector<16xf32>,
      %add3A_2182 = arith.addf %add3A_2177, %gather3A_2181 : vector<16xf32>
      %add3A_2183 = arith.constant 11 : i32
      %add3A_2184 = vector.broadcast %add3A_2183 : i32 to vector<16xi32>
      %add3A_2185 = arith.addi %mul3A_2091, %add3A_2184 : vector<16xi32>
      %gather3A_2186 = tpu.vector_load_idx %arg9[%add3A_2185] : memref<656xf32, #tpu.memory_space<vmem>>[vector<16xi32>], vector<16xf32>,
      %add3A_2187 = arith.addf %add3A_2182, %gather3A_2186 : vector<16xf32>
      %add3A_2188 = arith.constant 12 : i32
      %add3A_2189 = vector.broadcast %add3A_2188 : i32 to vector<16xi32>
      %add3A_2190 = arith.addi %mul3A_2091, %add3A_2189 : vector<16xi32>
      %gather3A_2191 = tpu.vector_load_idx %arg9[%add3A_2190] : memref<656xf32, #tpu.memory_space<vmem>>[vector<16xi32>], vector<16xf32>,
      %add3A_2192 = arith.addf %add3A_2187, %gather3A_2191 : vector<16xf32>
      %add3A_2193 = arith.constant 13 : i32
      %add3A_2194 = vector.broadcast %add3A_2193 : i32 to vector<16xi32>
      %add3A_2195 = arith.addi %mul3A_2091, %add3A_2194 : vector<16xi32>
      %gather3A_2196 = tpu.vector_load_idx %arg9[%add3A_2195] : memref<656xf32, #tpu.memory_space<vmem>>[vector<16xi32>], vector<16xf32>,
      %add3A_2197 = arith.addf %add3A_2192, %gather3A_2196 : vector<16xf32>
      %add3A_2198 = arith.constant 14 : i32
      %add3A_2199 = vector.broadcast %add3A_2198 : i32 to vector<16xi32>
      %add3A_2200 = arith.addi %mul3A_2091, %add3A_2199 : vector<16xi32>
      %gather3A_2201 = tpu.vector_load_idx %arg9[%add3A_2200] : memref<656xf32, #tpu.memory_space<vmem>>[vector<16xi32>], vector<16xf32>,
      %add3A_2202 = arith.addf %add3A_2197, %gather3A_2201 : vector<16xf32>
      %add3A_2203 = arith.constant 15 : i32
      %add3A_2204 = vector.broadcast %add3A_2203 : i32 to vector<16xi32>
      %add3A_2205 = arith.addi %mul3A_2091, %add3A_2204 : vector<16xi32>
      %gather3A_2206 = tpu.vector_load_idx %arg9[%add3A_2205] : memref<656xf32, #tpu.memory_space<vmem>>[vector<16xi32>], vector<16xf32>,
      %add3A_2207 = arith.addf %add3A_2202, %gather3A_2206 : vector<16xf32>
      %add3A_2208 = arith.constant 256 : i32
      %add3A_2209 = vector.broadcast %add3A_2208 : i32 to vector<16xi32>
      %add3A_2210 = arith.addi %mul3A_2091, %add3A_2209 : vector<16xi32>
      %gather3A_2211 = tpu.vector_load_idx %arg9[%add3A_2210] : memref<656xf32, #tpu.memory_space<vmem>>[vector<16xi32>], vector<16xf32>,
      %add3A_2212 = arith.constant 257 : i32
      %add3A_2213 = vector.broadcast %add3A_2212 : i32 to vector<16xi32>
      %add3A_2214 = arith.addi %mul3A_2091, %add3A_2213 : vector<16xi32>
      %gather3A_2215 = tpu.vector_load_idx %arg9[%add3A_2214] : memref<656xf32, #tpu.memory_space<vmem>>[vector<16xi32>], vector<16xf32>,
      %add3A_2216 = arith.addf %gather3A_2211, %gather3A_2215 : vector<16xf32>
      %add3A_2217 = arith.constant 258 : i32
      %add3A_2218 = vector.broadcast %add3A_2217 : i32 to vector<16xi32>
      %add3A_2219 = arith.addi %mul3A_2091, %add3A_2218 : vector<16xi32>
      %gather3A_2220 = tpu.vector_load_idx %arg9[%add3A_2219] : memref<656xf32, #tpu.memory_space<vmem>>[vector<16xi32>], vector<16xf32>,
      %add3A_2221 = arith.addf %add3A_2216, %gather3A_2220 : vector<16xf32>
      %add3A_2222 = arith.constant 259 : i32
      %add3A_2223 = vector.broadcast %add3A_2222 : i32 to vector<16xi32>
      %add3A_2224 = arith.addi %mul3A_2091, %add3A_2223 : vector<16xi32>
      %gather3A_2225 = tpu.vector_load_idx %arg9[%add3A_2224] : memref<656xf32, #tpu.memory_space<vmem>>[vector<16xi32>], vector<16xf32>,
      %add3A_2226 = arith.addf %add3A_2221, %gather3A_2225 : vector<16xf32>
      %add3A_2227 = arith.constant 260 : i32
      %add3A_2228 = vector.broadcast %add3A_2227 : i32 to vector<16xi32>
      %add3A_2229 = arith.addi %mul3A_2091, %add3A_2228 : vector<16xi32>
      %gather3A_2230 = tpu.vector_load_idx %arg9[%add3A_2229] : memref<656xf32, #tpu.memory_space<vmem>>[vector<16xi32>], vector<16xf32>,
      %add3A_2231 = arith.addf %add3A_2226, %gather3A_2230 : vector<16xf32>
      %add3A_2232 = arith.constant 261 : i32
      %add3A_2233 = vector.broadcast %add3A_2232 : i32 to vector<16xi32>
      %add3A_2234 = arith.addi %mul3A_2091, %add3A_2233 : vector<16xi32>
      %gather3A_2235 = tpu.vector_load_idx %arg9[%add3A_2234] : memref<656xf32, #tpu.memory_space<vmem>>[vector<16xi32>], vector<16xf32>,
      %add3A_2236 = arith.addf %add3A_2231, %gather3A_2235 : vector<16xf32>
      %add3A_2237 = arith.constant 262 : i32
      %add3A_2238 = vector.broadcast %add3A_2237 : i32 to vector<16xi32>
      %add3A_2239 = arith.addi %mul3A_2091, %add3A_2238 : vector<16xi32>
      %gather3A_2240 = tpu.vector_load_idx %arg9[%add3A_2239] : memref<656xf32, #tpu.memory_space<vmem>>[vector<16xi32>], vector<16xf32>,
      %add3A_2241 = arith.addf %add3A_2236, %gather3A_2240 : vector<16xf32>
      %add3A_2242 = arith.constant 263 : i32
      %add3A_2243 = vector.broadcast %add3A_2242 : i32 to vector<16xi32>
      %add3A_2244 = arith.addi %mul3A_2091, %add3A_2243 : vector<16xi32>
      %gather3A_2245 = tpu.vector_load_idx %arg9[%add3A_2244] : memref<656xf32, #tpu.memory_space<vmem>>[vector<16xi32>], vector<16xf32>,
      %add3A_2246 = arith.addf %add3A_2241, %gather3A_2245 : vector<16xf32>
      %add3A_2247 = arith.constant 264 : i32
      %add3A_2248 = vector.broadcast %add3A_2247 : i32 to vector<16xi32>
      %add3A_2249 = arith.addi %mul3A_2091, %add3A_2248 : vector<16xi32>
      %gather3A_2250 = tpu.vector_load_idx %arg9[%add3A_2249] : memref<656xf32, #tpu.memory_space<vmem>>[vector<16xi32>], vector<16xf32>,
      %add3A_2251 = arith.addf %add3A_2246, %gather3A_2250 : vector<16xf32>
      %add3A_2252 = arith.constant 265 : i32
      %add3A_2253 = vector.broadcast %add3A_2252 : i32 to vector<16xi32>
      %add3A_2254 = arith.addi %mul3A_2091, %add3A_2253 : vector<16xi32>
      %gather3A_2255 = tpu.vector_load_idx %arg9[%add3A_2254] : memref<656xf32, #tpu.memory_space<vmem>>[vector<16xi32>], vector<16xf32>,
      %add3A_2256 = arith.addf %add3A_2251, %gather3A_2255 : vector<16xf32>
      %add3A_2257 = arith.constant 266 : i32
      %add3A_2258 = vector.broadcast %add3A_2257 : i32 to vector<16xi32>
      %add3A_2259 = arith.addi %mul3A_2091, %add3A_2258 : vector<16xi32>
      %gather3A_2260 = tpu.vector_load_idx %arg9[%add3A_2259] : memref<656xf32, #tpu.memory_space<vmem>>[vector<16xi32>], vector<16xf32>,
      %add3A_2261 = arith.addf %add3A_2256, %gather3A_2260 : vector<16xf32>
      %add3A_2262 = arith.constant 267 : i32
      %add3A_2263 = vector.broadcast %add3A_2262 : i32 to vector<16xi32>
      %add3A_2264 = arith.addi %mul3A_2091, %add3A_2263 : vector<16xi32>
      %gather3A_2265 = tpu.vector_load_idx %arg9[%add3A_2264] : memref<656xf32, #tpu.memory_space<vmem>>[vector<16xi32>], vector<16xf32>,
      %add3A_2266 = arith.addf %add3A_2261, %gather3A_2265 : vector<16xf32>
      %add3A_2267 = arith.constant 268 : i32
      %add3A_2268 = vector.broadcast %add3A_2267 : i32 to vector<16xi32>
      %add3A_2269 = arith.addi %mul3A_2091, %add3A_2268 : vector<16xi32>
      %gather3A_2270 = tpu.vector_load_idx %arg9[%add3A_2269] : memref<656xf32, #tpu.memory_space<vmem>>[vector<16xi32>], vector<16xf32>,
      %add3A_2271 = arith.addf %add3A_2266, %gather3A_2270 : vector<16xf32>
      %add3A_2272 = arith.constant 269 : i32
      %add3A_2273 = vector.broadcast %add3A_2272 : i32 to vector<16xi32>
      %add3A_2274 = arith.addi %mul3A_2091, %add3A_2273 : vector<16xi32>
      %gather3A_2275 = tpu.vector_load_idx %arg9[%add3A_2274] : memref<656xf32, #tpu.memory_space<vmem>>[vector<16xi32>], vector<16xf32>,
      %add3A_2276 = arith.addf %add3A_2271, %gather3A_2275 : vector<16xf32>
      %add3A_2277 = arith.constant 270 : i32
      %add3A_2278 = vector.broadcast %add3A_2277 : i32 to vector<16xi32>
      %add3A_2279 = arith.addi %mul3A_2091, %add3A_2278 : vector<16xi32>
      %gather3A_2280 = tpu.vector_load_idx %arg9[%add3A_2279] : memref<656xf32, #tpu.memory_space<vmem>>[vector<16xi32>], vector<16xf32>,
      %add3A_2281 = arith.addf %add3A_2276, %gather3A_2280 : vector<16xf32>
      %add3A_2282 = arith.constant 271 : i32
      %add3A_2283 = vector.broadcast %add3A_2282 : i32 to vector<16xi32>
      %add3A_2284 = arith.addi %mul3A_2091, %add3A_2283 : vector<16xi32>
      %gather3A_2285 = tpu.vector_load_idx %arg9[%add3A_2284] : memref<656xf32, #tpu.memory_space<vmem>>[vector<16xi32>], vector<16xf32>,
      %add3A_2286 = arith.addf %add3A_2281, %gather3A_2285 : vector<16xf32>
      %add3A_2287 = arith.constant 512 : i32
      %add3A_2288 = vector.broadcast %add3A_2287 : i32 to vector<16xi32>
      %add3A_2289 = arith.addi %mul3A_2091, %add3A_2288 : vector<16xi32>
      %gather3A_2290 = tpu.vector_load_idx %arg9[%add3A_2289] : memref<656xf32, #tpu.memory_space<vmem>>[vector<16xi32>], vector<16xf32>,
      %add3A_2291 = arith.constant 513 : i32
      %add3A_2292 = vector.broadcast %add3A_2291 : i32 to vector<16xi32>
      %add3A_2293 = arith.addi %mul3A_2091, %add3A_2292 : vector<16xi32>
      %gather3A_2294 = tpu.vector_load_idx %arg9[%add3A_2293] : memref<656xf32, #tpu.memory_space<vmem>>[vector<16xi32>], vector<16xf32>,
      %add3A_2295 = arith.addf %gather3A_2290, %gather3A_2294 : vector<16xf32>
      %add3A_2296 = arith.constant 514 : i32
      %add3A_2297 = vector.broadcast %add3A_2296 : i32 to vector<16xi32>
      %add3A_2298 = arith.addi %mul3A_2091, %add3A_2297 : vector<16xi32>
      %gather3A_2299 = tpu.vector_load_idx %arg9[%add3A_2298] : memref<656xf32, #tpu.memory_space<vmem>>[vector<16xi32>], vector<16xf32>,
      %add3A_2300 = arith.addf %add3A_2295, %gather3A_2299 : vector<16xf32>
      %add3A_2301 = arith.constant 515 : i32
      %add3A_2302 = vector.broadcast %add3A_2301 : i32 to vector<16xi32>
      %add3A_2303 = arith.addi %mul3A_2091, %add3A_2302 : vector<16xi32>
      %gather3A_2304 = tpu.vector_load_idx %arg9[%add3A_2303] : memref<656xf32, #tpu.memory_space<vmem>>[vector<16xi32>], vector<16xf32>,
      %add3A_2305 = arith.addf %add3A_2300, %gather3A_2304 : vector<16xf32>
      %add3A_2306 = arith.constant 516 : i32
      %add3A_2307 = vector.broadcast %add3A_2306 : i32 to vector<16xi32>
      %add3A_2308 = arith.addi %mul3A_2091, %add3A_2307 : vector<16xi32>
      %gather3A_2309 = tpu.vector_load_idx %arg9[%add3A_2308] : memref<656xf32, #tpu.memory_space<vmem>>[vector<16xi32>], vector<16xf32>,
      %add3A_2310 = arith.addf %add3A_2305, %gather3A_2309 : vector<16xf32>
      %add3A_2311 = arith.constant 517 : i32
      %add3A_2312 = vector.broadcast %add3A_2311 : i32 to vector<16xi32>
      %add3A_2313 = arith.addi %mul3A_2091, %add3A_2312 : vector<16xi32>
      %gather3A_2314 = tpu.vector_load_idx %arg9[%add3A_2313] : memref<656xf32, #tpu.memory_space<vmem>>[vector<16xi32>], vector<16xf32>,
      %add3A_2315 = arith.addf %add3A_2310, %gather3A_2314 : vector<16xf32>
      %add3A_2316 = arith.constant 518 : i32
      %add3A_2317 = vector.broadcast %add3A_2316 : i32 to vector<16xi32>
      %add3A_2318 = arith.addi %mul3A_2091, %add3A_2317 : vector<16xi32>
      %gather3A_2319 = tpu.vector_load_idx %arg9[%add3A_2318] : memref<656xf32, #tpu.memory_space<vmem>>[vector<16xi32>], vector<16xf32>,
      %add3A_2320 = arith.addf %add3A_2315, %gather3A_2319 : vector<16xf32>
      %add3A_2321 = arith.constant 519 : i32
      %add3A_2322 = vector.broadcast %add3A_2321 : i32 to vector<16xi32>
      %add3A_2323 = arith.addi %mul3A_2091, %add3A_2322 : vector<16xi32>
      %gather3A_2324 = tpu.vector_load_idx %arg9[%add3A_2323] : memref<656xf32, #tpu.memory_space<vmem>>[vector<16xi32>], vector<16xf32>,
      %add3A_2325 = arith.addf %add3A_2320, %gather3A_2324 : vector<16xf32>
      %add3A_2326 = arith.constant 520 : i32
      %add3A_2327 = vector.broadcast %add3A_2326 : i32 to vector<16xi32>
      %add3A_2328 = arith.addi %mul3A_2091, %add3A_2327 : vector<16xi32>
      %gather3A_2329 = tpu.vector_load_idx %arg9[%add3A_2328] : memref<656xf32, #tpu.memory_space<vmem>>[vector<16xi32>], vector<16xf32>,
      %add3A_2330 = arith.addf %add3A_2325, %gather3A_2329 : vector<16xf32>
      %add3A_2331 = arith.constant 521 : i32
      %add3A_2332 = vector.broadcast %add3A_2331 : i32 to vector<16xi32>
      %add3A_2333 = arith.addi %mul3A_2091, %add3A_2332 : vector<16xi32>
      %gather3A_2334 = tpu.vector_load_idx %arg9[%add3A_2333] : memref<656xf32, #tpu.memory_space<vmem>>[vector<16xi32>], vector<16xf32>,
      %add3A_2335 = arith.addf %add3A_2330, %gather3A_2334 : vector<16xf32>
      %add3A_2336 = arith.constant 522 : i32
      %add3A_2337 = vector.broadcast %add3A_2336 : i32 to vector<16xi32>
      %add3A_2338 = arith.addi %mul3A_2091, %add3A_2337 : vector<16xi32>
      %gather3A_2339 = tpu.vector_load_idx %arg9[%add3A_2338] : memref<656xf32, #tpu.memory_space<vmem>>[vector<16xi32>], vector<16xf32>,
      %add3A_2340 = arith.addf %add3A_2335, %gather3A_2339 : vector<16xf32>
      %add3A_2341 = arith.constant 523 : i32
      %add3A_2342 = vector.broadcast %add3A_2341 : i32 to vector<16xi32>
      %add3A_2343 = arith.addi %mul3A_2091, %add3A_2342 : vector<16xi32>
      %gather3A_2344 = tpu.vector_load_idx %arg9[%add3A_2343] : memref<656xf32, #tpu.memory_space<vmem>>[vector<16xi32>], vector<16xf32>,
      %add3A_2345 = arith.addf %add3A_2340, %gather3A_2344 : vector<16xf32>
      %add3A_2346 = arith.constant 524 : i32
      %add3A_2347 = vector.broadcast %add3A_2346 : i32 to vector<16xi32>
      %add3A_2348 = arith.addi %mul3A_2091, %add3A_2347 : vector<16xi32>
      %gather3A_2349 = tpu.vector_load_idx %arg9[%add3A_2348] : memref<656xf32, #tpu.memory_space<vmem>>[vector<16xi32>], vector<16xf32>,
      %add3A_2350 = arith.addf %add3A_2345, %gather3A_2349 : vector<16xf32>
      %add3A_2351 = arith.constant 525 : i32
      %add3A_2352 = vector.broadcast %add3A_2351 : i32 to vector<16xi32>
      %add3A_2353 = arith.addi %mul3A_2091, %add3A_2352 : vector<16xi32>
      %gather3A_2354 = tpu.vector_load_idx %arg9[%add3A_2353] : memref<656xf32, #tpu.memory_space<vmem>>[vector<16xi32>], vector<16xf32>,
      %add3A_2355 = arith.addf %add3A_2350, %gather3A_2354 : vector<16xf32>
      %add3A_2356 = arith.constant 526 : i32
      %add3A_2357 = vector.broadcast %add3A_2356 : i32 to vector<16xi32>
      %add3A_2358 = arith.addi %mul3A_2091, %add3A_2357 : vector<16xi32>
      %gather3A_2359 = tpu.vector_load_idx %arg9[%add3A_2358] : memref<656xf32, #tpu.memory_space<vmem>>[vector<16xi32>], vector<16xf32>,
      %add3A_2360 = arith.addf %add3A_2355, %gather3A_2359 : vector<16xf32>
      %add3A_2361 = arith.constant 527 : i32
      %add3A_2362 = vector.broadcast %add3A_2361 : i32 to vector<16xi32>
      %add3A_2363 = arith.addi %mul3A_2091, %add3A_2362 : vector<16xi32>
      %gather3A_2364 = tpu.vector_load_idx %arg9[%add3A_2363] : memref<656xf32, #tpu.memory_space<vmem>>[vector<16xi32>], vector<16xf32>,
      %add3A_2365 = arith.addf %add3A_2360, %gather3A_2364 : vector<16xf32>
      %add3A_2366 = vector.broadcast %add3A_2083 : i32 to vector<16xi32>
      %add3A_2367 = arith.addi %iota3A_2088, %add3A_2366 : vector<16xi32>
      %gather3A_2368 = tpu.vector_load_idx %arg6[%add3A_2367] : memref<1408xi32, #tpu.memory_space<vmem>>[vector<16xi32>], vector<16xi32>,
      %add3A_2369 = arith.constant 16 : i32
      %add3A_2370 = arith.addi %add3A_2083, %add3A_2369 : i32
      %add3A_2371 = vector.broadcast %add3A_2370 : i32 to vector<16xi32>
      %add3A_2372 = arith.addi %iota3A_2088, %add3A_2371 : vector<16xi32>
      %gather3A_2373 = tpu.vector_load_idx %arg6[%add3A_2372] : memref<1408xi32, #tpu.memory_space<vmem>>[vector<16xi32>], vector<16xi32>,
      %lt3A_2374 = arith.constant 0 : i32
      %lt3A_2375 = vector.broadcast %lt3A_2374 : i32 to vector<16xi32>
      %lt3A_2376 = arith.cmpi slt, %iota3A_2088, %lt3A_2375 : vector<16xi32>
      %lt3A_2377 = arith.constant 0 : i32
      %lt3A_2378 = vector.broadcast %lt3A_2377 : i32 to vector<16xi32>
      %lt3A_2379 = arith.cmpi slt, %iota3A_2088, %lt3A_2378 : vector<16xi32>
      %add3A_2380 = arith.constant 0 : i32
      %add3A_2381 = arith.addi %add3A_2083, %add3A_2380 : i32
      %broadcast_in_dim3A_2382 = vector.broadcast %add3A_2381 : i32 to vector<16xi32>
      %gather3A_2383 = tpu.vector_load_idx %arg6[%broadcast_in_dim3A_2382] : memref<1408xi32, #tpu.memory_space<vmem>>[vector<16xi32>], vector<16xi32>,
      %eq3A_2384 = arith.cmpi eq, %gather3A_2368, %gather3A_2383 : vector<16xi32>
      %gt3A_2385 = arith.constant 0 : i32
      %gt3A_2386 = vector.broadcast %gt3A_2385 : i32 to vector<16xi32>
      %gt3A_2387 = arith.cmpi sgt, %iota3A_2088, %gt3A_2386 : vector<16xi32>
      %and3A_2388 = arith.andi %eq3A_2384, %gt3A_2387 : vector<16xi1>
      %or3A_2389 = arith.ori %lt3A_2376, %and3A_2388 : vector<16xi1>
      %eq3A_2390 = arith.cmpi eq, %gather3A_2373, %gather3A_2383 : vector<16xi32>
      %or3A_2391 = arith.ori %lt3A_2379, %eq3A_2390 : vector<16xi1>
      %add3A_2392 = arith.constant 1 : i32
      %add3A_2393 = arith.addi %add3A_2083, %add3A_2392 : i32
      %broadcast_in_dim3A_2394 = vector.broadcast %add3A_2393 : i32 to vector<16xi32>
      %gather3A_2395 = tpu.vector_load_idx %arg6[%broadcast_in_dim3A_2394] : memref<1408xi32, #tpu.memory_space<vmem>>[vector<16xi32>], vector<16xi32>,
      %eq3A_2396 = arith.cmpi eq, %gather3A_2368, %gather3A_2395 : vector<16xi32>
      %gt3A_2397 = arith.constant 1 : i32
      %gt3A_2398 = vector.broadcast %gt3A_2397 : i32 to vector<16xi32>
      %gt3A_2399 = arith.cmpi sgt, %iota3A_2088, %gt3A_2398 : vector<16xi32>
      %and3A_2400 = arith.andi %eq3A_2396, %gt3A_2399 : vector<16xi1>
      %or3A_2401 = arith.ori %or3A_2389, %and3A_2400 : vector<16xi1>
      %eq3A_2402 = arith.cmpi eq, %gather3A_2373, %gather3A_2395 : vector<16xi32>
      %or3A_2403 = arith.ori %or3A_2391, %eq3A_2402 : vector<16xi1>
      %add3A_2404 = arith.constant 2 : i32
      %add3A_2405 = arith.addi %add3A_2083, %add3A_2404 : i32
      %broadcast_in_dim3A_2406 = vector.broadcast %add3A_2405 : i32 to vector<16xi32>
      %gather3A_2407 = tpu.vector_load_idx %arg6[%broadcast_in_dim3A_2406] : memref<1408xi32, #tpu.memory_space<vmem>>[vector<16xi32>], vector<16xi32>,
      %eq3A_2408 = arith.cmpi eq, %gather3A_2368, %gather3A_2407 : vector<16xi32>
      %gt3A_2409 = arith.constant 2 : i32
      %gt3A_2410 = vector.broadcast %gt3A_2409 : i32 to vector<16xi32>
      %gt3A_2411 = arith.cmpi sgt, %iota3A_2088, %gt3A_2410 : vector<16xi32>
      %and3A_2412 = arith.andi %eq3A_2408, %gt3A_2411 : vector<16xi1>
      %or3A_2413 = arith.ori %or3A_2401, %and3A_2412 : vector<16xi1>
      %eq3A_2414 = arith.cmpi eq, %gather3A_2373, %gather3A_2407 : vector<16xi32>
      %or3A_2415 = arith.ori %or3A_2403, %eq3A_2414 : vector<16xi1>
      %add3A_2416 = arith.constant 3 : i32
      %add3A_2417 = arith.addi %add3A_2083, %add3A_2416 : i32
      %broadcast_in_dim3A_2418 = vector.broadcast %add3A_2417 : i32 to vector<16xi32>
      %gather3A_2419 = tpu.vector_load_idx %arg6[%broadcast_in_dim3A_2418] : memref<1408xi32, #tpu.memory_space<vmem>>[vector<16xi32>], vector<16xi32>,
      %eq3A_2420 = arith.cmpi eq, %gather3A_2368, %gather3A_2419 : vector<16xi32>
      %gt3A_2421 = arith.constant 3 : i32
      %gt3A_2422 = vector.broadcast %gt3A_2421 : i32 to vector<16xi32>
      %gt3A_2423 = arith.cmpi sgt, %iota3A_2088, %gt3A_2422 : vector<16xi32>
      %and3A_2424 = arith.andi %eq3A_2420, %gt3A_2423 : vector<16xi1>
      %or3A_2425 = arith.ori %or3A_2413, %and3A_2424 : vector<16xi1>
      %eq3A_2426 = arith.cmpi eq, %gather3A_2373, %gather3A_2419 : vector<16xi32>
      %or3A_2427 = arith.ori %or3A_2415, %eq3A_2426 : vector<16xi1>
      %add3A_2428 = arith.constant 4 : i32
      %add3A_2429 = arith.addi %add3A_2083, %add3A_2428 : i32
      %broadcast_in_dim3A_2430 = vector.broadcast %add3A_2429 : i32 to vector<16xi32>
      %gather3A_2431 = tpu.vector_load_idx %arg6[%broadcast_in_dim3A_2430] : memref<1408xi32, #tpu.memory_space<vmem>>[vector<16xi32>], vector<16xi32>,
      %eq3A_2432 = arith.cmpi eq, %gather3A_2368, %gather3A_2431 : vector<16xi32>
      %gt3A_2433 = arith.constant 4 : i32
      %gt3A_2434 = vector.broadcast %gt3A_2433 : i32 to vector<16xi32>
      %gt3A_2435 = arith.cmpi sgt, %iota3A_2088, %gt3A_2434 : vector<16xi32>
      %and3A_2436 = arith.andi %eq3A_2432, %gt3A_2435 : vector<16xi1>
      %or3A_2437 = arith.ori %or3A_2425, %and3A_2436 : vector<16xi1>
      %eq3A_2438 = arith.cmpi eq, %gather3A_2373, %gather3A_2431 : vector<16xi32>
      %or3A_2439 = arith.ori %or3A_2427, %eq3A_2438 : vector<16xi1>
      %add3A_2440 = arith.constant 5 : i32
      %add3A_2441 = arith.addi %add3A_2083, %add3A_2440 : i32
      %broadcast_in_dim3A_2442 = vector.broadcast %add3A_2441 : i32 to vector<16xi32>
      %gather3A_2443 = tpu.vector_load_idx %arg6[%broadcast_in_dim3A_2442] : memref<1408xi32, #tpu.memory_space<vmem>>[vector<16xi32>], vector<16xi32>,
      %eq3A_2444 = arith.cmpi eq, %gather3A_2368, %gather3A_2443 : vector<16xi32>
      %gt3A_2445 = arith.constant 5 : i32
      %gt3A_2446 = vector.broadcast %gt3A_2445 : i32 to vector<16xi32>
      %gt3A_2447 = arith.cmpi sgt, %iota3A_2088, %gt3A_2446 : vector<16xi32>
      %and3A_2448 = arith.andi %eq3A_2444, %gt3A_2447 : vector<16xi1>
      %or3A_2449 = arith.ori %or3A_2437, %and3A_2448 : vector<16xi1>
      %eq3A_2450 = arith.cmpi eq, %gather3A_2373, %gather3A_2443 : vector<16xi32>
      %or3A_2451 = arith.ori %or3A_2439, %eq3A_2450 : vector<16xi1>
      %add3A_2452 = arith.constant 6 : i32
      %add3A_2453 = arith.addi %add3A_2083, %add3A_2452 : i32
      %broadcast_in_dim3A_2454 = vector.broadcast %add3A_2453 : i32 to vector<16xi32>
      %gather3A_2455 = tpu.vector_load_idx %arg6[%broadcast_in_dim3A_2454] : memref<1408xi32, #tpu.memory_space<vmem>>[vector<16xi32>], vector<16xi32>,
      %eq3A_2456 = arith.cmpi eq, %gather3A_2368, %gather3A_2455 : vector<16xi32>
      %gt3A_2457 = arith.constant 6 : i32
      %gt3A_2458 = vector.broadcast %gt3A_2457 : i32 to vector<16xi32>
      %gt3A_2459 = arith.cmpi sgt, %iota3A_2088, %gt3A_2458 : vector<16xi32>
      %and3A_2460 = arith.andi %eq3A_2456, %gt3A_2459 : vector<16xi1>
      %or3A_2461 = arith.ori %or3A_2449, %and3A_2460 : vector<16xi1>
      %eq3A_2462 = arith.cmpi eq, %gather3A_2373, %gather3A_2455 : vector<16xi32>
      %or3A_2463 = arith.ori %or3A_2451, %eq3A_2462 : vector<16xi1>
      %add3A_2464 = arith.constant 7 : i32
      %add3A_2465 = arith.addi %add3A_2083, %add3A_2464 : i32
      %broadcast_in_dim3A_2466 = vector.broadcast %add3A_2465 : i32 to vector<16xi32>
      %gather3A_2467 = tpu.vector_load_idx %arg6[%broadcast_in_dim3A_2466] : memref<1408xi32, #tpu.memory_space<vmem>>[vector<16xi32>], vector<16xi32>,
      %eq3A_2468 = arith.cmpi eq, %gather3A_2368, %gather3A_2467 : vector<16xi32>
      %gt3A_2469 = arith.constant 7 : i32
      %gt3A_2470 = vector.broadcast %gt3A_2469 : i32 to vector<16xi32>
      %gt3A_2471 = arith.cmpi sgt, %iota3A_2088, %gt3A_2470 : vector<16xi32>
      %and3A_2472 = arith.andi %eq3A_2468, %gt3A_2471 : vector<16xi1>
      %or3A_2473 = arith.ori %or3A_2461, %and3A_2472 : vector<16xi1>
      %eq3A_2474 = arith.cmpi eq, %gather3A_2373, %gather3A_2467 : vector<16xi32>
      %or3A_2475 = arith.ori %or3A_2463, %eq3A_2474 : vector<16xi1>
      %add3A_2476 = arith.constant 8 : i32
      %add3A_2477 = arith.addi %add3A_2083, %add3A_2476 : i32
      %broadcast_in_dim3A_2478 = vector.broadcast %add3A_2477 : i32 to vector<16xi32>
      %gather3A_2479 = tpu.vector_load_idx %arg6[%broadcast_in_dim3A_2478] : memref<1408xi32, #tpu.memory_space<vmem>>[vector<16xi32>], vector<16xi32>,
      %eq3A_2480 = arith.cmpi eq, %gather3A_2368, %gather3A_2479 : vector<16xi32>
      %gt3A_2481 = arith.constant 8 : i32
      %gt3A_2482 = vector.broadcast %gt3A_2481 : i32 to vector<16xi32>
      %gt3A_2483 = arith.cmpi sgt, %iota3A_2088, %gt3A_2482 : vector<16xi32>
      %and3A_2484 = arith.andi %eq3A_2480, %gt3A_2483 : vector<16xi1>
      %or3A_2485 = arith.ori %or3A_2473, %and3A_2484 : vector<16xi1>
      %eq3A_2486 = arith.cmpi eq, %gather3A_2373, %gather3A_2479 : vector<16xi32>
      %or3A_2487 = arith.ori %or3A_2475, %eq3A_2486 : vector<16xi1>
      %add3A_2488 = arith.constant 9 : i32
      %add3A_2489 = arith.addi %add3A_2083, %add3A_2488 : i32
      %broadcast_in_dim3A_2490 = vector.broadcast %add3A_2489 : i32 to vector<16xi32>
      %gather3A_2491 = tpu.vector_load_idx %arg6[%broadcast_in_dim3A_2490] : memref<1408xi32, #tpu.memory_space<vmem>>[vector<16xi32>], vector<16xi32>,
      %eq3A_2492 = arith.cmpi eq, %gather3A_2368, %gather3A_2491 : vector<16xi32>
      %gt3A_2493 = arith.constant 9 : i32
      %gt3A_2494 = vector.broadcast %gt3A_2493 : i32 to vector<16xi32>
      %gt3A_2495 = arith.cmpi sgt, %iota3A_2088, %gt3A_2494 : vector<16xi32>
      %and3A_2496 = arith.andi %eq3A_2492, %gt3A_2495 : vector<16xi1>
      %or3A_2497 = arith.ori %or3A_2485, %and3A_2496 : vector<16xi1>
      %eq3A_2498 = arith.cmpi eq, %gather3A_2373, %gather3A_2491 : vector<16xi32>
      %or3A_2499 = arith.ori %or3A_2487, %eq3A_2498 : vector<16xi1>
      %add3A_2500 = arith.constant 10 : i32
      %add3A_2501 = arith.addi %add3A_2083, %add3A_2500 : i32
      %broadcast_in_dim3A_2502 = vector.broadcast %add3A_2501 : i32 to vector<16xi32>
      %gather3A_2503 = tpu.vector_load_idx %arg6[%broadcast_in_dim3A_2502] : memref<1408xi32, #tpu.memory_space<vmem>>[vector<16xi32>], vector<16xi32>,
      %eq3A_2504 = arith.cmpi eq, %gather3A_2368, %gather3A_2503 : vector<16xi32>
      %gt3A_2505 = arith.constant 10 : i32
      %gt3A_2506 = vector.broadcast %gt3A_2505 : i32 to vector<16xi32>
      %gt3A_2507 = arith.cmpi sgt, %iota3A_2088, %gt3A_2506 : vector<16xi32>
      %and3A_2508 = arith.andi %eq3A_2504, %gt3A_2507 : vector<16xi1>
      %or3A_2509 = arith.ori %or3A_2497, %and3A_2508 : vector<16xi1>
      %eq3A_2510 = arith.cmpi eq, %gather3A_2373, %gather3A_2503 : vector<16xi32>
      %or3A_2511 = arith.ori %or3A_2499, %eq3A_2510 : vector<16xi1>
      %add3A_2512 = arith.constant 11 : i32
      %add3A_2513 = arith.addi %add3A_2083, %add3A_2512 : i32
      %broadcast_in_dim3A_2514 = vector.broadcast %add3A_2513 : i32 to vector<16xi32>
      %gather3A_2515 = tpu.vector_load_idx %arg6[%broadcast_in_dim3A_2514] : memref<1408xi32, #tpu.memory_space<vmem>>[vector<16xi32>], vector<16xi32>,
      %eq3A_2516 = arith.cmpi eq, %gather3A_2368, %gather3A_2515 : vector<16xi32>
      %gt3A_2517 = arith.constant 11 : i32
      %gt3A_2518 = vector.broadcast %gt3A_2517 : i32 to vector<16xi32>
      %gt3A_2519 = arith.cmpi sgt, %iota3A_2088, %gt3A_2518 : vector<16xi32>
      %and3A_2520 = arith.andi %eq3A_2516, %gt3A_2519 : vector<16xi1>
      %or3A_2521 = arith.ori %or3A_2509, %and3A_2520 : vector<16xi1>
      %eq3A_2522 = arith.cmpi eq, %gather3A_2373, %gather3A_2515 : vector<16xi32>
      %or3A_2523 = arith.ori %or3A_2511, %eq3A_2522 : vector<16xi1>
      %add3A_2524 = arith.constant 12 : i32
      %add3A_2525 = arith.addi %add3A_2083, %add3A_2524 : i32
      %broadcast_in_dim3A_2526 = vector.broadcast %add3A_2525 : i32 to vector<16xi32>
      %gather3A_2527 = tpu.vector_load_idx %arg6[%broadcast_in_dim3A_2526] : memref<1408xi32, #tpu.memory_space<vmem>>[vector<16xi32>], vector<16xi32>,
      %eq3A_2528 = arith.cmpi eq, %gather3A_2368, %gather3A_2527 : vector<16xi32>
      %gt3A_2529 = arith.constant 12 : i32
      %gt3A_2530 = vector.broadcast %gt3A_2529 : i32 to vector<16xi32>
      %gt3A_2531 = arith.cmpi sgt, %iota3A_2088, %gt3A_2530 : vector<16xi32>
      %and3A_2532 = arith.andi %eq3A_2528, %gt3A_2531 : vector<16xi1>
      %or3A_2533 = arith.ori %or3A_2521, %and3A_2532 : vector<16xi1>
      %eq3A_2534 = arith.cmpi eq, %gather3A_2373, %gather3A_2527 : vector<16xi32>
      %or3A_2535 = arith.ori %or3A_2523, %eq3A_2534 : vector<16xi1>
      %add3A_2536 = arith.constant 13 : i32
      %add3A_2537 = arith.addi %add3A_2083, %add3A_2536 : i32
      %broadcast_in_dim3A_2538 = vector.broadcast %add3A_2537 : i32 to vector<16xi32>
      %gather3A_2539 = tpu.vector_load_idx %arg6[%broadcast_in_dim3A_2538] : memref<1408xi32, #tpu.memory_space<vmem>>[vector<16xi32>], vector<16xi32>,
      %eq3A_2540 = arith.cmpi eq, %gather3A_2368, %gather3A_2539 : vector<16xi32>
      %gt3A_2541 = arith.constant 13 : i32
      %gt3A_2542 = vector.broadcast %gt3A_2541 : i32 to vector<16xi32>
      %gt3A_2543 = arith.cmpi sgt, %iota3A_2088, %gt3A_2542 : vector<16xi32>
      %and3A_2544 = arith.andi %eq3A_2540, %gt3A_2543 : vector<16xi1>
      %or3A_2545 = arith.ori %or3A_2533, %and3A_2544 : vector<16xi1>
      %eq3A_2546 = arith.cmpi eq, %gather3A_2373, %gather3A_2539 : vector<16xi32>
      %or3A_2547 = arith.ori %or3A_2535, %eq3A_2546 : vector<16xi1>
      %add3A_2548 = arith.constant 14 : i32
      %add3A_2549 = arith.addi %add3A_2083, %add3A_2548 : i32
      %broadcast_in_dim3A_2550 = vector.broadcast %add3A_2549 : i32 to vector<16xi32>
      %gather3A_2551 = tpu.vector_load_idx %arg6[%broadcast_in_dim3A_2550] : memref<1408xi32, #tpu.memory_space<vmem>>[vector<16xi32>], vector<16xi32>,
      %eq3A_2552 = arith.cmpi eq, %gather3A_2368, %gather3A_2551 : vector<16xi32>
      %gt3A_2553 = arith.constant 14 : i32
      %gt3A_2554 = vector.broadcast %gt3A_2553 : i32 to vector<16xi32>
      %gt3A_2555 = arith.cmpi sgt, %iota3A_2088, %gt3A_2554 : vector<16xi32>
      %and3A_2556 = arith.andi %eq3A_2552, %gt3A_2555 : vector<16xi1>
      %or3A_2557 = arith.ori %or3A_2545, %and3A_2556 : vector<16xi1>
      %eq3A_2558 = arith.cmpi eq, %gather3A_2373, %gather3A_2551 : vector<16xi32>
      %or3A_2559 = arith.ori %or3A_2547, %eq3A_2558 : vector<16xi1>
      %add3A_2560 = arith.constant 15 : i32
      %add3A_2561 = arith.addi %add3A_2083, %add3A_2560 : i32
      %broadcast_in_dim3A_2562 = vector.broadcast %add3A_2561 : i32 to vector<16xi32>
      %gather3A_2563 = tpu.vector_load_idx %arg6[%broadcast_in_dim3A_2562] : memref<1408xi32, #tpu.memory_space<vmem>>[vector<16xi32>], vector<16xi32>,
      %eq3A_2564 = arith.cmpi eq, %gather3A_2368, %gather3A_2563 : vector<16xi32>
      %gt3A_2565 = arith.constant 15 : i32
      %gt3A_2566 = vector.broadcast %gt3A_2565 : i32 to vector<16xi32>
      %gt3A_2567 = arith.cmpi sgt, %iota3A_2088, %gt3A_2566 : vector<16xi32>
      %and3A_2568 = arith.andi %eq3A_2564, %gt3A_2567 : vector<16xi1>
      %or3A_2569 = arith.ori %or3A_2557, %and3A_2568 : vector<16xi1>
      %eq3A_2570 = arith.cmpi eq, %gather3A_2373, %gather3A_2563 : vector<16xi32>
      %or3A_2571 = arith.ori %or3A_2559, %eq3A_2570 : vector<16xi1>
      %add3A_2572 = arith.constant 16 : i32
      %add3A_2573 = arith.addi %add3A_2083, %add3A_2572 : i32
      %broadcast_in_dim3A_2574 = vector.broadcast %add3A_2573 : i32 to vector<16xi32>
      %gather3A_2575 = tpu.vector_load_idx %arg6[%broadcast_in_dim3A_2574] : memref<1408xi32, #tpu.memory_space<vmem>>[vector<16xi32>], vector<16xi32>,
      %eq3A_2576 = arith.cmpi eq, %gather3A_2373, %gather3A_2575 : vector<16xi32>
      %gt3A_2577 = arith.constant 0 : i32
      %gt3A_2578 = vector.broadcast %gt3A_2577 : i32 to vector<16xi32>
      %gt3A_2579 = arith.cmpi sgt, %iota3A_2088, %gt3A_2578 : vector<16xi32>
      %and3A_2580 = arith.andi %eq3A_2576, %gt3A_2579 : vector<16xi1>
      %or3A_2581 = arith.ori %or3A_2571, %and3A_2580 : vector<16xi1>
      %add3A_2582 = arith.constant 17 : i32
      %add3A_2583 = arith.addi %add3A_2083, %add3A_2582 : i32
      %broadcast_in_dim3A_2584 = vector.broadcast %add3A_2583 : i32 to vector<16xi32>
      %gather3A_2585 = tpu.vector_load_idx %arg6[%broadcast_in_dim3A_2584] : memref<1408xi32, #tpu.memory_space<vmem>>[vector<16xi32>], vector<16xi32>,
      %eq3A_2586 = arith.cmpi eq, %gather3A_2373, %gather3A_2585 : vector<16xi32>
      %gt3A_2587 = arith.constant 1 : i32
      %gt3A_2588 = vector.broadcast %gt3A_2587 : i32 to vector<16xi32>
      %gt3A_2589 = arith.cmpi sgt, %iota3A_2088, %gt3A_2588 : vector<16xi32>
      %and3A_2590 = arith.andi %eq3A_2586, %gt3A_2589 : vector<16xi1>
      %or3A_2591 = arith.ori %or3A_2581, %and3A_2590 : vector<16xi1>
      %add3A_2592 = arith.constant 18 : i32
      %add3A_2593 = arith.addi %add3A_2083, %add3A_2592 : i32
      %broadcast_in_dim3A_2594 = vector.broadcast %add3A_2593 : i32 to vector<16xi32>
      %gather3A_2595 = tpu.vector_load_idx %arg6[%broadcast_in_dim3A_2594] : memref<1408xi32, #tpu.memory_space<vmem>>[vector<16xi32>], vector<16xi32>,
      %eq3A_2596 = arith.cmpi eq, %gather3A_2373, %gather3A_2595 : vector<16xi32>
      %gt3A_2597 = arith.constant 2 : i32
      %gt3A_2598 = vector.broadcast %gt3A_2597 : i32 to vector<16xi32>
      %gt3A_2599 = arith.cmpi sgt, %iota3A_2088, %gt3A_2598 : vector<16xi32>
      %and3A_2600 = arith.andi %eq3A_2596, %gt3A_2599 : vector<16xi1>
      %or3A_2601 = arith.ori %or3A_2591, %and3A_2600 : vector<16xi1>
      %add3A_2602 = arith.constant 19 : i32
      %add3A_2603 = arith.addi %add3A_2083, %add3A_2602 : i32
      %broadcast_in_dim3A_2604 = vector.broadcast %add3A_2603 : i32 to vector<16xi32>
      %gather3A_2605 = tpu.vector_load_idx %arg6[%broadcast_in_dim3A_2604] : memref<1408xi32, #tpu.memory_space<vmem>>[vector<16xi32>], vector<16xi32>,
      %eq3A_2606 = arith.cmpi eq, %gather3A_2373, %gather3A_2605 : vector<16xi32>
      %gt3A_2607 = arith.constant 3 : i32
      %gt3A_2608 = vector.broadcast %gt3A_2607 : i32 to vector<16xi32>
      %gt3A_2609 = arith.cmpi sgt, %iota3A_2088, %gt3A_2608 : vector<16xi32>
      %and3A_2610 = arith.andi %eq3A_2606, %gt3A_2609 : vector<16xi1>
      %or3A_2611 = arith.ori %or3A_2601, %and3A_2610 : vector<16xi1>
      %add3A_2612 = arith.constant 20 : i32
      %add3A_2613 = arith.addi %add3A_2083, %add3A_2612 : i32
      %broadcast_in_dim3A_2614 = vector.broadcast %add3A_2613 : i32 to vector<16xi32>
      %gather3A_2615 = tpu.vector_load_idx %arg6[%broadcast_in_dim3A_2614] : memref<1408xi32, #tpu.memory_space<vmem>>[vector<16xi32>], vector<16xi32>,
      %eq3A_2616 = arith.cmpi eq, %gather3A_2373, %gather3A_2615 : vector<16xi32>
      %gt3A_2617 = arith.constant 4 : i32
      %gt3A_2618 = vector.broadcast %gt3A_2617 : i32 to vector<16xi32>
      %gt3A_2619 = arith.cmpi sgt, %iota3A_2088, %gt3A_2618 : vector<16xi32>
      %and3A_2620 = arith.andi %eq3A_2616, %gt3A_2619 : vector<16xi1>
      %or3A_2621 = arith.ori %or3A_2611, %and3A_2620 : vector<16xi1>
      %exp3A_2622 = math.exp %add3A_2207 : vector<16xf32>
      %exp3A_2623 = math.exp %add3A_2286 : vector<16xf32>
      %exp3A_2624 = math.exp %add3A_2365 : vector<16xf32>
      %ge3A_2625 = arith.constant 1 : i32
      %ge3A_2626 = vector.broadcast %ge3A_2625 : i32 to vector<16xi32>
      %ge3A_2627 = arith.cmpi sge, %iota3A_2088, %ge3A_2626 : vector<16xi32>
      %select_n3A_2628 = arith.select %ge3A_2627, %add3A_2207, %broadcast_in_dim3A_2093 : vector<16xi1>, vector<16xf32>
      %lt3A_2629 = arith.constant 5 : i32
      %lt3A_2630 = vector.broadcast %lt3A_2629 : i32 to vector<16xi32>
      %lt3A_2631 = arith.cmpi slt, %iota3A_2088, %lt3A_2630 : vector<16xi32>
      %select_n3A_2632 = arith.select %lt3A_2631, %add3A_2286, %broadcast_in_dim3A_2093 : vector<16xi1>, vector<16xf32>
      %add3A_2633 = arith.addf %select_n3A_2628, %select_n3A_2632 : vector<16xf32>
      %select_n3A_2634 = arith.select %or3A_2569, %broadcast_in_dim3A_2093, %exp3A_2622 : vector<16xi1>, vector<16xf32>
      %lt3A_2635 = arith.constant 5 : i32
      %lt3A_2636 = vector.broadcast %lt3A_2635 : i32 to vector<16xi32>
      %lt3A_2637 = arith.cmpi slt, %iota3A_2088, %lt3A_2636 : vector<16xi32>
      %and3A_2638 = arith.andi %or3A_2621, %lt3A_2637 : vector<16xi1>
      %select_n3A_2639 = arith.select %and3A_2638, %broadcast_in_dim3A_2093, %exp3A_2623 : vector<16xi1>, vector<16xf32>
      %add3A_2640 = arith.addf %select_n3A_2634, %select_n3A_2639 : vector<16xf32>
      %lt3A_2641 = arith.constant 9 : i32
      %lt3A_2642 = vector.broadcast %lt3A_2641 : i32 to vector<16xi32>
      %lt3A_2643 = arith.cmpi slt, %iota3A_2088, %lt3A_2642 : vector<16xi32>
      %select_n3A_2644 = arith.select %lt3A_2643, %exp3A_2624, %broadcast_in_dim3A_2093 : vector<16xi1>, vector<16xf32>
      %add3A_2645 = arith.addf %add3A_2640, %select_n3A_2644 : vector<16xf32>
      %mul3A_2646 = arith.constant 16 : i32
      %mul3A_2647 = arith.muli %add3A_2087, %mul3A_2646 : i32
      %swap3A_2648 = arith.index_cast %mul3A_2647 : i32 to index
      %swap3A_2649 = tpu.vector_load %arg11[%swap3A_2648] {strides = array<i32>} : memref<512xf32, #tpu.memory_space<vmem>>, vector<16xf32>,
      tpu.vector_store %arg11[%swap3A_2648], %add3A_2633 {strides = array<i32>} : memref<512xf32, #tpu.memory_space<vmem>>, vector<16xf32>,
      %mul3A_2650 = arith.constant 16 : i32
      %mul3A_2651 = arith.muli %add3A_2087, %mul3A_2650 : i32
      %swap3A_2652 = arith.index_cast %mul3A_2651 : i32 to index
      %swap3A_2653 = tpu.vector_load %arg10[%swap3A_2652] {strides = array<i32>} : memref<512xf32, #tpu.memory_space<vmem>>, vector<16xf32>,
      tpu.vector_store %arg10[%swap3A_2652], %add3A_2645 {strides = array<i32>} : memref<512xf32, #tpu.memory_space<vmem>>, vector<16xf32>,
      %add3A_2654 = arith.constant 2 : i32
      %add3A_2655 = arith.addi %add3A_1499, %add3A_2654 : i32
      %lt3A_2656 = arith.constant 16 : i32
      %lt3A_2657 = arith.cmpi slt, %add3A_2655, %lt3A_2656 : i32
      %convert_element_type3A_2658 = arith.extui %lt3A_2657 : i1 to i32
      %cond3A_2659 = arith.constant 0 : i32
      %cond3A_2660 = arith.cmpi ne, %convert_element_type3A_2658, %cond3A_2659 : i32
      scf.if %cond3A_2660 {
        %add3A_2661 = arith.constant 2 : i32
        %add3A_2662 = arith.addi %add3A_1499, %add3A_2661 : i32
        %mul3A_2663 = arith.constant 88 : i32
        %mul3A_2664 = arith.muli %add3A_2662, %mul3A_2663 : i32
        %dma_start3A_2665 = tpu.memref_slice %arg6[%mul3A_2664] : memref<1408xi32, #tpu.memory_space<vmem>> -> memref<82xi32, #tpu.memory_space<vmem>>
        %dma_start3A_2666 = arith.constant 0 : i32
        %dma_start3A_2667 = arith.constant 0 : i32
        %dma_start3A_2668 = tpu.memref_slice %arg3[%dma_start3A_2666, %dma_start3A_2667] : memref<100000x128xf32, #tpu.memory_space<hbm>> -> memref<100000x128xf32, #tpu.memory_space<hbm>>
        tpu.enqueue_indirect_dma source(%dma_start3A_2668 : memref<100000x128xf32, #tpu.memory_space<hbm>>) target(%arg8 : memref<82x128xf32, #tpu.memory_space<vmem>>) offsets(%dma_start3A_2665 : memref<82xi32, #tpu.memory_space<vmem>>) semaphore(%arg15 : memref<!tpu.dma_semaphore, #tpu.memory_space<semaphore_mem>>)
      } else {
      }
    }
    %scan3A_18 = arith.constant 8 : i32
    %iota3A = tpu.iota {dimensions = array<i32: 0>} : vector<16xi32>
    %mul3A_19 = arith.constant 16 : i32
    %mul3A_20 = vector.broadcast %mul3A_19 : i32 to vector<16xi32>
    %mul3A_21 = arith.muli %iota3A, %mul3A_20 : vector<16xi32>
    %add3A_22 = arith.constant 0 : i32
    %add3A_23 = vector.broadcast %add3A_22 : i32 to vector<16xi32>
    %add3A_24 = arith.addi %mul3A_21, %add3A_23 : vector<16xi32>
    %gather3A = tpu.vector_load_idx %arg10[%add3A_24] : memref<512xf32, #tpu.memory_space<vmem>>[vector<16xi32>], vector<16xf32>,
    %add3A_25 = arith.constant 0 : i32
    %add3A_26 = vector.broadcast %add3A_25 : i32 to vector<16xi32>
    %add3A_27 = arith.addi %mul3A_21, %add3A_26 : vector<16xi32>
    %gather3A_28 = tpu.vector_load_idx %arg11[%add3A_27] : memref<512xf32, #tpu.memory_space<vmem>>[vector<16xi32>], vector<16xf32>,
    %add3A_29 = arith.constant 1 : i32
    %add3A_30 = vector.broadcast %add3A_29 : i32 to vector<16xi32>
    %add3A_31 = arith.addi %mul3A_21, %add3A_30 : vector<16xi32>
    %gather3A_32 = tpu.vector_load_idx %arg10[%add3A_31] : memref<512xf32, #tpu.memory_space<vmem>>[vector<16xi32>], vector<16xf32>,
    %add3A_33 = arith.addf %gather3A, %gather3A_32 : vector<16xf32>
    %add3A_34 = arith.constant 1 : i32
    %add3A_35 = vector.broadcast %add3A_34 : i32 to vector<16xi32>
    %add3A_36 = arith.addi %mul3A_21, %add3A_35 : vector<16xi32>
    %gather3A_37 = tpu.vector_load_idx %arg11[%add3A_36] : memref<512xf32, #tpu.memory_space<vmem>>[vector<16xi32>], vector<16xf32>,
    %add3A_38 = arith.addf %gather3A_28, %gather3A_37 : vector<16xf32>
    %add3A_39 = arith.constant 2 : i32
    %add3A_40 = vector.broadcast %add3A_39 : i32 to vector<16xi32>
    %add3A_41 = arith.addi %mul3A_21, %add3A_40 : vector<16xi32>
    %gather3A_42 = tpu.vector_load_idx %arg10[%add3A_41] : memref<512xf32, #tpu.memory_space<vmem>>[vector<16xi32>], vector<16xf32>,
    %add3A_43 = arith.addf %add3A_33, %gather3A_42 : vector<16xf32>
    %add3A_44 = arith.constant 2 : i32
    %add3A_45 = vector.broadcast %add3A_44 : i32 to vector<16xi32>
    %add3A_46 = arith.addi %mul3A_21, %add3A_45 : vector<16xi32>
    %gather3A_47 = tpu.vector_load_idx %arg11[%add3A_46] : memref<512xf32, #tpu.memory_space<vmem>>[vector<16xi32>], vector<16xf32>,
    %add3A_48 = arith.addf %add3A_38, %gather3A_47 : vector<16xf32>
    %add3A_49 = arith.constant 3 : i32
    %add3A_50 = vector.broadcast %add3A_49 : i32 to vector<16xi32>
    %add3A_51 = arith.addi %mul3A_21, %add3A_50 : vector<16xi32>
    %gather3A_52 = tpu.vector_load_idx %arg10[%add3A_51] : memref<512xf32, #tpu.memory_space<vmem>>[vector<16xi32>], vector<16xf32>,
    %add3A_53 = arith.addf %add3A_43, %gather3A_52 : vector<16xf32>
    %add3A_54 = arith.constant 3 : i32
    %add3A_55 = vector.broadcast %add3A_54 : i32 to vector<16xi32>
    %add3A_56 = arith.addi %mul3A_21, %add3A_55 : vector<16xi32>
    %gather3A_57 = tpu.vector_load_idx %arg11[%add3A_56] : memref<512xf32, #tpu.memory_space<vmem>>[vector<16xi32>], vector<16xf32>,
    %add3A_58 = arith.addf %add3A_48, %gather3A_57 : vector<16xf32>
    %add3A_59 = arith.constant 4 : i32
    %add3A_60 = vector.broadcast %add3A_59 : i32 to vector<16xi32>
    %add3A_61 = arith.addi %mul3A_21, %add3A_60 : vector<16xi32>
    %gather3A_62 = tpu.vector_load_idx %arg10[%add3A_61] : memref<512xf32, #tpu.memory_space<vmem>>[vector<16xi32>], vector<16xf32>,
    %add3A_63 = arith.addf %add3A_53, %gather3A_62 : vector<16xf32>
    %add3A_64 = arith.constant 4 : i32
    %add3A_65 = vector.broadcast %add3A_64 : i32 to vector<16xi32>
    %add3A_66 = arith.addi %mul3A_21, %add3A_65 : vector<16xi32>
    %gather3A_67 = tpu.vector_load_idx %arg11[%add3A_66] : memref<512xf32, #tpu.memory_space<vmem>>[vector<16xi32>], vector<16xf32>,
    %add3A_68 = arith.addf %add3A_58, %gather3A_67 : vector<16xf32>
    %add3A_69 = arith.constant 5 : i32
    %add3A_70 = vector.broadcast %add3A_69 : i32 to vector<16xi32>
    %add3A_71 = arith.addi %mul3A_21, %add3A_70 : vector<16xi32>
    %gather3A_72 = tpu.vector_load_idx %arg10[%add3A_71] : memref<512xf32, #tpu.memory_space<vmem>>[vector<16xi32>], vector<16xf32>,
    %add3A_73 = arith.addf %add3A_63, %gather3A_72 : vector<16xf32>
    %add3A_74 = arith.constant 5 : i32
    %add3A_75 = vector.broadcast %add3A_74 : i32 to vector<16xi32>
    %add3A_76 = arith.addi %mul3A_21, %add3A_75 : vector<16xi32>
    %gather3A_77 = tpu.vector_load_idx %arg11[%add3A_76] : memref<512xf32, #tpu.memory_space<vmem>>[vector<16xi32>], vector<16xf32>,
    %add3A_78 = arith.addf %add3A_68, %gather3A_77 : vector<16xf32>
    %add3A_79 = arith.constant 6 : i32
    %add3A_80 = vector.broadcast %add3A_79 : i32 to vector<16xi32>
    %add3A_81 = arith.addi %mul3A_21, %add3A_80 : vector<16xi32>
    %gather3A_82 = tpu.vector_load_idx %arg10[%add3A_81] : memref<512xf32, #tpu.memory_space<vmem>>[vector<16xi32>], vector<16xf32>,
    %add3A_83 = arith.addf %add3A_73, %gather3A_82 : vector<16xf32>
    %add3A_84 = arith.constant 6 : i32
    %add3A_85 = vector.broadcast %add3A_84 : i32 to vector<16xi32>
    %add3A_86 = arith.addi %mul3A_21, %add3A_85 : vector<16xi32>
    %gather3A_87 = tpu.vector_load_idx %arg11[%add3A_86] : memref<512xf32, #tpu.memory_space<vmem>>[vector<16xi32>], vector<16xf32>,
    %add3A_88 = arith.addf %add3A_78, %gather3A_87 : vector<16xf32>
    %add3A_89 = arith.constant 7 : i32
    %add3A_90 = vector.broadcast %add3A_89 : i32 to vector<16xi32>
    %add3A_91 = arith.addi %mul3A_21, %add3A_90 : vector<16xi32>
    %gather3A_92 = tpu.vector_load_idx %arg10[%add3A_91] : memref<512xf32, #tpu.memory_space<vmem>>[vector<16xi32>], vector<16xf32>,
    %add3A_93 = arith.addf %add3A_83, %gather3A_92 : vector<16xf32>
    %add3A_94 = arith.constant 7 : i32
    %add3A_95 = vector.broadcast %add3A_94 : i32 to vector<16xi32>
    %add3A_96 = arith.addi %mul3A_21, %add3A_95 : vector<16xi32>
    %gather3A_97 = tpu.vector_load_idx %arg11[%add3A_96] : memref<512xf32, #tpu.memory_space<vmem>>[vector<16xi32>], vector<16xf32>,
    %add3A_98 = arith.addf %add3A_88, %gather3A_97 : vector<16xf32>
    %add3A_99 = arith.constant 8 : i32
    %add3A_100 = vector.broadcast %add3A_99 : i32 to vector<16xi32>
    %add3A_101 = arith.addi %mul3A_21, %add3A_100 : vector<16xi32>
    %gather3A_102 = tpu.vector_load_idx %arg10[%add3A_101] : memref<512xf32, #tpu.memory_space<vmem>>[vector<16xi32>], vector<16xf32>,
    %add3A_103 = arith.addf %add3A_93, %gather3A_102 : vector<16xf32>
    %add3A_104 = arith.constant 8 : i32
    %add3A_105 = vector.broadcast %add3A_104 : i32 to vector<16xi32>
    %add3A_106 = arith.addi %mul3A_21, %add3A_105 : vector<16xi32>
    %gather3A_107 = tpu.vector_load_idx %arg11[%add3A_106] : memref<512xf32, #tpu.memory_space<vmem>>[vector<16xi32>], vector<16xf32>,
    %add3A_108 = arith.addf %add3A_98, %gather3A_107 : vector<16xf32>
    %add3A_109 = arith.constant 9 : i32
    %add3A_110 = vector.broadcast %add3A_109 : i32 to vector<16xi32>
    %add3A_111 = arith.addi %mul3A_21, %add3A_110 : vector<16xi32>
    %gather3A_112 = tpu.vector_load_idx %arg10[%add3A_111] : memref<512xf32, #tpu.memory_space<vmem>>[vector<16xi32>], vector<16xf32>,
    %add3A_113 = arith.addf %add3A_103, %gather3A_112 : vector<16xf32>
    %add3A_114 = arith.constant 9 : i32
    %add3A_115 = vector.broadcast %add3A_114 : i32 to vector<16xi32>
    %add3A_116 = arith.addi %mul3A_21, %add3A_115 : vector<16xi32>
    %gather3A_117 = tpu.vector_load_idx %arg11[%add3A_116] : memref<512xf32, #tpu.memory_space<vmem>>[vector<16xi32>], vector<16xf32>,
    %add3A_118 = arith.addf %add3A_108, %gather3A_117 : vector<16xf32>
    %add3A_119 = arith.constant 10 : i32
    %add3A_120 = vector.broadcast %add3A_119 : i32 to vector<16xi32>
    %add3A_121 = arith.addi %mul3A_21, %add3A_120 : vector<16xi32>
    %gather3A_122 = tpu.vector_load_idx %arg10[%add3A_121] : memref<512xf32, #tpu.memory_space<vmem>>[vector<16xi32>], vector<16xf32>,
    %add3A_123 = arith.addf %add3A_113, %gather3A_122 : vector<16xf32>
    %add3A_124 = arith.constant 10 : i32
    %add3A_125 = vector.broadcast %add3A_124 : i32 to vector<16xi32>
    %add3A_126 = arith.addi %mul3A_21, %add3A_125 : vector<16xi32>
    %gather3A_127 = tpu.vector_load_idx %arg11[%add3A_126] : memref<512xf32, #tpu.memory_space<vmem>>[vector<16xi32>], vector<16xf32>,
    %add3A_128 = arith.addf %add3A_118, %gather3A_127 : vector<16xf32>
    %add3A_129 = arith.constant 11 : i32
    %add3A_130 = vector.broadcast %add3A_129 : i32 to vector<16xi32>
    %add3A_131 = arith.addi %mul3A_21, %add3A_130 : vector<16xi32>
    %gather3A_132 = tpu.vector_load_idx %arg10[%add3A_131] : memref<512xf32, #tpu.memory_space<vmem>>[vector<16xi32>], vector<16xf32>,
    %add3A_133 = arith.addf %add3A_123, %gather3A_132 : vector<16xf32>
    %add3A_134 = arith.constant 11 : i32
    %add3A_135 = vector.broadcast %add3A_134 : i32 to vector<16xi32>
    %add3A_136 = arith.addi %mul3A_21, %add3A_135 : vector<16xi32>
    %gather3A_137 = tpu.vector_load_idx %arg11[%add3A_136] : memref<512xf32, #tpu.memory_space<vmem>>[vector<16xi32>], vector<16xf32>,
    %add3A_138 = arith.addf %add3A_128, %gather3A_137 : vector<16xf32>
    %add3A_139 = arith.constant 12 : i32
    %add3A_140 = vector.broadcast %add3A_139 : i32 to vector<16xi32>
    %add3A_141 = arith.addi %mul3A_21, %add3A_140 : vector<16xi32>
    %gather3A_142 = tpu.vector_load_idx %arg10[%add3A_141] : memref<512xf32, #tpu.memory_space<vmem>>[vector<16xi32>], vector<16xf32>,
    %add3A_143 = arith.addf %add3A_133, %gather3A_142 : vector<16xf32>
    %add3A_144 = arith.constant 12 : i32
    %add3A_145 = vector.broadcast %add3A_144 : i32 to vector<16xi32>
    %add3A_146 = arith.addi %mul3A_21, %add3A_145 : vector<16xi32>
    %gather3A_147 = tpu.vector_load_idx %arg11[%add3A_146] : memref<512xf32, #tpu.memory_space<vmem>>[vector<16xi32>], vector<16xf32>,
    %add3A_148 = arith.addf %add3A_138, %gather3A_147 : vector<16xf32>
    %add3A_149 = arith.constant 13 : i32
    %add3A_150 = vector.broadcast %add3A_149 : i32 to vector<16xi32>
    %add3A_151 = arith.addi %mul3A_21, %add3A_150 : vector<16xi32>
    %gather3A_152 = tpu.vector_load_idx %arg10[%add3A_151] : memref<512xf32, #tpu.memory_space<vmem>>[vector<16xi32>], vector<16xf32>,
    %add3A_153 = arith.addf %add3A_143, %gather3A_152 : vector<16xf32>
    %add3A_154 = arith.constant 13 : i32
    %add3A_155 = vector.broadcast %add3A_154 : i32 to vector<16xi32>
    %add3A_156 = arith.addi %mul3A_21, %add3A_155 : vector<16xi32>
    %gather3A_157 = tpu.vector_load_idx %arg11[%add3A_156] : memref<512xf32, #tpu.memory_space<vmem>>[vector<16xi32>], vector<16xf32>,
    %add3A_158 = arith.addf %add3A_148, %gather3A_157 : vector<16xf32>
    %add3A_159 = arith.constant 14 : i32
    %add3A_160 = vector.broadcast %add3A_159 : i32 to vector<16xi32>
    %add3A_161 = arith.addi %mul3A_21, %add3A_160 : vector<16xi32>
    %gather3A_162 = tpu.vector_load_idx %arg10[%add3A_161] : memref<512xf32, #tpu.memory_space<vmem>>[vector<16xi32>], vector<16xf32>,
    %add3A_163 = arith.addf %add3A_153, %gather3A_162 : vector<16xf32>
    %add3A_164 = arith.constant 14 : i32
    %add3A_165 = vector.broadcast %add3A_164 : i32 to vector<16xi32>
    %add3A_166 = arith.addi %mul3A_21, %add3A_165 : vector<16xi32>
    %gather3A_167 = tpu.vector_load_idx %arg11[%add3A_166] : memref<512xf32, #tpu.memory_space<vmem>>[vector<16xi32>], vector<16xf32>,
    %add3A_168 = arith.addf %add3A_158, %gather3A_167 : vector<16xf32>
    %add3A_169 = arith.constant 15 : i32
    %add3A_170 = vector.broadcast %add3A_169 : i32 to vector<16xi32>
    %add3A_171 = arith.addi %mul3A_21, %add3A_170 : vector<16xi32>
    %gather3A_172 = tpu.vector_load_idx %arg10[%add3A_171] : memref<512xf32, #tpu.memory_space<vmem>>[vector<16xi32>], vector<16xf32>,
    %add3A_173 = arith.addf %add3A_163, %gather3A_172 : vector<16xf32>
    %add3A_174 = arith.constant 15 : i32
    %add3A_175 = vector.broadcast %add3A_174 : i32 to vector<16xi32>
    %add3A_176 = arith.addi %mul3A_21, %add3A_175 : vector<16xi32>
    %gather3A_177 = tpu.vector_load_idx %arg11[%add3A_176] : memref<512xf32, #tpu.memory_space<vmem>>[vector<16xi32>], vector<16xf32>,
    %add3A_178 = arith.addf %add3A_168, %gather3A_177 : vector<16xf32>
    %swap3A = arith.constant 0 : index
    %swap3A_179 = tpu.vector_load %arg12[%swap3A] {strides = array<i32>} : memref<32xf32, #tpu.memory_space<vmem>>, vector<16xf32>,
    tpu.vector_store %arg12[%swap3A], %add3A_173 {strides = array<i32>} : memref<32xf32, #tpu.memory_space<vmem>>, vector<16xf32>,
    %swap3A_180 = arith.constant 0 : index
    %swap3A_181 = tpu.vector_load %arg13[%swap3A_180] {strides = array<i32>} : memref<32xf32, #tpu.memory_space<vmem>>, vector<16xf32>,
    tpu.vector_store %arg13[%swap3A_180], %add3A_178 {strides = array<i32>} : memref<32xf32, #tpu.memory_space<vmem>>, vector<16xf32>,
    %add3A_182 = arith.constant 256 : i32
    %add3A_183 = vector.broadcast %add3A_182 : i32 to vector<16xi32>
    %add3A_184 = arith.addi %mul3A_21, %add3A_183 : vector<16xi32>
    %gather3A_185 = tpu.vector_load_idx %arg10[%add3A_184] : memref<512xf32, #tpu.memory_space<vmem>>[vector<16xi32>], vector<16xf32>,
    %add3A_186 = arith.constant 256 : i32
    %add3A_187 = vector.broadcast %add3A_186 : i32 to vector<16xi32>
    %add3A_188 = arith.addi %mul3A_21, %add3A_187 : vector<16xi32>
    %gather3A_189 = tpu.vector_load_idx %arg11[%add3A_188] : memref<512xf32, #tpu.memory_space<vmem>>[vector<16xi32>], vector<16xf32>,
    %add3A_190 = arith.constant 257 : i32
    %add3A_191 = vector.broadcast %add3A_190 : i32 to vector<16xi32>
    %add3A_192 = arith.addi %mul3A_21, %add3A_191 : vector<16xi32>
    %gather3A_193 = tpu.vector_load_idx %arg10[%add3A_192] : memref<512xf32, #tpu.memory_space<vmem>>[vector<16xi32>], vector<16xf32>,
    %add3A_194 = arith.addf %gather3A_185, %gather3A_193 : vector<16xf32>
    %add3A_195 = arith.constant 257 : i32
    %add3A_196 = vector.broadcast %add3A_195 : i32 to vector<16xi32>
    %add3A_197 = arith.addi %mul3A_21, %add3A_196 : vector<16xi32>
    %gather3A_198 = tpu.vector_load_idx %arg11[%add3A_197] : memref<512xf32, #tpu.memory_space<vmem>>[vector<16xi32>], vector<16xf32>,
    %add3A_199 = arith.addf %gather3A_189, %gather3A_198 : vector<16xf32>
    %add3A_200 = arith.constant 258 : i32
    %add3A_201 = vector.broadcast %add3A_200 : i32 to vector<16xi32>
    %add3A_202 = arith.addi %mul3A_21, %add3A_201 : vector<16xi32>
    %gather3A_203 = tpu.vector_load_idx %arg10[%add3A_202] : memref<512xf32, #tpu.memory_space<vmem>>[vector<16xi32>], vector<16xf32>,
    %add3A_204 = arith.addf %add3A_194, %gather3A_203 : vector<16xf32>
    %add3A_205 = arith.constant 258 : i32
    %add3A_206 = vector.broadcast %add3A_205 : i32 to vector<16xi32>
    %add3A_207 = arith.addi %mul3A_21, %add3A_206 : vector<16xi32>
    %gather3A_208 = tpu.vector_load_idx %arg11[%add3A_207] : memref<512xf32, #tpu.memory_space<vmem>>[vector<16xi32>], vector<16xf32>,
    %add3A_209 = arith.addf %add3A_199, %gather3A_208 : vector<16xf32>
    %add3A_210 = arith.constant 259 : i32
    %add3A_211 = vector.broadcast %add3A_210 : i32 to vector<16xi32>
    %add3A_212 = arith.addi %mul3A_21, %add3A_211 : vector<16xi32>
    %gather3A_213 = tpu.vector_load_idx %arg10[%add3A_212] : memref<512xf32, #tpu.memory_space<vmem>>[vector<16xi32>], vector<16xf32>,
    %add3A_214 = arith.addf %add3A_204, %gather3A_213 : vector<16xf32>
    %add3A_215 = arith.constant 259 : i32
    %add3A_216 = vector.broadcast %add3A_215 : i32 to vector<16xi32>
    %add3A_217 = arith.addi %mul3A_21, %add3A_216 : vector<16xi32>
    %gather3A_218 = tpu.vector_load_idx %arg11[%add3A_217] : memref<512xf32, #tpu.memory_space<vmem>>[vector<16xi32>], vector<16xf32>,
    %add3A_219 = arith.addf %add3A_209, %gather3A_218 : vector<16xf32>
    %add3A_220 = arith.constant 260 : i32
    %add3A_221 = vector.broadcast %add3A_220 : i32 to vector<16xi32>
    %add3A_222 = arith.addi %mul3A_21, %add3A_221 : vector<16xi32>
    %gather3A_223 = tpu.vector_load_idx %arg10[%add3A_222] : memref<512xf32, #tpu.memory_space<vmem>>[vector<16xi32>], vector<16xf32>,
    %add3A_224 = arith.addf %add3A_214, %gather3A_223 : vector<16xf32>
    %add3A_225 = arith.constant 260 : i32
    %add3A_226 = vector.broadcast %add3A_225 : i32 to vector<16xi32>
    %add3A_227 = arith.addi %mul3A_21, %add3A_226 : vector<16xi32>
    %gather3A_228 = tpu.vector_load_idx %arg11[%add3A_227] : memref<512xf32, #tpu.memory_space<vmem>>[vector<16xi32>], vector<16xf32>,
    %add3A_229 = arith.addf %add3A_219, %gather3A_228 : vector<16xf32>
    %add3A_230 = arith.constant 261 : i32
    %add3A_231 = vector.broadcast %add3A_230 : i32 to vector<16xi32>
    %add3A_232 = arith.addi %mul3A_21, %add3A_231 : vector<16xi32>
    %gather3A_233 = tpu.vector_load_idx %arg10[%add3A_232] : memref<512xf32, #tpu.memory_space<vmem>>[vector<16xi32>], vector<16xf32>,
    %add3A_234 = arith.addf %add3A_224, %gather3A_233 : vector<16xf32>
    %add3A_235 = arith.constant 261 : i32
    %add3A_236 = vector.broadcast %add3A_235 : i32 to vector<16xi32>
    %add3A_237 = arith.addi %mul3A_21, %add3A_236 : vector<16xi32>
    %gather3A_238 = tpu.vector_load_idx %arg11[%add3A_237] : memref<512xf32, #tpu.memory_space<vmem>>[vector<16xi32>], vector<16xf32>,
    %add3A_239 = arith.addf %add3A_229, %gather3A_238 : vector<16xf32>
    %add3A_240 = arith.constant 262 : i32
    %add3A_241 = vector.broadcast %add3A_240 : i32 to vector<16xi32>
    %add3A_242 = arith.addi %mul3A_21, %add3A_241 : vector<16xi32>
    %gather3A_243 = tpu.vector_load_idx %arg10[%add3A_242] : memref<512xf32, #tpu.memory_space<vmem>>[vector<16xi32>], vector<16xf32>,
    %add3A_244 = arith.addf %add3A_234, %gather3A_243 : vector<16xf32>
    %add3A_245 = arith.constant 262 : i32
    %add3A_246 = vector.broadcast %add3A_245 : i32 to vector<16xi32>
    %add3A_247 = arith.addi %mul3A_21, %add3A_246 : vector<16xi32>
    %gather3A_248 = tpu.vector_load_idx %arg11[%add3A_247] : memref<512xf32, #tpu.memory_space<vmem>>[vector<16xi32>], vector<16xf32>,
    %add3A_249 = arith.addf %add3A_239, %gather3A_248 : vector<16xf32>
    %add3A_250 = arith.constant 263 : i32
    %add3A_251 = vector.broadcast %add3A_250 : i32 to vector<16xi32>
    %add3A_252 = arith.addi %mul3A_21, %add3A_251 : vector<16xi32>
    %gather3A_253 = tpu.vector_load_idx %arg10[%add3A_252] : memref<512xf32, #tpu.memory_space<vmem>>[vector<16xi32>], vector<16xf32>,
    %add3A_254 = arith.addf %add3A_244, %gather3A_253 : vector<16xf32>
    %add3A_255 = arith.constant 263 : i32
    %add3A_256 = vector.broadcast %add3A_255 : i32 to vector<16xi32>
    %add3A_257 = arith.addi %mul3A_21, %add3A_256 : vector<16xi32>
    %gather3A_258 = tpu.vector_load_idx %arg11[%add3A_257] : memref<512xf32, #tpu.memory_space<vmem>>[vector<16xi32>], vector<16xf32>,
    %add3A_259 = arith.addf %add3A_249, %gather3A_258 : vector<16xf32>
    %add3A_260 = arith.constant 264 : i32
    %add3A_261 = vector.broadcast %add3A_260 : i32 to vector<16xi32>
    %add3A_262 = arith.addi %mul3A_21, %add3A_261 : vector<16xi32>
    %gather3A_263 = tpu.vector_load_idx %arg10[%add3A_262] : memref<512xf32, #tpu.memory_space<vmem>>[vector<16xi32>], vector<16xf32>,
    %add3A_264 = arith.addf %add3A_254, %gather3A_263 : vector<16xf32>
    %add3A_265 = arith.constant 264 : i32
    %add3A_266 = vector.broadcast %add3A_265 : i32 to vector<16xi32>
    %add3A_267 = arith.addi %mul3A_21, %add3A_266 : vector<16xi32>
    %gather3A_268 = tpu.vector_load_idx %arg11[%add3A_267] : memref<512xf32, #tpu.memory_space<vmem>>[vector<16xi32>], vector<16xf32>,
    %add3A_269 = arith.addf %add3A_259, %gather3A_268 : vector<16xf32>
    %add3A_270 = arith.constant 265 : i32
    %add3A_271 = vector.broadcast %add3A_270 : i32 to vector<16xi32>
    %add3A_272 = arith.addi %mul3A_21, %add3A_271 : vector<16xi32>
    %gather3A_273 = tpu.vector_load_idx %arg10[%add3A_272] : memref<512xf32, #tpu.memory_space<vmem>>[vector<16xi32>], vector<16xf32>,
    %add3A_274 = arith.addf %add3A_264, %gather3A_273 : vector<16xf32>
    %add3A_275 = arith.constant 265 : i32
    %add3A_276 = vector.broadcast %add3A_275 : i32 to vector<16xi32>
    %add3A_277 = arith.addi %mul3A_21, %add3A_276 : vector<16xi32>
    %gather3A_278 = tpu.vector_load_idx %arg11[%add3A_277] : memref<512xf32, #tpu.memory_space<vmem>>[vector<16xi32>], vector<16xf32>,
    %add3A_279 = arith.addf %add3A_269, %gather3A_278 : vector<16xf32>
    %add3A_280 = arith.constant 266 : i32
    %add3A_281 = vector.broadcast %add3A_280 : i32 to vector<16xi32>
    %add3A_282 = arith.addi %mul3A_21, %add3A_281 : vector<16xi32>
    %gather3A_283 = tpu.vector_load_idx %arg10[%add3A_282] : memref<512xf32, #tpu.memory_space<vmem>>[vector<16xi32>], vector<16xf32>,
    %add3A_284 = arith.addf %add3A_274, %gather3A_283 : vector<16xf32>
    %add3A_285 = arith.constant 266 : i32
    %add3A_286 = vector.broadcast %add3A_285 : i32 to vector<16xi32>
    %add3A_287 = arith.addi %mul3A_21, %add3A_286 : vector<16xi32>
    %gather3A_288 = tpu.vector_load_idx %arg11[%add3A_287] : memref<512xf32, #tpu.memory_space<vmem>>[vector<16xi32>], vector<16xf32>,
    %add3A_289 = arith.addf %add3A_279, %gather3A_288 : vector<16xf32>
    %add3A_290 = arith.constant 267 : i32
    %add3A_291 = vector.broadcast %add3A_290 : i32 to vector<16xi32>
    %add3A_292 = arith.addi %mul3A_21, %add3A_291 : vector<16xi32>
    %gather3A_293 = tpu.vector_load_idx %arg10[%add3A_292] : memref<512xf32, #tpu.memory_space<vmem>>[vector<16xi32>], vector<16xf32>,
    %add3A_294 = arith.addf %add3A_284, %gather3A_293 : vector<16xf32>
    %add3A_295 = arith.constant 267 : i32
    %add3A_296 = vector.broadcast %add3A_295 : i32 to vector<16xi32>
    %add3A_297 = arith.addi %mul3A_21, %add3A_296 : vector<16xi32>
    %gather3A_298 = tpu.vector_load_idx %arg11[%add3A_297] : memref<512xf32, #tpu.memory_space<vmem>>[vector<16xi32>], vector<16xf32>,
    %add3A_299 = arith.addf %add3A_289, %gather3A_298 : vector<16xf32>
    %add3A_300 = arith.constant 268 : i32
    %add3A_301 = vector.broadcast %add3A_300 : i32 to vector<16xi32>
    %add3A_302 = arith.addi %mul3A_21, %add3A_301 : vector<16xi32>
    %gather3A_303 = tpu.vector_load_idx %arg10[%add3A_302] : memref<512xf32, #tpu.memory_space<vmem>>[vector<16xi32>], vector<16xf32>,
    %add3A_304 = arith.addf %add3A_294, %gather3A_303 : vector<16xf32>
    %add3A_305 = arith.constant 268 : i32
    %add3A_306 = vector.broadcast %add3A_305 : i32 to vector<16xi32>
    %add3A_307 = arith.addi %mul3A_21, %add3A_306 : vector<16xi32>
    %gather3A_308 = tpu.vector_load_idx %arg11[%add3A_307] : memref<512xf32, #tpu.memory_space<vmem>>[vector<16xi32>], vector<16xf32>,
    %add3A_309 = arith.addf %add3A_299, %gather3A_308 : vector<16xf32>
    %add3A_310 = arith.constant 269 : i32
    %add3A_311 = vector.broadcast %add3A_310 : i32 to vector<16xi32>
    %add3A_312 = arith.addi %mul3A_21, %add3A_311 : vector<16xi32>
    %gather3A_313 = tpu.vector_load_idx %arg10[%add3A_312] : memref<512xf32, #tpu.memory_space<vmem>>[vector<16xi32>], vector<16xf32>,
    %add3A_314 = arith.addf %add3A_304, %gather3A_313 : vector<16xf32>
    %add3A_315 = arith.constant 269 : i32
    %add3A_316 = vector.broadcast %add3A_315 : i32 to vector<16xi32>
    %add3A_317 = arith.addi %mul3A_21, %add3A_316 : vector<16xi32>
    %gather3A_318 = tpu.vector_load_idx %arg11[%add3A_317] : memref<512xf32, #tpu.memory_space<vmem>>[vector<16xi32>], vector<16xf32>,
    %add3A_319 = arith.addf %add3A_309, %gather3A_318 : vector<16xf32>
    %add3A_320 = arith.constant 270 : i32
    %add3A_321 = vector.broadcast %add3A_320 : i32 to vector<16xi32>
    %add3A_322 = arith.addi %mul3A_21, %add3A_321 : vector<16xi32>
    %gather3A_323 = tpu.vector_load_idx %arg10[%add3A_322] : memref<512xf32, #tpu.memory_space<vmem>>[vector<16xi32>], vector<16xf32>,
    %add3A_324 = arith.addf %add3A_314, %gather3A_323 : vector<16xf32>
    %add3A_325 = arith.constant 270 : i32
    %add3A_326 = vector.broadcast %add3A_325 : i32 to vector<16xi32>
    %add3A_327 = arith.addi %mul3A_21, %add3A_326 : vector<16xi32>
    %gather3A_328 = tpu.vector_load_idx %arg11[%add3A_327] : memref<512xf32, #tpu.memory_space<vmem>>[vector<16xi32>], vector<16xf32>,
    %add3A_329 = arith.addf %add3A_319, %gather3A_328 : vector<16xf32>
    %add3A_330 = arith.constant 271 : i32
    %add3A_331 = vector.broadcast %add3A_330 : i32 to vector<16xi32>
    %add3A_332 = arith.addi %mul3A_21, %add3A_331 : vector<16xi32>
    %gather3A_333 = tpu.vector_load_idx %arg10[%add3A_332] : memref<512xf32, #tpu.memory_space<vmem>>[vector<16xi32>], vector<16xf32>,
    %add3A_334 = arith.addf %add3A_324, %gather3A_333 : vector<16xf32>
    %add3A_335 = arith.constant 271 : i32
    %add3A_336 = vector.broadcast %add3A_335 : i32 to vector<16xi32>
    %add3A_337 = arith.addi %mul3A_21, %add3A_336 : vector<16xi32>
    %gather3A_338 = tpu.vector_load_idx %arg11[%add3A_337] : memref<512xf32, #tpu.memory_space<vmem>>[vector<16xi32>], vector<16xf32>,
    %add3A_339 = arith.addf %add3A_329, %gather3A_338 : vector<16xf32>
    %swap3A_340 = arith.constant 16 : index
    %swap3A_341 = tpu.vector_load %arg12[%swap3A_340] {strides = array<i32>} : memref<32xf32, #tpu.memory_space<vmem>>, vector<16xf32>,
    tpu.vector_store %arg12[%swap3A_340], %add3A_334 {strides = array<i32>} : memref<32xf32, #tpu.memory_space<vmem>>, vector<16xf32>,
    %swap3A_342 = arith.constant 16 : index
    %swap3A_343 = tpu.vector_load %arg13[%swap3A_342] {strides = array<i32>} : memref<32xf32, #tpu.memory_space<vmem>>, vector<16xf32>,
    tpu.vector_store %arg13[%swap3A_342], %add3A_339 {strides = array<i32>} : memref<32xf32, #tpu.memory_space<vmem>>, vector<16xf32>,
    "tpu.region"() ({
      %run_scoped3A = tpu.sem_alloc : memref<!tpu.dma_semaphore, #tpu.memory_space<semaphore_mem>>
      %dma_start3A_344 = tpu.memref_slice %arg4[%mul3A_2] : memref<1024xf32, #tpu.memory_space<hbm>> -> memref<32xf32, #tpu.memory_space<hbm>>
      %dma_start3A_345 = tpu.memref_slice %arg4[%mul3A_2] : memref<1024xf32, #tpu.memory_space<hbm>> -> memref<32xf32, #tpu.memory_space<hbm>>
      tpu.enqueue_dma source(%arg12 : memref<32xf32, #tpu.memory_space<vmem>>) target(%dma_start3A_345 : memref<32xf32, #tpu.memory_space<hbm>>) target_semaphore(%run_scoped3A : memref<!tpu.dma_semaphore, #tpu.memory_space<semaphore_mem>>)
      %dma_wait3A = tpu.memref_slice %arg4[%mul3A_2] : memref<1024xf32, #tpu.memory_space<hbm>> -> memref<32xf32, #tpu.memory_space<hbm>>
      %dma_wait3A_346 = tpu.memref_slice %arg4[%mul3A_2] : memref<1024xf32, #tpu.memory_space<hbm>> -> memref<32xf32, #tpu.memory_space<hbm>>
      tpu.wait_dma2 semaphore(%run_scoped3A : memref<!tpu.dma_semaphore, #tpu.memory_space<semaphore_mem>>) src(%arg12 : memref<32xf32, #tpu.memory_space<vmem>>) dst(%dma_wait3A_346 : memref<32xf32, #tpu.memory_space<hbm>>)
      tpu.yield
    }) : () -> ()
    "tpu.region"() ({
      %run_scoped3A = tpu.sem_alloc : memref<!tpu.dma_semaphore, #tpu.memory_space<semaphore_mem>>
      %dma_start3A_344 = tpu.memref_slice %arg5[%mul3A_2] : memref<1024xf32, #tpu.memory_space<hbm>> -> memref<32xf32, #tpu.memory_space<hbm>>
      %dma_start3A_345 = tpu.memref_slice %arg5[%mul3A_2] : memref<1024xf32, #tpu.memory_space<hbm>> -> memref<32xf32, #tpu.memory_space<hbm>>
      tpu.enqueue_dma source(%arg13 : memref<32xf32, #tpu.memory_space<vmem>>) target(%dma_start3A_345 : memref<32xf32, #tpu.memory_space<hbm>>) target_semaphore(%run_scoped3A : memref<!tpu.dma_semaphore, #tpu.memory_space<semaphore_mem>>)
      %dma_wait3A = tpu.memref_slice %arg5[%mul3A_2] : memref<1024xf32, #tpu.memory_space<hbm>> -> memref<32xf32, #tpu.memory_space<hbm>>
      %dma_wait3A_346 = tpu.memref_slice %arg5[%mul3A_2] : memref<1024xf32, #tpu.memory_space<hbm>> -> memref<32xf32, #tpu.memory_space<hbm>>
      tpu.wait_dma2 semaphore(%run_scoped3A : memref<!tpu.dma_semaphore, #tpu.memory_space<semaphore_mem>>) src(%arg13 : memref<32xf32, #tpu.memory_space<vmem>>) dst(%dma_wait3A_346 : memref<32xf32, #tpu.memory_space<hbm>>)
      tpu.yield
    }) : () -> ()
    return
  }
}

module attributes {stable_mosaic.version = 14 : i64} {
  func.func @_tc_finish(%arg0: memref<8x128xf32, #tpu.memory_space<vmem>>, %arg1: memref<8x128xf32, #tpu.memory_space<vmem>>, %arg2: memref<1x1xf32, #tpu.memory_space<vmem>>) attributes {dimension_semantics = [], scalar_prefetch = 0 : i64, scratch_operands = 0 : i64, tpu.core_type = #tpu.core_type<tc>} {
    %get3A = arith.constant 0 : index
    %get3A_0 = arith.constant 0 : index
    %get3A_1 = vector.load %arg0[%get3A, %get3A_0] : memref<8x128xf32, #tpu.memory_space<vmem>>, vector<8x128xf32>
    %log3A = math.log %get3A_1 : vector<8x128xf32>
    %mul3A = arith.constant 2.000000e+01 : f32
    %mul3A_2 = vector.broadcast %mul3A : f32 to vector<8x128xf32>
    %mul3A_3 = arith.mulf %mul3A_2, %log3A : vector<8x128xf32>
    %get3A_4 = arith.constant 0 : index
    %get3A_5 = arith.constant 0 : index
    %get3A_6 = vector.load %arg1[%get3A_4, %get3A_5] : memref<8x128xf32, #tpu.memory_space<vmem>>, vector<8x128xf32>
    %sub3A = arith.subf %mul3A_3, %get3A_6 : vector<8x128xf32>
    %reduce_sum3A = vector.shape_cast %sub3A : vector<8x128xf32> to vector<1x8x128xf32>
    %reduce_sum3A_7 = arith.constant dense<0.000000e+00> : vector<1xf32>
    %reduce_sum3A_8 = vector.multi_reduction <add>, %reduce_sum3A, %reduce_sum3A_7 [1, 2] : vector<1x8x128xf32> to vector<1xf32>
    %reduce_sum3A_9 = vector.shape_cast %reduce_sum3A_8 : vector<1xf32> to vector<1x1x1xf32>
    %reduce_sum3A_10 = vector.extract %reduce_sum3A_9[0, 0, 0] : f32 from vector<1x1x1xf32>
    %div3A = arith.constant 1.024000e+03 : f32
    %div3A_11 = arith.divf %reduce_sum3A_10, %div3A : f32
    %reshape3A = vector.broadcast %div3A_11 : f32 to vector<1x1xf32>
    %swap3A = arith.constant 0 : index
    %swap3A_12 = arith.constant 0 : index
    %swap3A_13 = vector.load %arg2[%swap3A, %swap3A_12] : memref<1x1xf32, #tpu.memory_space<vmem>>, vector<1x1xf32>
    tpu.vector_store %arg2[%swap3A, %swap3A_12], %reshape3A {strides = array<i32>} : memref<1x1xf32, #tpu.memory_space<vmem>>, vector<1x1xf32>,
    return
  }
}

</mosaic_0001>

<sc_bundles>
// kernel: kernel.4.cloned.1.call-start
scs
__scs_entry_jumppad:
0x0: {  	(pc) =	sbr.rel $0x88, $3  }
0x1: {  	(tag) =	ssettag $0x0;
	lr =	simm.s32 $0x1  }
0x2: {  	[smem:$0x3F9F] =	sst lr;
	_ =	strace $0xD0000000  }
0x3: {  	_ = 	snop  }
0x4: {  	_ = 	snop  }
0x5: {  	_ = 	snop  }
0x6: {  	_ = 	snop  }
0x7: {  	_ = 	snop  }
__scs_overlays_trampoline_lowered:
0x8: {  	[smem:$0x3FAE] =	sst s0  }
0x9: {  	[smem:$0x3FAF] =	sst s1  }
0xa: {  	[smem:$0x3FB0] =	sst s2  }
0xb: {  	[smem:$0x3FB1] =	sst s3  }
0xc: {  	[smem:$0x3FB2] =	sst s4  }
0xd: {  	[smem:$0x3FB3] =	sst s5  }
0xe: {  	[smem:$0x3FB4] =	sst s6  }
0xf: {  	[smem:$0x3FB5] =	sst s7  }
0x10: {  	[smem:$0x3FB6] =	sst s8  }
0x11: {  	[smem:$0x3FB7] =	sst s9;
	s0 =	simm.s32 @!p0 $0x0  }
0x12: {  	s1 =	sld [smem:$0x3F9D];
	s0 =	simm.s32 @p0 $0x1  }
0x13: {  	[smem:$0x3FB8] =	sst s0;
	s0 =	simm.s32 @!p1 $0x0  }
0x14: {  	s2 =	sld [smem:$0x3F9C];
	s0 =	simm.s32 @p1 $0x1  }
0x15: {  	[smem:$0x3FB9] =	sst s0;
	s0 =	simm.s32 @!p2 $0x0  }
0x16: {  	s3 =	sld [smem:$0x3FDB];
	s0 =	simm.s32 @p2 $0x1  }
0x17: {  	s4 =	simm.s32 $0x1BF5;
	[smem:$0x3FBB] =	sst s0  }
0x18: {  	s0 =	sld [smem:$0x3F9E];
	_ =	swait.ge [sflag:s4], $0x0  }
0x19: {  	s7 =	sld [smem:$0x3F9F]  }
0x1a: {  	s8 =	sadd.s32 $0xFFFFE003, lr  }
0x1b: {  	s9 =	sadd.s32 $0xFFFFFEF7, lr;
	s5 =	simm.s32 $0xFFFFFFFF;
	p2 =	slt.u32 s8, $0xFFFFF086  }
0x1c: {  	p1 =	slt.u32 s9, $0xF7A;
	s5 =	simm.s32 @!p2 $0x0  }
0x1d: {  	s5 =	simm.s32 @p1 $0x1;
	p0 =	seq.s32 s7, s2  }
0x1e: {  	s7 =	smul.u32 @!p0 $0xF7A, s2;
	p2 =	seq.s32 @!p0 s5, $0x0  }
0x1f: {  	s9 =	smul.u32 $0xF7A, s1;
	s8 =	simm.s32 @!p0 $0x1BF5;
	p2 =	por !p2, p0  }
0x20: {  	[sflag:s8] =	ssyncset.s32 @!p0 $0xFFFFF086;
	s6 =	sadd.s32 @!p0 s3, s7;
	s7 =	simm.s32 @!p0 $0x108  }
0x21: {  	s3 =	sadd.s32 s3, s9;
	s6 =	sadd.s32 @!p0 $0x88, s6;
	s7 =	simm.s32 @p2 $0x1082  }
0x22: {  	[simem:s7], [sflag:s8] =	dma.local @!p0 [hbm:s6], $0xF7A  }
0x23: {  	s9 =	sor.u32 $0xD0000000, s2;
	s6 =	simm.s32 $0x108;
	_ =	swait.ge @!p0 [sflag:s8], $0x0  }
0x24: {  	s3 =	sadd.s32 $0x88, s3;
	s6 =	simm.s32 @!p1 $0x1082;
	[sflag:s4] =	ssyncset.s32 $0xFFFFF086  }
0x25: {  	[simem:s6], [sflag:s4] =	dma.local [hbm:s3], $0xF7A  }
0x26: {  	[smem:$0x3F9F] =	sst s1;
	(tag) =	ssettag s2;
	_ =	strace s9  }
0x27: {  	s1 =	sld [smem:$0x3FAF]  }
0x28: {  	s2 =	sld [smem:$0x3FB0]  }
0x29: {  	s4 =	sld [smem:$0x3FB2]  }
0x2a: {  	p0 =	seq.s32 s5, $0x0;
	s5 =	sld [smem:$0x3FB3]  }
0x2b: {  	s6 =	sld [smem:$0x3FB4]  }
0x2c: {  	s7 =	sld [smem:$0x3FB5]  }
0x2d: {  	s3 =	simm.s32 $0x108;
	s8 =	sld [smem:$0x3FB6]  }
0x2e: {  	s3 =	simm.s32 @!p0 $0x1082;
	s9 =	sld [smem:$0x3FB7]  }
0x2f: {  	lr =	sadd.s32 s0, s3;
	s0 =	sld [smem:$0x3FAE]  }
0x30: {  	s3 =	sld [smem:$0x3FB1]  }
0x31: {  	[smem:$0x3FBA] =	sst s10  }
0x32: {  	s10 =	sld [smem:$0x3FB8];
	_ =	sdelay $0x3  }
0x33: {  	p0 =	seq.s32 s10, $0x1;
	s10 =	sld [smem:$0x3FBA];
	_ =	sdelay $0x3  }
0x34: {  	[smem:$0x3FBA] =	sst s10  }
0x35: {  	s10 =	sld [smem:$0x3FB9];
	_ =	sdelay $0x3  }
0x36: {  	p1 =	seq.s32 s10, $0x1;
	s10 =	sld [smem:$0x3FBA];
	_ =	sdelay $0x3  }
0x37: {  	[smem:$0x3FBA] =	sst s10  }
0x38: {  	s10 =	sld [smem:$0x3FBB]  }
0x39: {  	_ = 	snop;
	(pc) =	sbr.ind lr, $3  }
0x3a: {  	_ = 	snop  }
0x3b: {  	_ = 	snop  }
0x3c: {  	p2 =	seq.s32 s10, $0x1;
	s10 =	sld [smem:$0x3FBA]  }
0x3d: {  	_ =	shalt  }
0x3e: {  	_ =	shalt  }
0x3f: {  	_ =	shalt  }
0x40: {  	_ =	shalt  }
0x41: {  	_ =	shalt  }
0x42: {  	_ =	shalt  }
0x43: {  	_ =	shalt  }
0x44: {  	_ =	shalt  }
0x45: {  	_ =	shalt  }
0x46: {  	_ =	shalt  }
0x47: {  	_ =	shalt  }
0x48: {  	_ =	shalt  }
0x49: {  	_ =	shalt  }
0x4a: {  	_ =	shalt  }
0x4b: {  	_ =	shalt  }
0x4c: {  	_ =	shalt  }
0x4d: {  	_ =	shalt  }
0x4e: {  	_ =	shalt  }
0x4f: {  	_ =	shalt  }
0x50: {  	_ =	shalt  }
0x51: {  	_ =	shalt  }
0x52: {  	_ =	shalt  }
0x53: {  	_ =	shalt  }
0x54: {  	_ =	shalt  }
0x55: {  	_ =	shalt  }
0x56: {  	_ =	shalt  }
0x57: {  	_ =	shalt  }
0x58: {  	_ =	shalt  }
0x59: {  	_ =	shalt  }
0x5a: {  	_ =	shalt  }
0x5b: {  	_ =	shalt  }
0x5c: {  	_ =	shalt  }
0x5d: {  	_ =	shalt  }
0x5e: {  	_ =	shalt  }
0x5f: {  	_ =	shalt  }
0x60: {  	_ =	shalt  }
0x61: {  	_ =	shalt  }
0x62: {  	_ =	shalt  }
0x63: {  	_ =	shalt  }
0x64: {  	_ =	shalt  }
0x65: {  	_ =	shalt  }
0x66: {  	_ =	shalt  }
0x67: {  	_ =	shalt  }
0x68: {  	_ =	shalt  }
0x69: {  	_ =	shalt  }
0x6a: {  	_ =	shalt  }
0x6b: {  	_ =	shalt  }
0x6c: {  	_ =	shalt  }
0x6d: {  	_ =	shalt  }
0x6e: {  	_ =	shalt  }
0x6f: {  	_ =	shalt  }
0x70: {  	_ =	shalt  }
0x71: {  	_ =	shalt  }
0x72: {  	_ =	shalt  }
0x73: {  	_ =	shalt  }
0x74: {  	_ =	shalt  }
0x75: {  	_ =	shalt  }
0x76: {  	_ =	shalt  }
0x77: {  	_ =	shalt  }
0x78: {  	_ =	shalt  }
0x79: {  	_ =	shalt  }
0x7a: {  	_ =	shalt  }
0x7b: {  	_ =	shalt  }
0x7c: {  	_ =	shalt  }
0x7d: {  	_ =	shalt  }
0x7e: {  	_ =	shalt  }
0x7f: {  	_ =	shalt  }
0x80: {  	_ =	shalt  }
0x81: {  	_ =	shalt  }
0x82: {  	_ =	shalt  }
0x83: {  	_ =	shalt  }
0x84: {  	_ =	shalt  }
0x85: {  	_ =	shalt  }
0x86: {  	_ =	shalt  }
0x87: {  	_ =	shalt  }
.Lfunc_end0:
.L_simem_size_0:
called_computation_lowered:
.L_overlay_start_0:
0x88: {  	s2 =	sld [smem:$0x3FD9]  }
0x89: {  	s3 =	sld [smem:$0x3FFE];
	_ =	sdelay $0x1  }
0x8a: {  	s1 =	srdreg.scid  }
0x8b: {  	s0 =	sand.u32 $0x1, s1  }
0x8c: {  	s17 =	sshll.u32 s0, $0xA;
	s2 =	sadd.s32 s3, s2  }
0x8d: {  	s2 =	sadd.s32 s2, s17  }
0x8e: {  	[smem:$0x3FC6] =	sst s2  }
0x8f: {  	_ = 	snop  }
0x90: {  	s2 =	sld [smem:$0x3FC8];
	(tm) =	ssettm $0x1  }
0x91: {  	s18 =	sld [smem:$0x3FFB];
	_ =	sdelay $0x3  }
0x92: {  	_ =	strace s18  }
0x93: {  	s3 =	sld [smem:$0x3FFC];
	_ =	sdelay $0x3  }
0x94: {  	_ =	strace s3  }
0x95: {  	s3 =	sld [smem:$0x3FFD];
	_ =	sdelay $0x3  }
0x96: {  	_ =	strace s3  }
0x97: {  	_ =	strace $0x8FFFFFFF  }
0x98: {  	s19 =	sld [smem:$0x3FDB];
	_ =	sdelay $0x1  }
0x99: {  	s4 =	simm.s32 $_scs_section_size  }
0x9a: {  	s5 =	simm.s32 $_size__tile_overlayer_lowered;
	s6 =	simm.s32 $_tile_overlayer_lowered  }
0x9b: {  	s22 =	simm.s32 $0x1BFF;
	s21 =	sshll.u32 s6, $0x1;
	s3 =	sadd.s32 s4, s19  }
0x9c: {  	s7 =	simm.s32 $0x0;
	s20 =	sshll.u32 s5, $0x1;
	s5 =	sadd.s32 s21, s3  }
0x9d: {  	[timem:s7], [sflag:s22] =	dma.local [hbm:s5], s20  }
0x9e: {  	_ =	swait.ge [sflag:s22], s20  }
0x9f: {  	s4 =	ssub.s32 $0x0, s20;
	[sflag:s22] =	ssyncset.done $0x0  }
0xa0: {  	[sflag:s22] =	ssyncadd.s32 s4;
	_ =	sdelay $0x1  }
0xa1: {  	s23 =	simm.s32 $0x1B8B  }
0xa2: {  	_ =	swait.ge [sflag:s23], $0x1  }
0xa3: {  	[sflag:s23] =	ssyncset.done $0x0  }
0xa4: {  	s25 =	simm.s32 $0x1B8E;
	s24 =	sld [smem:$0x3FFE];
	[sflag:s23] =	ssyncadd.s32 $0xFFFFFFFF  }
0xa5: {  	s26 =	simm.s32 $execute0_lowered;
	[smem:$0x3FD2] =	sst s25  }
0xa6: {  	s5 =	sshll.u32 s26, $0x1;
	_ =	strace $0x80000046;
	[dreg:$0x1] =	wrdreg $0xFFFFFFFF  }
0xa7: {  	s28 =	simm.s32 $_size_execute0_lowered;
	s3 =	sadd.s32 s3, s5;
	[dreg:$0x0] =	wrdreg $0x0  }
0xa8: {  	s5 =	sshll.u32 s28, $0x1;
	[dreg:$0x2] =	wrdreg s3  }
0xa9: {  	[dreg:$0x3] =	wrdreg s5  }
0xaa: {  	[dreg:$0x4] =	wrdreg $0xC0  }
0xab: {  	_ =	task [dreg:s7], $0x5FFFF  }
0xac: {  	[dreg:$0x1] =	wrdreg $0xFFFFFFFF  }
0xad: {  	[dreg:$0x0] =	wrdreg $0x60  }
0xae: {  	[dreg:$0x2] =	wrdreg s24  }
0xaf: {  	[dreg:$0x3] =	wrdreg s2  }
0xb0: {  	[dreg:$0x4] =	wrdreg $0x9  }
0xb1: {  	_ =	task.clear_ibuf [dreg:s7], $0x5FFFF;
	_ =	strace $0x90000046  }
0xb2: {  	s29 =	simm.s32 $0x9;
	_ =	strace $0x80000048  }
0xb3: {  	_ =	swait.ge [sflag:s29], $0x1  }
0xb4: {  	[sflag:s29] =	ssyncadd.s32 $0xFFFFFFFF  }
0xb5: {  	_ =	strace $0x90000048  }
0xb6: {  	_ =	sfence  }
0xb7: {  	s30 =	sld [smem:$0x0];
	_ =	sdelay $0x2  }
0xb8: {  	s31 =	sshll.u32 s1, $0xD;
	s1 =	sshrl.u32 s1, $0x2  }
0xb9: {  	s3 =	sand.u32 $0x4000, s31;
	s1 =	sadd.s32 s1, s30  }
0xba: {  	s0 =	sor.u32 s3, s0;
	s1 =	sshll.u32 s1, $0x11  }
0xbb: {  	s0 =	sor.u32 s1, s0  }
0xbc: {  	s0 =	sadd.s32 $0x8F2B, s0  }
0xbd: {  	[sflag:s0] =	ssyncadd.remote.s32 $0x1  }
0xbe: {  	_ =	sfence.sel $0xFFFF  }
0xbf: {  	[dreg:$0x0] =	wrdreg $0xFFFFFFFF;
	(pc) =	sbr.abs _section_cstart, $3  }
0xc0: {  	[dreg:$0x1] =	wrdreg $0xFFFFFFFF  }
0xc1: {  	_ =	task.clear_ibuf [dreg:s7], $0x2FFFF;
	_ =	strace $0x9FFFFFFF  }
0xc2: {  	(tm) =	ssettm $0x7FFFFFFF  }
0xc3: {  	_ =	shalt  }
tec
execute0_lowered:
.L_overlay_start_1:
0x0: {  	(tag) =	ssettag $0x1  }
0x1: {  	v0 =	vlaneseq.u32;
	vm0 =	vcmask $0x3F04;
	vm1 =	vcmask $0x3F08  }
0x2: {  	vm2 =	vcmask $0x3F0C;
	vm3 =	vcmask $0x3F10;
	vm10 =	vcmask $0x3F2C  }
0x3: {  	vm11 =	vcmask $0x3F30;
	vm12 =	vcmask $0x3F34;
	v1 =	vmul.u32 $0x10, v0  }
0x4: {  	vm13 =	vcmask $0x3F38;
	vm14 =	vcmask $0x3F3C;
	vm15 =	vmmov $0x1f  }
0x5: {  	vm4 =	vmmov $0x1ff;
	v2 =	vor.u32 $0x1, v1;
	v37 =	vor.u32 $0x5, v1  }
0x6: {  	v9 =	vor.u32 $0x6, v1;
	v8 =	vor.u32 $0x7, v1;
	v38 =	vor.u32 $0x9, v1  }
0x7: {  	v11 =	vor.u32 $0xA, v1;
	v12 =	vor.u32 $0xB, v1;
	v13 =	vor.u32 $0xC, v1  }
0x8: {  	s4 =	rddreg [dreg:$0x0];
	v14 =	vor.u32 $0xD, v1;
	v15 =	vor.u32 $0xE, v1;
	v16 =	vor.u32 $0xF, v1  }
0x9: {  	s1 =	srdreg.scid;
	s0 =	stileid.u32;
	v17 =	vor.u32 $0x100, v1;
	v18 =	vor.u32 $0x101, v1;
	v19 =	vor.u32 $0x102, v1  }
0xa: {  	s2 =	rddreg [dreg:$0x1];
	s3 =	simm.s32 $0x0;
	s9 =	simm.s32 $0x52;
	v20 =	vor.u32 $0x103, v1;
	v21 =	vor.u32 $0x104, v1;
	[tilespmem:$0x1FF60] =	vst v2;
	v2 =	vor.u32 $0x2, v1  }
0xb: {  	s10 =	simm.s32 $0x580;
	s11 =	simm.s32 $0x58;
	s12 =	simm.s32 $0x3180;
	v22 =	vor.u32 $0x105, v1;
	v23 =	vor.u32 $0x106, v1;
	[tilespmem:$0x1FF70] =	vst v2;
	v2 =	vor.u32 $0x3, v1  }
0xc: {  	s13 =	simm.s32 $0x1;
	s14 =	simm.s32 $0x5D80;
	s15 =	simm.s32 $0x2;
	v24 =	vor.u32 $0x107, v1;
	v25 =	vor.u32 $0x108, v1;
	[tilespmem:$0x1FF80] =	vst v2;
	v2 =	vor.u32 $0x4, v1  }
0xd: {  	s16 =	simm.s32 $0x6080;
	s5 =	sand.u32 $0x1, s1;
	s6 =	sshll.u32 s0, $0x1;
	v26 =	vor.u32 $0x109, v1;
	v27 =	vor.u32 $0x10A, v1;
	[tilespmem:$0x1FF90] =	vst v2;
	v2 =	vor.u32 $0x200, v1  }
0xe: {  	s17 =	simm.s32 $0x6280;
	s18 =	simm.s32 $0x6480;
	s6 =	sor.u32 s5, s6;
	v28 =	vor.u32 $0x10B, v1;
	v29 =	vor.u32 $0x10C, v1;
	[tilespmem:$0x1FFA0] =	vst v2;
	v2 =	vor.u32 $0x201, v1  }
0xf: {  	s19 =	simm.s32 $0x6500;
	s20 =	simm.s32 $0x0;
	v30 =	vor.u32 $0x10D, v1;
	v31 =	vor.u32 $0x10E, v1;
	s7 =	smul.u32 $0xB0, s6;
	[tilespmem:$0x1FFB0] =	vst v2;
	v2 =	vor.u32 $0x202, v1  }
.Ltmp0:
0x10: {  	s1 =	rddreg [dreg:$0x2];
	s5 =	ssub.s32 $0x2, s5;
	v32 =	vor.u32 $0x10F, v1;
	v39 =	vor.u32 $0x206, v1;
	[tilespmem:$0x1FFC0] =	vst v2;
	v2 =	vor.u32 $0x203, v1;
	(pc) =	sbr.rel .LBB2_1-.Ltmp0, $4  }
0x11: {  	[smem:$0x7FF] =	sst s3;
	v40 =	vor.u32 $0x207, v1;
	v41 =	vor.u32 $0x208, v1;
	s6 =	sshll.u32 s6, $0x2;
	s31 =	sshrl.u32 s5, $0x1;
	[tilespmem:$0x1FFD0] =	vst v2;
	v2 =	vor.u32 $0x204, v1  }
0x12: {  	v42 =	vor.u32 $0x209, v1;
	v43 =	vor.u32 $0x20A, v1;
	s6 =	sadd.s32 s6, s4;
	s8 =	ssub.s32 s5, s31;
	s7 =	sadd.s32 s7, s4;
	[tilespmem:$0x1FFE0] =	vst v2;
	v2 =	vor.u32 $0x205, v1  }
0x13: {  	v10 =	vor.u32 $0x8, v1;
	v44 =	vor.u32 $0x20B, v1;
	v45 =	vor.u32 $0x20C, v1;
	s5 =	sadd.s32 $0x2200, s6;
	s6 =	sadd.s32 $0x2400, s6;
	s4 =	sadd.s32 $0xC00, s7;
	[tilespmem:$0x1FFF0] =	vst v2  }
0x14: {  	v46 =	vor.u32 $0x20D, v1;
	v47 =	vor.u32 $0x20E, v1;
	v48 =	vor.u32 $0x20F, v1;
	s7 =	smax.u32 s8, $0x1;
	s8 =	simm.s32 $0x3;
	_ =	strace $0x80000047  }
.LBB2_12:
0x15: {  	v5 =	vld [tilespmem:$0x1FF60];
	_ =	sdelay $0x1  }
0x16: {  	v7 =	vld [tilespmem:$0x1FF70];
	_ =	sdelay $0x1  }
0x17: {  	v34 =	vld [tilespmem:$0x1FF80]  }
0x18: {  	v2 =	vld.idx.msk [tilespmem:v1+s16+$0x0], $0xffff  }
0x19: {  	v63 =	vld [tilespmem:$0x1FF90]  }
0x1a: {  	v3 =	vld.idx.msk [tilespmem:v1+s17+$0x0], $0xffff  }
0x1b: {  	v4 =	vld.idx.msk [tilespmem:v5+s16+$0x0], $0xffff  }
0x1c: {  	v5 =	vld.idx.msk [tilespmem:v5+s17+$0x0], $0xffff  }
0x1d: {  	v6 =	vld.idx.msk [tilespmem:v7+s16+$0x0], $0xffff  }
0x1e: {  	v7 =	vld.idx.msk [tilespmem:v7+s17+$0x0], $0xffff  }
0x1f: {  	v33 =	vld.idx.msk [tilespmem:v34+s16+$0x0], $0xffff  }
0x20: {  	v62 =	vld.idx.msk [tilespmem:v34+s17+$0x0], $0xffff;
	v2 =	vadd.f32 v4, v2  }
0x21: {  	v36 =	vld.idx.msk [tilespmem:v63+s16+$0x0], $0xffff;
	v3 =	vadd.f32 v5, v3  }
0x22: {  	v2 =	vadd.f32 v6, v2;
	v6 =	vld.idx.msk [tilespmem:v63+s17+$0x0], $0xffff  }
0x23: {  	v3 =	vadd.f32 v7, v3;
	v7 =	vld.idx.msk [tilespmem:v37+s16+$0x0], $0xffff  }
0x24: {  	v49 =	vld.idx.msk [tilespmem:v37+s17+$0x0], $0xffff;
	v2 =	vadd.f32 v33, v2  }
0x25: {  	v50 =	vld.idx.msk [tilespmem:v9+s16+$0x0], $0xffff;
	v3 =	vadd.f32 v62, v3  }
0x26: {  	v51 =	vld.idx.msk [tilespmem:v9+s17+$0x0], $0xffff;
	v2 =	vadd.f32 v36, v2  }
0x27: {  	v3 =	vadd.f32 v6, v3;
	v6 =	vld.idx.msk [tilespmem:v8+s16+$0x0], $0xffff  }
0x28: {  	v2 =	vadd.f32 v7, v2;
	v7 =	vld.idx.msk [tilespmem:v8+s17+$0x0], $0xffff  }
0x29: {  	v52 =	vld.idx.msk [tilespmem:v10+s16+$0x0], $0xffff;
	v3 =	vadd.f32 v49, v3  }
0x2a: {  	v53 =	vld.idx.msk [tilespmem:v10+s17+$0x0], $0xffff;
	v2 =	vadd.f32 v50, v2  }
0x2b: {  	v54 =	vld.idx.msk [tilespmem:v38+s16+$0x0], $0xffff;
	v3 =	vadd.f32 v51, v3  }
0x2c: {  	v2 =	vadd.f32 v6, v2;
	v6 =	vld.idx.msk [tilespmem:v38+s17+$0x0], $0xffff  }
0x2d: {  	v3 =	vadd.f32 v7, v3;
	v7 =	vld.idx.msk [tilespmem:v11+s16+$0x0], $0xffff  }
0x2e: {  	v55 =	vld.idx.msk [tilespmem:v11+s17+$0x0], $0xffff;
	v2 =	vadd.f32 v52, v2  }
0x2f: {  	v56 =	vld.idx.msk [tilespmem:v12+s16+$0x0], $0xffff;
	v3 =	vadd.f32 v53, v3  }
0x30: {  	v57 =	vld.idx.msk [tilespmem:v12+s17+$0x0], $0xffff;
	v2 =	vadd.f32 v54, v2  }
0x31: {  	v3 =	vadd.f32 v6, v3;
	v6 =	vld.idx.msk [tilespmem:v13+s16+$0x0], $0xffff  }
0x32: {  	v2 =	vadd.f32 v7, v2;
	v7 =	vld.idx.msk [tilespmem:v13+s17+$0x0], $0xffff  }
0x33: {  	v58 =	vld.idx.msk [tilespmem:v14+s16+$0x0], $0xffff;
	v3 =	vadd.f32 v55, v3  }
0x34: {  	v59 =	vld.idx.msk [tilespmem:v14+s17+$0x0], $0xffff;
	v2 =	vadd.f32 v56, v2  }
0x35: {  	v60 =	vld.idx.msk [tilespmem:v15+s16+$0x0], $0xffff;
	v3 =	vadd.f32 v57, v3  }
0x36: {  	v2 =	vadd.f32 v6, v2;
	v6 =	vld.idx.msk [tilespmem:v15+s17+$0x0], $0xffff  }
0x37: {  	v3 =	vadd.f32 v7, v3;
	v7 =	vld.idx.msk [tilespmem:v16+s16+$0x0], $0xffff  }
0x38: {  	v61 =	vld.idx.msk [tilespmem:v16+s17+$0x0], $0xffff;
	v2 =	vadd.f32 v58, v2  }
0x39: {  	v3 =	vadd.f32 v59, v3  }
0x3a: {  	v2 =	vadd.f32 v60, v2  }
0x3b: {  	v3 =	vadd.f32 v6, v3  }
0x3c: {  	v2 =	vadd.f32 v7, v2  }
0x3d: {  	v3 =	vadd.f32 v61, v3  }
0x3e: {  	[tilespmem:$0x6480] =	vst v2  }
0x3f: {  	[tilespmem:$0x6500] =	vst v3  }
0x40: {  	v2 =	vld.idx.msk [tilespmem:v17+s16+$0x0], $0xffff  }
0x41: {  	v3 =	vld.idx.msk [tilespmem:v17+s17+$0x0], $0xffff  }
0x42: {  	v62 =	vld.idx.msk [tilespmem:v18+s16+$0x0], $0xffff  }
0x43: {  	v63 =	vld.idx.msk [tilespmem:v18+s17+$0x0], $0xffff  }
0x44: {  	v6 =	vld.idx.msk [tilespmem:v19+s16+$0x0], $0xffff  }
0x45: {  	v7 =	vld.idx.msk [tilespmem:v19+s17+$0x0], $0xffff  }
0x46: {  	v36 =	vld.idx.msk [tilespmem:v20+s16+$0x0], $0xffff  }
0x47: {  	v49 =	vld.idx.msk [tilespmem:v20+s17+$0x0], $0xffff;
	v2 =	vadd.f32 v62, v2  }
0x48: {  	v50 =	vld.idx.msk [tilespmem:v21+s16+$0x0], $0xffff;
	v3 =	vadd.f32 v63, v3  }
0x49: {  	v2 =	vadd.f32 v6, v2;
	v6 =	vld.idx.msk [tilespmem:v21+s17+$0x0], $0xffff  }
0x4a: {  	v3 =	vadd.f32 v7, v3;
	v7 =	vld.idx.msk [tilespmem:v22+s16+$0x0], $0xffff  }
0x4b: {  	v51 =	vld.idx.msk [tilespmem:v22+s17+$0x0], $0xffff;
	v2 =	vadd.f32 v36, v2  }
0x4c: {  	v52 =	vld.idx.msk [tilespmem:v23+s16+$0x0], $0xffff;
	v3 =	vadd.f32 v49, v3  }
0x4d: {  	v53 =	vld.idx.msk [tilespmem:v23+s17+$0x0], $0xffff;
	v2 =	vadd.f32 v50, v2  }
0x4e: {  	v3 =	vadd.f32 v6, v3;
	v6 =	vld.idx.msk [tilespmem:v24+s16+$0x0], $0xffff  }
0x4f: {  	v2 =	vadd.f32 v7, v2;
	v7 =	vld.idx.msk [tilespmem:v24+s17+$0x0], $0xffff  }
0x50: {  	v54 =	vld.idx.msk [tilespmem:v25+s16+$0x0], $0xffff;
	v3 =	vadd.f32 v51, v3  }
0x51: {  	v55 =	vld.idx.msk [tilespmem:v25+s17+$0x0], $0xffff;
	v2 =	vadd.f32 v52, v2  }
0x52: {  	v56 =	vld.idx.msk [tilespmem:v26+s16+$0x0], $0xffff;
	v3 =	vadd.f32 v53, v3  }
0x53: {  	v2 =	vadd.f32 v6, v2;
	v6 =	vld.idx.msk [tilespmem:v26+s17+$0x0], $0xffff  }
0x54: {  	v3 =	vadd.f32 v7, v3;
	v7 =	vld.idx.msk [tilespmem:v27+s16+$0x0], $0xffff  }
0x55: {  	v57 =	vld.idx.msk [tilespmem:v27+s17+$0x0], $0xffff;
	v2 =	vadd.f32 v54, v2  }
0x56: {  	v58 =	vld.idx.msk [tilespmem:v28+s16+$0x0], $0xffff;
	v3 =	vadd.f32 v55, v3  }
0x57: {  	v59 =	vld.idx.msk [tilespmem:v28+s17+$0x0], $0xffff;
	v2 =	vadd.f32 v56, v2  }
0x58: {  	v3 =	vadd.f32 v6, v3;
	v6 =	vld.idx.msk [tilespmem:v29+s16+$0x0], $0xffff  }
0x59: {  	v2 =	vadd.f32 v7, v2;
	v7 =	vld.idx.msk [tilespmem:v29+s17+$0x0], $0xffff  }
0x5a: {  	v60 =	vld.idx.msk [tilespmem:v30+s16+$0x0], $0xffff;
	v3 =	vadd.f32 v57, v3  }
0x5b: {  	v61 =	vld.idx.msk [tilespmem:v30+s17+$0x0], $0xffff;
	v2 =	vadd.f32 v58, v2  }
0x5c: {  	v62 =	vld.idx.msk [tilespmem:v31+s16+$0x0], $0xffff;
	v3 =	vadd.f32 v59, v3  }
0x5d: {  	v2 =	vadd.f32 v6, v2;
	v6 =	vld.idx.msk [tilespmem:v31+s17+$0x0], $0xffff  }
0x5e: {  	v3 =	vadd.f32 v7, v3;
	v7 =	vld.idx.msk [tilespmem:v32+s16+$0x0], $0xffff  }
0x5f: {  	v63 =	vld.idx.msk [tilespmem:v32+s17+$0x0], $0xffff;
	v2 =	vadd.f32 v60, v2  }
0x60: {  	v3 =	vadd.f32 v61, v3  }
0x61: {  	v2 =	vadd.f32 v62, v2  }
0x62: {  	v3 =	vadd.f32 v6, v3  }
0x63: {  	v2 =	vadd.f32 v7, v2  }
0x64: {  	v3 =	vadd.f32 v63, v3  }
0x65: {  	[tilespmem:$0x6490] =	vst v2  }
0x66: {  	[tilespmem:$0x6510] =	vst v3  }
0x67: {  	[hbm4b:s5+s3] =	stream.linear.scatter [tilespmem:s18], [sflag:$0x3], $0x20, $0x38;
	[tilespmem:$0x6580] =	vst v63  }
0x68: {  	s20 =	sadd.s32 $0x1, s20;
	_ =	swait.ge [sflag:s8], $0x20  }
0x69: {  	p0 =	sne.s32 s20, s7;
	[sflag:s8] =	ssyncset.done $0x0  }
.Ltmp1:
0x6a: {  	[sflag:s8] =	ssyncadd.s32 $0xFFFFFFE0;
	(pc) =	sbr.rel @!p0 .LBB2_13-.Ltmp1, $4  }
0x6b: {  	[hbm4b:s6+s3] =	stream.linear.scatter [tilespmem:s19], [sflag:$0x3], $0x20, $0x38;
	[tilespmem:$0x6580] =	vst v63  }
0x6c: {  	_ =	swait.ge [sflag:s8], $0x20  }
0x6d: {  	[sflag:s8] =	ssyncset.done $0x0  }
0x6e: {  	[sflag:s8] =	ssyncadd.s32 $0xFFFFFFE0  }
.LBB2_1:
0x6f: {  	[tilespmem:s3], [sflag:$0x3] =	stream.linear.gather [hbm4b:s4+s3], $0x580, $0x38;
	[tilespmem:$0x6580] =	vst v63  }
0x70: {  	_ =	swait.ge [sflag:s8], $0x580  }
0x71: {  	[sflag:s8] =	ssyncset.done $0x0  }
0x72: {  	[sflag:s8] =	ssyncadd.s32 $0xFFFFFA80  }
0x73: {  	[tilespmem:s10], [sflag:$0x1] =	stream.indirect.gather [hbm4b:s2+s9], $0x80, s3, s9, $0xb8;
	[tilespmem:$0x6580] =	vst v63  }
0x74: {  	s21 =	simm.s32 $0x0  }
0x75: {  	[tilespmem:s12], [sflag:$0x2] =	stream.indirect.gather [hbm4b:s2+s9], $0x80, s11, s9, $0xb8;
	[tilespmem:$0x6580] =	vst v63  }
.LBB2_2:
0x76: {  	_ =	swait.ge [sflag:s13], $0x2900  }
0x77: {  	[sflag:s13] =	ssyncset.done $0x0  }
0x78: {  	[sflag:s13] =	ssyncadd.s32 $0xFFFFD700  }
0x79: {  	v55 =	vld [tilespmem:$0x580]  }
0x7a: {  	v56 =	vld [tilespmem:$0x590]  }
0x7b: {  	v54 =	vld [tilespmem:$0x5A0]  }
0x7c: {  	v53 =	vld [tilespmem:$0x5B0]  }
0x7d: {  	v52 =	vld [tilespmem:$0x5C0]  }
0x7e: {  	v51 =	vld [tilespmem:$0x5D0]  }
0x7f: {  	v49 =	vld [tilespmem:$0x5E0]  }
0x80: {  	s24 =	simm.s32 $0x680;
	v50 =	vld [tilespmem:$0x5F0]  }
0x81: {  	v2 =	vld [tilespmem:s24+$0x80]  }
0x82: {  	v33 =	vld [tilespmem:s24+$0x90]  }
0x83: {  	v34 =	vld [tilespmem:s24+$0xFFFFFF10]  }
0x84: {  	v57 =	vld [tilespmem:s24+$0xA0]  }
0x85: {  	v58 =	vld [tilespmem:s24+$0xFFFFFF80]  }
0x86: {  	v59 =	vld [tilespmem:s24+$0xB0]  }
0x87: {  	v60 =	vld [tilespmem:s24+$0xFFFFFF90]  }
0x88: {  	v61 =	vld [tilespmem:s24+$0xC0]  }
0x89: {  	v62 =	vld [tilespmem:s24+$0x0]  }
0x8a: {  	v63 =	vld [tilespmem:s24+$0xD0]  }
0x8b: {  	v35 =	vld [tilespmem:s24+$0x10]  }
0x8c: {  	v3 =	vld [tilespmem:s24+$0xE0]  }
0x8d: {  	v4 =	vld [tilespmem:s24+$0xFFFFFF00]  }
0x8e: {  	v5 =	vld [tilespmem:s24+$0xF0];
	v2 =	vmul.f32 v2, v55;
	v33 =	vmul.f32 v33, v56  }
0x8f: {  	v36 =	vmul.f32 v57, v54;
	v57 =	vld [tilespmem:s24+$0xFFFFFF20]  }
0x90: {  	v6 =	vld [tilespmem:s24+$0xFFFFFFA0];
	v2 =	vadd.f32 v33, v2  }
0x91: {  	v7 =	vld [tilespmem:s24+$0x30];
	v58 =	vmul.f32 v58, v55;
	v60 =	vmul.f32 v60, v56  }
0x92: {  	v33 =	vmul.f32 v59, v53;
	v59 =	vld [tilespmem:s24+$0x20];
	v2 =	vadd.f32 v36, v2  }
0x93: {  	v34 =	vmul.f32 v34, v56;
	v62 =	vmul.f32 v62, v55;
	v58 =	vadd.f32 v60, v58;
	v36 =	vld [tilespmem:s24+$0xFFFFFF30]  }
0x94: {  	v60 =	vmul.f32 v57, v54;
	v57 =	vld [tilespmem:s24+$0xFFFFFFC0];
	v2 =	vadd.f32 v33, v2;
	v33 =	vmul.f32 v61, v52  }
0x95: {  	v4 =	vmul.f32 v4, v55;
	v35 =	vmul.f32 v35, v56;
	v61 =	vld [tilespmem:s24+$0xFFFFFFB0]  }
0x96: {  	v6 =	vmul.f32 v6, v54;
	v2 =	vadd.f32 v33, v2;
	v33 =	vmul.f32 v63, v51;
	v63 =	vld [tilespmem:s24+$0xFFFFFF40]  }
0x97: {  	v3 =	vmul.f32 v3, v49;
	v4 =	vadd.f32 v34, v4;
	v34 =	vmul.f32 v59, v54;
	v59 =	vld [tilespmem:s24+$0xFFFFFF50]  }
0x98: {  	v7 =	vmul.f32 v7, v53;
	v2 =	vadd.f32 v33, v2;
	v33 =	vadd.f32 v35, v62;
	v35 =	vld [tilespmem:s24+$0x40]  }
0x99: {  	v6 =	vadd.f32 v6, v58;
	v4 =	vadd.f32 v60, v4;
	v60 =	vld [tilespmem:s24+$0xFFFFFFD0];
	v36 =	vmul.f32 v36, v53  }
0x9a: {  	v58 =	vmul.f32 v61, v53;
	v2 =	vadd.f32 v3, v2;
	v3 =	vadd.f32 v34, v33;
	v33 =	vld [tilespmem:s24+$0x50]  }
0x9b: {  	v5 =	vmul.f32 v5, v50;
	v4 =	vadd.f32 v36, v4;
	v36 =	vld [tilespmem:s24+$0xFFFFFF60];
	v34 =	vmul.f32 v63, v52  }
0x9c: {  	v61 =	vmul.f32 v57, v52;
	v57 =	vld [tilespmem:s24+$0xFFFFFFE0];
	v6 =	vadd.f32 v58, v6;
	v3 =	vadd.f32 v7, v3  }
0x9d: {  	v58 =	vld [tilespmem:s24+$0x60];
	v2 =	vadd.f32 v5, v2;
	v4 =	vadd.f32 v34, v4;
	v7 =	vmul.f32 v35, v52  }
0x9e: {  	s22 =	simm.s32 $0x5DA0;
	v34 =	vmul.f32 v59, v51;
	v5 =	vadd.f32 v61, v6;
	v59 =	vld [tilespmem:s24+$0xFFFFFF70];
	v6 =	vmul.f32 v60, v51  }
0x9f: {  	v60 =	vld [tilespmem:s24+$0xFFFFFFF0];
	[tilespmem:s22+$0x10] =	vst v2;
	v63 =	vadd.f32 v7, v3;
	v2 =	vmul.f32 v33, v51  }
0xa0: {  	s23 =	simm.s32 $0x0;
	v61 =	vld [tilespmem:s24+$0x70];
	s24 =	simm.s32 $0x880;
	v62 =	vadd.f32 v34, v4;
	v34 =	vmul.f32 v36, v49;
	v33 =	vadd.f32 v6, v5  }
.LBB2_3:
0xa1: {  	v3 =	vld [tilespmem:s24+$0x80];
	v4 =	vmul.f32 v57, v49;
	v2 =	vadd.f32 v2, v63  }
0xa2: {  	s23 =	sadd.s32 $0x4, s23;
	v5 =	vld [tilespmem:s24+$0x90];
	v6 =	vadd.f32 v34, v62;
	v7 =	vmul.f32 v58, v49  }
0xa3: {  	p0 =	slt.u32 s23, $0x24;
	v34 =	vld [tilespmem:s24+$0xFFFFFF10];
	v35 =	vmul.f32 v59, v50;
	v4 =	vadd.f32 v4, v33  }
0xa4: {  	v33 =	vld [tilespmem:s24+$0xA0];
	v36 =	vmul.f32 v60, v50;
	v2 =	vadd.f32 v7, v2  }
0xa5: {  	v7 =	vld [tilespmem:s24+$0xFFFFFF80];
	v6 =	vadd.f32 v35, v6;
	v35 =	vmul.f32 v61, v50  }
0xa6: {  	v57 =	vld [tilespmem:s24+$0xB0];
	v4 =	vadd.f32 v36, v4  }
0xa7: {  	v3 =	vmul.f32 v3, v55;
	v36 =	vld [tilespmem:s24+$0xFFFFFF90];
	v5 =	vmul.f32 v5, v56;
	[tilespmem:s22+$0xFFFFFFE0] =	vst v6;
	v2 =	vadd.f32 v35, v2  }
0xa8: {  	v6 =	vmul.f32 v34, v56;
	v34 =	vld [tilespmem:s24+$0xC0];
	[tilespmem:s22+$0xFFFFFFF0] =	vst v4  }
0xa9: {  	v4 =	vld [tilespmem:s24+$0x0];
	v3 =	vadd.f32 v5, v3;
	v5 =	vmul.f32 v33, v54;
	[tilespmem:s22+$0x0] =	vst v2  }
0xaa: {  	v2 =	vmul.f32 v7, v55;
	v7 =	vld [tilespmem:s24+$0xD0]  }
0xab: {  	v33 =	vld [tilespmem:s24+$0x10];
	v3 =	vadd.f32 v5, v3;
	v5 =	vmul.f32 v57, v53  }
0xac: {  	v35 =	vmul.f32 v36, v56;
	v36 =	vld [tilespmem:s24+$0xE0]  }
0xad: {  	v57 =	vld [tilespmem:s24+$0xFFFFFF00];
	v3 =	vadd.f32 v5, v3;
	v5 =	vmul.f32 v34, v52  }
0xae: {  	v2 =	vadd.f32 v35, v2;
	v4 =	vmul.f32 v4, v55;
	v34 =	vld [tilespmem:s24+$0xF0]  }
0xaf: {  	v35 =	vld [tilespmem:s24+$0xFFFFFF20];
	v3 =	vadd.f32 v5, v3;
	v5 =	vmul.f32 v7, v51  }
0xb0: {  	v7 =	vld [tilespmem:s24+$0xFFFFFFA0];
	v33 =	vmul.f32 v33, v56  }
0xb1: {  	v58 =	vld [tilespmem:s24+$0x20];
	v3 =	vadd.f32 v5, v3;
	v5 =	vmul.f32 v36, v49  }
0xb2: {  	v36 =	vmul.f32 v57, v55;
	v57 =	vld [tilespmem:s24+$0xFFFFFF30];
	v4 =	vadd.f32 v33, v4  }
0xb3: {  	v33 =	vld [tilespmem:s24+$0xFFFFFFB0];
	v3 =	vadd.f32 v5, v3;
	v5 =	vmul.f32 v34, v50  }
0xb4: {  	v6 =	vadd.f32 v6, v36;
	v34 =	vmul.f32 v35, v54;
	v35 =	vld [tilespmem:s24+$0x30]  }
0xb5: {  	v36 =	vld [tilespmem:s24+$0xFFFFFF40];
	v7 =	vmul.f32 v7, v54;
	v3 =	vadd.f32 v5, v3  }
0xb6: {  	s22 =	sadd.s32 $0x40, s22;
	v5 =	vadd.f32 v34, v6;
	v6 =	vld [tilespmem:s24+$0xFFFFFFC0];
	v34 =	vmul.f32 v58, v54  }
0xb7: {  	v57 =	vmul.f32 v57, v53;
	v2 =	vadd.f32 v7, v2;
	v7 =	vld [tilespmem:s24+$0x40];
	[tilespmem:s22+$0x10] =	vst v3  }
0xb8: {  	v3 =	vld [tilespmem:s24+$0xFFFFFF50];
	v33 =	vmul.f32 v33, v53;
	v4 =	vadd.f32 v34, v4  }
0xb9: {  	v5 =	vadd.f32 v57, v5;
	v34 =	vld [tilespmem:s24+$0xFFFFFFD0];
	v35 =	vmul.f32 v35, v53  }
0xba: {  	v36 =	vmul.f32 v36, v52;
	v2 =	vadd.f32 v33, v2;
	v33 =	vld [tilespmem:s24+$0x50]  }
0xbb: {  	v61 =	vld [tilespmem:s24+$0xFFFFFF60];
	v6 =	vmul.f32 v6, v52;
	v4 =	vadd.f32 v35, v4  }
.Ltmp2:
0xbc: {  	v5 =	vadd.f32 v36, v5;
	v57 =	vld [tilespmem:s24+$0xFFFFFFE0];
	v7 =	vmul.f32 v7, v52;
	(pc) =	sbr.rel @p0 .LBB2_3-.Ltmp2, $4  }
0xbd: {  	v3 =	vmul.f32 v3, v51;
	v6 =	vadd.f32 v6, v2;
	v58 =	vld [tilespmem:s24+$0x60]  }
0xbe: {  	v59 =	vld [tilespmem:s24+$0xFFFFFF70];
	v35 =	vmul.f32 v34, v51;
	v63 =	vadd.f32 v7, v4  }
0xbf: {  	v62 =	vadd.f32 v3, v5;
	v60 =	vld [tilespmem:s24+$0xFFFFFFF0];
	v2 =	vmul.f32 v33, v51  }
0xc0: {  	v34 =	vmul.f32 v61, v49;
	v33 =	vadd.f32 v35, v6;
	v61 =	vld [tilespmem:s24+$0x70];
	s24 =	sadd.s32 $0x200, s24  }
0xc1: {  	_ = 	snop  }
0xc2: {  	v3 =	vmul.f32 v57, v49;
	v2 =	vadd.f32 v2, v63  }
0xc3: {  	v4 =	vadd.f32 v34, v62;
	v5 =	vmul.f32 v58, v49;
	v6 =	vmul.f32 v59, v50  }
0xc4: {  	v3 =	vadd.f32 v3, v33;
	v7 =	vmul.f32 v60, v50  }
0xc5: {  	v2 =	vadd.f32 v5, v2;
	v4 =	vadd.f32 v6, v4;
	v57 =	vmul.f32 v61, v50  }
0xc6: {  	v3 =	vadd.f32 v7, v3  }
0xc7: {  	[tilespmem:s22+$0xFFFFFFE0] =	vst v4;
	v2 =	vadd.f32 v57, v2  }
0xc8: {  	[tilespmem:s22+$0xFFFFFFF0] =	vst v3  }
0xc9: {  	[tilespmem:s22+$0x0] =	vst v2  }
0xca: {  	v2 =	vld [tilespmem:$0x1980]  }
0xcb: {  	v3 =	vld [tilespmem:$0x1990];
	_ =	sdelay $0x1  }
0xcc: {  	v4 =	vld [tilespmem:$0x19A0];
	_ =	sdelay $0x1  }
0xcd: {  	v58 =	vld [tilespmem:$0x19B0]  }
0xce: {  	v2 =	vmul.f32 v2, v55;
	v3 =	vmul.f32 v3, v56  }
0xcf: {  	v6 =	vld [tilespmem:$0x19C0]  }
0xd0: {  	v2 =	vadd.f32 v3, v2;
	v3 =	vmul.f32 v4, v54  }
0xd1: {  	v59 =	vld [tilespmem:$0x19D0]  }
0xd2: {  	v2 =	vadd.f32 v3, v2;
	v3 =	vmul.f32 v58, v53  }
0xd3: {  	v60 =	vld [tilespmem:$0x19E0]  }
0xd4: {  	v2 =	vadd.f32 v3, v2;
	v3 =	vmul.f32 v6, v52  }
0xd5: {  	v6 =	vld [tilespmem:$0x19F0]  }
0xd6: {  	v2 =	vadd.f32 v3, v2;
	v3 =	vmul.f32 v59, v51;
	_ =	sdelay $0x1  }
0xd7: {  	v61 =	vld [tilespmem:$0x1FF70];
	v2 =	vadd.f32 v3, v2;
	v3 =	vmul.f32 v60, v49  }
0xd8: {  	v62 =	vld [tilespmem:$0x1FF80]  }
0xd9: {  	v2 =	vadd.f32 v3, v2;
	v3 =	vmul.f32 v6, v50;
	_ =	sdelay $0x1  }
0xda: {  	v63 =	vld [tilespmem:$0x1FFC0];
	v2 =	vadd.f32 v3, v2  }
0xdb: {  	v6 =	vld [tilespmem:$0x1FF90]  }
0xdc: {  	v3 =	vld [tilespmem:$0x1FF60];
	[tilespmem:$0x6000] =	vst v2  }
0xdd: {  	v2 =	vld.idx.msk [tilespmem:v1+s14+$0x0], $0xffff  }
0xde: {  	v4 =	vld.idx.msk [tilespmem:v61+s14+$0x0], $0xffff  }
0xdf: {  	v5 =	vld.idx.msk [tilespmem:v62+s14+$0x0], $0xffff  }
0xe0: {  	v7 =	vld.idx.msk [tilespmem:v37+s14+$0x0], $0xffff  }
0xe1: {  	v33 =	vld.idx.msk [tilespmem:v9+s14+$0x0], $0xffff  }
0xe2: {  	v34 =	vld.idx.msk [tilespmem:v8+s14+$0x0], $0xffff  }
0xe3: {  	v35 =	vld.idx.msk [tilespmem:v10+s14+$0x0], $0xffff  }
0xe4: {  	v36 =	vld.idx.msk [tilespmem:v38+s14+$0x0], $0xffff  }
0xe5: {  	v49 =	vld.idx.msk [tilespmem:v11+s14+$0x0], $0xffff  }
0xe6: {  	v50 =	vld.idx.msk [tilespmem:v12+s14+$0x0], $0xffff  }
0xe7: {  	v55 =	vld.idx.msk [tilespmem:v17+s14+$0x0], $0xffff  }
0xe8: {  	v56 =	vld.idx.msk [tilespmem:v18+s14+$0x0], $0xffff  }
0xe9: {  	v61 =	vld [tilespmem:$0x1FFA0]  }
0xea: {  	v62 =	vld [tilespmem:$0x1FFB0]  }
0xeb: {  	v51 =	vld.idx.msk [tilespmem:v13+s14+$0x0], $0xffff  }
0xec: {  	v52 =	vld.idx.msk [tilespmem:v14+s14+$0x0], $0xffff  }
0xed: {  	v55 =	vadd.f32 v56, v55;
	v56 =	vld.idx.msk [tilespmem:v63+s14+$0x0], $0xffff  }
0xee: {  	v63 =	vld [tilespmem:$0x1FFD0]  }
0xef: {  	v53 =	vld.idx.msk [tilespmem:v15+s14+$0x0], $0xffff  }
0xf0: {  	v57 =	vld.idx.msk [tilespmem:v19+s14+$0x0], $0xffff  }
0xf1: {  	v61 =	vld.idx.msk [tilespmem:v61+s14+$0x0], $0xffff  }
0xf2: {  	v62 =	vld.idx.msk [tilespmem:v62+s14+$0x0], $0xffff  }
0xf3: {  	v3 =	vld.idx.msk [tilespmem:v3+s14+$0x0], $0xffff  }
0xf4: {  	v58 =	vld.idx.msk [tilespmem:v20+s14+$0x0], $0xffff  }
0xf5: {  	v59 =	vld.idx.msk [tilespmem:v21+s14+$0x0], $0xffff  }
0xf6: {  	v55 =	vadd.f32 v57, v55;
	v57 =	vld.idx.msk [tilespmem:v63+s14+$0x0], $0xffff  }
0xf7: {  	v61 =	vadd.f32 v62, v61;
	v63 =	vld [tilespmem:$0x1FFE0]  }
0xf8: {  	v6 =	vld.idx.msk [tilespmem:v6+s14+$0x0], $0xffff;
	v2 =	vadd.f32 v3, v2  }
0xf9: {  	v56 =	vadd.f32 v56, v61;
	v61 =	vld [tilespmem:$0x1FFF0]  }
0xfa: {  	v60 =	vld.idx.msk [tilespmem:v22+s14+$0x0], $0xffff;
	v2 =	vadd.f32 v4, v2  }
0xfb: {  	v54 =	vld.idx.msk [tilespmem:v16+s14+$0x0], $0xffff;
	v55 =	vadd.f32 v58, v55  }
0xfc: {  	v3 =	vld.idx.msk [tilespmem:v23+s14+$0x0], $0xffff;
	v2 =	vadd.f32 v5, v2  }
0xfd: {  	v55 =	vadd.f32 v59, v55;
	v4 =	vld.idx.msk [tilespmem:v24+s14+$0x0], $0xffff  }
0xfe: {  	v62 =	vld.idx.msk [tilespmem:v39+s14+$0x0], $0xffff;
	v2 =	vadd.f32 v6, v2  }
0xff: {  	v55 =	vadd.f32 v60, v55;
	v58 =	vld.idx.msk [tilespmem:v63+s14+$0x0], $0xffff  }
0x100: {  	v5 =	vld.idx.msk [tilespmem:v25+s14+$0x0], $0xffff;
	v2 =	vadd.f32 v7, v2  }
0x101: {  	v3 =	vadd.f32 v3, v55;
	v59 =	vld.idx.msk [tilespmem:v61+s14+$0x0], $0xffff  }
0x102: {  	v6 =	vld.idx.msk [tilespmem:v26+s14+$0x0], $0xffff;
	v56 =	vadd.f32 v57, v56;
	v2 =	vadd.f32 v33, v2  }
0x103: {  	v60 =	vld.idx.msk [tilespmem:v41+s14+$0x0], $0xffff;
	v3 =	vadd.f32 v4, v3  }
0x104: {  	v7 =	vld.idx.msk [tilespmem:v27+s14+$0x0], $0xffff;
	v2 =	vadd.f32 v34, v2;
	v56 =	vadd.f32 v58, v56  }
0x105: {  	v3 =	vadd.f32 v5, v3;
	v63 =	vld.idx.msk [tilespmem:v40+s14+$0x0], $0xffff  }
0x106: {  	v33 =	vld.idx.msk [tilespmem:v28+s14+$0x0], $0xffff;
	v2 =	vadd.f32 v35, v2;
	v56 =	vadd.f32 v59, v56  }
0x107: {  	v5 =	vld.idx.msk [tilespmem:v45+s14+$0x0], $0xffff;
	v3 =	vadd.f32 v6, v3  }
0x108: {  	s22 =	smul.u32 $0xB0, s21;
	v34 =	vld.idx.msk [tilespmem:v29+s14+$0x0], $0xffff;
	v2 =	vadd.f32 v36, v2;
	v56 =	vadd.f32 v62, v56  }
0x109: {  	v61 =	vld.idx.msk [tilespmem:v42+s14+$0x0], $0xffff;
	v3 =	vadd.f32 v7, v3  }
0x10a: {  	s24 =	sor.u32 $0x1, s22;
	s23 =	sadd.s32 $0x10, s22;
	v6 =	vld.idx.msk [tilespmem:v43+s14+$0x0], $0xffff;
	v2 =	vadd.f32 v49, v2;
	v62 =	vor.u32 s22, v0;
	v55 =	vadd.f32 v63, v56  }
0x10b: {  	v7 =	vld.idx.msk [tilespmem:v44+s14+$0x0], $0xffff;
	v3 =	vadd.f32 v33, v3;
	v58 =	vor.u32 s23, v0;
	v63 =	vmov s24  }
0x10c: {  	v35 =	vld.idx.msk [tilespmem:v30+s14+$0x0], $0xffff;
	v2 =	vadd.f32 v50, v2;
	v57 =	vbroadcast v63, $0x0;
	v4 =	vadd.f32 v60, v55  }
0x10d: {  	s28 =	sor.u32 $0x2, s22;
	v36 =	vld.idx.msk [tilespmem:v31+s14+$0x0], $0xffff;
	v3 =	vadd.f32 v34, v3  }
0x10e: {  	s29 =	sor.u32 $0x3, s22;
	v50 =	vld.idx.msk [tilespmem:v46+s14+$0x0], $0xffff;
	v2 =	vadd.f32 v51, v2;
	v60 =	vmov s28;
	v4 =	vadd.f32 v61, v4  }
0x10f: {  	v55 =	vmov s22;
	v49 =	vld.idx.msk [tilespmem:v62+s3+$0x0], $0xffff;
	v62 =	vmov s29;
	v61 =	vbroadcast v60, $0x0  }
0x110: {  	v56 =	vld.idx.msk [tilespmem:v32+s14+$0x0], $0xffff;
	v63 =	vbroadcast v62, $0x0;
	v4 =	vadd.f32 v6, v4  }
0x111: {  	s30 =	sor.u32 $0x4, s22;
	v3 =	vadd.f32 v35, v3;
	v2 =	vadd.f32 v52, v2;
	v52 =	vld.idx.msk [tilespmem:v58+s3+$0x0], $0xffff  }
0x112: {  	s31 =	sor.u32 $0x5, s22;
	v58 =	vmov s30;
	v57 =	vld.idx.msk [tilespmem:v57+s3+$0x0], $0xffff;
	v4 =	vadd.f32 v7, v4  }
0x113: {  	v59 =	vmov s31;
	v3 =	vadd.f32 v36, v3;
	s28 =	sor.u32 $0x8, s22;
	v35 =	vbroadcast v58, $0x0;
	v6 =	vld.idx.msk [tilespmem:v47+s14+$0x0], $0xffff  }
0x114: {  	s31 =	sor.u32 $0xB, s22;
	s30 =	sor.u32 $0xA, s22;
	v2 =	vadd.f32 v53, v2;
	v62 =	vmov s28;
	v7 =	vld.idx.msk [tilespmem:v55+s3+$0x0], $0xffff;
	v4 =	vadd.f32 v5, v4  }
0x115: {  	v53 =	vmov s30;
	s30 =	sadd.s32 $0x12, s22;
	v51 =	vadd.f32 v56, v3;
	v55 =	vmov s31;
	v33 =	vld.idx.msk [tilespmem:v61+s3+$0x0], $0xffff  }
0x116: {  	v60 =	vld.idx.msk [tilespmem:v63+s3+$0x0], $0xffff;
	v63 =	vbroadcast v62, $0x0;
	v62 =	vmov s30;
	v4 =	vadd.f32 v50, v4  }
0x117: {  	v50 =	vadd.f32 v54, v2;
	v2 =	vbroadcast v59, $0x0;
	vm7 =	veq.s32 v49, v57  }
0x118: {  	s25 =	sor.u32 $0x6, s22;
	vm8 =	veq.s32 v52, v57;
	v54 =	vbroadcast v53, $0x0;
	v53 =	vbroadcast v62, $0x0  }
0x119: {  	vm5 =	veq.s32 v49, v7;
	v3 =	vadd.f32 v6, v4;
	v6 =	vmov s25  }
0x11a: {  	s26 =	sor.u32 $0x7, s22;
	vm6 =	veq.s32 v52, v7;
	vm7 =	vmand vm7, vm1;
	v6 =	vbroadcast v6, $0x0  }
0x11b: {  	v61 =	vld.idx.msk [tilespmem:v35+s3+$0x0], $0xffff;
	v7 =	vmov s26;
	vm5 =	vmand vm5, vm0;
	vm9 =	veq.s32 v49, v33  }
0x11c: {  	v7 =	vbroadcast v7, $0x0;
	vm5 =	vmor vm5, vm7;
	vm7 =	vmand vm9, vm2  }
0x11d: {  	s26 =	sor.u32 $0xE, s22;
	vm6 =	vmor vm6, vm8;
	vm5 =	vmor vm5, vm7;
	vm7 =	veq.s32 v49, v60;
	v2 =	vld.idx.msk [tilespmem:v2+s3+$0x0], $0xffff  }
0x11e: {  	v57 =	vmov s26;
	vm8 =	veq.s32 v52, v33;
	vm7 =	vmand vm7, vm3  }
0x11f: {  	vm6 =	vmor vm6, vm8;
	vm5 =	vmor vm5, vm7;
	vm7 =	veq.s32 v52, v60  }
0x120: {  	s29 =	sor.u32 $0x9, s22;
	vm8 =	veq.s32 v49, v61;
	vm6 =	vmor vm6, vm7;
	vm7 =	vcmask $0x3F14;
	v36 =	vld.idx.msk [tilespmem:v6+s3+$0x0], $0xffff  }
0x121: {  	vm9 =	vcmask $0x3F18;
	v6 =	vmov s29;
	vm7 =	vmand vm8, vm7  }
0x122: {  	v7 =	vld.idx.msk [tilespmem:v7+s3+$0x0], $0xffff;
	v6 =	vbroadcast v6, $0x0;
	vm5 =	vmor vm5, vm7;
	vm7 =	veq.s32 v49, v2  }
0x123: {  	v33 =	vbroadcast v55, $0x0;
	vm8 =	veq.s32 v52, v61;
	vm7 =	vmand vm7, vm9  }
0x124: {  	vm6 =	vmor vm6, vm8;
	vm5 =	vmor vm5, vm7;
	vm7 =	veq.s32 v52, v2  }
0x125: {  	vm8 =	vcmask $0x3F1C;
	v2 =	vld.idx.msk [tilespmem:v63+s3+$0x0], $0xffff;
	vm6 =	vmor vm6, vm7;
	vm7 =	veq.s32 v49, v36  }
0x126: {  	v58 =	vbroadcast v57, $0x0;
	vm9 =	vcmask $0x3F20;
	vm7 =	vmand vm7, vm8  }
0x127: {  	s24 =	sor.u32 $0xC, s22;
	vm8 =	veq.s32 v49, v7;
	vm5 =	vmor vm5, vm7;
	vm7 =	veq.s32 v52, v36  }
0x128: {  	vm8 =	vmand vm8, vm9;
	v56 =	vld.idx.msk [tilespmem:v6+s3+$0x0], $0xffff;
	v6 =	vmov s24;
	vm6 =	vmor vm6, vm7  }
0x129: {  	vm5 =	vmor vm5, vm8;
	vm7 =	veq.s32 v52, v7;
	v6 =	vbroadcast v6, $0x0  }
0x12a: {  	s25 =	sor.u32 $0xD, s22;
	vm8 =	veq.s32 v49, v2;
	vm6 =	vmor vm6, vm7;
	vm7 =	vcmask $0x3F24  }
0x12b: {  	v5 =	vld.idx.msk [tilespmem:v54+s3+$0x0], $0xffff;
	vm7 =	vmand vm8, vm7;
	vm8 =	veq.s32 v52, v2;
	v2 =	vmov s25  }
0x12c: {  	v34 =	vmov s23;
	s28 =	sor.u32 $0xF, s22;
	v55 =	vmul.f32 $1.442695020e+00, v50;
	s29 =	sadd.s32 $0x11, s22;
	v2 =	vbroadcast v2, $0x0  }
0x12d: {  	v60 =	vmov s28;
	v61 =	vmov s29;
	v7 =	vld.idx.msk [tilespmem:v33+s3+$0x0], $0xffff;
	vm5 =	vmor vm5, vm7  }
0x12e: {  	s31 =	sadd.s32 $0x13, s22;
	v59 =	vld.idx.msk [tilespmem:v48+s14+$0x0], $0xffff;
	vm6 =	vmor vm6, vm8;
	vm8 =	vcmask $0x3F28;
	vm7 =	veq.s32 v49, v56  }
0x12f: {  	v63 =	vmov s31;
	v36 =	vbroadcast v61, $0x0;
	vm7 =	vmand vm7, vm8;
	v6 =	vld.idx.msk [tilespmem:v6+s3+$0x0], $0xffff  }
0x130: {  	vm8 =	veq.s32 v52, v56;
	vm5 =	vmor vm5, vm7;
	vm7 =	veq.s32 v49, v5  }
0x131: {  	v54 =	vbroadcast v63, $0x0;
	vm6 =	vmor vm6, vm8;
	vm7 =	vmand vm7, vm10  }
0x132: {  	vm8 =	veq.s32 v52, v5;
	vm5 =	vmor vm5, vm7;
	vm7 =	veq.s32 v49, v7;
	v2 =	vld.idx.msk [tilespmem:v2+s3+$0x0], $0xffff  }
0x133: {  	v34 =	vld.idx.msk [tilespmem:v34+s3+$0x0], $0xffff;
	v3 =	vadd.f32 v59, v3;
	vm6 =	vmor vm6, vm8;
	vm7 =	vmand vm7, vm11  }
0x134: {  	v4 =	vld.idx.msk [tilespmem:v58+s3+$0x0], $0xffff;
	vm5 =	vmor vm5, vm7;
	vm7 =	veq.s32 v52, v7;
	vm8 =	veq.s32 v49, v6  }
0x135: {  	v56 =	vmul.f32 $1.442695020e+00, v51;
	v7 =	vld.idx.msk [tilespmem:v60+s3+$0x0], $0xffff;
	vm6 =	vmor vm6, vm7;
	vm7 =	vmand vm8, vm12  }
0x136: {  	(erf) = vpow2.f32 v55;
	vm5 =	vmor vm5, vm7;
	vm7 =	veq.s32 v52, v6;
	v6 =	vld.idx.msk [tilespmem:v36+s3+$0x0], $0xffff  }
0x137: {  	v57 =	vld.idx.msk [tilespmem:v53+s3+$0x0], $0xffff;
	v3 =	vmul.f32 $1.442695020e+00, v3;
	(erf) = vpow2.f32 v56;
	vm8 =	veq.s32 v49, v2  }
0x138: {  	vm6 =	vmor vm6, vm7;
	vm7 =	vmand vm8, vm13;
	vm8 =	veq.s32 v52, v2;
	v2 =	vld.idx.msk [tilespmem:v54+s3+$0x0], $0xffff  }
0x139: {  	(erf) = vpow2.f32 v3;
	vm6 =	vmor vm6, vm8;
	vm8 =	veq.s32 v52, v4  }
0x13a: {  	vm9 =	veq.s32 v52, v34;
	vm6 =	vmor vm6, vm8;
	vm8 =	veq.s32 v52, v7  }
0x13b: {  	vm6 =	vmor vm6, vm8;
	vm8 =	vmand vm9, vm0;
	vm9 =	veq.s32 v52, v6  }
0x13c: {  	vm6 =	vmor vm6, vm8;
	vm8 =	vmand vm9, vm1;
	vm9 =	veq.s32 v52, v57  }
0x13d: {  	vm6 =	vmor vm6, vm8;
	vm8 =	vmand vm9, vm2;
	vm9 =	veq.s32 v52, v2  }
0x13e: {  	vm6 =	vmor vm6, vm8;
	vm8 =	veq.s32 v49, v4;
	vm9 =	vmand vm9, vm3  }
0x13f: {  	vm5 =	vmor vm5, vm7;
	v2 =	vpop (erf);
	vm6 =	vmor vm6, vm9;
	vm7 =	vmand vm8, vm14  }
0x140: {  	v3 =	vpop (erf);
	vm5 =	vmor vm5, vm7;
	vm6 =	vmand vm6, vm15  }
0x141: {  	v2 =	vsel vm5, $0x0, v2;
	v3 =	vsel vm6, $0x0, v3;
	vm5 =	veq.s32 v0, $0x0  }
0x142: {  	v6 =	vnsel vm15, $0x0, v51;
	v59 =	vpop (erf);
	v58 =	vsel vm5, $0x0, v50;
	v2 =	vadd.f32 v3, v2  }
0x143: {  	v60 =	vnsel vm4, $0x0, v59;
	v3 =	vadd.f32 v6, v58  }
0x144: {  	s23 =	sshll.u32 s21, $0x6;
	v2 =	vadd.f32 v2, v60  }
0x145: {  	[tilespmem:s23+$0x6280] =	vst v3  }
0x146: {  	[tilespmem:s23+$0x6080] =	vst v2  }
0x147: {  	v55 =	vld [tilespmem:$0x1A00]  }
0x148: {  	v56 =	vld [tilespmem:$0x1A10]  }
0x149: {  	v54 =	vld [tilespmem:$0x1A20]  }
0x14a: {  	v53 =	vld [tilespmem:$0x1A30]  }
0x14b: {  	v52 =	vld [tilespmem:$0x1A40]  }
0x14c: {  	v51 =	vld [tilespmem:$0x1A50]  }
0x14d: {  	v49 =	vld [tilespmem:$0x1A60]  }
0x14e: {  	s26 =	simm.s32 $0x1BF0;
	v50 =	vld [tilespmem:$0x1A70]  }
0x14f: {  	v2 =	vld [tilespmem:s26+$0xFFFFFF90]  }
0x150: {  	v3 =	vld [tilespmem:s26+$0xFFFFFFA0]  }
0x151: {  	v4 =	vld [tilespmem:s26+$0xFFFFFE20]  }
0x152: {  	v5 =	vld [tilespmem:s26+$0xFFFFFFB0]  }
0x153: {  	v6 =	vld [tilespmem:s26+$0xFFFFFE90]  }
0x154: {  	v7 =	vld [tilespmem:s26+$0xFFFFFFC0]  }
0x155: {  	v33 =	vld [tilespmem:s26+$0xFFFFFEA0]  }
0x156: {  	v34 =	vld [tilespmem:s26+$0xFFFFFFD0]  }
0x157: {  	v35 =	vld [tilespmem:s26+$0xFFFFFF10]  }
0x158: {  	v36 =	vld [tilespmem:s26+$0xFFFFFFE0]  }
0x159: {  	v57 =	vld [tilespmem:s26+$0xFFFFFF20]  }
0x15a: {  	v58 =	vld [tilespmem:s26+$0xFFFFFFF0]  }
0x15b: {  	v59 =	vld [tilespmem:s26+$0xFFFFFE10];
	v2 =	vmul.f32 v2, v55;
	v3 =	vmul.f32 v3, v56  }
0x15c: {  	v60 =	vld [tilespmem:s26+$0x0]  }
0x15d: {  	v61 =	vld [tilespmem:s26+$0xFFFFFEB0];
	v2 =	vadd.f32 v3, v2;
	v3 =	vmul.f32 v5, v54  }
0x15e: {  	v62 =	vld [tilespmem:s26+$0xFFFFFE40]  }
0x15f: {  	v5 =	vld [tilespmem:s26+$0xFFFFFE30];
	v2 =	vadd.f32 v3, v2;
	v3 =	vmul.f32 v7, v53  }
0x160: {  	v63 =	vld [tilespmem:s26+$0xFFFFFF40];
	v6 =	vmul.f32 v6, v55;
	v33 =	vmul.f32 v33, v56  }
0x161: {  	v4 =	vmul.f32 v4, v56;
	v7 =	vld [tilespmem:s26+$0xFFFFFF30];
	v2 =	vadd.f32 v3, v2;
	v3 =	vmul.f32 v34, v52  }
0x162: {  	v35 =	vmul.f32 v35, v55;
	v59 =	vmul.f32 v59, v55;
	v6 =	vadd.f32 v33, v6;
	v34 =	vld [tilespmem:s26+$0xFFFFFEC0]  }
0x163: {  	v33 =	vld [tilespmem:s26+$0xFFFFFED0];
	v2 =	vadd.f32 v3, v2;
	v3 =	vmul.f32 v36, v51;
	v36 =	vmul.f32 v57, v56  }
0x164: {  	v58 =	vmul.f32 v58, v49;
	v4 =	vadd.f32 v4, v59;
	v5 =	vmul.f32 v5, v54;
	v57 =	vld [tilespmem:s26+$0xFFFFFE50]  }
0x165: {  	v2 =	vadd.f32 v3, v2;
	v3 =	vadd.f32 v36, v35;
	v35 =	vmul.f32 v61, v54;
	v36 =	vld [tilespmem:s26+$0xFFFFFF50]  }
0x166: {  	v59 =	vmul.f32 v62, v53;
	v4 =	vadd.f32 v5, v4;
	v61 =	vmul.f32 v7, v54;
	v7 =	vld [tilespmem:s26+$0xFFFFFE60]  }
0x167: {  	v62 =	vmul.f32 v60, v50;
	v34 =	vmul.f32 v34, v53;
	v6 =	vadd.f32 v35, v6;
	v35 =	vld [tilespmem:s26+$0xFFFFFEE0]  }
0x168: {  	v5 =	vmul.f32 v63, v53;
	v4 =	vadd.f32 v59, v4;
	v3 =	vadd.f32 v61, v3;
	v61 =	vld [tilespmem:s26+$0xFFFFFF60]  }
0x169: {  	v2 =	vadd.f32 v58, v2;
	v63 =	vmul.f32 v57, v52;
	v6 =	vadd.f32 v34, v6;
	v34 =	vld [tilespmem:s26+$0xFFFFFE70]  }
0x16a: {  	v33 =	vmul.f32 v33, v52;
	v57 =	vld [tilespmem:s26+$0xFFFFFEF0];
	v3 =	vadd.f32 v5, v3  }
0x16b: {  	v58 =	vld [tilespmem:s26+$0xFFFFFF70];
	v2 =	vadd.f32 v62, v2;
	v4 =	vadd.f32 v63, v4;
	v63 =	vmul.f32 v36, v52  }
0x16c: {  	s24 =	simm.s32 $0x5DA0;
	v59 =	vld [tilespmem:s26+$0xFFFFFE80];
	v7 =	vmul.f32 v7, v51;
	v6 =	vadd.f32 v33, v6;
	v36 =	vmul.f32 v35, v51  }
0x16d: {  	v60 =	vld [tilespmem:s26+$0xFFFFFF00];
	[tilespmem:s24+$0x10] =	vst v2;
	v63 =	vadd.f32 v63, v3;
	v2 =	vmul.f32 v61, v51  }
0x16e: {  	s25 =	simm.s32 $0x0;
	v62 =	vadd.f32 v7, v4;
	v61 =	vld [tilespmem:s26+$0xFFFFFF80];
	s26 =	simm.s32 $0x1DF0;
	v34 =	vmul.f32 v34, v49;
	v33 =	vadd.f32 v36, v6  }
.LBB2_5:
0x16f: {  	v3 =	vld [tilespmem:s26+$0xFFFFFF90];
	v4 =	vmul.f32 v57, v49;
	v2 =	vadd.f32 v2, v63  }
0x170: {  	s25 =	sadd.s32 $0x4, s25;
	v5 =	vld [tilespmem:s26+$0xFFFFFFA0];
	v6 =	vadd.f32 v34, v62;
	v7 =	vmul.f32 v58, v49  }
0x171: {  	p0 =	slt.u32 s25, $0x24;
	v34 =	vld [tilespmem:s26+$0xFFFFFE20];
	v35 =	vmul.f32 v59, v50;
	v4 =	vadd.f32 v4, v33  }
0x172: {  	v33 =	vld [tilespmem:s26+$0xFFFFFFB0];
	v36 =	vmul.f32 v60, v50;
	v2 =	vadd.f32 v7, v2  }
0x173: {  	v7 =	vld [tilespmem:s26+$0xFFFFFE90];
	v6 =	vadd.f32 v35, v6;
	v35 =	vmul.f32 v61, v50  }
0x174: {  	v57 =	vld [tilespmem:s26+$0xFFFFFFC0];
	v4 =	vadd.f32 v36, v4  }
0x175: {  	v3 =	vmul.f32 v3, v55;
	v36 =	vld [tilespmem:s26+$0xFFFFFEA0];
	v5 =	vmul.f32 v5, v56;
	[tilespmem:s24+$0xFFFFFFE0] =	vst v6;
	v2 =	vadd.f32 v35, v2  }
0x176: {  	v6 =	vmul.f32 v34, v56;
	v34 =	vld [tilespmem:s26+$0xFFFFFFD0];
	[tilespmem:s24+$0xFFFFFFF0] =	vst v4  }
0x177: {  	v4 =	vld [tilespmem:s26+$0xFFFFFF10];
	v3 =	vadd.f32 v5, v3;
	v5 =	vmul.f32 v33, v54;
	[tilespmem:s24+$0x0] =	vst v2  }
0x178: {  	v2 =	vmul.f32 v7, v55;
	v7 =	vld [tilespmem:s26+$0xFFFFFFE0]  }
0x179: {  	v33 =	vld [tilespmem:s26+$0xFFFFFF20];
	v3 =	vadd.f32 v5, v3;
	v5 =	vmul.f32 v57, v53  }
0x17a: {  	v35 =	vmul.f32 v36, v56;
	v36 =	vld [tilespmem:s26+$0xFFFFFFF0]  }
0x17b: {  	v57 =	vld [tilespmem:s26+$0xFFFFFE10];
	v3 =	vadd.f32 v5, v3;
	v5 =	vmul.f32 v34, v52  }
0x17c: {  	v2 =	vadd.f32 v35, v2;
	v4 =	vmul.f32 v4, v55;
	v34 =	vld [tilespmem:s26+$0x0]  }
0x17d: {  	v35 =	vld [tilespmem:s26+$0xFFFFFE30];
	v3 =	vadd.f32 v5, v3;
	v5 =	vmul.f32 v7, v51  }
0x17e: {  	v7 =	vld [tilespmem:s26+$0xFFFFFEB0];
	v33 =	vmul.f32 v33, v56  }
0x17f: {  	v58 =	vld [tilespmem:s26+$0xFFFFFF30];
	v3 =	vadd.f32 v5, v3;
	v5 =	vmul.f32 v36, v49  }
0x180: {  	v36 =	vmul.f32 v57, v55;
	v57 =	vld [tilespmem:s26+$0xFFFFFE40];
	v4 =	vadd.f32 v33, v4  }
0x181: {  	v33 =	vld [tilespmem:s26+$0xFFFFFEC0];
	v3 =	vadd.f32 v5, v3;
	v5 =	vmul.f32 v34, v50  }
0x182: {  	v6 =	vadd.f32 v6, v36;
	v34 =	vmul.f32 v35, v54;
	v35 =	vld [tilespmem:s26+$0xFFFFFF40]  }
0x183: {  	v36 =	vld [tilespmem:s26+$0xFFFFFE50];
	v7 =	vmul.f32 v7, v54;
	v3 =	vadd.f32 v5, v3  }
0x184: {  	s24 =	sadd.s32 $0x40, s24;
	v5 =	vadd.f32 v34, v6;
	v6 =	vld [tilespmem:s26+$0xFFFFFED0];
	v34 =	vmul.f32 v58, v54  }
0x185: {  	v57 =	vmul.f32 v57, v53;
	v2 =	vadd.f32 v7, v2;
	v7 =	vld [tilespmem:s26+$0xFFFFFF50];
	[tilespmem:s24+$0x10] =	vst v3  }
0x186: {  	v3 =	vld [tilespmem:s26+$0xFFFFFE60];
	v33 =	vmul.f32 v33, v53;
	v4 =	vadd.f32 v34, v4  }
0x187: {  	v5 =	vadd.f32 v57, v5;
	v34 =	vld [tilespmem:s26+$0xFFFFFEE0];
	v35 =	vmul.f32 v35, v53  }
0x188: {  	v36 =	vmul.f32 v36, v52;
	v2 =	vadd.f32 v33, v2;
	v33 =	vld [tilespmem:s26+$0xFFFFFF60]  }
0x189: {  	v61 =	vld [tilespmem:s26+$0xFFFFFE70];
	v6 =	vmul.f32 v6, v52;
	v4 =	vadd.f32 v35, v4  }
.Ltmp3:
0x18a: {  	v5 =	vadd.f32 v36, v5;
	v57 =	vld [tilespmem:s26+$0xFFFFFEF0];
	v7 =	vmul.f32 v7, v52;
	(pc) =	sbr.rel @p0 .LBB2_5-.Ltmp3, $4  }
0x18b: {  	v3 =	vmul.f32 v3, v51;
	v6 =	vadd.f32 v6, v2;
	v58 =	vld [tilespmem:s26+$0xFFFFFF70]  }
0x18c: {  	v59 =	vld [tilespmem:s26+$0xFFFFFE80];
	v35 =	vmul.f32 v34, v51;
	v63 =	vadd.f32 v7, v4  }
0x18d: {  	v62 =	vadd.f32 v3, v5;
	v60 =	vld [tilespmem:s26+$0xFFFFFF00];
	v2 =	vmul.f32 v33, v51  }
0x18e: {  	v34 =	vmul.f32 v61, v49;
	v33 =	vadd.f32 v35, v6;
	v61 =	vld [tilespmem:s26+$0xFFFFFF80];
	s26 =	sadd.s32 $0x200, s26  }
0x18f: {  	_ = 	snop  }
0x190: {  	v3 =	vmul.f32 v57, v49;
	v2 =	vadd.f32 v2, v63  }
0x191: {  	v4 =	vadd.f32 v34, v62;
	v5 =	vmul.f32 v58, v49;
	v6 =	vmul.f32 v59, v50  }
0x192: {  	v3 =	vadd.f32 v3, v33;
	v7 =	vmul.f32 v60, v50  }
0x193: {  	v2 =	vadd.f32 v5, v2;
	v4 =	vadd.f32 v6, v4;
	v35 =	vmul.f32 v61, v50  }
0x194: {  	v3 =	vadd.f32 v7, v3  }
0x195: {  	[tilespmem:s24+$0xFFFFFFE0] =	vst v4;
	v2 =	vadd.f32 v35, v2  }
0x196: {  	[tilespmem:s24+$0xFFFFFFF0] =	vst v3  }
0x197: {  	[tilespmem:s24+$0x0] =	vst v2  }
0x198: {  	v2 =	vld [tilespmem:$0x2E00]  }
0x199: {  	v3 =	vld [tilespmem:$0x2E10];
	_ =	sdelay $0x1  }
0x19a: {  	v4 =	vld [tilespmem:$0x2E20];
	_ =	sdelay $0x1  }
0x19b: {  	v36 =	vld [tilespmem:$0x2E30]  }
0x19c: {  	v2 =	vmul.f32 v2, v55;
	v3 =	vmul.f32 v3, v56  }
0x19d: {  	v6 =	vld [tilespmem:$0x2E40]  }
0x19e: {  	v2 =	vadd.f32 v3, v2;
	v3 =	vmul.f32 v4, v54  }
0x19f: {  	v57 =	vld [tilespmem:$0x2E50]  }
0x1a0: {  	v2 =	vadd.f32 v3, v2;
	v3 =	vmul.f32 v36, v53  }
0x1a1: {  	v58 =	vld [tilespmem:$0x2E60]  }
0x1a2: {  	v2 =	vadd.f32 v3, v2;
	v3 =	vmul.f32 v6, v52  }
0x1a3: {  	v6 =	vld [tilespmem:$0x2E70]  }
0x1a4: {  	v2 =	vadd.f32 v3, v2;
	v3 =	vmul.f32 v57, v51;
	_ =	sdelay $0x1  }
0x1a5: {  	v59 =	vld [tilespmem:$0x1FF70];
	v2 =	vadd.f32 v3, v2;
	v3 =	vmul.f32 v58, v49  }
0x1a6: {  	v60 =	vld [tilespmem:$0x1FF80]  }
0x1a7: {  	v2 =	vadd.f32 v3, v2;
	v3 =	vmul.f32 v6, v50  }
0x1a8: {  	v61 =	vld [tilespmem:$0x1FFB0]  }
0x1a9: {  	v63 =	vld [tilespmem:$0x1FFC0];
	v2 =	vadd.f32 v3, v2  }
0x1aa: {  	v6 =	vld [tilespmem:$0x1FF90]  }
0x1ab: {  	v3 =	vld [tilespmem:$0x1FF60];
	[tilespmem:$0x6000] =	vst v2  }
0x1ac: {  	v2 =	vld.idx.msk [tilespmem:v1+s14+$0x0], $0xffff  }
0x1ad: {  	v4 =	vld.idx.msk [tilespmem:v59+s14+$0x0], $0xffff  }
0x1ae: {  	v5 =	vld.idx.msk [tilespmem:v60+s14+$0x0], $0xffff  }
0x1af: {  	v7 =	vld.idx.msk [tilespmem:v37+s14+$0x0], $0xffff  }
0x1b0: {  	v33 =	vld.idx.msk [tilespmem:v9+s14+$0x0], $0xffff  }
0x1b1: {  	v34 =	vld.idx.msk [tilespmem:v8+s14+$0x0], $0xffff  }
0x1b2: {  	v35 =	vld.idx.msk [tilespmem:v10+s14+$0x0], $0xffff  }
0x1b3: {  	v36 =	vld.idx.msk [tilespmem:v38+s14+$0x0], $0xffff  }
0x1b4: {  	v49 =	vld.idx.msk [tilespmem:v11+s14+$0x0], $0xffff  }
0x1b5: {  	v50 =	vld.idx.msk [tilespmem:v12+s14+$0x0], $0xffff  }
0x1b6: {  	v51 =	vld.idx.msk [tilespmem:v13+s14+$0x0], $0xffff  }
0x1b7: {  	v60 =	vld [tilespmem:$0x1FFA0]  }
0x1b8: {  	v3 =	vld.idx.msk [tilespmem:v3+s14+$0x0], $0xffff  }
0x1b9: {  	v52 =	vld.idx.msk [tilespmem:v14+s14+$0x0], $0xffff  }
0x1ba: {  	v53 =	vld.idx.msk [tilespmem:v15+s14+$0x0], $0xffff  }
0x1bb: {  	v54 =	vld.idx.msk [tilespmem:v16+s14+$0x0], $0xffff  }
0x1bc: {  	v55 =	vld.idx.msk [tilespmem:v17+s14+$0x0], $0xffff  }
0x1bd: {  	v56 =	vld.idx.msk [tilespmem:v18+s14+$0x0], $0xffff;
	v2 =	vadd.f32 v3, v2  }
0x1be: {  	v6 =	vld.idx.msk [tilespmem:v6+s14+$0x0], $0xffff  }
0x1bf: {  	v60 =	vld.idx.msk [tilespmem:v60+s14+$0x0], $0xffff;
	v2 =	vadd.f32 v4, v2  }
0x1c0: {  	v4 =	vld.idx.msk [tilespmem:v61+s14+$0x0], $0xffff  }
0x1c1: {  	v57 =	vld.idx.msk [tilespmem:v19+s14+$0x0], $0xffff;
	v2 =	vadd.f32 v5, v2  }
0x1c2: {  	v62 =	vadd.f32 v56, v55;
	v55 =	vld.idx.msk [tilespmem:v63+s14+$0x0], $0xffff  }
0x1c3: {  	v2 =	vadd.f32 v6, v2;
	v6 =	vld [tilespmem:$0x1FFD0]  }
0x1c4: {  	v58 =	vld.idx.msk [tilespmem:v20+s14+$0x0], $0xffff  }
0x1c5: {  	v4 =	vadd.f32 v4, v60;
	v2 =	vadd.f32 v7, v2;
	v7 =	vld [tilespmem:$0x1FFE0]  }
0x1c6: {  	v59 =	vld.idx.msk [tilespmem:v21+s14+$0x0], $0xffff  }
0x1c7: {  	v4 =	vadd.f32 v55, v4;
	v55 =	vld [tilespmem:$0x1FFF0]  }
0x1c8: {  	v56 =	vld.idx.msk [tilespmem:v24+s14+$0x0], $0xffff  }
0x1c9: {  	v63 =	vld.idx.msk [tilespmem:v26+s14+$0x0], $0xffff;
	v5 =	vadd.f32 v57, v62  }
0x1ca: {  	v3 =	vld.idx.msk [tilespmem:v22+s14+$0x0], $0xffff  }
0x1cb: {  	v5 =	vadd.f32 v58, v5;
	v6 =	vld.idx.msk [tilespmem:v6+s14+$0x0], $0xffff  }
0x1cc: {  	v61 =	vld.idx.msk [tilespmem:v23+s14+$0x0], $0xffff  }
0x1cd: {  	v5 =	vadd.f32 v59, v5;
	v7 =	vld.idx.msk [tilespmem:v7+s14+$0x0], $0xffff  }
0x1ce: {  	v62 =	vld.idx.msk [tilespmem:v25+s14+$0x0], $0xffff;
	v2 =	vadd.f32 v33, v2  }
0x1cf: {  	v3 =	vadd.f32 v3, v5;
	v33 =	vld.idx.msk [tilespmem:v55+s14+$0x0], $0xffff  }
0x1d0: {  	v60 =	vld.idx.msk [tilespmem:v41+s14+$0x0], $0xffff;
	v2 =	vadd.f32 v34, v2;
	v4 =	vadd.f32 v6, v4  }
0x1d1: {  	v59 =	vld.idx.msk [tilespmem:v39+s14+$0x0], $0xffff;
	v3 =	vadd.f32 v61, v3  }
0x1d2: {  	v5 =	vld.idx.msk [tilespmem:v45+s14+$0x0], $0xffff;
	v2 =	vadd.f32 v35, v2;
	v4 =	vadd.f32 v7, v4  }
0x1d3: {  	v3 =	vadd.f32 v56, v3;
	v7 =	vld.idx.msk [tilespmem:v40+s14+$0x0], $0xffff  }
0x1d4: {  	s25 =	sadd.s32 $0x29, s22;
	v34 =	vld.idx.msk [tilespmem:v29+s14+$0x0], $0xffff;
	v2 =	vadd.f32 v36, v2;
	v4 =	vadd.f32 v33, v4  }
0x1d5: {  	s29 =	sadd.s32 $0x2A, s22;
	v56 =	vmov s25;
	v3 =	vadd.f32 v62, v3;
	v55 =	vld.idx.msk [tilespmem:v27+s14+$0x0], $0xffff  }
0x1d6: {  	v61 =	vld.idx.msk [tilespmem:v42+s14+$0x0], $0xffff;
	v62 =	vmov s29;
	v2 =	vadd.f32 v49, v2;
	v4 =	vadd.f32 v59, v4  }
0x1d7: {  	v3 =	vadd.f32 v63, v3;
	v63 =	vadd.s32 s25, v0;
	v49 =	vand.u32 $0xFFFFFFFA, v62;
	v6 =	vld.idx.msk [tilespmem:v28+s14+$0x0], $0xffff  }
0x1d8: {  	v35 =	vld.idx.msk [tilespmem:v30+s14+$0x0], $0xffff;
	v57 =	vbroadcast v49, $0x0;
	v4 =	vadd.f32 v7, v4  }
0x1d9: {  	v2 =	vadd.f32 v50, v2;
	v7 =	vld.idx.msk [tilespmem:v43+s14+$0x0], $0xffff  }
0x1da: {  	v58 =	vld.idx.msk [tilespmem:v56+s3+$0x0], $0xffff;
	v3 =	vadd.f32 v55, v3;
	v4 =	vadd.f32 v60, v4  }
0x1db: {  	s31 =	sadd.s32 $0x39, s22;
	v55 =	vld.idx.msk [tilespmem:v44+s14+$0x0], $0xffff;
	v2 =	vadd.f32 v51, v2  }
0x1dc: {  	s30 =	sadd.s32 $0x2B, s22;
	v51 =	vadd.s32 s31, v0;
	v49 =	vld.idx.msk [tilespmem:v63+s3+$0x0], $0xffff;
	v3 =	vadd.f32 v6, v3;
	v4 =	vadd.f32 v61, v4  }
0x1dd: {  	vm9 =	vcmask $0x3F18;
	v36 =	vld.idx.msk [tilespmem:v31+s14+$0x0], $0xffff;
	v2 =	vadd.f32 v52, v2;
	v60 =	vmov s30  }
0x1de: {  	s26 =	sadd.s32 $0x2C, s22;
	v59 =	vld.idx.msk [tilespmem:v57+s3+$0x0], $0xffff;
	v3 =	vadd.f32 v34, v3;
	v61 =	vand.u32 $0xFFFFFFFB, v60;
	v4 =	vadd.f32 v7, v4  }
0x1df: {  	v63 =	vmov s26;
	v6 =	vld.idx.msk [tilespmem:v46+s14+$0x0], $0xffff;
	v2 =	vadd.f32 v53, v2;
	v62 =	vbroadcast v61, $0x0  }
0x1e0: {  	v50 =	vld.idx.msk [tilespmem:v32+s14+$0x0], $0xffff;
	v34 =	vand.u32 $0xFFFFFFFC, v63;
	v3 =	vadd.f32 v35, v3;
	v4 =	vadd.f32 v55, v4  }
0x1e1: {  	s28 =	sadd.s32 $0x2D, s22;
	v34 =	vbroadcast v34, $0x0;
	v52 =	vld.idx.msk [tilespmem:v51+s3+$0x0], $0xffff;
	v51 =	vadd.f32 v54, v2;
	vm5 =	veq.s32 v49, v58  }
0x1e2: {  	s29 =	sadd.s32 $0x2E, s22;
	v3 =	vadd.f32 v36, v3;
	v60 =	vmov s28;
	v7 =	vld.idx.msk [tilespmem:v47+s14+$0x0], $0xffff;
	v4 =	vadd.f32 v5, v4  }
0x1e3: {  	vm6 =	veq.s32 v49, v59;
	v61 =	vmov s29;
	v5 =	vand.u32 $0xFFFFFFFD, v60  }
0x1e4: {  	s25 =	sadd.s32 $0x31, s22;
	v5 =	vbroadcast v5, $0x0;
	v4 =	vadd.f32 v6, v4;
	v6 =	vand.u32 $0xFFFFFFFE, v61  }
0x1e5: {  	v36 =	vmov s25;
	v50 =	vadd.f32 v50, v3;
	v2 =	vld.idx.msk [tilespmem:v62+s3+$0x0], $0xffff;
	v3 =	vbroadcast v6, $0x0  }
0x1e6: {  	vm5 =	vmand vm5, vm0;
	vm6 =	vmand vm6, vm1;
	v35 =	vand.u32 $0xFFFFFFF1, v36  }
0x1e7: {  	vm7 =	veq.s32 v52, v58;
	vm5 =	vmor vm5, vm6;
	v4 =	vadd.f32 v7, v4;
	v7 =	vld.idx.msk [tilespmem:v34+s3+$0x0], $0xffff  }
0x1e8: {  	s30 =	sadd.s32 $0x30, s22;
	s28 =	sadd.s32 $0x33, s22;
	vm6 =	veq.s32 v52, v59;
	v35 =	vbroadcast v35, $0x0;
	v6 =	vmov s31;
	s31 =	sadd.s32 $0x2F, s22  }
0x1e9: {  	v54 =	vmov s28;
	v62 =	vmov s30;
	v63 =	vmov s31  }
0x1ea: {  	vm6 =	vmor vm7, vm6;
	s30 =	sadd.s32 $0x35, s22;
	v33 =	vand.u32 $0xFFFFFFF0, v62;
	vm8 =	veq.s32 v49, v2;
	v5 =	vld.idx.msk [tilespmem:v5+s3+$0x0], $0xffff  }
0x1eb: {  	v56 =	vmov s30;
	v33 =	vbroadcast v33, $0x0;
	vm7 =	vmand vm8, vm2;
	v3 =	vld.idx.msk [tilespmem:v3+s3+$0x0], $0xffff  }
0x1ec: {  	s26 =	sadd.s32 $0x32, s22;
	vm8 =	veq.s32 v52, v2;
	vm5 =	vmor vm5, vm7;
	vm7 =	veq.s32 v49, v7  }
0x1ed: {  	v2 =	vmov s26;
	vm6 =	vmor vm6, vm8;
	vm7 =	vmand vm7, vm3  }
0x1ee: {  	v2 =	vand.u32 $0xFFFFFFF2, v2;
	v34 =	vld.idx.msk [tilespmem:v63+s3+$0x0], $0xffff;
	vm5 =	vmor vm5, vm7;
	vm7 =	veq.s32 v52, v7  }
0x1ef: {  	vm8 =	veq.s32 v49, v5;
	vm6 =	vmor vm6, vm7;
	vm7 =	vcmask $0x3F14  }
0x1f0: {  	v2 =	vbroadcast v2, $0x0;
	vm7 =	vmand vm8, vm7;
	vm8 =	veq.s32 v49, v3  }
0x1f1: {  	v7 =	vld.idx.msk [tilespmem:v33+s3+$0x0], $0xffff;
	vm5 =	vmor vm5, vm7;
	vm7 =	veq.s32 v52, v5;
	vm8 =	vmand vm8, vm9  }
0x1f2: {  	vm6 =	vmor vm6, vm7;
	vm7 =	veq.s32 v52, v3;
	vm5 =	vmor vm5, vm8  }
0x1f3: {  	s29 =	sadd.s32 $0x34, s22;
	v53 =	vld.idx.msk [tilespmem:v35+s3+$0x0], $0xffff;
	vm8 =	veq.s32 v49, v34;
	vm6 =	vmor vm6, vm7;
	vm7 =	vcmask $0x3F1C  }
0x1f4: {  	v55 =	vmov s29;
	v57 =	vand.u32 $0xFFFFFFF5, v56;
	vm7 =	vmand vm8, vm7  }
0x1f5: {  	v33 =	vand.u32 $0xFFFFFFF4, v55;
	vm5 =	vmor vm5, vm7;
	vm7 =	veq.s32 v52, v34  }
0x1f6: {  	v2 =	vld.idx.msk [tilespmem:v2+s3+$0x0], $0xffff;
	vm8 =	veq.s32 v49, v7;
	vm6 =	vmor vm6, vm7;
	vm7 =	vcmask $0x3F20  }
0x1f7: {  	v3 =	vand.u32 $0xFFFFFFF3, v54;
	vm9 =	vcmask $0x3F24;
	vm7 =	vmand vm8, vm7  }
0x1f8: {  	v3 =	vbroadcast v3, $0x0;
	vm5 =	vmor vm5, vm7;
	vm7 =	veq.s32 v49, v53  }
0x1f9: {  	vm8 =	veq.s32 v52, v7;
	v7 =	vbroadcast v33, $0x0;
	vm7 =	vmand vm7, vm9  }
0x1fa: {  	vm6 =	vmor vm6, vm8;
	vm5 =	vmor vm5, vm7;
	vm7 =	veq.s32 v52, v53  }
0x1fb: {  	v60 =	vld.idx.msk [tilespmem:v48+s14+$0x0], $0xffff;
	vm8 =	veq.s32 v49, v2;
	vm6 =	vmor vm6, vm7;
	vm7 =	vcmask $0x3F28  }
0x1fc: {  	s31 =	sadd.s32 $0x36, s22;
	v5 =	vbroadcast v57, $0x0;
	vm7 =	vmand vm8, vm7  }
0x1fd: {  	s25 =	sadd.s32 $0x37, s22;
	s28 =	sadd.s32 $0x3A, s22;
	vm7 =	vmor vm5, vm7;
	vm5 =	veq.s32 v52, v2;
	v2 =	vmov s31  }
0x1fe: {  	v58 =	vmov s25;
	s29 =	sadd.s32 $0x3B, s22;
	v61 =	vmov s28;
	v2 =	vand.u32 $0xFFFFFFF6, v2  }
0x1ff: {  	v62 =	vmov s29;
	v36 =	vand.u32 $0xFFFFFFFA, v61;
	s26 =	sadd.s32 $0x38, s22;
	v3 =	vld.idx.msk [tilespmem:v3+s3+$0x0], $0xffff;
	v2 =	vbroadcast v2, $0x0  }
0x200: {  	v4 =	vadd.f32 v60, v4;
	v59 =	vmov s26;
	v33 =	vand.u32 $0xFFFFFFF7, v58  }
0x201: {  	s30 =	sadd.s32 $0x3C, s22;
	v36 =	vbroadcast v36, $0x0;
	v34 =	vand.u32 $0xFFFFFFF8, v59;
	v33 =	vbroadcast v33, $0x0;
	v7 =	vld.idx.msk [tilespmem:v7+s3+$0x0], $0xffff  }
0x202: {  	v4 =	vmul.f32 $1.442695020e+00, v4;
	v63 =	vmov s30;
	v34 =	vbroadcast v34, $0x0;
	v5 =	vld.idx.msk [tilespmem:v5+s3+$0x0], $0xffff  }
0x203: {  	v55 =	vmul.f32 $1.442695020e+00, v50;
	v54 =	vand.u32 $0xFFFFFFFC, v63;
	v53 =	vand.u32 $0xFFFFFFFB, v62  }
0x204: {  	v53 =	vbroadcast v53, $0x0;
	vm5 =	vmor vm6, vm5;
	vm6 =	veq.s32 v49, v3  }
0x205: {  	vm8 =	veq.s32 v52, v3;
	v3 =	vbroadcast v54, $0x0;
	vm6 =	vmand vm6, vm10;
	v2 =	vld.idx.msk [tilespmem:v2+s3+$0x0], $0xffff  }
0x206: {  	v6 =	vld.idx.msk [tilespmem:v6+s3+$0x0], $0xffff;
	v54 =	vmul.f32 $1.442695020e+00, v51;
	vm6 =	vmor vm7, vm6;
	vm7 =	veq.s32 v49, v7  }
0x207: {  	v33 =	vld.idx.msk [tilespmem:v33+s3+$0x0], $0xffff;
	vm5 =	vmor vm5, vm8;
	vm8 =	veq.s32 v49, v5;
	vm7 =	vmand vm7, vm11  }
0x208: {  	(erf) = vpow2.f32 v54;
	vm6 =	vmor vm6, vm7;
	vm7 =	veq.s32 v52, v7;
	v7 =	vld.idx.msk [tilespmem:v34+s3+$0x0], $0xffff  }
0x209: {  	v56 =	vld.idx.msk [tilespmem:v36+s3+$0x0], $0xffff;
	(erf) = vpow2.f32 v55;
	vm5 =	vmor vm5, vm7;
	vm7 =	vmand vm8, vm12  }
0x20a: {  	v57 =	vld.idx.msk [tilespmem:v53+s3+$0x0], $0xffff;
	vm6 =	vmor vm6, vm7;
	vm7 =	veq.s32 v52, v5;
	vm8 =	veq.s32 v49, v2  }
0x20b: {  	vm5 =	vmor vm5, vm7;
	vm7 =	vmand vm8, vm13;
	vm8 =	veq.s32 v52, v2;
	v2 =	vld.idx.msk [tilespmem:v3+s3+$0x0], $0xffff  }
0x20c: {  	(erf) = vpow2.f32 v4;
	vm5 =	vmor vm5, vm8;
	vm8 =	veq.s32 v52, v33  }
0x20d: {  	vm9 =	veq.s32 v52, v6;
	vm5 =	vmor vm5, vm8;
	vm8 =	veq.s32 v52, v7  }
0x20e: {  	vm5 =	vmor vm5, vm8;
	vm8 =	vmand vm9, vm0;
	vm9 =	veq.s32 v52, v56  }
0x20f: {  	vm5 =	vmor vm5, vm8;
	vm8 =	vmand vm9, vm1;
	vm9 =	veq.s32 v52, v57  }
0x210: {  	vm5 =	vmor vm5, vm8;
	vm8 =	vmand vm9, vm2;
	vm9 =	veq.s32 v52, v2  }
0x211: {  	vm5 =	vmor vm5, vm8;
	vm8 =	veq.s32 v49, v33;
	vm9 =	vmand vm9, vm3  }
0x212: {  	vm6 =	vmor vm6, vm7;
	v2 =	vpop (erf);
	vm5 =	vmor vm5, vm9;
	vm7 =	vmand vm8, vm14  }
0x213: {  	v3 =	vpop (erf);
	vm6 =	vmor vm6, vm7;
	vm5 =	vmand vm5, vm15  }
0x214: {  	v2 =	vsel vm6, $0x0, v2;
	v3 =	vsel vm5, $0x0, v3;
	vm5 =	veq.s32 v0, $0x0  }
0x215: {  	p0 =	seq.s32 s21, $0x7;
	v6 =	vnsel vm15, $0x0, v50;
	v59 =	vpop (erf);
	v58 =	vsel vm5, $0x0, v51;
	v2 =	vadd.f32 v3, v2  }
0x216: {  	s22 =	smul.u32 @!p0 $0x2C0, s21;
	v60 =	vnsel vm4, $0x0, v59;
	v3 =	vadd.f32 v6, v58  }
0x217: {  	v2 =	vadd.f32 v2, v60  }
0x218: {  	s22 =	sshra.s32 @!p0 s22, $0x2;
	[tilespmem:s23+$0x6290] =	vst v3  }
0x219: {  	s24 =	simm.s32 @!p0 $0x580;
	s22 =	sadd.s32 @!p0 $0xB0, s22;
	[tilespmem:s23+$0x6090] =	vst v2;
	s23 =	simm.s32 @!p0 $0x52  }
0x21a: {  	[tilespmem:s24], [sflag:$0x1] =	stream.indirect.gather @!p0 [hbm4b:s2+s23], $0x80, s22, s23, $0xb8;
	[tilespmem:$0x6580] =	vst v63  }
0x21b: {  	_ =	swait.ge [sflag:s15], $0x2900  }
0x21c: {  	[sflag:s15] =	ssyncset.done $0x0  }
0x21d: {  	[sflag:s15] =	ssyncadd.s32 $0xFFFFD700  }
0x21e: {  	v55 =	vld [tilespmem:$0x3180]  }
0x21f: {  	v56 =	vld [tilespmem:$0x3190]  }
0x220: {  	v54 =	vld [tilespmem:$0x31A0]  }
0x221: {  	v53 =	vld [tilespmem:$0x31B0]  }
0x222: {  	v52 =	vld [tilespmem:$0x31C0]  }
0x223: {  	v51 =	vld [tilespmem:$0x31D0]  }
0x224: {  	v49 =	vld [tilespmem:$0x31E0]  }
0x225: {  	s31 =	simm.s32 $0x3280;
	v50 =	vld [tilespmem:$0x31F0]  }
0x226: {  	v2 =	vld [tilespmem:s31+$0x80]  }
0x227: {  	v3 =	vld [tilespmem:s31+$0x90]  }
0x228: {  	v4 =	vld [tilespmem:s31+$0xFFFFFF10]  }
0x229: {  	v5 =	vld [tilespmem:s31+$0xA0]  }
0x22a: {  	v6 =	vld [tilespmem:s31+$0xFFFFFF80]  }
0x22b: {  	v7 =	vld [tilespmem:s31+$0xB0]  }
0x22c: {  	v33 =	vld [tilespmem:s31+$0xFFFFFF90]  }
0x22d: {  	v34 =	vld [tilespmem:s31+$0xC0]  }
0x22e: {  	v35 =	vld [tilespmem:s31+$0x0]  }
0x22f: {  	v36 =	vld [tilespmem:s31+$0xD0]  }
0x230: {  	v57 =	vld [tilespmem:s31+$0x10]  }
0x231: {  	v58 =	vld [tilespmem:s31+$0xE0]  }
0x232: {  	v59 =	vld [tilespmem:s31+$0xFFFFFF00];
	v2 =	vmul.f32 v2, v55;
	v3 =	vmul.f32 v3, v56  }
0x233: {  	v60 =	vld [tilespmem:s31+$0xF0]  }
0x234: {  	v61 =	vld [tilespmem:s31+$0xFFFFFFA0];
	v2 =	vadd.f32 v3, v2;
	v3 =	vmul.f32 v5, v54  }
0x235: {  	v62 =	vld [tilespmem:s31+$0xFFFFFF30]  }
0x236: {  	v5 =	vld [tilespmem:s31+$0xFFFFFF20];
	v2 =	vadd.f32 v3, v2;
	v3 =	vmul.f32 v7, v53  }
0x237: {  	v63 =	vld [tilespmem:s31+$0x30];
	v6 =	vmul.f32 v6, v55;
	v33 =	vmul.f32 v33, v56  }
0x238: {  	v4 =	vmul.f32 v4, v56;
	v7 =	vld [tilespmem:s31+$0x20];
	v2 =	vadd.f32 v3, v2;
	v3 =	vmul.f32 v34, v52  }
0x239: {  	v35 =	vmul.f32 v35, v55;
	v59 =	vmul.f32 v59, v55;
	v6 =	vadd.f32 v33, v6;
	v34 =	vld [tilespmem:s31+$0xFFFFFFB0]  }
0x23a: {  	v33 =	vld [tilespmem:s31+$0xFFFFFFC0];
	v2 =	vadd.f32 v3, v2;
	v3 =	vmul.f32 v36, v51;
	v36 =	vmul.f32 v57, v56  }
0x23b: {  	v58 =	vmul.f32 v58, v49;
	v4 =	vadd.f32 v4, v59;
	v5 =	vmul.f32 v5, v54;
	v57 =	vld [tilespmem:s31+$0xFFFFFF40]  }
0x23c: {  	v2 =	vadd.f32 v3, v2;
	v3 =	vadd.f32 v36, v35;
	v35 =	vmul.f32 v61, v54;
	v36 =	vld [tilespmem:s31+$0x40]  }
0x23d: {  	v59 =	vmul.f32 v62, v53;
	v4 =	vadd.f32 v5, v4;
	v61 =	vmul.f32 v7, v54;
	v7 =	vld [tilespmem:s31+$0xFFFFFF50]  }
0x23e: {  	v62 =	vmul.f32 v60, v50;
	v34 =	vmul.f32 v34, v53;
	v6 =	vadd.f32 v35, v6;
	v35 =	vld [tilespmem:s31+$0xFFFFFFD0]  }
0x23f: {  	v5 =	vmul.f32 v63, v53;
	v4 =	vadd.f32 v59, v4;
	v3 =	vadd.f32 v61, v3;
	v61 =	vld [tilespmem:s31+$0x50]  }
0x240: {  	v2 =	vadd.f32 v58, v2;
	v63 =	vmul.f32 v57, v52;
	v6 =	vadd.f32 v34, v6;
	v34 =	vld [tilespmem:s31+$0xFFFFFF60]  }
0x241: {  	v33 =	vmul.f32 v33, v52;
	v57 =	vld [tilespmem:s31+$0xFFFFFFE0];
	v3 =	vadd.f32 v5, v3  }
0x242: {  	v58 =	vld [tilespmem:s31+$0x60];
	v2 =	vadd.f32 v62, v2;
	v4 =	vadd.f32 v63, v4;
	v63 =	vmul.f32 v36, v52  }
0x243: {  	s23 =	simm.s32 $0x5DA0;
	v59 =	vld [tilespmem:s31+$0xFFFFFF70];
	v7 =	vmul.f32 v7, v51;
	v6 =	vadd.f32 v33, v6;
	v36 =	vmul.f32 v35, v51  }
0x244: {  	v60 =	vld [tilespmem:s31+$0xFFFFFFF0];
	[tilespmem:s23+$0x10] =	vst v2;
	v63 =	vadd.f32 v63, v3;
	v2 =	vmul.f32 v61, v51  }
0x245: {  	s25 =	simm.s32 $0x3480;
	s22 =	sshll.u32 s21, $0x1;
	s24 =	simm.s32 $0x0;
	v62 =	vadd.f32 v7, v4;
	v61 =	vld [tilespmem:s31+$0x70];
	v34 =	vmul.f32 v34, v49;
	v33 =	vadd.f32 v36, v6  }
.LBB2_7:
0x246: {  	v3 =	vld [tilespmem:s25+$0x80];
	v4 =	vmul.f32 v57, v49;
	v2 =	vadd.f32 v2, v63  }
0x247: {  	s24 =	sadd.s32 $0x4, s24;
	v5 =	vld [tilespmem:s25+$0x90];
	v6 =	vadd.f32 v34, v62;
	v7 =	vmul.f32 v58, v49  }
0x248: {  	p1 =	slt.u32 s24, $0x24;
	v34 =	vld [tilespmem:s25+$0xFFFFFF10];
	v35 =	vmul.f32 v59, v50;
	v4 =	vadd.f32 v4, v33  }
0x249: {  	v33 =	vld [tilespmem:s25+$0xA0];
	v36 =	vmul.f32 v60, v50;
	v2 =	vadd.f32 v7, v2  }
0x24a: {  	v7 =	vld [tilespmem:s25+$0xFFFFFF80];
	v6 =	vadd.f32 v35, v6;
	v35 =	vmul.f32 v61, v50  }
0x24b: {  	v57 =	vld [tilespmem:s25+$0xB0];
	v4 =	vadd.f32 v36, v4  }
0x24c: {  	v3 =	vmul.f32 v3, v55;
	v36 =	vld [tilespmem:s25+$0xFFFFFF90];
	v5 =	vmul.f32 v5, v56;
	[tilespmem:s23+$0xFFFFFFE0] =	vst v6;
	v2 =	vadd.f32 v35, v2  }
0x24d: {  	v6 =	vmul.f32 v34, v56;
	v34 =	vld [tilespmem:s25+$0xC0];
	[tilespmem:s23+$0xFFFFFFF0] =	vst v4  }
0x24e: {  	v4 =	vld [tilespmem:s25+$0x0];
	v3 =	vadd.f32 v5, v3;
	v5 =	vmul.f32 v33, v54;
	[tilespmem:s23+$0x0] =	vst v2  }
0x24f: {  	v2 =	vmul.f32 v7, v55;
	v7 =	vld [tilespmem:s25+$0xD0]  }
0x250: {  	v33 =	vld [tilespmem:s25+$0x10];
	v3 =	vadd.f32 v5, v3;
	v5 =	vmul.f32 v57, v53  }
0x251: {  	v35 =	vmul.f32 v36, v56;
	v36 =	vld [tilespmem:s25+$0xE0]  }
0x252: {  	v57 =	vld [tilespmem:s25+$0xFFFFFF00];
	v3 =	vadd.f32 v5, v3;
	v5 =	vmul.f32 v34, v52  }
0x253: {  	v2 =	vadd.f32 v35, v2;
	v4 =	vmul.f32 v4, v55;
	v34 =	vld [tilespmem:s25+$0xF0]  }
0x254: {  	v35 =	vld [tilespmem:s25+$0xFFFFFF20];
	v3 =	vadd.f32 v5, v3;
	v5 =	vmul.f32 v7, v51  }
0x255: {  	v7 =	vld [tilespmem:s25+$0xFFFFFFA0];
	v33 =	vmul.f32 v33, v56  }
0x256: {  	v58 =	vld [tilespmem:s25+$0x20];
	v3 =	vadd.f32 v5, v3;
	v5 =	vmul.f32 v36, v49  }
0x257: {  	v36 =	vmul.f32 v57, v55;
	v57 =	vld [tilespmem:s25+$0xFFFFFF30];
	v4 =	vadd.f32 v33, v4  }
0x258: {  	v33 =	vld [tilespmem:s25+$0xFFFFFFB0];
	v3 =	vadd.f32 v5, v3;
	v5 =	vmul.f32 v34, v50  }
0x259: {  	v6 =	vadd.f32 v6, v36;
	v34 =	vmul.f32 v35, v54;
	v35 =	vld [tilespmem:s25+$0x30]  }
0x25a: {  	v36 =	vld [tilespmem:s25+$0xFFFFFF40];
	v7 =	vmul.f32 v7, v54;
	v3 =	vadd.f32 v5, v3  }
0x25b: {  	s23 =	sadd.s32 $0x40, s23;
	v5 =	vadd.f32 v34, v6;
	v6 =	vld [tilespmem:s25+$0xFFFFFFC0];
	v34 =	vmul.f32 v58, v54  }
0x25c: {  	v57 =	vmul.f32 v57, v53;
	v2 =	vadd.f32 v7, v2;
	v7 =	vld [tilespmem:s25+$0x40];
	[tilespmem:s23+$0x10] =	vst v3  }
0x25d: {  	v3 =	vld [tilespmem:s25+$0xFFFFFF50];
	v33 =	vmul.f32 v33, v53;
	v4 =	vadd.f32 v34, v4  }
0x25e: {  	v5 =	vadd.f32 v57, v5;
	v34 =	vld [tilespmem:s25+$0xFFFFFFD0];
	v35 =	vmul.f32 v35, v53  }
0x25f: {  	v36 =	vmul.f32 v36, v52;
	v2 =	vadd.f32 v33, v2;
	v33 =	vld [tilespmem:s25+$0x50]  }
0x260: {  	v61 =	vld [tilespmem:s25+$0xFFFFFF60];
	v6 =	vmul.f32 v6, v52;
	v4 =	vadd.f32 v35, v4  }
.Ltmp4:
0x261: {  	v5 =	vadd.f32 v36, v5;
	v57 =	vld [tilespmem:s25+$0xFFFFFFE0];
	v7 =	vmul.f32 v7, v52;
	(pc) =	sbr.rel @p1 .LBB2_7-.Ltmp4, $4  }
0x262: {  	v3 =	vmul.f32 v3, v51;
	v6 =	vadd.f32 v6, v2;
	v58 =	vld [tilespmem:s25+$0x60]  }
0x263: {  	v59 =	vld [tilespmem:s25+$0xFFFFFF70];
	v35 =	vmul.f32 v34, v51;
	v63 =	vadd.f32 v7, v4  }
0x264: {  	v62 =	vadd.f32 v3, v5;
	v60 =	vld [tilespmem:s25+$0xFFFFFFF0];
	v2 =	vmul.f32 v33, v51  }
0x265: {  	v34 =	vmul.f32 v61, v49;
	v33 =	vadd.f32 v35, v6;
	v61 =	vld [tilespmem:s25+$0x70];
	s25 =	sadd.s32 $0x200, s25  }
0x266: {  	_ = 	snop  }
0x267: {  	v3 =	vmul.f32 v57, v49;
	v2 =	vadd.f32 v2, v63  }
0x268: {  	v4 =	vadd.f32 v34, v62;
	v5 =	vmul.f32 v58, v49;
	v6 =	vmul.f32 v59, v50  }
0x269: {  	v3 =	vadd.f32 v3, v33;
	v7 =	vmul.f32 v60, v50  }
0x26a: {  	v2 =	vadd.f32 v5, v2;
	v4 =	vadd.f32 v6, v4;
	v36 =	vmul.f32 v61, v50  }
0x26b: {  	v3 =	vadd.f32 v7, v3  }
0x26c: {  	[tilespmem:s23+$0xFFFFFFE0] =	vst v4;
	v2 =	vadd.f32 v36, v2  }
0x26d: {  	[tilespmem:s23+$0xFFFFFFF0] =	vst v3  }
0x26e: {  	[tilespmem:s23+$0x0] =	vst v2  }
0x26f: {  	v2 =	vld [tilespmem:$0x4580]  }
0x270: {  	v3 =	vld [tilespmem:$0x4590];
	_ =	sdelay $0x1  }
0x271: {  	v4 =	vld [tilespmem:$0x45A0];
	_ =	sdelay $0x1  }
0x272: {  	v57 =	vld [tilespmem:$0x45B0]  }
0x273: {  	v2 =	vmul.f32 v2, v55;
	v3 =	vmul.f32 v3, v56  }
0x274: {  	v6 =	vld [tilespmem:$0x45C0]  }
0x275: {  	v2 =	vadd.f32 v3, v2;
	v3 =	vmul.f32 v4, v54  }
0x276: {  	v58 =	vld [tilespmem:$0x45D0]  }
0x277: {  	v2 =	vadd.f32 v3, v2;
	v3 =	vmul.f32 v57, v53  }
0x278: {  	v59 =	vld [tilespmem:$0x45E0]  }
0x279: {  	v2 =	vadd.f32 v3, v2;
	v3 =	vmul.f32 v6, v52  }
0x27a: {  	v6 =	vld [tilespmem:$0x45F0]  }
0x27b: {  	v2 =	vadd.f32 v3, v2;
	v3 =	vmul.f32 v58, v51;
	_ =	sdelay $0x1  }
0x27c: {  	v60 =	vld [tilespmem:$0x1FF70];
	v2 =	vadd.f32 v3, v2;
	v3 =	vmul.f32 v59, v49  }
0x27d: {  	v61 =	vld [tilespmem:$0x1FF80]  }
0x27e: {  	v2 =	vadd.f32 v3, v2;
	v3 =	vmul.f32 v6, v50  }
0x27f: {  	v62 =	vld [tilespmem:$0x1FFC0]  }
0x280: {  	v63 =	vld [tilespmem:$0x1FFD0];
	v2 =	vadd.f32 v3, v2  }
0x281: {  	v6 =	vld [tilespmem:$0x1FF90]  }
0x282: {  	v3 =	vld [tilespmem:$0x1FF60];
	[tilespmem:$0x6000] =	vst v2  }
0x283: {  	v2 =	vld.idx.msk [tilespmem:v1+s14+$0x0], $0xffff  }
0x284: {  	v4 =	vld.idx.msk [tilespmem:v60+s14+$0x0], $0xffff  }
0x285: {  	v5 =	vld.idx.msk [tilespmem:v61+s14+$0x0], $0xffff  }
0x286: {  	v7 =	vld.idx.msk [tilespmem:v37+s14+$0x0], $0xffff  }
0x287: {  	v33 =	vld.idx.msk [tilespmem:v9+s14+$0x0], $0xffff  }
0x288: {  	v34 =	vld.idx.msk [tilespmem:v8+s14+$0x0], $0xffff  }
0x289: {  	v35 =	vld.idx.msk [tilespmem:v10+s14+$0x0], $0xffff  }
0x28a: {  	v36 =	vld.idx.msk [tilespmem:v38+s14+$0x0], $0xffff  }
0x28b: {  	v49 =	vld.idx.msk [tilespmem:v11+s14+$0x0], $0xffff  }
0x28c: {  	v50 =	vld.idx.msk [tilespmem:v12+s14+$0x0], $0xffff  }
0x28d: {  	v51 =	vld.idx.msk [tilespmem:v13+s14+$0x0], $0xffff  }
0x28e: {  	v52 =	vld.idx.msk [tilespmem:v14+s14+$0x0], $0xffff  }
0x28f: {  	v53 =	vld.idx.msk [tilespmem:v15+s14+$0x0], $0xffff  }
0x290: {  	v54 =	vld.idx.msk [tilespmem:v16+s14+$0x0], $0xffff  }
0x291: {  	v55 =	vld.idx.msk [tilespmem:v17+s14+$0x0], $0xffff  }
0x292: {  	v56 =	vld.idx.msk [tilespmem:v18+s14+$0x0], $0xffff  }
0x293: {  	v57 =	vld.idx.msk [tilespmem:v19+s14+$0x0], $0xffff  }
0x294: {  	v60 =	vld [tilespmem:$0x1FFA0]  }
0x295: {  	v61 =	vld [tilespmem:$0x1FFB0]  }
0x296: {  	v58 =	vld.idx.msk [tilespmem:v20+s14+$0x0], $0xffff  }
0x297: {  	v3 =	vld.idx.msk [tilespmem:v3+s14+$0x0], $0xffff  }
0x298: {  	v55 =	vadd.f32 v56, v55;
	v56 =	vld.idx.msk [tilespmem:v62+s14+$0x0], $0xffff  }
0x299: {  	v62 =	vld [tilespmem:$0x1FFE0]  }
0x29a: {  	v55 =	vadd.f32 v57, v55;
	v57 =	vld.idx.msk [tilespmem:v63+s14+$0x0], $0xffff  }
0x29b: {  	v63 =	vld [tilespmem:$0x1FFF0]  }
0x29c: {  	v60 =	vld.idx.msk [tilespmem:v60+s14+$0x0], $0xffff  }
0x29d: {  	v61 =	vld.idx.msk [tilespmem:v61+s14+$0x0], $0xffff  }
0x29e: {  	v59 =	vld.idx.msk [tilespmem:v21+s14+$0x0], $0xffff  }
0x29f: {  	v6 =	vld.idx.msk [tilespmem:v6+s14+$0x0], $0xffff;
	v2 =	vadd.f32 v3, v2  }
0x2a0: {  	v3 =	vld.idx.msk [tilespmem:v22+s14+$0x0], $0xffff  }
0x2a1: {  	v55 =	vadd.f32 v58, v55;
	v2 =	vadd.f32 v4, v2;
	v4 =	vld.idx.msk [tilespmem:v23+s14+$0x0], $0xffff  }
0x2a2: {  	v60 =	vadd.f32 v61, v60;
	v58 =	vld.idx.msk [tilespmem:v62+s14+$0x0], $0xffff  }
0x2a3: {  	v55 =	vadd.f32 v59, v55;
	v61 =	vld.idx.msk [tilespmem:v28+s14+$0x0], $0xffff  }
0x2a4: {  	v2 =	vadd.f32 v5, v2;
	v5 =	vld.idx.msk [tilespmem:v24+s14+$0x0], $0xffff;
	v56 =	vadd.f32 v56, v60  }
0x2a5: {  	v59 =	vld.idx.msk [tilespmem:v63+s14+$0x0], $0xffff;
	v3 =	vadd.f32 v3, v55  }
0x2a6: {  	v2 =	vadd.f32 v6, v2;
	v6 =	vld.idx.msk [tilespmem:v25+s14+$0x0], $0xffff;
	v56 =	vadd.f32 v57, v56  }
0x2a7: {  	v55 =	vld.idx.msk [tilespmem:v39+s14+$0x0], $0xffff;
	v3 =	vadd.f32 v4, v3  }
0x2a8: {  	v2 =	vadd.f32 v7, v2;
	v7 =	vld.idx.msk [tilespmem:v26+s14+$0x0], $0xffff;
	v56 =	vadd.f32 v58, v56  }
0x2a9: {  	v60 =	vld.idx.msk [tilespmem:v40+s14+$0x0], $0xffff;
	v3 =	vadd.f32 v5, v3  }
0x2aa: {  	v2 =	vadd.f32 v33, v2;
	v33 =	vld.idx.msk [tilespmem:v27+s14+$0x0], $0xffff;
	v56 =	vadd.f32 v59, v56  }
0x2ab: {  	s23 =	sor.u32 $0x1, s22;
	v62 =	vld.idx.msk [tilespmem:v41+s14+$0x0], $0xffff;
	v3 =	vadd.f32 v6, v3  }
0x2ac: {  	s22 =	smul.u32 $0x58, s23;
	v63 =	vld.idx.msk [tilespmem:v29+s14+$0x0], $0xffff;
	v2 =	vadd.f32 v34, v2;
	v55 =	vadd.f32 v55, v56  }
0x2ad: {  	v5 =	vld.idx.msk [tilespmem:v44+s14+$0x0], $0xffff;
	v3 =	vadd.f32 v7, v3  }
0x2ae: {  	s24 =	sor.u32 $0x1, s22;
	v6 =	vld.idx.msk [tilespmem:v42+s14+$0x0], $0xffff;
	v2 =	vadd.f32 v35, v2;
	v4 =	vadd.f32 v60, v55  }
0x2af: {  	v7 =	vld.idx.msk [tilespmem:v43+s14+$0x0], $0xffff;
	v3 =	vadd.f32 v33, v3;
	v33 =	vadd.s32 s22, v0;
	v60 =	vmov s24  }
0x2b0: {  	v2 =	vadd.f32 v36, v2;
	v36 =	vld.idx.msk [tilespmem:v30+s14+$0x0], $0xffff;
	v57 =	vbroadcast v60, $0x0  }
0x2b1: {  	v34 =	vld.idx.msk [tilespmem:v45+s14+$0x0], $0xffff;
	v4 =	vadd.f32 v62, v4;
	v3 =	vadd.f32 v61, v3  }
0x2b2: {  	v55 =	vld.idx.msk [tilespmem:v31+s14+$0x0], $0xffff;
	v2 =	vadd.f32 v49, v2  }
0x2b3: {  	s25 =	sor.u32 $0x2, s22;
	v56 =	vld.idx.msk [tilespmem:v32+s14+$0x0], $0xffff;
	s24 =	sadd.s32 $0x10, s22;
	v4 =	vadd.f32 v6, v4;
	v6 =	vmov s22;
	v3 =	vadd.f32 v63, v3  }
0x2b4: {  	v61 =	vmov s25;
	v2 =	vadd.f32 v50, v2;
	v50 =	vadd.s32 s24, v0;
	v49 =	vld.idx.msk [tilespmem:v33+s3+$0x0], $0xffff  }
0x2b5: {  	s26 =	sor.u32 $0x3, s22;
	s28 =	sor.u32 $0x4, s22;
	v62 =	vbroadcast v61, $0x0;
	v4 =	vadd.f32 v7, v4;
	v7 =	vld.idx.msk [tilespmem:v46+s14+$0x0], $0xffff;
	v3 =	vadd.f32 v36, v3  }
0x2b6: {  	v60 =	vmov s28;
	v63 =	vmov s26;
	v2 =	vadd.f32 v51, v2;
	v61 =	vld.idx.msk [tilespmem:v57+s3+$0x0], $0xffff  }
0x2b7: {  	s31 =	sor.u32 $0x7, s22;
	v35 =	vld.idx.msk [tilespmem:v47+s14+$0x0], $0xffff;
	v59 =	vbroadcast v63, $0x0;
	v4 =	vadd.f32 v5, v4;
	v3 =	vadd.f32 v55, v3  }
0x2b8: {  	s25 =	sadd.s32 $0xE, s22;
	v33 =	vbroadcast v60, $0x0;
	v36 =	vmov s31;
	v2 =	vadd.f32 v52, v2;
	v6 =	vld.idx.msk [tilespmem:v6+s3+$0x0], $0xffff  }
0x2b9: {  	s26 =	sadd.s32 $0x8, s22;
	v57 =	vmov s25;
	v4 =	vadd.f32 v34, v4;
	v52 =	vld.idx.msk [tilespmem:v50+s3+$0x0], $0xffff;
	v50 =	vadd.f32 v56, v3  }
0x2ba: {  	s29 =	sor.u32 $0x5, s22;
	v34 =	vmov s24;
	v2 =	vadd.f32 v53, v2;
	v53 =	vmov s26  }
0x2bb: {  	v4 =	vadd.f32 v7, v4;
	v7 =	vld.idx.msk [tilespmem:v62+s3+$0x0], $0xffff;
	v62 =	vmov s29;
	vm6 =	veq.s32 v49, v61  }
0x2bc: {  	s26 =	sadd.s32 $0x9, s22;
	v51 =	vadd.f32 v54, v2;
	v2 =	vbroadcast v62, $0x0;
	vm6 =	vmand vm6, vm1  }
0x2bd: {  	s30 =	sor.u32 $0x6, s22;
	v63 =	vld.idx.msk [tilespmem:v59+s3+$0x0], $0xffff;
	v54 =	vmov s26;
	s26 =	sadd.s32 $0xF, s22;
	v3 =	vadd.f32 v35, v4;
	vm5 =	veq.s32 v49, v6  }
0x2be: {  	v35 =	vmov s30;
	v55 =	vbroadcast v54, $0x0;
	v58 =	vmov s26  }
0x2bf: {  	s30 =	sadd.s32 $0xC, s22;
	vm5 =	vmand vm5, vm0;
	v5 =	vbroadcast v35, $0x0;
	vm7 =	veq.s32 v52, v6;
	v6 =	vld.idx.msk [tilespmem:v33+s3+$0x0], $0xffff  }
0x2c0: {  	vm8 =	veq.s32 v52, v61;
	v56 =	vmov s30;
	v60 =	vbroadcast v58, $0x0  }
0x2c1: {  	vm5 =	vmor vm5, vm6;
	vm6 =	vmor vm7, vm8;
	vm7 =	veq.s32 v49, v7  }
0x2c2: {  	vm9 =	veq.s32 v49, v63;
	vm8 =	veq.s32 v52, v7;
	vm7 =	vmand vm7, vm2;
	v2 =	vld.idx.msk [tilespmem:v2+s3+$0x0], $0xffff  }
0x2c3: {  	v59 =	vld.idx.msk [tilespmem:v48+s14+$0x0], $0xffff;
	v7 =	vbroadcast v53, $0x0;
	vm5 =	vmor vm5, vm7;
	vm7 =	vmand vm9, vm3  }
0x2c4: {  	vm9 =	vcmask $0x3F14;
	vm5 =	vmor vm5, vm7;
	vm7 =	veq.s32 v49, v6  }
0x2c5: {  	vm6 =	vmor vm6, vm8;
	vm8 =	veq.s32 v52, v63;
	v5 =	vld.idx.msk [tilespmem:v5+s3+$0x0], $0xffff;
	vm7 =	vmand vm7, vm9  }
0x2c6: {  	v33 =	vld.idx.msk [tilespmem:v36+s3+$0x0], $0xffff;
	vm6 =	vmor vm6, vm8;
	vm5 =	vmor vm5, vm7;
	vm7 =	veq.s32 v52, v6  }
0x2c7: {  	vm6 =	vmor vm6, vm7;
	vm7 =	vcmask $0x3F18;
	vm8 =	veq.s32 v49, v2  }
0x2c8: {  	s28 =	sadd.s32 $0xA, s22;
	v54 =	vmul.f32 $1.442695020e+00, v51;
	v3 =	vadd.f32 v59, v3;
	vm7 =	vmand vm8, vm7  }
0x2c9: {  	v6 =	vmov s28;
	v7 =	vld.idx.msk [tilespmem:v7+s3+$0x0], $0xffff;
	vm5 =	vmor vm5, vm7;
	vm7 =	veq.s32 v52, v2  }
0x2ca: {  	vm8 =	veq.s32 v49, v5;
	vm6 =	vmor vm6, vm7;
	vm7 =	vcmask $0x3F1C  }
0x2cb: {  	s29 =	sadd.s32 $0xB, s22;
	vm9 =	veq.s32 v49, v33;
	v6 =	vbroadcast v6, $0x0;
	vm7 =	vmand vm8, vm7  }
0x2cc: {  	v2 =	vmov s29;
	vm5 =	vmor vm5, vm7;
	vm7 =	vcmask $0x3F20  }
0x2cd: {  	(erf) = vpow2.f32 v54;
	v2 =	vbroadcast v2, $0x0;
	vm7 =	vmand vm9, vm7  }
0x2ce: {  	v4 =	vld.idx.msk [tilespmem:v55+s3+$0x0], $0xffff;
	vm9 =	vcmask $0x3F24;
	vm5 =	vmor vm5, vm7;
	vm7 =	veq.s32 v49, v7  }
0x2cf: {  	s31 =	sadd.s32 $0xD, s22;
	vm8 =	veq.s32 v52, v5;
	v5 =	vbroadcast v56, $0x0;
	vm7 =	vmand vm7, vm9  }
0x2d0: {  	vm5 =	vmor vm5, vm7;
	vm7 =	veq.s32 v52, v7;
	v7 =	vmov s31  }
0x2d1: {  	s28 =	sadd.s32 $0x11, s22;
	vm6 =	vmor vm6, vm8;
	vm8 =	veq.s32 v52, v33;
	v6 =	vld.idx.msk [tilespmem:v6+s3+$0x0], $0xffff;
	v7 =	vbroadcast v7, $0x0  }
0x2d2: {  	v61 =	vmov s28;
	v33 =	vbroadcast v57, $0x0;
	vm6 =	vmor vm6, vm8  }
0x2d3: {  	s30 =	sadd.s32 $0x13, s22;
	vm8 =	vcmask $0x3F28;
	v2 =	vld.idx.msk [tilespmem:v2+s3+$0x0], $0xffff;
	vm6 =	vmor vm6, vm7;
	vm7 =	veq.s32 v49, v4  }
0x2d4: {  	v63 =	vmov s30;
	v35 =	vbroadcast v61, $0x0;
	s29 =	sadd.s32 $0x12, s22;
	vm7 =	vmand vm7, vm8  }
0x2d5: {  	v62 =	vmov s29;
	v5 =	vld.idx.msk [tilespmem:v5+s3+$0x0], $0xffff;
	vm5 =	vmor vm5, vm7;
	vm7 =	veq.s32 v52, v4  }
0x2d6: {  	v53 =	vbroadcast v62, $0x0;
	vm8 =	veq.s32 v49, v6;
	vm6 =	vmor vm6, vm7  }
0x2d7: {  	vm7 =	vmand vm8, vm10;
	vm8 =	veq.s32 v52, v6;
	v6 =	vld.idx.msk [tilespmem:v7+s3+$0x0], $0xffff;
	v7 =	vbroadcast v63, $0x0  }
0x2d8: {  	v34 =	vld.idx.msk [tilespmem:v34+s3+$0x0], $0xffff;
	v3 =	vmul.f32 $1.442695020e+00, v3;
	vm5 =	vmor vm5, vm7;
	vm7 =	veq.s32 v49, v2  }
0x2d9: {  	v55 =	vmul.f32 $1.442695020e+00, v50;
	v33 =	vld.idx.msk [tilespmem:v33+s3+$0x0], $0xffff;
	vm6 =	vmor vm6, vm8;
	vm7 =	vmand vm7, vm11  }
0x2da: {  	vm8 =	veq.s32 v49, v5;
	vm5 =	vmor vm5, vm7;
	vm7 =	veq.s32 v52, v2;
	v2 =	vld.idx.msk [tilespmem:v60+s3+$0x0], $0xffff  }
0x2db: {  	(erf) = vpow2.f32 v55;
	v56 =	vld.idx.msk [tilespmem:v35+s3+$0x0], $0xffff;
	vm6 =	vmor vm6, vm7;
	vm7 =	vmand vm8, vm12  }
0x2dc: {  	v57 =	vld.idx.msk [tilespmem:v53+s3+$0x0], $0xffff;
	vm5 =	vmor vm5, vm7;
	vm7 =	veq.s32 v52, v5;
	vm8 =	veq.s32 v49, v6  }
0x2dd: {  	vm6 =	vmor vm6, vm7;
	vm7 =	vmand vm8, vm13;
	vm8 =	veq.s32 v52, v6;
	v6 =	vld.idx.msk [tilespmem:v7+s3+$0x0], $0xffff  }
0x2de: {  	(erf) = vpow2.f32 v3;
	vm6 =	vmor vm6, vm8;
	vm8 =	veq.s32 v52, v33  }
0x2df: {  	vm9 =	veq.s32 v52, v34;
	vm6 =	vmor vm6, vm8;
	vm8 =	veq.s32 v52, v2  }
0x2e0: {  	vm6 =	vmor vm6, vm8;
	vm8 =	vmand vm9, vm0;
	vm9 =	veq.s32 v52, v56  }
0x2e1: {  	vm6 =	vmor vm6, vm8;
	vm8 =	vmand vm9, vm1;
	vm9 =	veq.s32 v52, v57  }
0x2e2: {  	vm6 =	vmor vm6, vm8;
	vm8 =	vmand vm9, vm2;
	vm9 =	veq.s32 v52, v6  }
0x2e3: {  	vm6 =	vmor vm6, vm8;
	vm8 =	veq.s32 v49, v33;
	vm9 =	vmand vm9, vm3  }
0x2e4: {  	vm5 =	vmor vm5, vm7;
	v2 =	vpop (erf);
	vm6 =	vmor vm6, vm9;
	vm7 =	vmand vm8, vm14  }
0x2e5: {  	v3 =	vpop (erf);
	vm5 =	vmor vm5, vm7;
	vm6 =	vmand vm6, vm15  }
0x2e6: {  	v2 =	vsel vm5, $0x0, v2;
	v3 =	vsel vm6, $0x0, v3;
	vm5 =	veq.s32 v0, $0x0  }
0x2e7: {  	v59 =	vpop (erf);
	v6 =	vnsel vm15, $0x0, v50;
	v58 =	vsel vm5, $0x0, v51;
	v2 =	vadd.f32 v3, v2  }
0x2e8: {  	v60 =	vnsel vm4, $0x0, v59;
	v3 =	vadd.f32 v6, v58  }
0x2e9: {  	s23 =	sshll.u32 s23, $0x5;
	v2 =	vadd.f32 v2, v60  }
0x2ea: {  	[tilespmem:s23+$0x6280] =	vst v3  }
0x2eb: {  	[tilespmem:s23+$0x6080] =	vst v2  }
0x2ec: {  	v55 =	vld [tilespmem:$0x4600]  }
0x2ed: {  	v56 =	vld [tilespmem:$0x4610]  }
0x2ee: {  	v54 =	vld [tilespmem:$0x4620]  }
0x2ef: {  	v53 =	vld [tilespmem:$0x4630]  }
0x2f0: {  	v52 =	vld [tilespmem:$0x4640]  }
0x2f1: {  	v51 =	vld [tilespmem:$0x4650]  }
0x2f2: {  	v49 =	vld [tilespmem:$0x4660]  }
0x2f3: {  	s31 =	simm.s32 $0x47F0;
	v50 =	vld [tilespmem:$0x4670]  }
0x2f4: {  	v2 =	vld [tilespmem:s31+$0xFFFFFF90]  }
0x2f5: {  	v3 =	vld [tilespmem:s31+$0xFFFFFFA0]  }
0x2f6: {  	v4 =	vld [tilespmem:s31+$0xFFFFFE20]  }
0x2f7: {  	v5 =	vld [tilespmem:s31+$0xFFFFFFB0]  }
0x2f8: {  	v6 =	vld [tilespmem:s31+$0xFFFFFE90]  }
0x2f9: {  	v7 =	vld [tilespmem:s31+$0xFFFFFFC0]  }
0x2fa: {  	v33 =	vld [tilespmem:s31+$0xFFFFFEA0]  }
0x2fb: {  	v34 =	vld [tilespmem:s31+$0xFFFFFFD0]  }
0x2fc: {  	v35 =	vld [tilespmem:s31+$0xFFFFFF10]  }
0x2fd: {  	v36 =	vld [tilespmem:s31+$0xFFFFFFE0]  }
0x2fe: {  	v57 =	vld [tilespmem:s31+$0xFFFFFF20]  }
0x2ff: {  	v58 =	vld [tilespmem:s31+$0xFFFFFFF0]  }
0x300: {  	v59 =	vld [tilespmem:s31+$0xFFFFFE10];
	v2 =	vmul.f32 v2, v55;
	v3 =	vmul.f32 v3, v56  }
0x301: {  	v60 =	vld [tilespmem:s31+$0x0]  }
0x302: {  	v61 =	vld [tilespmem:s31+$0xFFFFFEB0];
	v2 =	vadd.f32 v3, v2;
	v3 =	vmul.f32 v5, v54  }
0x303: {  	v62 =	vld [tilespmem:s31+$0xFFFFFE40]  }
0x304: {  	v5 =	vld [tilespmem:s31+$0xFFFFFE30];
	v2 =	vadd.f32 v3, v2;
	v3 =	vmul.f32 v7, v53  }
0x305: {  	v63 =	vld [tilespmem:s31+$0xFFFFFF40];
	v6 =	vmul.f32 v6, v55;
	v33 =	vmul.f32 v33, v56  }
0x306: {  	v4 =	vmul.f32 v4, v56;
	v7 =	vld [tilespmem:s31+$0xFFFFFF30];
	v2 =	vadd.f32 v3, v2;
	v3 =	vmul.f32 v34, v52  }
0x307: {  	v35 =	vmul.f32 v35, v55;
	v59 =	vmul.f32 v59, v55;
	v6 =	vadd.f32 v33, v6;
	v34 =	vld [tilespmem:s31+$0xFFFFFEC0]  }
0x308: {  	v33 =	vld [tilespmem:s31+$0xFFFFFED0];
	v2 =	vadd.f32 v3, v2;
	v3 =	vmul.f32 v36, v51;
	v36 =	vmul.f32 v57, v56  }
0x309: {  	v58 =	vmul.f32 v58, v49;
	v4 =	vadd.f32 v4, v59;
	v5 =	vmul.f32 v5, v54;
	v57 =	vld [tilespmem:s31+$0xFFFFFE50]  }
0x30a: {  	v2 =	vadd.f32 v3, v2;
	v3 =	vadd.f32 v36, v35;
	v35 =	vmul.f32 v61, v54;
	v36 =	vld [tilespmem:s31+$0xFFFFFF50]  }
0x30b: {  	v59 =	vmul.f32 v62, v53;
	v4 =	vadd.f32 v5, v4;
	v61 =	vmul.f32 v7, v54;
	v7 =	vld [tilespmem:s31+$0xFFFFFE60]  }
0x30c: {  	v62 =	vmul.f32 v60, v50;
	v34 =	vmul.f32 v34, v53;
	v6 =	vadd.f32 v35, v6;
	v35 =	vld [tilespmem:s31+$0xFFFFFEE0]  }
0x30d: {  	v5 =	vmul.f32 v63, v53;
	v4 =	vadd.f32 v59, v4;
	v3 =	vadd.f32 v61, v3;
	v61 =	vld [tilespmem:s31+$0xFFFFFF60]  }
0x30e: {  	v2 =	vadd.f32 v58, v2;
	v63 =	vmul.f32 v57, v52;
	v6 =	vadd.f32 v34, v6;
	v34 =	vld [tilespmem:s31+$0xFFFFFE70]  }
0x30f: {  	v33 =	vmul.f32 v33, v52;
	v57 =	vld [tilespmem:s31+$0xFFFFFEF0];
	v3 =	vadd.f32 v5, v3  }
0x310: {  	v58 =	vld [tilespmem:s31+$0xFFFFFF70];
	v2 =	vadd.f32 v62, v2;
	v4 =	vadd.f32 v63, v4;
	v63 =	vmul.f32 v36, v52  }
0x311: {  	s24 =	simm.s32 $0x5DA0;
	v59 =	vld [tilespmem:s31+$0xFFFFFE80];
	v7 =	vmul.f32 v7, v51;
	v6 =	vadd.f32 v33, v6;
	v36 =	vmul.f32 v35, v51  }
0x312: {  	v60 =	vld [tilespmem:s31+$0xFFFFFF00];
	[tilespmem:s24+$0x10] =	vst v2;
	v63 =	vadd.f32 v63, v3;
	v2 =	vmul.f32 v61, v51  }
0x313: {  	s25 =	simm.s32 $0x0;
	s26 =	simm.s32 $0x49F0;
	v62 =	vadd.f32 v7, v4;
	v61 =	vld [tilespmem:s31+$0xFFFFFF80];
	v34 =	vmul.f32 v34, v49;
	v33 =	vadd.f32 v36, v6  }
.LBB2_9:
0x314: {  	v3 =	vld [tilespmem:s26+$0xFFFFFF90];
	v4 =	vmul.f32 v57, v49;
	v2 =	vadd.f32 v2, v63  }
0x315: {  	s25 =	sadd.s32 $0x4, s25;
	v5 =	vld [tilespmem:s26+$0xFFFFFFA0];
	v6 =	vadd.f32 v34, v62;
	v7 =	vmul.f32 v58, v49  }
0x316: {  	p1 =	slt.u32 s25, $0x24;
	v34 =	vld [tilespmem:s26+$0xFFFFFE20];
	v35 =	vmul.f32 v59, v50;
	v4 =	vadd.f32 v4, v33  }
0x317: {  	v33 =	vld [tilespmem:s26+$0xFFFFFFB0];
	v36 =	vmul.f32 v60, v50;
	v2 =	vadd.f32 v7, v2  }
0x318: {  	v7 =	vld [tilespmem:s26+$0xFFFFFE90];
	v6 =	vadd.f32 v35, v6;
	v35 =	vmul.f32 v61, v50  }
0x319: {  	v57 =	vld [tilespmem:s26+$0xFFFFFFC0];
	v4 =	vadd.f32 v36, v4  }
0x31a: {  	v3 =	vmul.f32 v3, v55;
	v36 =	vld [tilespmem:s26+$0xFFFFFEA0];
	v5 =	vmul.f32 v5, v56;
	[tilespmem:s24+$0xFFFFFFE0] =	vst v6;
	v2 =	vadd.f32 v35, v2  }
0x31b: {  	v6 =	vmul.f32 v34, v56;
	v34 =	vld [tilespmem:s26+$0xFFFFFFD0];
	[tilespmem:s24+$0xFFFFFFF0] =	vst v4  }
0x31c: {  	v4 =	vld [tilespmem:s26+$0xFFFFFF10];
	v3 =	vadd.f32 v5, v3;
	v5 =	vmul.f32 v33, v54;
	[tilespmem:s24+$0x0] =	vst v2  }
0x31d: {  	v2 =	vmul.f32 v7, v55;
	v7 =	vld [tilespmem:s26+$0xFFFFFFE0]  }
0x31e: {  	v33 =	vld [tilespmem:s26+$0xFFFFFF20];
	v3 =	vadd.f32 v5, v3;
	v5 =	vmul.f32 v57, v53  }
0x31f: {  	v35 =	vmul.f32 v36, v56;
	v36 =	vld [tilespmem:s26+$0xFFFFFFF0]  }
0x320: {  	v57 =	vld [tilespmem:s26+$0xFFFFFE10];
	v3 =	vadd.f32 v5, v3;
	v5 =	vmul.f32 v34, v52  }
0x321: {  	v2 =	vadd.f32 v35, v2;
	v4 =	vmul.f32 v4, v55;
	v34 =	vld [tilespmem:s26+$0x0]  }
0x322: {  	v35 =	vld [tilespmem:s26+$0xFFFFFE30];
	v3 =	vadd.f32 v5, v3;
	v5 =	vmul.f32 v7, v51  }
0x323: {  	v7 =	vld [tilespmem:s26+$0xFFFFFEB0];
	v33 =	vmul.f32 v33, v56  }
0x324: {  	v58 =	vld [tilespmem:s26+$0xFFFFFF30];
	v3 =	vadd.f32 v5, v3;
	v5 =	vmul.f32 v36, v49  }
0x325: {  	v36 =	vmul.f32 v57, v55;
	v57 =	vld [tilespmem:s26+$0xFFFFFE40];
	v4 =	vadd.f32 v33, v4  }
0x326: {  	v33 =	vld [tilespmem:s26+$0xFFFFFEC0];
	v3 =	vadd.f32 v5, v3;
	v5 =	vmul.f32 v34, v50  }
0x327: {  	v6 =	vadd.f32 v6, v36;
	v34 =	vmul.f32 v35, v54;
	v35 =	vld [tilespmem:s26+$0xFFFFFF40]  }
0x328: {  	v36 =	vld [tilespmem:s26+$0xFFFFFE50];
	v7 =	vmul.f32 v7, v54;
	v3 =	vadd.f32 v5, v3  }
0x329: {  	s24 =	sadd.s32 $0x40, s24;
	v5 =	vadd.f32 v34, v6;
	v6 =	vld [tilespmem:s26+$0xFFFFFED0];
	v34 =	vmul.f32 v58, v54  }
0x32a: {  	v57 =	vmul.f32 v57, v53;
	v2 =	vadd.f32 v7, v2;
	v7 =	vld [tilespmem:s26+$0xFFFFFF50];
	[tilespmem:s24+$0x10] =	vst v3  }
0x32b: {  	v3 =	vld [tilespmem:s26+$0xFFFFFE60];
	v33 =	vmul.f32 v33, v53;
	v4 =	vadd.f32 v34, v4  }
0x32c: {  	v5 =	vadd.f32 v57, v5;
	v34 =	vld [tilespmem:s26+$0xFFFFFEE0];
	v35 =	vmul.f32 v35, v53  }
0x32d: {  	v36 =	vmul.f32 v36, v52;
	v2 =	vadd.f32 v33, v2;
	v33 =	vld [tilespmem:s26+$0xFFFFFF60]  }
0x32e: {  	v61 =	vld [tilespmem:s26+$0xFFFFFE70];
	v6 =	vmul.f32 v6, v52;
	v4 =	vadd.f32 v35, v4  }
.Ltmp5:
0x32f: {  	v5 =	vadd.f32 v36, v5;
	v57 =	vld [tilespmem:s26+$0xFFFFFEF0];
	v7 =	vmul.f32 v7, v52;
	(pc) =	sbr.rel @p1 .LBB2_9-.Ltmp5, $4  }
0x330: {  	v3 =	vmul.f32 v3, v51;
	v6 =	vadd.f32 v6, v2;
	v58 =	vld [tilespmem:s26+$0xFFFFFF70]  }
0x331: {  	v59 =	vld [tilespmem:s26+$0xFFFFFE80];
	v35 =	vmul.f32 v34, v51;
	v63 =	vadd.f32 v7, v4  }
0x332: {  	v62 =	vadd.f32 v3, v5;
	v60 =	vld [tilespmem:s26+$0xFFFFFF00];
	v2 =	vmul.f32 v33, v51  }
0x333: {  	v34 =	vmul.f32 v61, v49;
	v33 =	vadd.f32 v35, v6;
	v61 =	vld [tilespmem:s26+$0xFFFFFF80];
	s26 =	sadd.s32 $0x200, s26  }
0x334: {  	_ = 	snop  }
0x335: {  	v3 =	vmul.f32 v57, v49;
	v2 =	vadd.f32 v2, v63  }
0x336: {  	v4 =	vadd.f32 v34, v62;
	v5 =	vmul.f32 v58, v49;
	v6 =	vmul.f32 v59, v50  }
0x337: {  	v3 =	vadd.f32 v3, v33;
	v7 =	vmul.f32 v60, v50  }
0x338: {  	v2 =	vadd.f32 v5, v2;
	v4 =	vadd.f32 v6, v4;
	v57 =	vmul.f32 v61, v50  }
0x339: {  	v3 =	vadd.f32 v7, v3  }
0x33a: {  	[tilespmem:s24+$0xFFFFFFE0] =	vst v4;
	v2 =	vadd.f32 v57, v2  }
0x33b: {  	[tilespmem:s24+$0xFFFFFFF0] =	vst v3  }
0x33c: {  	[tilespmem:s24+$0x0] =	vst v2  }
0x33d: {  	v2 =	vld [tilespmem:$0x5A00]  }
0x33e: {  	v3 =	vld [tilespmem:$0x5A10];
	_ =	sdelay $0x1  }
0x33f: {  	v4 =	vld [tilespmem:$0x5A20];
	_ =	sdelay $0x1  }
0x340: {  	v58 =	vld [tilespmem:$0x5A30]  }
0x341: {  	v2 =	vmul.f32 v2, v55;
	v3 =	vmul.f32 v3, v56  }
0x342: {  	v6 =	vld [tilespmem:$0x5A40]  }
0x343: {  	v2 =	vadd.f32 v3, v2;
	v3 =	vmul.f32 v4, v54  }
0x344: {  	v59 =	vld [tilespmem:$0x5A50]  }
0x345: {  	v2 =	vadd.f32 v3, v2;
	v3 =	vmul.f32 v58, v53  }
0x346: {  	v60 =	vld [tilespmem:$0x5A60]  }
0x347: {  	v2 =	vadd.f32 v3, v2;
	v3 =	vmul.f32 v6, v52  }
0x348: {  	v6 =	vld [tilespmem:$0x5A70]  }
0x349: {  	v2 =	vadd.f32 v3, v2;
	v3 =	vmul.f32 v59, v51;
	_ =	sdelay $0x1  }
0x34a: {  	v61 =	vld [tilespmem:$0x1FF70];
	v2 =	vadd.f32 v3, v2;
	v3 =	vmul.f32 v60, v49  }
0x34b: {  	v62 =	vld [tilespmem:$0x1FF80]  }
0x34c: {  	v2 =	vadd.f32 v3, v2;
	v3 =	vmul.f32 v6, v50  }
0x34d: {  	v63 =	vld [tilespmem:$0x1FFA0]  }
0x34e: {  	v60 =	vld [tilespmem:$0x1FFB0];
	v2 =	vadd.f32 v3, v2  }
0x34f: {  	v6 =	vld [tilespmem:$0x1FF90]  }
0x350: {  	v3 =	vld [tilespmem:$0x1FF60];
	[tilespmem:$0x6000] =	vst v2  }
0x351: {  	v2 =	vld.idx.msk [tilespmem:v1+s14+$0x0], $0xffff  }
0x352: {  	v4 =	vld.idx.msk [tilespmem:v61+s14+$0x0], $0xffff  }
0x353: {  	v5 =	vld.idx.msk [tilespmem:v62+s14+$0x0], $0xffff  }
0x354: {  	v7 =	vld.idx.msk [tilespmem:v37+s14+$0x0], $0xffff  }
0x355: {  	v33 =	vld.idx.msk [tilespmem:v9+s14+$0x0], $0xffff  }
0x356: {  	v34 =	vld.idx.msk [tilespmem:v8+s14+$0x0], $0xffff  }
0x357: {  	v35 =	vld.idx.msk [tilespmem:v10+s14+$0x0], $0xffff  }
0x358: {  	v36 =	vld.idx.msk [tilespmem:v38+s14+$0x0], $0xffff  }
0x359: {  	v49 =	vld.idx.msk [tilespmem:v11+s14+$0x0], $0xffff  }
0x35a: {  	v50 =	vld.idx.msk [tilespmem:v12+s14+$0x0], $0xffff  }
0x35b: {  	v51 =	vld.idx.msk [tilespmem:v13+s14+$0x0], $0xffff  }
0x35c: {  	v52 =	vld.idx.msk [tilespmem:v14+s14+$0x0], $0xffff  }
0x35d: {  	v55 =	vld.idx.msk [tilespmem:v17+s14+$0x0], $0xffff  }
0x35e: {  	v62 =	vld [tilespmem:$0x1FFD0]  }
0x35f: {  	v3 =	vld.idx.msk [tilespmem:v3+s14+$0x0], $0xffff  }
0x360: {  	v56 =	vld.idx.msk [tilespmem:v18+s14+$0x0], $0xffff  }
0x361: {  	v61 =	vld [tilespmem:$0x1FFC0]  }
0x362: {  	v57 =	vld.idx.msk [tilespmem:v19+s14+$0x0], $0xffff  }
0x363: {  	v58 =	vld.idx.msk [tilespmem:v63+s14+$0x0], $0xffff  }
0x364: {  	v59 =	vld.idx.msk [tilespmem:v60+s14+$0x0], $0xffff;
	v2 =	vadd.f32 v3, v2  }
0x365: {  	v6 =	vld.idx.msk [tilespmem:v6+s14+$0x0], $0xffff  }
0x366: {  	v60 =	vld.idx.msk [tilespmem:v20+s14+$0x0], $0xffff;
	v2 =	vadd.f32 v4, v2  }
0x367: {  	v4 =	vld.idx.msk [tilespmem:v62+s14+$0x0], $0xffff  }
0x368: {  	v62 =	vld [tilespmem:$0x1FFE0];
	v2 =	vadd.f32 v5, v2  }
0x369: {  	v3 =	vadd.f32 v56, v55;
	v55 =	vld.idx.msk [tilespmem:v61+s14+$0x0], $0xffff  }
0x36a: {  	v2 =	vadd.f32 v6, v2;
	v6 =	vld [tilespmem:$0x1FFF0]  }
0x36b: {  	v53 =	vld.idx.msk [tilespmem:v15+s14+$0x0], $0xffff  }
0x36c: {  	v56 =	vld.idx.msk [tilespmem:v21+s14+$0x0], $0xffff  }
0x36d: {  	v54 =	vld.idx.msk [tilespmem:v16+s14+$0x0], $0xffff;
	v63 =	vadd.f32 v59, v58;
	v3 =	vadd.f32 v57, v3  }
0x36e: {  	v61 =	vld.idx.msk [tilespmem:v22+s14+$0x0], $0xffff  }
0x36f: {  	v3 =	vadd.f32 v60, v3;
	v55 =	vadd.f32 v55, v63;
	v63 =	vld.idx.msk [tilespmem:v23+s14+$0x0], $0xffff  }
0x370: {  	v5 =	vld.idx.msk [tilespmem:v62+s14+$0x0], $0xffff  }
0x371: {  	v60 =	vld.idx.msk [tilespmem:v24+s14+$0x0], $0xffff;
	v3 =	vadd.f32 v56, v3  }
0x372: {  	v2 =	vadd.f32 v7, v2;
	v6 =	vld.idx.msk [tilespmem:v6+s14+$0x0], $0xffff  }
0x373: {  	v4 =	vadd.f32 v4, v55;
	v3 =	vadd.f32 v61, v3;
	v7 =	vld.idx.msk [tilespmem:v39+s14+$0x0], $0xffff  }
0x374: {  	v61 =	vld.idx.msk [tilespmem:v25+s14+$0x0], $0xffff;
	v2 =	vadd.f32 v33, v2  }
0x375: {  	v3 =	vadd.f32 v63, v3;
	v62 =	vld.idx.msk [tilespmem:v40+s14+$0x0], $0xffff;
	v4 =	vadd.f32 v5, v4  }
0x376: {  	v63 =	vld.idx.msk [tilespmem:v26+s14+$0x0], $0xffff;
	v2 =	vadd.f32 v34, v2  }
0x377: {  	v59 =	vld.idx.msk [tilespmem:v27+s14+$0x0], $0xffff;
	v3 =	vadd.f32 v60, v3;
	v4 =	vadd.f32 v6, v4  }
0x378: {  	v2 =	vadd.f32 v35, v2;
	v6 =	vld.idx.msk [tilespmem:v41+s14+$0x0], $0xffff  }
0x379: {  	v60 =	vld.idx.msk [tilespmem:v42+s14+$0x0], $0xffff;
	v3 =	vadd.f32 v61, v3;
	v4 =	vadd.f32 v7, v4  }
0x37a: {  	v2 =	vadd.f32 v36, v2;
	v7 =	vld.idx.msk [tilespmem:v28+s14+$0x0], $0xffff  }
0x37b: {  	v55 =	vld.idx.msk [tilespmem:v47+s14+$0x0], $0xffff;
	v3 =	vadd.f32 v63, v3;
	v4 =	vadd.f32 v62, v4  }
0x37c: {  	v61 =	vld.idx.msk [tilespmem:v43+s14+$0x0], $0xffff;
	v2 =	vadd.f32 v49, v2  }
0x37d: {  	v3 =	vadd.f32 v59, v3;
	v62 =	vld.idx.msk [tilespmem:v29+s14+$0x0], $0xffff;
	v4 =	vadd.f32 v6, v4  }
0x37e: {  	s31 =	sadd.s32 $0x2A, s22;
	v2 =	vadd.f32 v50, v2;
	v6 =	vld.idx.msk [tilespmem:v44+s14+$0x0], $0xffff  }
0x37f: {  	s25 =	sadd.s32 $0x29, s22;
	v34 =	vld.idx.msk [tilespmem:v30+s14+$0x0], $0xffff;
	v3 =	vadd.f32 v7, v3;
	v7 =	vmov s31;
	v4 =	vadd.f32 v60, v4  }
0x380: {  	v33 =	vadd.s32 s25, v0;
	v63 =	vld.idx.msk [tilespmem:v45+s14+$0x0], $0xffff;
	v2 =	vadd.f32 v51, v2;
	v7 =	vand.u32 $0xFFFFFFF2, v7  }
0x381: {  	v36 =	vld.idx.msk [tilespmem:v31+s14+$0x0], $0xffff;
	v7 =	vbroadcast v7, $0x0;
	v4 =	vadd.f32 v61, v4;
	v61 =	vmov s25  }
0x382: {  	s26 =	sadd.s32 $0x39, s22;
	s29 =	sadd.s32 $0x2D, s22;
	v2 =	vadd.f32 v52, v2;
	v60 =	vld.idx.msk [tilespmem:v46+s14+$0x0], $0xffff;
	v3 =	vadd.f32 v62, v3  }
0x383: {  	v56 =	vadd.s32 s26, v0;
	v35 =	vld.idx.msk [tilespmem:v32+s14+$0x0], $0xffff;
	v59 =	vmov s29;
	s25 =	sadd.s32 $0x2B, s22;
	v4 =	vadd.f32 v6, v4  }
0x384: {  	s28 =	sadd.s32 $0x2C, s22;
	v5 =	vld.idx.msk [tilespmem:v48+s14+$0x0], $0xffff;
	v2 =	vadd.f32 v53, v2;
	v3 =	vadd.f32 v34, v3;
	v6 =	vmov s25  }
0x385: {  	v49 =	vld.idx.msk [tilespmem:v33+s3+$0x0], $0xffff;
	v62 =	vmov s28;
	v6 =	vand.u32 $0xFFFFFFF3, v6;
	v4 =	vadd.f32 v63, v4  }
0x386: {  	s30 =	sadd.s32 $0x2E, s22;
	v3 =	vadd.f32 v36, v3;
	v6 =	vbroadcast v6, $0x0;
	v63 =	vand.u32 $0xFFFFFFF4, v62;
	v34 =	vld.idx.msk [tilespmem:v61+s3+$0x0], $0xffff  }
0x387: {  	s31 =	sadd.s32 $0x2F, s22;
	v62 =	vmov s30;
	v33 =	vbroadcast v63, $0x0;
	v7 =	vld.idx.msk [tilespmem:v7+s3+$0x0], $0xffff;
	v4 =	vadd.f32 v60, v4  }
0x388: {  	v52 =	vld.idx.msk [tilespmem:v56+s3+$0x0], $0xffff;
	v51 =	vadd.f32 v54, v2;
	v63 =	vmov s31;
	v2 =	vand.u32 $0xFFFFFFF6, v62  }
0x389: {  	s25 =	sadd.s32 $0x30, s22;
	v50 =	vadd.f32 v35, v3;
	v60 =	vand.u32 $0xFFFFFFF5, v59;
	v4 =	vadd.f32 v55, v4  }
0x38a: {  	s31 =	sadd.s32 $0x35, s22;
	v2 =	vbroadcast v2, $0x0;
	v59 =	vmov s25;
	v61 =	vbroadcast v60, $0x0  }
0x38b: {  	v62 =	vmov s31;
	v53 =	vadd.f32 v5, v4;
	v4 =	vmov s26  }
0x38c: {  	s25 =	sadd.s32 $0x36, s22;
	v3 =	vld.idx.msk [tilespmem:v6+s3+$0x0], $0xffff;
	vm5 =	veq.s32 v49, v34;
	v6 =	vand.u32 $0xFFFFFFF7, v63;
	vm6 =	veq.s32 v49, v7  }
0x38d: {  	vm7 =	veq.s32 v52, v34;
	v63 =	vmov s25;
	v56 =	vld.idx.msk [tilespmem:v33+s3+$0x0], $0xffff;
	vm5 =	vmand vm5, vm0  }
0x38e: {  	v6 =	vbroadcast v6, $0x0;
	vm6 =	vmand vm6, vm1;
	v33 =	vand.u32 $0xFFFFFFFD, v62  }
0x38f: {  	vm5 =	vmor vm5, vm6;
	vm6 =	veq.s32 v52, v7;
	v7 =	vand.u32 $0xFFFFFFF8, v59  }
0x390: {  	s30 =	sadd.s32 $0x34, s22;
	v36 =	vand.u32 $0xFFFFFFFE, v63;
	v58 =	vld.idx.msk [tilespmem:v61+s3+$0x0], $0xffff;
	vm6 =	vmor vm7, vm6;
	v7 =	vbroadcast v7, $0x0  }
0x391: {  	v2 =	vld.idx.msk [tilespmem:v2+s3+$0x0], $0xffff;
	v61 =	vmov s30;
	vm7 =	veq.s32 v49, v3;
	vm8 =	veq.s32 v52, v3  }
0x392: {  	vm7 =	vmand vm7, vm2;
	vm9 =	veq.s32 v49, v56;
	vm6 =	vmor vm6, vm8  }
0x393: {  	s26 =	sadd.s32 $0x31, s22;
	vm8 =	veq.s32 v52, v56;
	vm5 =	vmor vm5, vm7;
	vm7 =	vmand vm9, vm3  }
0x394: {  	v3 =	vld.idx.msk [tilespmem:v6+s3+$0x0], $0xffff;
	v6 =	vmov s26;
	vm9 =	vcmask $0x3F14;
	vm6 =	vmor vm6, vm8  }
0x395: {  	vm5 =	vmor vm5, vm7;
	vm7 =	veq.s32 v49, v58;
	v60 =	vand.u32 $0xFFFFFFF9, v6  }
0x396: {  	s28 =	sadd.s32 $0x32, s22;
	vm8 =	veq.s32 v49, v2;
	vm7 =	vmand vm7, vm9;
	v5 =	vbroadcast v60, $0x0  }
0x397: {  	v6 =	vld.idx.msk [tilespmem:v7+s3+$0x0], $0xffff;
	v7 =	vmov s28;
	vm5 =	vmor vm5, vm7;
	vm7 =	veq.s32 v52, v58  }
0x398: {  	s26 =	sadd.s32 $0x38, s22;
	v7 =	vand.u32 $0xFFFFFFFA, v7;
	vm6 =	vmor vm6, vm7;
	vm7 =	vcmask $0x3F18  }
0x399: {  	v54 =	vmov s26;
	v7 =	vbroadcast v7, $0x0;
	vm7 =	vmand vm8, vm7  }
0x39a: {  	s29 =	sadd.s32 $0x33, s22;
	vm9 =	vcmask $0x3F1C;
	vm5 =	vmor vm5, vm7;
	vm7 =	veq.s32 v49, v3  }
0x39b: {  	vm8 =	veq.s32 v52, v2;
	v2 =	vmov s29;
	vm7 =	vmand vm7, vm9  }
0x39c: {  	v2 =	vand.u32 $0xFFFFFFFB, v2;
	vm5 =	vmor vm5, vm7;
	vm7 =	veq.s32 v52, v3;
	v3 =	vld.idx.msk [tilespmem:v5+s3+$0x0], $0xffff  }
0x39d: {  	vm6 =	vmor vm6, vm8;
	vm8 =	veq.s32 v49, v6;
	v2 =	vbroadcast v2, $0x0  }
0x39e: {  	v5 =	vand.u32 $0xFFFFFFFC, v61;
	vm6 =	vmor vm6, vm7;
	vm7 =	vcmask $0x3F20  }
0x39f: {  	v34 =	vand.u32 $0xFFFFFFF0, v54;
	v5 =	vbroadcast v5, $0x0;
	vm7 =	vmand vm8, vm7;
	v7 =	vld.idx.msk [tilespmem:v7+s3+$0x0], $0xffff  }
0x3a0: {  	vm5 =	vmor vm5, vm7;
	vm7 =	veq.s32 v52, v6;
	v6 =	vbroadcast v33, $0x0  }
0x3a1: {  	vm6 =	vmor vm6, vm7;
	vm7 =	vcmask $0x3F24;
	vm8 =	veq.s32 v49, v3  }
0x3a2: {  	s28 =	sadd.s32 $0x37, s22;
	v34 =	vbroadcast v34, $0x0;
	v33 =	vbroadcast v36, $0x0;
	vm7 =	vmand vm8, vm7  }
0x3a3: {  	vm8 =	veq.s32 v52, v3;
	v3 =	vmov s28;
	vm5 =	vmor vm5, vm7  }
0x3a4: {  	s29 =	sadd.s32 $0x3A, s22;
	v2 =	vld.idx.msk [tilespmem:v2+s3+$0x0], $0xffff;
	vm6 =	vmor vm6, vm8;
	vm7 =	veq.s32 v49, v7;
	vm8 =	vcmask $0x3F28  }
0x3a5: {  	s30 =	sadd.s32 $0x3B, s22;
	vm7 =	vmand vm7, vm8;
	vm8 =	veq.s32 v52, v7;
	v7 =	vmov s29  }
0x3a6: {  	s31 =	sadd.s32 $0x3C, s22;
	v59 =	vmul.f32 $1.442695020e+00, v51;
	v55 =	vmov s30;
	v5 =	vld.idx.msk [tilespmem:v5+s3+$0x0], $0xffff;
	v7 =	vand.u32 $0xFFFFFFF2, v7  }
0x3a7: {  	v35 =	vand.u32 $0xFFFFFFF3, v55;
	v56 =	vmov s31;
	v6 =	vld.idx.msk [tilespmem:v6+s3+$0x0], $0xffff;
	v7 =	vbroadcast v7, $0x0  }
0x3a8: {  	v57 =	vbroadcast v35, $0x0;
	v58 =	vand.u32 $0xFFFFFFF4, v56;
	vm5 =	vmor vm5, vm7;
	v33 =	vld.idx.msk [tilespmem:v33+s3+$0x0], $0xffff  }
0x3a9: {  	vm6 =	vmor vm6, vm8;
	vm7 =	veq.s32 v49, v2;
	vm8 =	veq.s32 v52, v2;
	v2 =	vld.idx.msk [tilespmem:v34+s3+$0x0], $0xffff  }
0x3aa: {  	v35 =	vbroadcast v58, $0x0;
	v3 =	vld.idx.msk [tilespmem:v3+s3+$0x0], $0xffff  }
0x3ab: {  	(erf) = vpow2.f32 v59;
	vm7 =	vmand vm7, vm10;
	vm6 =	vmor vm6, vm8  }
0x3ac: {  	v4 =	vld.idx.msk [tilespmem:v4+s3+$0x0], $0xffff;
	vm8 =	veq.s32 v52, v5;
	vm9 =	veq.s32 v49, v5;
	vm5 =	vmor vm5, vm7  }
0x3ad: {  	vm6 =	vmor vm6, vm8;
	vm8 =	veq.s32 v52, v6;
	v60 =	vld.idx.msk [tilespmem:v7+s3+$0x0], $0xffff;
	v7 =	vmul.f32 $1.442695020e+00, v50  }
0x3ae: {  	vm7 =	veq.s32 v52, v33;
	vm6 =	vmor vm6, vm8;
	vm8 =	veq.s32 v52, v2  }
0x3af: {  	v2 =	vld.idx.msk [tilespmem:v57+s3+$0x0], $0xffff;
	vm6 =	vmor vm6, vm7;
	vm7 =	veq.s32 v52, v3;
	(erf) = vpow2.f32 v7  }
0x3b0: {  	v61 =	vld.idx.msk [tilespmem:v35+s3+$0x0], $0xffff;
	vm9 =	vmand vm9, vm11;
	vm6 =	vmor vm6, vm7;
	vm7 =	veq.s32 v49, v6  }
0x3b1: {  	v7 =	vmul.f32 $1.442695020e+00, v53;
	vm6 =	vmor vm6, vm8;
	vm8 =	veq.s32 v52, v4  }
0x3b2: {  	vm5 =	vmor vm5, vm9;
	vm7 =	vmand vm7, vm12;
	vm8 =	vmand vm8, vm0  }
0x3b3: {  	vm5 =	vmor vm5, vm7;
	(erf) = vpow2.f32 v7;
	vm9 =	veq.s32 v52, v60  }
0x3b4: {  	vm6 =	vmor vm6, vm8;
	vm7 =	veq.s32 v52, v2;
	vm9 =	vmand vm9, vm1  }
0x3b5: {  	vm7 =	vmand vm7, vm2;
	vm6 =	vmor vm6, vm9;
	vm9 =	veq.s32 v52, v61  }
0x3b6: {  	vm6 =	vmor vm6, vm7;
	vm9 =	vmand vm9, vm3  }
0x3b7: {  	vm8 =	veq.s32 v49, v33;
	v2 =	vpop (erf);
	vm6 =	vmor vm6, vm9  }
0x3b8: {  	vm8 =	vmand vm8, vm13;
	vm7 =	veq.s32 v49, v3;
	vm6 =	vmand vm6, vm15;
	v3 =	vpop (erf)  }
0x3b9: {  	vm5 =	vmor vm5, vm8;
	vm7 =	vmand vm7, vm14;
	v3 =	vsel vm6, $0x0, v3  }
0x3ba: {  	vm5 =	vmor vm5, vm7  }
0x3bb: {  	v2 =	vsel vm5, $0x0, v2;
	vm5 =	veq.s32 v0, $0x0  }
.Ltmp6:
0x3bc: {  	v63 =	vnsel vm15, $0x0, v50;
	v62 =	vsel vm5, $0x0, v51;
	v2 =	vadd.f32 v3, v2;
	v3 =	vpop (erf);
	(pc) =	sbr.rel @p0 .LBB2_12-.Ltmp6, $4  }
0x3bd: {  	v4 =	vadd.f32 v63, v62;
	v3 =	vnsel vm4, $0x0, v3  }
0x3be: {  	v2 =	vadd.f32 v2, v3  }
0x3bf: {  	[tilespmem:s23+$0x6290] =	vst v4  }
0x3c0: {  	[tilespmem:s23+$0x6090] =	vst v2  }
0x3c1: {  	s22 =	smul.u32 $0x2C0, s21  }
.Ltmp7:
0x3c2: {  	_ = 	snop;
	(pc) =	sbr.rel .LBB2_2-.Ltmp7, $4  }
0x3c3: {  	_ = 	snop  }
0x3c4: {  	s22 =	sshra.s32 s22, $0x2  }
0x3c5: {  	s21 =	sadd.s32 $0x1, s21;
	s22 =	sadd.s32 $0x108, s22  }
0x3c6: {  	[tilespmem:s12], [sflag:$0x2] =	stream.indirect.gather [hbm4b:s2+s9], $0x80, s22, s9, $0xb8;
	[tilespmem:$0x6580] =	vst v63  }
.LBB2_13:
0x3c7: {  	_ =	sfence.sel $0x180000  }
0x3c8: {  	[bflag:$0x0] =	sbarrier.arrive $0xFFFF  }
0x3c9: {  	p0 =	sne.s32 s0, $0x0;
	_ =	strace $0x90000047  }
0x3ca: {  	s0 =	sadd.s32 @!p0 $0x100000, s1;
	[bflag:$0x2] =	sbarrier.arrive $0xFFFF  }
0x3cb: {  	[sflag:s0] =	ssyncadd.tile.s32 @!p0 $0x1;
	_ =	shalt  }
.Lfunc_end2:
_tile_overlayer_lowered:
.L_overlay_start_2:
0x3cc: {  	(tag) =	ssettag $0x2  }
0x3cd: {  	s0 =	rddreg [dreg:$0x0];
	s2 =	stileid.u32  }
0x3ce: {  	s1 =	rddreg [dreg:$0x1];
	p0 =	sne.s32 s2, $0x0  }
0x3cf: {  	s3 =	rddreg [dreg:$0x2];
	[bflag:$0x3] =	sbarrier.arrive $0xFFFF;
	s2 =	simm.s32 @!p0 $0x1C03  }
0x3d0: {  	[timem:s3], [sflag:s2] =	dma.local @!p0 [hbm:s0], s1  }
0x3d1: {  	s0 =	simm.s32 @!p0 $0x3  }
0x3d2: {  	_ =	swait.ge @!p0 [sflag:s0], s1  }
0x3d3: {  	s1 =	ssub.s32 @!p0 $0x0, s1;
	[sflag:s0] =	ssyncset.done @!p0 $0x0  }
0x3d4: {  	[sflag:s0] =	ssyncadd.s32 @!p0 s1  }
0x3d5: {  	[bflag:$0x3] =	sbarrier.arrive $0xFFFF  }
0x3d6: {  	_ =	shalt  }

</sc_bundles>
